<compile_context>
chip_gen: v7x
topology: tpu7x:2x2x1
jax: 0.10.2.dev20260603
libtpu: 0.0.44.dev20260713+nightly
codegen_flags: <defaults>
</compile_context>

<pallas_src>
import jax
import jax.numpy as jnp
from jax import lax
from jax.experimental import pallas as pl
from jax.experimental.pallas import tpu as pltpu
from jax.experimental.pallas import tpu_sc as plsc

N = 10000
E = 320000
D = 128
H = 128
C = 16

NC = 2
NS = 16
NW = NC * NS
CHUNK = 128
NBUF = 2
SPS = 40
NSTAGE = 2
NCHUNK = SPS * NSTAGE
EPW = NCHUNK * CHUNK
EPAD = EPW * NW
DCHUNK = 128
EPWD = 10240
NPAD = 10240
SLAB = NPAD // NS

_MESH = plsc.VectorSubcoreMesh(core_axis_name="c", subcore_axis_name="s")

CPR = 1


def _idx(v, j):
    if CPR == 1:
        return v.at[j]
    return v.at[j // CPR, pl.ds((j % CPR) * CHUNK, CHUNK)]


def _unpack_indices(src_v, dst_v, nchunk, chunk):

    def body(j, carry):
        for k in range(chunk // 16):
            p = src_v[j, pl.ds(k * 16, 16)]
            src_v[j, pl.ds(k * 16, 16)] = lax.shift_right_logical(p, 14)
            dst_v[j, pl.ds(k * 16, 16)] = lax.bitwise_and(p, 16383)
        return carry

    lax.fori_loop(0, nchunk, body, 0)



def _deg_body(pk_hbm, zero_hbm, out_hbm, src_v, dst_v, ones_v,
              dego_s, degi_s):
    c = lax.axis_index("c")
    s = lax.axis_index("s")
    w = c * NS + s
    pltpu.sync_copy(zero_hbm.at[pl.ds(s * SLAB, SLAB)],
                    dego_s.at[pl.ds(s * SLAB, SLAB)])
    pltpu.sync_copy(zero_hbm.at[pl.ds(s * SLAB, SLAB)],
                    degi_s.at[pl.ds(s * SLAB, SLAB)])
    pltpu.sync_copy(pk_hbm.at[w], src_v)
    _unpack_indices(src_v, dst_v, EPWD // DCHUNK, DCHUNK)
    for k in range(DCHUNK // 16):
        ones_v[pl.ds(k * 16, 16)] = jnp.ones((16,), jnp.float32)
    plsc.subcore_barrier()

    def body(j, carry):
        pltpu.sync_copy(ones_v, dego_s.at[src_v.at[j]], add=True)
        pltpu.sync_copy(ones_v, degi_s.at[dst_v.at[j]], add=True)
        return carry

    lax.fori_loop(0, EPWD // DCHUNK, body, 0)
    plsc.subcore_barrier()
    pltpu.sync_copy(dego_s.at[pl.ds(s * SLAB, SLAB)],
                    out_hbm.at[c, 0, pl.ds(s * SLAB, SLAB)])
    pltpu.sync_copy(degi_s.at[pl.ds(s * SLAB, SLAB)],
                    out_hbm.at[c, 1, pl.ds(s * SLAB, SLAB)])


def _agg_body(hs_hbm, pk_hbm, zero_hbm, out_hbm, src_v, dst_v,
              b0, b1, acc_s, g0, g1, s0, s1):
    c = lax.axis_index("c")
    s = lax.axis_index("s")
    w = c * NS + s
    bufs = [b0, b1]
    gsem = [g0, g1]
    ssem = [s0, s1]
    pltpu.sync_copy(zero_hbm.at[pl.ds(s * SLAB, SLAB)],
                    acc_s.at[pl.ds(s * SLAB, SLAB)])
    plsc.subcore_barrier()

    def run_stage(h0):
        pltpu.sync_copy(pk_hbm.at[w, pl.ds(h0, SPS)], src_v)
        _unpack_indices(src_v, dst_v, SPS, CHUNK)

        def g_start(j, b):
            pltpu.async_copy(hs_hbm.at[_idx(src_v, j)], bufs[b], gsem[b])

        def g_wait(j, b):
            pltpu.make_async_copy(hs_hbm.at[_idx(src_v, j)], bufs[b],
                                  gsem[b]).wait()

        def s_start(j, b):
            pltpu.async_copy(bufs[b], acc_s.at[_idx(dst_v, j)], ssem[b],
                             add=True)

        def s_wait(j, b):
            pltpu.make_async_copy(bufs[b], acc_s.at[_idx(dst_v, j)],
                                  ssem[b]).wait()

        g_start(0, 0)

        def body(i, carry):
            for b in range(NBUF):
                j = NBUF * i + b
                g_wait(j, b)
                s_start(j, b)
                nb = (b + 1) % NBUF

                @pl.when(jnp.logical_and(j + 1 < SPS, j >= NBUF - 1))
                def _():
                    s_wait(j - (NBUF - 1), nb)

                @pl.when(j + 1 < SPS)
                def _():
                    g_start(j + 1, nb)

            return carry

        lax.fori_loop(0, SPS // NBUF, body, 0)
        for k in range(NBUF):
            s_wait(SPS - NBUF + k, (SPS - NBUF + k) % NBUF)

    for st in range(NSTAGE):
        run_stage(st * SPS)
    plsc.subcore_barrier()
    pltpu.sync_copy(acc_s.at[pl.ds(s * SLAB, SLAB)],
                    out_hbm.at[c, pl.ds(s * SLAB, SLAB)])


_deg_call = pl.kernel(
    _deg_body,
    out_type=jax.ShapeDtypeStruct((NC, 2, NPAD), jnp.float32),
    mesh=_MESH,
    scratch_types=[
        pltpu.VMEM((EPWD // DCHUNK, DCHUNK), jnp.int32),
        pltpu.VMEM((EPWD // DCHUNK, DCHUNK), jnp.int32),
        pltpu.VMEM((DCHUNK,), jnp.float32),
        pltpu.VMEM_SHARED((NPAD,), jnp.float32),
        pltpu.VMEM_SHARED((NPAD,), jnp.float32),
    ],
)

_agg_call = pl.kernel(
    _agg_body,
    out_type=jax.ShapeDtypeStruct((NC, NPAD, H), jnp.float32),
    mesh=_MESH,
    scratch_types=[
        pltpu.VMEM((SPS, CHUNK), jnp.int32),
        pltpu.VMEM((SPS, CHUNK), jnp.int32),
    ] + [pltpu.VMEM((CHUNK, H), jnp.float32)] * NBUF + [
        pltpu.VMEM_SHARED((NPAD, H), jnp.float32),
    ] + [pltpu.SemaphoreType.DMA] * (2 * NBUF),
)



def _norms(degp):
    normo = lax.rsqrt(jnp.maximum(degp[0, 0] + degp[1, 0], 1.0))
    normi = lax.rsqrt(jnp.maximum(degp[0, 1] + degp[1, 1], 1.0))
    return normo, normi


def _fc_body(x_ref, w_ref, b_ref, degp_ref, out_ref):
    normo, _ = _norms(degp_ref[...])
    h = jnp.dot(x_ref[...], w_ref[...], preferred_element_type=jnp.float32)
    out_ref[...] = (h + b_ref[...]) * normo


def _layer_a_body(p_ref, degp_ref, b_ref, out_ref):
    normo, normi = _norms(degp_ref[...])
    agg = (p_ref[0] + p_ref[1]) * normi
    h = jnp.maximum(agg + b_ref[...], 0.0)
    out_ref[...] = h * normo


def _layer_b_body(p_ref, degp_ref, w_ref, b_ref, h_ref, hs_ref):
    normo, normi = _norms(degp_ref[...])
    agg = (p_ref[0] + p_ref[1]) * normi
    h = jnp.dot(agg, w_ref[...], preferred_element_type=jnp.float32)
    h = jnp.maximum(h + b_ref[...], 0.0)
    h_ref[...] = h
    hs_ref[...] = h * normo


def _layer_c_body(p_ref, degp_ref, w_ref, b_ref, out_ref):
    _, normi = _norms(degp_ref[...])
    agg = (p_ref[0] + p_ref[1]) * normi
    h = jnp.dot(agg, w_ref[...], preferred_element_type=jnp.float32)
    out_ref[...] = h + b_ref[...]


_GRID = (N + 127) // 128

_degp_spec = pl.BlockSpec((NC, 2, 128, 1), lambda i: (0, 0, i, 0))
_row_spec = pl.BlockSpec((128, H), lambda i: (i, 0))
_p_spec = pl.BlockSpec((NC, 128, H), lambda i: (0, i, 0))


def _mk_fc():
    return pl.pallas_call(
        _fc_body,
        grid=(_GRID,),
        in_specs=[_row_spec,
                  pl.BlockSpec((D, H), lambda i: (0, 0)),
                  pl.BlockSpec((1, H), lambda i: (0, 0)),
                  _degp_spec],
        out_specs=_row_spec,
        out_shape=jax.ShapeDtypeStruct((N, H), jnp.float32),
    )


def _mk_layer_a():
    return pl.pallas_call(
        _layer_a_body,
        grid=(_GRID,),
        in_specs=[_p_spec, _degp_spec,
                  pl.BlockSpec((1, H), lambda i: (0, 0))],
        out_specs=_row_spec,
        out_shape=jax.ShapeDtypeStruct((N, H), jnp.float32),
    )


def _mk_layer_b():
    return pl.pallas_call(
        _layer_b_body,
        grid=(_GRID,),
        in_specs=[_p_spec, _degp_spec,
                  pl.BlockSpec((H, H), lambda i: (0, 0)),
                  pl.BlockSpec((1, H), lambda i: (0, 0))],
        out_specs=[_row_spec, _row_spec],
        out_shape=[jax.ShapeDtypeStruct((N, H), jnp.float32),
                   jax.ShapeDtypeStruct((N, H), jnp.float32)],
    )


def _mk_layer_c():
    return pl.pallas_call(
        _layer_c_body,
        grid=(_GRID,),
        in_specs=[_p_spec, _degp_spec,
                  pl.BlockSpec((H, C), lambda i: (0, 0)),
                  pl.BlockSpec((1, C), lambda i: (0, 0))],
        out_specs=pl.BlockSpec((128, C), lambda i: (i, 0)),
        out_shape=jax.ShapeDtypeStruct((N, C), jnp.float32),
    )



def kernel(features_list, edge_index, e_feat, W_fc, b_fc, b0, W1, b1, W2, b2):
    src = edge_index[0]
    dst = edge_index[1]
    def padded(epw, trash_src):
        padw = epw - E // NW
        tr = jnp.arange(padw, dtype=jnp.int32)
        t_dst = jnp.broadcast_to(N + tr % (NPAD - N), (NW, padw))
        t_src = t_dst if trash_src else jnp.broadcast_to(tr % N, (NW, padw))
        s_p = jnp.concatenate([src.reshape(NW, E // NW), t_src], axis=1)
        d_p = jnp.concatenate([dst.reshape(NW, E // NW), t_dst], axis=1)
        return (s_p << 14) | d_p

    pk_g3 = padded(EPW, False).reshape(NW, NCHUNK, CHUNK)
    pk_d3 = padded(EPWD, True).reshape(NW, EPWD // DCHUNK, DCHUNK)

    zero1 = jnp.zeros((NPAD,), jnp.float32)
    zero2 = jnp.zeros((NPAD, H), jnp.float32)

    degp = _deg_call(pk_d3, zero1)
    degp4 = degp.reshape(NC, 2, NPAD, 1)

    b_fc2 = b_fc.reshape(1, H)
    b0_2 = b0.reshape(1, H)
    b1_2 = b1.reshape(1, H)
    b2_2 = b2.reshape(1, C)

    hs0 = _mk_fc()(features_list, W_fc, b_fc2, degp4)
    p1 = _agg_call(hs0, pk_g3, zero2)
    hs1 = _mk_layer_a()(p1, degp4, b0_2)
    p2 = _agg_call(hs1, pk_g3, zero2)
    h2, hs2 = _mk_layer_b()(p2, degp4, W1, b1_2)
    p3 = _agg_call(hs2, pk_g3, zero2)
    out = _mk_layer_c()(p3, degp4, W2, b2_2)
    return (out, h2)

# --- scband reference (transcript-rebuilt; emitter-appended) ---
"""Pipeline reference for scband-gcn-1700807049284 (READ-ONLY COPY).

The authoritative reference and input builder live on the scoring server;
editing this copy changes nothing except your own understanding.
"""

import jax, jax.numpy as jnp
import numpy as np

N = 10000
E = 320000
D = 128
H = 128
C = 16


def setup_inputs(seed: int = 0):
    key = jax.random.key(seed)
    ks = jax.random.split(key, 12)
    features_list = jax.random.normal(ks[0], (N, D), dtype=jnp.float32)
    edge_index = jax.random.randint(ks[1], (2, E), 0, N, dtype=jnp.int32)
    e_feat = jnp.zeros((E,), dtype=jnp.float32)
    # fc (xavier-normal-ish init, gain 1.414)
    W_fc = jax.random.normal(ks[2], (D, H), dtype=jnp.float32) * (1.414 * (2.0 / (D + H)) ** 0.5)
    b_fc = jnp.zeros((H,), dtype=jnp.float32)
    # GraphConv layer 0: weight=False, bias only
    b0 = jnp.zeros((H,), dtype=jnp.float32)
    # GraphConv layer 1: weight + bias
    W1 = jax.random.normal(ks[3], (H, H), dtype=jnp.float32) * (1.0 / H ** 0.5)
    b1 = jnp.zeros((H,), dtype=jnp.float32)
    # GraphConv layer 2 (output): hidden -> num_classes
    W2 = jax.random.normal(ks[4], (H, C), dtype=jnp.float32) * (1.0 / H ** 0.5)
    b2 = jnp.zeros((C,), dtype=jnp.float32)
    return {"features_list": features_list, "edge_index": edge_index, "e_feat": e_feat,
            "W_fc": W_fc, "b_fc": b_fc, "b0": b0, "W1": W1, "b1": b1, "W2": W2, "b2": b2}


def _graph_conv(h, src, dst, norm_out, norm_in, W, b, act):
    # DGL GraphConv with norm='both': D_out^{-1/2} then aggregate then D_in^{-1/2}
    h = h * norm_out
    msg = jnp.take(h, src, axis=0)
    agg = jax.ops.segment_sum(msg, dst, num_segments=N)
    agg = agg * norm_in
    if W is not None:
        agg = agg @ W
    agg = agg + b
    if act:
        agg = jax.nn.relu(agg)
    return agg


def reference(features_list, edge_index, e_feat, W_fc, b_fc, b0, W1, b1, W2, b2):
    src = edge_index[0]
    dst = edge_index[1]
    deg_out = jnp.clip(jnp.bincount(src, length=N), 1).astype(jnp.float32)
    deg_in = jnp.clip(jnp.bincount(dst, length=N), 1).astype(jnp.float32)
    norm_out = (deg_out ** -0.5)[:, None]
    norm_in = (deg_in ** -0.5)[:, None]
    # per-node-type fc + concat (single node type here)
    h = features_list @ W_fc + b_fc
    # dropout p=0.0 (eval) -> identity
    h = _graph_conv(h, src, dst, norm_out, norm_in, None, b0, True)
    h = _graph_conv(h, src, dst, norm_out, norm_in, W1, b1, True)
    encoded_embeddings = h
    h = _graph_conv(h, src, dst, norm_out, norm_in, W2, b2, False)
    return (h, encoded_embeddings)

if __name__ == "__main__":
    import jax
    _d = setup_inputs()
    print(jax.jit(kernel)(*tuple(_d.values())))

</pallas_src>

<mosaic_0001>
#map = affine_map<(d0, d1) -> (0, 0, 0)>
#map1 = affine_map<(d0, d1) -> (0)>
module attributes {stable_mosaic.version = 14 : i64} {
  func.func @_deg_body(%arg0: i32, %arg1: i32, %arg2: memref<32x80x128xi32, #tpu.memory_space<hbm>>, %arg3: memref<10240xf32, #tpu.memory_space<hbm>>, %arg4: memref<2x2x10240xf32, #tpu.memory_space<hbm>>, %arg5: memref<80x128xi32, #tpu.memory_space<vmem>>, %arg6: memref<80x128xi32, #tpu.memory_space<vmem>>, %arg7: memref<128xf32, #tpu.memory_space<vmem>>, %arg8: memref<10240xf32, #tpu.memory_space<vmem_shared>>, %arg9: memref<10240xf32, #tpu.memory_space<vmem_shared>>) attributes {dimension_semantics = [#tpu.dimension_semantics<core_parallel>, #tpu.dimension_semantics<subcore_parallel>], iteration_bounds = array<i64: 2, 16>, scalar_prefetch = 0 : i64, scratch_operands = 5 : i64, tpu.core_type = #tpu.core_type<sc_vector_subcore>, window_params = [{transform_indices = #map}, {transform_indices = #map1}, {transform_indices = #map}]} {
    %mul3A = arith.constant 16 : i32
    %mul3A_0 = arith.muli %arg0, %mul3A : i32
    %add3A = arith.addi %mul3A_0, %arg1 : i32
    %mul3A_1 = arith.constant 640 : i32
    %mul3A_2 = arith.muli %arg1, %mul3A_1 : i32
    %mul3A_3 = arith.constant 640 : i32
    %mul3A_4 = arith.muli %arg1, %mul3A_3 : i32
    "tpu.region"() ({
      %run_scoped3A_76 = tpu.sem_alloc : memref<!tpu.dma_semaphore, #tpu.memory_space<semaphore_mem>>
      %dma_start3A = tpu.memref_slice %arg8[%mul3A_4] : memref<10240xf32, #tpu.memory_space<vmem_shared>> -> memref<640xf32, #tpu.memory_space<vmem_shared>>
      %dma_start3A_77 = tpu.memref_slice %arg3[%mul3A_2] : memref<10240xf32, #tpu.memory_space<hbm>> -> memref<640xf32, #tpu.memory_space<hbm>>
      tpu.enqueue_dma source(%dma_start3A_77 : memref<640xf32, #tpu.memory_space<hbm>>) target(%dma_start3A : memref<640xf32, #tpu.memory_space<vmem_shared>>) target_semaphore(%run_scoped3A_76 : memref<!tpu.dma_semaphore, #tpu.memory_space<semaphore_mem>>)
      %dma_wait3A = tpu.memref_slice %arg8[%mul3A_4] : memref<10240xf32, #tpu.memory_space<vmem_shared>> -> memref<640xf32, #tpu.memory_space<vmem_shared>>
      %dma_wait3A_78 = tpu.memref_slice %arg3[%mul3A_2] : memref<10240xf32, #tpu.memory_space<hbm>> -> memref<640xf32, #tpu.memory_space<hbm>>
      tpu.wait_dma2 semaphore(%run_scoped3A_76 : memref<!tpu.dma_semaphore, #tpu.memory_space<semaphore_mem>>) src(%dma_wait3A_78 : memref<640xf32, #tpu.memory_space<hbm>>) dst(%dma_wait3A : memref<640xf32, #tpu.memory_space<vmem_shared>>)
      tpu.yield
    }) : () -> ()
    %mul3A_5 = arith.constant 640 : i32
    %mul3A_6 = arith.muli %arg1, %mul3A_5 : i32
    %mul3A_7 = arith.constant 640 : i32
    %mul3A_8 = arith.muli %arg1, %mul3A_7 : i32
    "tpu.region"() ({
      %run_scoped3A_76 = tpu.sem_alloc : memref<!tpu.dma_semaphore, #tpu.memory_space<semaphore_mem>>
      %dma_start3A = tpu.memref_slice %arg9[%mul3A_8] : memref<10240xf32, #tpu.memory_space<vmem_shared>> -> memref<640xf32, #tpu.memory_space<vmem_shared>>
      %dma_start3A_77 = tpu.memref_slice %arg3[%mul3A_6] : memref<10240xf32, #tpu.memory_space<hbm>> -> memref<640xf32, #tpu.memory_space<hbm>>
      tpu.enqueue_dma source(%dma_start3A_77 : memref<640xf32, #tpu.memory_space<hbm>>) target(%dma_start3A : memref<640xf32, #tpu.memory_space<vmem_shared>>) target_semaphore(%run_scoped3A_76 : memref<!tpu.dma_semaphore, #tpu.memory_space<semaphore_mem>>)
      %dma_wait3A = tpu.memref_slice %arg9[%mul3A_8] : memref<10240xf32, #tpu.memory_space<vmem_shared>> -> memref<640xf32, #tpu.memory_space<vmem_shared>>
      %dma_wait3A_78 = tpu.memref_slice %arg3[%mul3A_6] : memref<10240xf32, #tpu.memory_space<hbm>> -> memref<640xf32, #tpu.memory_space<hbm>>
      tpu.wait_dma2 semaphore(%run_scoped3A_76 : memref<!tpu.dma_semaphore, #tpu.memory_space<semaphore_mem>>) src(%dma_wait3A_78 : memref<640xf32, #tpu.memory_space<hbm>>) dst(%dma_wait3A : memref<640xf32, #tpu.memory_space<vmem_shared>>)
      tpu.yield
    }) : () -> ()
    "tpu.region"() ({
      %run_scoped3A_76 = tpu.sem_alloc : memref<!tpu.dma_semaphore, #tpu.memory_space<semaphore_mem>>
      %dma_start3A = arith.constant 0 : i32
      %dma_start3A_77 = arith.constant 0 : i32
      %dma_start3A_78 = tpu.memref_slice %arg2[%add3A, %dma_start3A, %dma_start3A_77] : memref<32x80x128xi32, #tpu.memory_space<hbm>> -> memref<1x80x128xi32, #tpu.memory_space<hbm>>
      %dma_start3A_79 = tpu.memref_squeeze %dma_start3A_78 : memref<1x80x128xi32, #tpu.memory_space<hbm>> -> memref<80x128xi32, #tpu.memory_space<hbm>>
      %dma_start3A_80 = arith.constant 0 : i32
      %dma_start3A_81 = arith.constant 0 : i32
      %dma_start3A_82 = tpu.memref_slice %arg2[%add3A, %dma_start3A_80, %dma_start3A_81] : memref<32x80x128xi32, #tpu.memory_space<hbm>> -> memref<1x80x128xi32, #tpu.memory_space<hbm>>
      %dma_start3A_83 = tpu.memref_squeeze %dma_start3A_82 : memref<1x80x128xi32, #tpu.memory_space<hbm>> -> memref<80x128xi32, #tpu.memory_space<hbm>>
      tpu.enqueue_dma source(%dma_start3A_83 : memref<80x128xi32, #tpu.memory_space<hbm>>) target(%arg5 : memref<80x128xi32, #tpu.memory_space<vmem>>) target_semaphore(%run_scoped3A_76 : memref<!tpu.dma_semaphore, #tpu.memory_space<semaphore_mem>>)
      %dma_wait3A = arith.constant 0 : i32
      %dma_wait3A_84 = arith.constant 0 : i32
      %dma_wait3A_85 = tpu.memref_slice %arg2[%add3A, %dma_wait3A, %dma_wait3A_84] : memref<32x80x128xi32, #tpu.memory_space<hbm>> -> memref<1x80x128xi32, #tpu.memory_space<hbm>>
      %dma_wait3A_86 = tpu.memref_squeeze %dma_wait3A_85 : memref<1x80x128xi32, #tpu.memory_space<hbm>> -> memref<80x128xi32, #tpu.memory_space<hbm>>
      %dma_wait3A_87 = arith.constant 0 : i32
      %dma_wait3A_88 = arith.constant 0 : i32
      %dma_wait3A_89 = tpu.memref_slice %arg2[%add3A, %dma_wait3A_87, %dma_wait3A_88] : memref<32x80x128xi32, #tpu.memory_space<hbm>> -> memref<1x80x128xi32, #tpu.memory_space<hbm>>
      %dma_wait3A_90 = tpu.memref_squeeze %dma_wait3A_89 : memref<1x80x128xi32, #tpu.memory_space<hbm>> -> memref<80x128xi32, #tpu.memory_space<hbm>>
      tpu.wait_dma2 semaphore(%run_scoped3A_76 : memref<!tpu.dma_semaphore, #tpu.memory_space<semaphore_mem>>) src(%dma_wait3A_90 : memref<80x128xi32, #tpu.memory_space<hbm>>) dst(%arg5 : memref<80x128xi32, #tpu.memory_space<vmem>>)
      tpu.yield
    }) : () -> ()
    %scan3A = arith.constant 0 : i32
    %scan3A_9 = arith.constant 0 : i32
    %scan3A_10 = arith.constant 80 : i32
    %scan3A_11 = arith.addi %scan3A_9, %scan3A_10 : i32
    %scan3A_12 = arith.constant 1 : i32
    scf.for %scan3A_76 = %scan3A_9 to %scan3A_11 step %scan3A_12  : i32 {
      %get3A = arith.index_cast %scan3A_76 : i32 to index
      %get3A_77 = arith.constant 0 : index
      %get3A_78 = tpu.vector_load %arg5[%get3A, %get3A_77] {strides = array<i32>} : memref<80x128xi32, #tpu.memory_space<vmem>>, vector<1x16xi32>,
      %get3A_79 = vector.shape_cast %get3A_78 : vector<1x16xi32> to vector<16xi32>
      %shift_right_logical3A = arith.constant 14 : i32
      %shift_right_logical3A_80 = vector.broadcast %shift_right_logical3A : i32 to vector<16xi32>
      %shift_right_logical3A_81 = arith.shrui %get3A_79, %shift_right_logical3A_80 : vector<16xi32>
      %swap3A_82 = arith.index_cast %scan3A_76 : i32 to index
      %swap3A_83 = arith.constant 0 : index
      %swap3A_84 = tpu.vector_load %arg5[%swap3A_82, %swap3A_83] {strides = array<i32>} : memref<80x128xi32, #tpu.memory_space<vmem>>, vector<1x16xi32>,
      %swap3A_85 = vector.shape_cast %swap3A_84 : vector<1x16xi32> to vector<16xi32>
      %swap3A_86 = vector.shape_cast %shift_right_logical3A_81 : vector<16xi32> to vector<1x16xi32>
      tpu.vector_store %arg5[%swap3A_82, %swap3A_83], %swap3A_86 {strides = array<i32>} : memref<80x128xi32, #tpu.memory_space<vmem>>, vector<1x16xi32>,
      %and3A = arith.constant 16383 : i32
      %and3A_87 = vector.broadcast %and3A : i32 to vector<16xi32>
      %and3A_88 = arith.andi %get3A_79, %and3A_87 : vector<16xi32>
      %swap3A_89 = arith.index_cast %scan3A_76 : i32 to index
      %swap3A_90 = arith.constant 0 : index
      %swap3A_91 = tpu.vector_load %arg6[%swap3A_89, %swap3A_90] {strides = array<i32>} : memref<80x128xi32, #tpu.memory_space<vmem>>, vector<1x16xi32>,
      %swap3A_92 = vector.shape_cast %swap3A_91 : vector<1x16xi32> to vector<16xi32>
      %swap3A_93 = vector.shape_cast %and3A_88 : vector<16xi32> to vector<1x16xi32>
      tpu.vector_store %arg6[%swap3A_89, %swap3A_90], %swap3A_93 {strides = array<i32>} : memref<80x128xi32, #tpu.memory_space<vmem>>, vector<1x16xi32>,
      %get3A_94 = arith.index_cast %scan3A_76 : i32 to index
      %get3A_95 = arith.constant 16 : index
      %get3A_96 = tpu.vector_load %arg5[%get3A_94, %get3A_95] {strides = array<i32>} : memref<80x128xi32, #tpu.memory_space<vmem>>, vector<1x16xi32>,
      %get3A_97 = vector.shape_cast %get3A_96 : vector<1x16xi32> to vector<16xi32>
      %shift_right_logical3A_98 = arith.constant 14 : i32
      %shift_right_logical3A_99 = vector.broadcast %shift_right_logical3A_98 : i32 to vector<16xi32>
      %shift_right_logical3A_100 = arith.shrui %get3A_97, %shift_right_logical3A_99 : vector<16xi32>
      %swap3A_101 = arith.index_cast %scan3A_76 : i32 to index
      %swap3A_102 = arith.constant 16 : index
      %swap3A_103 = tpu.vector_load %arg5[%swap3A_101, %swap3A_102] {strides = array<i32>} : memref<80x128xi32, #tpu.memory_space<vmem>>, vector<1x16xi32>,
      %swap3A_104 = vector.shape_cast %swap3A_103 : vector<1x16xi32> to vector<16xi32>
      %swap3A_105 = vector.shape_cast %shift_right_logical3A_100 : vector<16xi32> to vector<1x16xi32>
      tpu.vector_store %arg5[%swap3A_101, %swap3A_102], %swap3A_105 {strides = array<i32>} : memref<80x128xi32, #tpu.memory_space<vmem>>, vector<1x16xi32>,
      %and3A_106 = arith.constant 16383 : i32
      %and3A_107 = vector.broadcast %and3A_106 : i32 to vector<16xi32>
      %and3A_108 = arith.andi %get3A_97, %and3A_107 : vector<16xi32>
      %swap3A_109 = arith.index_cast %scan3A_76 : i32 to index
      %swap3A_110 = arith.constant 16 : index
      %swap3A_111 = tpu.vector_load %arg6[%swap3A_109, %swap3A_110] {strides = array<i32>} : memref<80x128xi32, #tpu.memory_space<vmem>>, vector<1x16xi32>,
      %swap3A_112 = vector.shape_cast %swap3A_111 : vector<1x16xi32> to vector<16xi32>
      %swap3A_113 = vector.shape_cast %and3A_108 : vector<16xi32> to vector<1x16xi32>
      tpu.vector_store %arg6[%swap3A_109, %swap3A_110], %swap3A_113 {strides = array<i32>} : memref<80x128xi32, #tpu.memory_space<vmem>>, vector<1x16xi32>,
      %get3A_114 = arith.index_cast %scan3A_76 : i32 to index
      %get3A_115 = arith.constant 32 : index
      %get3A_116 = tpu.vector_load %arg5[%get3A_114, %get3A_115] {strides = array<i32>} : memref<80x128xi32, #tpu.memory_space<vmem>>, vector<1x16xi32>,
      %get3A_117 = vector.shape_cast %get3A_116 : vector<1x16xi32> to vector<16xi32>
      %shift_right_logical3A_118 = arith.constant 14 : i32
      %shift_right_logical3A_119 = vector.broadcast %shift_right_logical3A_118 : i32 to vector<16xi32>
      %shift_right_logical3A_120 = arith.shrui %get3A_117, %shift_right_logical3A_119 : vector<16xi32>
      %swap3A_121 = arith.index_cast %scan3A_76 : i32 to index
      %swap3A_122 = arith.constant 32 : index
      %swap3A_123 = tpu.vector_load %arg5[%swap3A_121, %swap3A_122] {strides = array<i32>} : memref<80x128xi32, #tpu.memory_space<vmem>>, vector<1x16xi32>,
      %swap3A_124 = vector.shape_cast %swap3A_123 : vector<1x16xi32> to vector<16xi32>
      %swap3A_125 = vector.shape_cast %shift_right_logical3A_120 : vector<16xi32> to vector<1x16xi32>
      tpu.vector_store %arg5[%swap3A_121, %swap3A_122], %swap3A_125 {strides = array<i32>} : memref<80x128xi32, #tpu.memory_space<vmem>>, vector<1x16xi32>,
      %and3A_126 = arith.constant 16383 : i32
      %and3A_127 = vector.broadcast %and3A_126 : i32 to vector<16xi32>
      %and3A_128 = arith.andi %get3A_117, %and3A_127 : vector<16xi32>
      %swap3A_129 = arith.index_cast %scan3A_76 : i32 to index
      %swap3A_130 = arith.constant 32 : index
      %swap3A_131 = tpu.vector_load %arg6[%swap3A_129, %swap3A_130] {strides = array<i32>} : memref<80x128xi32, #tpu.memory_space<vmem>>, vector<1x16xi32>,
      %swap3A_132 = vector.shape_cast %swap3A_131 : vector<1x16xi32> to vector<16xi32>
      %swap3A_133 = vector.shape_cast %and3A_128 : vector<16xi32> to vector<1x16xi32>
      tpu.vector_store %arg6[%swap3A_129, %swap3A_130], %swap3A_133 {strides = array<i32>} : memref<80x128xi32, #tpu.memory_space<vmem>>, vector<1x16xi32>,
      %get3A_134 = arith.index_cast %scan3A_76 : i32 to index
      %get3A_135 = arith.constant 48 : index
      %get3A_136 = tpu.vector_load %arg5[%get3A_134, %get3A_135] {strides = array<i32>} : memref<80x128xi32, #tpu.memory_space<vmem>>, vector<1x16xi32>,
      %get3A_137 = vector.shape_cast %get3A_136 : vector<1x16xi32> to vector<16xi32>
      %shift_right_logical3A_138 = arith.constant 14 : i32
      %shift_right_logical3A_139 = vector.broadcast %shift_right_logical3A_138 : i32 to vector<16xi32>
      %shift_right_logical3A_140 = arith.shrui %get3A_137, %shift_right_logical3A_139 : vector<16xi32>
      %swap3A_141 = arith.index_cast %scan3A_76 : i32 to index
      %swap3A_142 = arith.constant 48 : index
      %swap3A_143 = tpu.vector_load %arg5[%swap3A_141, %swap3A_142] {strides = array<i32>} : memref<80x128xi32, #tpu.memory_space<vmem>>, vector<1x16xi32>,
      %swap3A_144 = vector.shape_cast %swap3A_143 : vector<1x16xi32> to vector<16xi32>
      %swap3A_145 = vector.shape_cast %shift_right_logical3A_140 : vector<16xi32> to vector<1x16xi32>
      tpu.vector_store %arg5[%swap3A_141, %swap3A_142], %swap3A_145 {strides = array<i32>} : memref<80x128xi32, #tpu.memory_space<vmem>>, vector<1x16xi32>,
      %and3A_146 = arith.constant 16383 : i32
      %and3A_147 = vector.broadcast %and3A_146 : i32 to vector<16xi32>
      %and3A_148 = arith.andi %get3A_137, %and3A_147 : vector<16xi32>
      %swap3A_149 = arith.index_cast %scan3A_76 : i32 to index
      %swap3A_150 = arith.constant 48 : index
      %swap3A_151 = tpu.vector_load %arg6[%swap3A_149, %swap3A_150] {strides = array<i32>} : memref<80x128xi32, #tpu.memory_space<vmem>>, vector<1x16xi32>,
      %swap3A_152 = vector.shape_cast %swap3A_151 : vector<1x16xi32> to vector<16xi32>
      %swap3A_153 = vector.shape_cast %and3A_148 : vector<16xi32> to vector<1x16xi32>
      tpu.vector_store %arg6[%swap3A_149, %swap3A_150], %swap3A_153 {strides = array<i32>} : memref<80x128xi32, #tpu.memory_space<vmem>>, vector<1x16xi32>,
      %get3A_154 = arith.index_cast %scan3A_76 : i32 to index
      %get3A_155 = arith.constant 64 : index
      %get3A_156 = tpu.vector_load %arg5[%get3A_154, %get3A_155] {strides = array<i32>} : memref<80x128xi32, #tpu.memory_space<vmem>>, vector<1x16xi32>,
      %get3A_157 = vector.shape_cast %get3A_156 : vector<1x16xi32> to vector<16xi32>
      %shift_right_logical3A_158 = arith.constant 14 : i32
      %shift_right_logical3A_159 = vector.broadcast %shift_right_logical3A_158 : i32 to vector<16xi32>
      %shift_right_logical3A_160 = arith.shrui %get3A_157, %shift_right_logical3A_159 : vector<16xi32>
      %swap3A_161 = arith.index_cast %scan3A_76 : i32 to index
      %swap3A_162 = arith.constant 64 : index
      %swap3A_163 = tpu.vector_load %arg5[%swap3A_161, %swap3A_162] {strides = array<i32>} : memref<80x128xi32, #tpu.memory_space<vmem>>, vector<1x16xi32>,
      %swap3A_164 = vector.shape_cast %swap3A_163 : vector<1x16xi32> to vector<16xi32>
      %swap3A_165 = vector.shape_cast %shift_right_logical3A_160 : vector<16xi32> to vector<1x16xi32>
      tpu.vector_store %arg5[%swap3A_161, %swap3A_162], %swap3A_165 {strides = array<i32>} : memref<80x128xi32, #tpu.memory_space<vmem>>, vector<1x16xi32>,
      %and3A_166 = arith.constant 16383 : i32
      %and3A_167 = vector.broadcast %and3A_166 : i32 to vector<16xi32>
      %and3A_168 = arith.andi %get3A_157, %and3A_167 : vector<16xi32>
      %swap3A_169 = arith.index_cast %scan3A_76 : i32 to index
      %swap3A_170 = arith.constant 64 : index
      %swap3A_171 = tpu.vector_load %arg6[%swap3A_169, %swap3A_170] {strides = array<i32>} : memref<80x128xi32, #tpu.memory_space<vmem>>, vector<1x16xi32>,
      %swap3A_172 = vector.shape_cast %swap3A_171 : vector<1x16xi32> to vector<16xi32>
      %swap3A_173 = vector.shape_cast %and3A_168 : vector<16xi32> to vector<1x16xi32>
      tpu.vector_store %arg6[%swap3A_169, %swap3A_170], %swap3A_173 {strides = array<i32>} : memref<80x128xi32, #tpu.memory_space<vmem>>, vector<1x16xi32>,
      %get3A_174 = arith.index_cast %scan3A_76 : i32 to index
      %get3A_175 = arith.constant 80 : index
      %get3A_176 = tpu.vector_load %arg5[%get3A_174, %get3A_175] {strides = array<i32>} : memref<80x128xi32, #tpu.memory_space<vmem>>, vector<1x16xi32>,
      %get3A_177 = vector.shape_cast %get3A_176 : vector<1x16xi32> to vector<16xi32>
      %shift_right_logical3A_178 = arith.constant 14 : i32
      %shift_right_logical3A_179 = vector.broadcast %shift_right_logical3A_178 : i32 to vector<16xi32>
      %shift_right_logical3A_180 = arith.shrui %get3A_177, %shift_right_logical3A_179 : vector<16xi32>
      %swap3A_181 = arith.index_cast %scan3A_76 : i32 to index
      %swap3A_182 = arith.constant 80 : index
      %swap3A_183 = tpu.vector_load %arg5[%swap3A_181, %swap3A_182] {strides = array<i32>} : memref<80x128xi32, #tpu.memory_space<vmem>>, vector<1x16xi32>,
      %swap3A_184 = vector.shape_cast %swap3A_183 : vector<1x16xi32> to vector<16xi32>
      %swap3A_185 = vector.shape_cast %shift_right_logical3A_180 : vector<16xi32> to vector<1x16xi32>
      tpu.vector_store %arg5[%swap3A_181, %swap3A_182], %swap3A_185 {strides = array<i32>} : memref<80x128xi32, #tpu.memory_space<vmem>>, vector<1x16xi32>,
      %and3A_186 = arith.constant 16383 : i32
      %and3A_187 = vector.broadcast %and3A_186 : i32 to vector<16xi32>
      %and3A_188 = arith.andi %get3A_177, %and3A_187 : vector<16xi32>
      %swap3A_189 = arith.index_cast %scan3A_76 : i32 to index
      %swap3A_190 = arith.constant 80 : index
      %swap3A_191 = tpu.vector_load %arg6[%swap3A_189, %swap3A_190] {strides = array<i32>} : memref<80x128xi32, #tpu.memory_space<vmem>>, vector<1x16xi32>,
      %swap3A_192 = vector.shape_cast %swap3A_191 : vector<1x16xi32> to vector<16xi32>
      %swap3A_193 = vector.shape_cast %and3A_188 : vector<16xi32> to vector<1x16xi32>
      tpu.vector_store %arg6[%swap3A_189, %swap3A_190], %swap3A_193 {strides = array<i32>} : memref<80x128xi32, #tpu.memory_space<vmem>>, vector<1x16xi32>,
      %get3A_194 = arith.index_cast %scan3A_76 : i32 to index
      %get3A_195 = arith.constant 96 : index
      %get3A_196 = tpu.vector_load %arg5[%get3A_194, %get3A_195] {strides = array<i32>} : memref<80x128xi32, #tpu.memory_space<vmem>>, vector<1x16xi32>,
      %get3A_197 = vector.shape_cast %get3A_196 : vector<1x16xi32> to vector<16xi32>
      %shift_right_logical3A_198 = arith.constant 14 : i32
      %shift_right_logical3A_199 = vector.broadcast %shift_right_logical3A_198 : i32 to vector<16xi32>
      %shift_right_logical3A_200 = arith.shrui %get3A_197, %shift_right_logical3A_199 : vector<16xi32>
      %swap3A_201 = arith.index_cast %scan3A_76 : i32 to index
      %swap3A_202 = arith.constant 96 : index
      %swap3A_203 = tpu.vector_load %arg5[%swap3A_201, %swap3A_202] {strides = array<i32>} : memref<80x128xi32, #tpu.memory_space<vmem>>, vector<1x16xi32>,
      %swap3A_204 = vector.shape_cast %swap3A_203 : vector<1x16xi32> to vector<16xi32>
      %swap3A_205 = vector.shape_cast %shift_right_logical3A_200 : vector<16xi32> to vector<1x16xi32>
      tpu.vector_store %arg5[%swap3A_201, %swap3A_202], %swap3A_205 {strides = array<i32>} : memref<80x128xi32, #tpu.memory_space<vmem>>, vector<1x16xi32>,
      %and3A_206 = arith.constant 16383 : i32
      %and3A_207 = vector.broadcast %and3A_206 : i32 to vector<16xi32>
      %and3A_208 = arith.andi %get3A_197, %and3A_207 : vector<16xi32>
      %swap3A_209 = arith.index_cast %scan3A_76 : i32 to index
      %swap3A_210 = arith.constant 96 : index
      %swap3A_211 = tpu.vector_load %arg6[%swap3A_209, %swap3A_210] {strides = array<i32>} : memref<80x128xi32, #tpu.memory_space<vmem>>, vector<1x16xi32>,
      %swap3A_212 = vector.shape_cast %swap3A_211 : vector<1x16xi32> to vector<16xi32>
      %swap3A_213 = vector.shape_cast %and3A_208 : vector<16xi32> to vector<1x16xi32>
      tpu.vector_store %arg6[%swap3A_209, %swap3A_210], %swap3A_213 {strides = array<i32>} : memref<80x128xi32, #tpu.memory_space<vmem>>, vector<1x16xi32>,
      %get3A_214 = arith.index_cast %scan3A_76 : i32 to index
      %get3A_215 = arith.constant 112 : index
      %get3A_216 = tpu.vector_load %arg5[%get3A_214, %get3A_215] {strides = array<i32>} : memref<80x128xi32, #tpu.memory_space<vmem>>, vector<1x16xi32>,
      %get3A_217 = vector.shape_cast %get3A_216 : vector<1x16xi32> to vector<16xi32>
      %shift_right_logical3A_218 = arith.constant 14 : i32
      %shift_right_logical3A_219 = vector.broadcast %shift_right_logical3A_218 : i32 to vector<16xi32>
      %shift_right_logical3A_220 = arith.shrui %get3A_217, %shift_right_logical3A_219 : vector<16xi32>
      %swap3A_221 = arith.index_cast %scan3A_76 : i32 to index
      %swap3A_222 = arith.constant 112 : index
      %swap3A_223 = tpu.vector_load %arg5[%swap3A_221, %swap3A_222] {strides = array<i32>} : memref<80x128xi32, #tpu.memory_space<vmem>>, vector<1x16xi32>,
      %swap3A_224 = vector.shape_cast %swap3A_223 : vector<1x16xi32> to vector<16xi32>
      %swap3A_225 = vector.shape_cast %shift_right_logical3A_220 : vector<16xi32> to vector<1x16xi32>
      tpu.vector_store %arg5[%swap3A_221, %swap3A_222], %swap3A_225 {strides = array<i32>} : memref<80x128xi32, #tpu.memory_space<vmem>>, vector<1x16xi32>,
      %and3A_226 = arith.constant 16383 : i32
      %and3A_227 = vector.broadcast %and3A_226 : i32 to vector<16xi32>
      %and3A_228 = arith.andi %get3A_217, %and3A_227 : vector<16xi32>
      %swap3A_229 = arith.index_cast %scan3A_76 : i32 to index
      %swap3A_230 = arith.constant 112 : index
      %swap3A_231 = tpu.vector_load %arg6[%swap3A_229, %swap3A_230] {strides = array<i32>} : memref<80x128xi32, #tpu.memory_space<vmem>>, vector<1x16xi32>,
      %swap3A_232 = vector.shape_cast %swap3A_231 : vector<1x16xi32> to vector<16xi32>
      %swap3A_233 = vector.shape_cast %and3A_228 : vector<16xi32> to vector<1x16xi32>
      tpu.vector_store %arg6[%swap3A_229, %swap3A_230], %swap3A_233 {strides = array<i32>} : memref<80x128xi32, #tpu.memory_space<vmem>>, vector<1x16xi32>,
    }
    %scan3A_13 = arith.constant 80 : i32
    %broadcast_in_dim3A = arith.constant 1.000000e+00 : f32
    %broadcast_in_dim3A_14 = vector.broadcast %broadcast_in_dim3A : f32 to vector<16xf32>
    %swap3A = arith.constant 0 : index
    %swap3A_15 = tpu.vector_load %arg7[%swap3A] {strides = array<i32>} : memref<128xf32, #tpu.memory_space<vmem>>, vector<16xf32>,
    %swap3A_16 = vector.shape_cast %swap3A_15 : vector<16xf32> to vector<16xf32>
    %swap3A_17 = vector.shape_cast %broadcast_in_dim3A_14 : vector<16xf32> to vector<16xf32>
    tpu.vector_store %arg7[%swap3A], %swap3A_17 {strides = array<i32>} : memref<128xf32, #tpu.memory_space<vmem>>, vector<16xf32>,
    %broadcast_in_dim3A_18 = arith.constant 1.000000e+00 : f32
    %broadcast_in_dim3A_19 = vector.broadcast %broadcast_in_dim3A_18 : f32 to vector<16xf32>
    %swap3A_20 = arith.constant 16 : index
    %swap3A_21 = tpu.vector_load %arg7[%swap3A_20] {strides = array<i32>} : memref<128xf32, #tpu.memory_space<vmem>>, vector<16xf32>,
    %swap3A_22 = vector.shape_cast %swap3A_21 : vector<16xf32> to vector<16xf32>
    %swap3A_23 = vector.shape_cast %broadcast_in_dim3A_19 : vector<16xf32> to vector<16xf32>
    tpu.vector_store %arg7[%swap3A_20], %swap3A_23 {strides = array<i32>} : memref<128xf32, #tpu.memory_space<vmem>>, vector<16xf32>,
    %broadcast_in_dim3A_24 = arith.constant 1.000000e+00 : f32
    %broadcast_in_dim3A_25 = vector.broadcast %broadcast_in_dim3A_24 : f32 to vector<16xf32>
    %swap3A_26 = arith.constant 32 : index
    %swap3A_27 = tpu.vector_load %arg7[%swap3A_26] {strides = array<i32>} : memref<128xf32, #tpu.memory_space<vmem>>, vector<16xf32>,
    %swap3A_28 = vector.shape_cast %swap3A_27 : vector<16xf32> to vector<16xf32>
    %swap3A_29 = vector.shape_cast %broadcast_in_dim3A_25 : vector<16xf32> to vector<16xf32>
    tpu.vector_store %arg7[%swap3A_26], %swap3A_29 {strides = array<i32>} : memref<128xf32, #tpu.memory_space<vmem>>, vector<16xf32>,
    %broadcast_in_dim3A_30 = arith.constant 1.000000e+00 : f32
    %broadcast_in_dim3A_31 = vector.broadcast %broadcast_in_dim3A_30 : f32 to vector<16xf32>
    %swap3A_32 = arith.constant 48 : index
    %swap3A_33 = tpu.vector_load %arg7[%swap3A_32] {strides = array<i32>} : memref<128xf32, #tpu.memory_space<vmem>>, vector<16xf32>,
    %swap3A_34 = vector.shape_cast %swap3A_33 : vector<16xf32> to vector<16xf32>
    %swap3A_35 = vector.shape_cast %broadcast_in_dim3A_31 : vector<16xf32> to vector<16xf32>
    tpu.vector_store %arg7[%swap3A_32], %swap3A_35 {strides = array<i32>} : memref<128xf32, #tpu.memory_space<vmem>>, vector<16xf32>,
    %broadcast_in_dim3A_36 = arith.constant 1.000000e+00 : f32
    %broadcast_in_dim3A_37 = vector.broadcast %broadcast_in_dim3A_36 : f32 to vector<16xf32>
    %swap3A_38 = arith.constant 64 : index
    %swap3A_39 = tpu.vector_load %arg7[%swap3A_38] {strides = array<i32>} : memref<128xf32, #tpu.memory_space<vmem>>, vector<16xf32>,
    %swap3A_40 = vector.shape_cast %swap3A_39 : vector<16xf32> to vector<16xf32>
    %swap3A_41 = vector.shape_cast %broadcast_in_dim3A_37 : vector<16xf32> to vector<16xf32>
    tpu.vector_store %arg7[%swap3A_38], %swap3A_41 {strides = array<i32>} : memref<128xf32, #tpu.memory_space<vmem>>, vector<16xf32>,
    %broadcast_in_dim3A_42 = arith.constant 1.000000e+00 : f32
    %broadcast_in_dim3A_43 = vector.broadcast %broadcast_in_dim3A_42 : f32 to vector<16xf32>
    %swap3A_44 = arith.constant 80 : index
    %swap3A_45 = tpu.vector_load %arg7[%swap3A_44] {strides = array<i32>} : memref<128xf32, #tpu.memory_space<vmem>>, vector<16xf32>,
    %swap3A_46 = vector.shape_cast %swap3A_45 : vector<16xf32> to vector<16xf32>
    %swap3A_47 = vector.shape_cast %broadcast_in_dim3A_43 : vector<16xf32> to vector<16xf32>
    tpu.vector_store %arg7[%swap3A_44], %swap3A_47 {strides = array<i32>} : memref<128xf32, #tpu.memory_space<vmem>>, vector<16xf32>,
    %broadcast_in_dim3A_48 = arith.constant 1.000000e+00 : f32
    %broadcast_in_dim3A_49 = vector.broadcast %broadcast_in_dim3A_48 : f32 to vector<16xf32>
    %swap3A_50 = arith.constant 96 : index
    %swap3A_51 = tpu.vector_load %arg7[%swap3A_50] {strides = array<i32>} : memref<128xf32, #tpu.memory_space<vmem>>, vector<16xf32>,
    %swap3A_52 = vector.shape_cast %swap3A_51 : vector<16xf32> to vector<16xf32>
    %swap3A_53 = vector.shape_cast %broadcast_in_dim3A_49 : vector<16xf32> to vector<16xf32>
    tpu.vector_store %arg7[%swap3A_50], %swap3A_53 {strides = array<i32>} : memref<128xf32, #tpu.memory_space<vmem>>, vector<16xf32>,
    %broadcast_in_dim3A_54 = arith.constant 1.000000e+00 : f32
    %broadcast_in_dim3A_55 = vector.broadcast %broadcast_in_dim3A_54 : f32 to vector<16xf32>
    %swap3A_56 = arith.constant 112 : index
    %swap3A_57 = tpu.vector_load %arg7[%swap3A_56] {strides = array<i32>} : memref<128xf32, #tpu.memory_space<vmem>>, vector<16xf32>,
    %swap3A_58 = vector.shape_cast %swap3A_57 : vector<16xf32> to vector<16xf32>
    %swap3A_59 = vector.shape_cast %broadcast_in_dim3A_55 : vector<16xf32> to vector<16xf32>
    tpu.vector_store %arg7[%swap3A_56], %swap3A_59 {strides = array<i32>} : memref<128xf32, #tpu.memory_space<vmem>>, vector<16xf32>,
    %barrier3A = arith.constant 0 : index
    tpu.barrier barrier_id(%barrier3A)
    %scan3A_60 = arith.constant 0 : i32
    %scan3A_61 = arith.constant 0 : i32
    %scan3A_62 = arith.constant 80 : i32
    %scan3A_63 = arith.addi %scan3A_61, %scan3A_62 : i32
    %scan3A_64 = arith.constant 1 : i32
    scf.for %scan3A_76 = %scan3A_61 to %scan3A_63 step %scan3A_64  : i32 {
      "tpu.region"() ({
        %run_scoped3A_77 = tpu.sem_alloc : memref<!tpu.dma_semaphore, #tpu.memory_space<semaphore_mem>>
        %dma_start3A = arith.constant 0 : i32
        %dma_start3A_78 = tpu.memref_slice %arg5[%scan3A_76, %dma_start3A] : memref<80x128xi32, #tpu.memory_space<vmem>> -> memref<1x128xi32, #tpu.memory_space<vmem>>
        %dma_start3A_79 = tpu.memref_squeeze %dma_start3A_78 : memref<1x128xi32, #tpu.memory_space<vmem>> -> memref<128xi32, #tpu.memory_space<vmem>>
        %dma_start3A_80 = arith.constant 0 : i32
        %dma_start3A_81 = tpu.memref_slice %arg8[%dma_start3A_80] : memref<10240xf32, #tpu.memory_space<vmem_shared>> -> memref<10240xf32, #tpu.memory_space<vmem_shared>>
        tpu.enqueue_indirect_dma source(%arg7 : memref<128xf32, #tpu.memory_space<vmem>>) target(%dma_start3A_81 : memref<10240xf32, #tpu.memory_space<vmem_shared>>) offsets(%dma_start3A_79 : memref<128xi32, #tpu.memory_space<vmem>>) semaphore(%run_scoped3A_77 : memref<!tpu.dma_semaphore, #tpu.memory_space<semaphore_mem>>) {add = true}
        %dma_wait3A = arith.constant 0 : i32
        %dma_wait3A_82 = tpu.memref_slice %arg5[%scan3A_76, %dma_wait3A] : memref<80x128xi32, #tpu.memory_space<vmem>> -> memref<1x128xi32, #tpu.memory_space<vmem>>
        %dma_wait3A_83 = tpu.memref_squeeze %dma_wait3A_82 : memref<1x128xi32, #tpu.memory_space<vmem>> -> memref<128xi32, #tpu.memory_space<vmem>>
        %dma_wait3A_84 = arith.constant 0 : i32
        %dma_wait3A_85 = tpu.memref_slice %arg8[%dma_wait3A_84] : memref<10240xf32, #tpu.memory_space<vmem_shared>> -> memref<10240xf32, #tpu.memory_space<vmem_shared>>
        tpu.wait_indirect_dma semaphore(%run_scoped3A_77 : memref<!tpu.dma_semaphore, #tpu.memory_space<semaphore_mem>>) src(%arg7 : memref<128xf32, #tpu.memory_space<vmem>>) dst(%dma_wait3A_85 : memref<10240xf32, #tpu.memory_space<vmem_shared>>)
        tpu.yield
      }) : () -> ()
      "tpu.region"() ({
        %run_scoped3A_77 = tpu.sem_alloc : memref<!tpu.dma_semaphore, #tpu.memory_space<semaphore_mem>>
        %dma_start3A = arith.constant 0 : i32
        %dma_start3A_78 = tpu.memref_slice %arg6[%scan3A_76, %dma_start3A] : memref<80x128xi32, #tpu.memory_space<vmem>> -> memref<1x128xi32, #tpu.memory_space<vmem>>
        %dma_start3A_79 = tpu.memref_squeeze %dma_start3A_78 : memref<1x128xi32, #tpu.memory_space<vmem>> -> memref<128xi32, #tpu.memory_space<vmem>>
        %dma_start3A_80 = arith.constant 0 : i32
        %dma_start3A_81 = tpu.memref_slice %arg9[%dma_start3A_80] : memref<10240xf32, #tpu.memory_space<vmem_shared>> -> memref<10240xf32, #tpu.memory_space<vmem_shared>>
        tpu.enqueue_indirect_dma source(%arg7 : memref<128xf32, #tpu.memory_space<vmem>>) target(%dma_start3A_81 : memref<10240xf32, #tpu.memory_space<vmem_shared>>) offsets(%dma_start3A_79 : memref<128xi32, #tpu.memory_space<vmem>>) semaphore(%run_scoped3A_77 : memref<!tpu.dma_semaphore, #tpu.memory_space<semaphore_mem>>) {add = true}
        %dma_wait3A = arith.constant 0 : i32
        %dma_wait3A_82 = tpu.memref_slice %arg6[%scan3A_76, %dma_wait3A] : memref<80x128xi32, #tpu.memory_space<vmem>> -> memref<1x128xi32, #tpu.memory_space<vmem>>
        %dma_wait3A_83 = tpu.memref_squeeze %dma_wait3A_82 : memref<1x128xi32, #tpu.memory_space<vmem>> -> memref<128xi32, #tpu.memory_space<vmem>>
        %dma_wait3A_84 = arith.constant 0 : i32
        %dma_wait3A_85 = tpu.memref_slice %arg9[%dma_wait3A_84] : memref<10240xf32, #tpu.memory_space<vmem_shared>> -> memref<10240xf32, #tpu.memory_space<vmem_shared>>
        tpu.wait_indirect_dma semaphore(%run_scoped3A_77 : memref<!tpu.dma_semaphore, #tpu.memory_space<semaphore_mem>>) src(%arg7 : memref<128xf32, #tpu.memory_space<vmem>>) dst(%dma_wait3A_85 : memref<10240xf32, #tpu.memory_space<vmem_shared>>)
        tpu.yield
      }) : () -> ()
    }
    %scan3A_65 = arith.constant 80 : i32
    %barrier3A_66 = arith.constant 0 : index
    tpu.barrier barrier_id(%barrier3A_66)
    %mul3A_67 = arith.constant 640 : i32
    %mul3A_68 = arith.muli %arg1, %mul3A_67 : i32
    %mul3A_69 = arith.constant 640 : i32
    %mul3A_70 = arith.muli %arg1, %mul3A_69 : i32
    %run_scoped3A = arith.constant 0 : i32
    "tpu.region"() ({
      %run_scoped3A_76 = tpu.sem_alloc : memref<!tpu.dma_semaphore, #tpu.memory_space<semaphore_mem>>
      %dma_start3A = tpu.memref_slice %arg4[%arg0, %run_scoped3A, %mul3A_70] : memref<2x2x10240xf32, #tpu.memory_space<hbm>> -> memref<1x1x640xf32, #tpu.memory_space<hbm>>
      %dma_start3A_77 = tpu.memref_squeeze %dma_start3A : memref<1x1x640xf32, #tpu.memory_space<hbm>> -> memref<640xf32, #tpu.memory_space<hbm>>
      %dma_start3A_78 = tpu.memref_slice %arg8[%mul3A_68] : memref<10240xf32, #tpu.memory_space<vmem_shared>> -> memref<640xf32, #tpu.memory_space<vmem_shared>>
      tpu.enqueue_dma source(%dma_start3A_78 : memref<640xf32, #tpu.memory_space<vmem_shared>>) target(%dma_start3A_77 : memref<640xf32, #tpu.memory_space<hbm>>) target_semaphore(%run_scoped3A_76 : memref<!tpu.dma_semaphore, #tpu.memory_space<semaphore_mem>>)
      %dma_wait3A = tpu.memref_slice %arg4[%arg0, %run_scoped3A, %mul3A_70] : memref<2x2x10240xf32, #tpu.memory_space<hbm>> -> memref<1x1x640xf32, #tpu.memory_space<hbm>>
      %dma_wait3A_79 = tpu.memref_squeeze %dma_wait3A : memref<1x1x640xf32, #tpu.memory_space<hbm>> -> memref<640xf32, #tpu.memory_space<hbm>>
      %dma_wait3A_80 = tpu.memref_slice %arg8[%mul3A_68] : memref<10240xf32, #tpu.memory_space<vmem_shared>> -> memref<640xf32, #tpu.memory_space<vmem_shared>>
      tpu.wait_dma2 semaphore(%run_scoped3A_76 : memref<!tpu.dma_semaphore, #tpu.memory_space<semaphore_mem>>) src(%dma_wait3A_80 : memref<640xf32, #tpu.memory_space<vmem_shared>>) dst(%dma_wait3A_79 : memref<640xf32, #tpu.memory_space<hbm>>)
      tpu.yield
    }) : () -> ()
    %mul3A_71 = arith.constant 640 : i32
    %mul3A_72 = arith.muli %arg1, %mul3A_71 : i32
    %mul3A_73 = arith.constant 640 : i32
    %mul3A_74 = arith.muli %arg1, %mul3A_73 : i32
    %run_scoped3A_75 = arith.constant 1 : i32
    "tpu.region"() ({
      %run_scoped3A_76 = tpu.sem_alloc : memref<!tpu.dma_semaphore, #tpu.memory_space<semaphore_mem>>
      %dma_start3A = tpu.memref_slice %arg4[%arg0, %run_scoped3A_75, %mul3A_74] : memref<2x2x10240xf32, #tpu.memory_space<hbm>> -> memref<1x1x640xf32, #tpu.memory_space<hbm>>
      %dma_start3A_77 = tpu.memref_squeeze %dma_start3A : memref<1x1x640xf32, #tpu.memory_space<hbm>> -> memref<640xf32, #tpu.memory_space<hbm>>
      %dma_start3A_78 = tpu.memref_slice %arg9[%mul3A_72] : memref<10240xf32, #tpu.memory_space<vmem_shared>> -> memref<640xf32, #tpu.memory_space<vmem_shared>>
      tpu.enqueue_dma source(%dma_start3A_78 : memref<640xf32, #tpu.memory_space<vmem_shared>>) target(%dma_start3A_77 : memref<640xf32, #tpu.memory_space<hbm>>) target_semaphore(%run_scoped3A_76 : memref<!tpu.dma_semaphore, #tpu.memory_space<semaphore_mem>>)
      %dma_wait3A = tpu.memref_slice %arg4[%arg0, %run_scoped3A_75, %mul3A_74] : memref<2x2x10240xf32, #tpu.memory_space<hbm>> -> memref<1x1x640xf32, #tpu.memory_space<hbm>>
      %dma_wait3A_79 = tpu.memref_squeeze %dma_wait3A : memref<1x1x640xf32, #tpu.memory_space<hbm>> -> memref<640xf32, #tpu.memory_space<hbm>>
      %dma_wait3A_80 = tpu.memref_slice %arg9[%mul3A_72] : memref<10240xf32, #tpu.memory_space<vmem_shared>> -> memref<640xf32, #tpu.memory_space<vmem_shared>>
      tpu.wait_dma2 semaphore(%run_scoped3A_76 : memref<!tpu.dma_semaphore, #tpu.memory_space<semaphore_mem>>) src(%dma_wait3A_80 : memref<640xf32, #tpu.memory_space<vmem_shared>>) dst(%dma_wait3A_79 : memref<640xf32, #tpu.memory_space<hbm>>)
      tpu.yield
    }) : () -> ()
    return
  }
}

#map = affine_map<(d0, d1) -> (0, 0)>
#map1 = affine_map<(d0, d1) -> (0, 0, 0)>
module attributes {stable_mosaic.version = 14 : i64} {
  func.func @_agg_body(%arg0: i32, %arg1: i32, %arg2: memref<10000x128xf32, #tpu.memory_space<hbm>>, %arg3: memref<32x80x128xi32, #tpu.memory_space<hbm>>, %arg4: memref<10240x128xf32, #tpu.memory_space<hbm>>, %arg5: memref<2x10240x128xf32, #tpu.memory_space<hbm>>, %arg6: memref<40x128xi32, #tpu.memory_space<vmem>>, %arg7: memref<40x128xi32, #tpu.memory_space<vmem>>, %arg8: memref<128x128xf32, #tpu.memory_space<vmem>>, %arg9: memref<128x128xf32, #tpu.memory_space<vmem>>, %arg10: memref<10240x128xf32, #tpu.memory_space<vmem_shared>>, %arg11: memref<!tpu.dma_semaphore, #tpu.memory_space<semaphore_mem>>, %arg12: memref<!tpu.dma_semaphore, #tpu.memory_space<semaphore_mem>>, %arg13: memref<!tpu.dma_semaphore, #tpu.memory_space<semaphore_mem>>, %arg14: memref<!tpu.dma_semaphore, #tpu.memory_space<semaphore_mem>>) attributes {dimension_semantics = [#tpu.dimension_semantics<core_parallel>, #tpu.dimension_semantics<subcore_parallel>], iteration_bounds = array<i64: 2, 16>, scalar_prefetch = 0 : i64, scratch_operands = 9 : i64, tpu.core_type = #tpu.core_type<sc_vector_subcore>, window_params = [{transform_indices = #map}, {transform_indices = #map1}, {transform_indices = #map}, {transform_indices = #map1}]} {
    %mul3A = arith.constant 16 : i32
    %mul3A_0 = arith.muli %arg0, %mul3A : i32
    %add3A = arith.addi %mul3A_0, %arg1 : i32
    %mul3A_1 = arith.constant 640 : i32
    %mul3A_2 = arith.muli %arg1, %mul3A_1 : i32
    %mul3A_3 = arith.constant 640 : i32
    %mul3A_4 = arith.muli %arg1, %mul3A_3 : i32
    "tpu.region"() ({
      %run_scoped3A = tpu.sem_alloc : memref<!tpu.dma_semaphore, #tpu.memory_space<semaphore_mem>>
      %dma_start3A_73 = arith.constant 0 : i32
      %dma_start3A_74 = tpu.memref_slice %arg10[%mul3A_4, %dma_start3A_73] : memref<10240x128xf32, #tpu.memory_space<vmem_shared>> -> memref<640x128xf32, #tpu.memory_space<vmem_shared>>
      %dma_start3A_75 = arith.constant 0 : i32
      %dma_start3A_76 = tpu.memref_slice %arg4[%mul3A_2, %dma_start3A_75] : memref<10240x128xf32, #tpu.memory_space<hbm>> -> memref<640x128xf32, #tpu.memory_space<hbm>>
      tpu.enqueue_dma source(%dma_start3A_76 : memref<640x128xf32, #tpu.memory_space<hbm>>) target(%dma_start3A_74 : memref<640x128xf32, #tpu.memory_space<vmem_shared>>) target_semaphore(%run_scoped3A : memref<!tpu.dma_semaphore, #tpu.memory_space<semaphore_mem>>)
      %dma_wait3A_77 = arith.constant 0 : i32
      %dma_wait3A_78 = tpu.memref_slice %arg10[%mul3A_4, %dma_wait3A_77] : memref<10240x128xf32, #tpu.memory_space<vmem_shared>> -> memref<640x128xf32, #tpu.memory_space<vmem_shared>>
      %dma_wait3A_79 = arith.constant 0 : i32
      %dma_wait3A_80 = tpu.memref_slice %arg4[%mul3A_2, %dma_wait3A_79] : memref<10240x128xf32, #tpu.memory_space<hbm>> -> memref<640x128xf32, #tpu.memory_space<hbm>>
      tpu.wait_dma2 semaphore(%run_scoped3A : memref<!tpu.dma_semaphore, #tpu.memory_space<semaphore_mem>>) src(%dma_wait3A_80 : memref<640x128xf32, #tpu.memory_space<hbm>>) dst(%dma_wait3A_78 : memref<640x128xf32, #tpu.memory_space<vmem_shared>>)
      tpu.yield
    }) : () -> ()
    %barrier3A = arith.constant 0 : index
    tpu.barrier barrier_id(%barrier3A)
    "tpu.region"() ({
      %run_scoped3A = tpu.sem_alloc : memref<!tpu.dma_semaphore, #tpu.memory_space<semaphore_mem>>
      %dma_start3A_73 = arith.constant 0 : i32
      %dma_start3A_74 = arith.constant 0 : i32
      %dma_start3A_75 = tpu.memref_slice %arg3[%add3A, %dma_start3A_73, %dma_start3A_74] : memref<32x80x128xi32, #tpu.memory_space<hbm>> -> memref<1x40x128xi32, #tpu.memory_space<hbm>>
      %dma_start3A_76 = tpu.memref_squeeze %dma_start3A_75 : memref<1x40x128xi32, #tpu.memory_space<hbm>> -> memref<40x128xi32, #tpu.memory_space<hbm>>
      %dma_start3A_77 = arith.constant 0 : i32
      %dma_start3A_78 = arith.constant 0 : i32
      %dma_start3A_79 = tpu.memref_slice %arg3[%add3A, %dma_start3A_77, %dma_start3A_78] : memref<32x80x128xi32, #tpu.memory_space<hbm>> -> memref<1x40x128xi32, #tpu.memory_space<hbm>>
      %dma_start3A_80 = tpu.memref_squeeze %dma_start3A_79 : memref<1x40x128xi32, #tpu.memory_space<hbm>> -> memref<40x128xi32, #tpu.memory_space<hbm>>
      tpu.enqueue_dma source(%dma_start3A_80 : memref<40x128xi32, #tpu.memory_space<hbm>>) target(%arg6 : memref<40x128xi32, #tpu.memory_space<vmem>>) target_semaphore(%run_scoped3A : memref<!tpu.dma_semaphore, #tpu.memory_space<semaphore_mem>>)
      %dma_wait3A_81 = arith.constant 0 : i32
      %dma_wait3A_82 = arith.constant 0 : i32
      %dma_wait3A_83 = tpu.memref_slice %arg3[%add3A, %dma_wait3A_81, %dma_wait3A_82] : memref<32x80x128xi32, #tpu.memory_space<hbm>> -> memref<1x40x128xi32, #tpu.memory_space<hbm>>
      %dma_wait3A_84 = tpu.memref_squeeze %dma_wait3A_83 : memref<1x40x128xi32, #tpu.memory_space<hbm>> -> memref<40x128xi32, #tpu.memory_space<hbm>>
      %dma_wait3A_85 = arith.constant 0 : i32
      %dma_wait3A_86 = arith.constant 0 : i32
      %dma_wait3A_87 = tpu.memref_slice %arg3[%add3A, %dma_wait3A_85, %dma_wait3A_86] : memref<32x80x128xi32, #tpu.memory_space<hbm>> -> memref<1x40x128xi32, #tpu.memory_space<hbm>>
      %dma_wait3A_88 = tpu.memref_squeeze %dma_wait3A_87 : memref<1x40x128xi32, #tpu.memory_space<hbm>> -> memref<40x128xi32, #tpu.memory_space<hbm>>
      tpu.wait_dma2 semaphore(%run_scoped3A : memref<!tpu.dma_semaphore, #tpu.memory_space<semaphore_mem>>) src(%dma_wait3A_88 : memref<40x128xi32, #tpu.memory_space<hbm>>) dst(%arg6 : memref<40x128xi32, #tpu.memory_space<vmem>>)
      tpu.yield
    }) : () -> ()
    %scan3A = arith.constant 0 : i32
    %scan3A_5 = arith.constant 0 : i32
    %scan3A_6 = arith.constant 40 : i32
    %scan3A_7 = arith.addi %scan3A_5, %scan3A_6 : i32
    %scan3A_8 = arith.constant 1 : i32
    scf.for %scan3A_73 = %scan3A_5 to %scan3A_7 step %scan3A_8  : i32 {
      %get3A = arith.index_cast %scan3A_73 : i32 to index
      %get3A_74 = arith.constant 0 : index
      %get3A_75 = tpu.vector_load %arg6[%get3A, %get3A_74] {strides = array<i32>} : memref<40x128xi32, #tpu.memory_space<vmem>>, vector<1x16xi32>,
      %get3A_76 = vector.shape_cast %get3A_75 : vector<1x16xi32> to vector<16xi32>
      %shift_right_logical3A = arith.constant 14 : i32
      %shift_right_logical3A_77 = vector.broadcast %shift_right_logical3A : i32 to vector<16xi32>
      %shift_right_logical3A_78 = arith.shrui %get3A_76, %shift_right_logical3A_77 : vector<16xi32>
      %swap3A = arith.index_cast %scan3A_73 : i32 to index
      %swap3A_79 = arith.constant 0 : index
      %swap3A_80 = tpu.vector_load %arg6[%swap3A, %swap3A_79] {strides = array<i32>} : memref<40x128xi32, #tpu.memory_space<vmem>>, vector<1x16xi32>,
      %swap3A_81 = vector.shape_cast %swap3A_80 : vector<1x16xi32> to vector<16xi32>
      %swap3A_82 = vector.shape_cast %shift_right_logical3A_78 : vector<16xi32> to vector<1x16xi32>
      tpu.vector_store %arg6[%swap3A, %swap3A_79], %swap3A_82 {strides = array<i32>} : memref<40x128xi32, #tpu.memory_space<vmem>>, vector<1x16xi32>,
      %and3A = arith.constant 16383 : i32
      %and3A_83 = vector.broadcast %and3A : i32 to vector<16xi32>
      %and3A_84 = arith.andi %get3A_76, %and3A_83 : vector<16xi32>
      %swap3A_85 = arith.index_cast %scan3A_73 : i32 to index
      %swap3A_86 = arith.constant 0 : index
      %swap3A_87 = tpu.vector_load %arg7[%swap3A_85, %swap3A_86] {strides = array<i32>} : memref<40x128xi32, #tpu.memory_space<vmem>>, vector<1x16xi32>,
      %swap3A_88 = vector.shape_cast %swap3A_87 : vector<1x16xi32> to vector<16xi32>
      %swap3A_89 = vector.shape_cast %and3A_84 : vector<16xi32> to vector<1x16xi32>
      tpu.vector_store %arg7[%swap3A_85, %swap3A_86], %swap3A_89 {strides = array<i32>} : memref<40x128xi32, #tpu.memory_space<vmem>>, vector<1x16xi32>,
      %get3A_90 = arith.index_cast %scan3A_73 : i32 to index
      %get3A_91 = arith.constant 16 : index
      %get3A_92 = tpu.vector_load %arg6[%get3A_90, %get3A_91] {strides = array<i32>} : memref<40x128xi32, #tpu.memory_space<vmem>>, vector<1x16xi32>,
      %get3A_93 = vector.shape_cast %get3A_92 : vector<1x16xi32> to vector<16xi32>
      %shift_right_logical3A_94 = arith.constant 14 : i32
      %shift_right_logical3A_95 = vector.broadcast %shift_right_logical3A_94 : i32 to vector<16xi32>
      %shift_right_logical3A_96 = arith.shrui %get3A_93, %shift_right_logical3A_95 : vector<16xi32>
      %swap3A_97 = arith.index_cast %scan3A_73 : i32 to index
      %swap3A_98 = arith.constant 16 : index
      %swap3A_99 = tpu.vector_load %arg6[%swap3A_97, %swap3A_98] {strides = array<i32>} : memref<40x128xi32, #tpu.memory_space<vmem>>, vector<1x16xi32>,
      %swap3A_100 = vector.shape_cast %swap3A_99 : vector<1x16xi32> to vector<16xi32>
      %swap3A_101 = vector.shape_cast %shift_right_logical3A_96 : vector<16xi32> to vector<1x16xi32>
      tpu.vector_store %arg6[%swap3A_97, %swap3A_98], %swap3A_101 {strides = array<i32>} : memref<40x128xi32, #tpu.memory_space<vmem>>, vector<1x16xi32>,
      %and3A_102 = arith.constant 16383 : i32
      %and3A_103 = vector.broadcast %and3A_102 : i32 to vector<16xi32>
      %and3A_104 = arith.andi %get3A_93, %and3A_103 : vector<16xi32>
      %swap3A_105 = arith.index_cast %scan3A_73 : i32 to index
      %swap3A_106 = arith.constant 16 : index
      %swap3A_107 = tpu.vector_load %arg7[%swap3A_105, %swap3A_106] {strides = array<i32>} : memref<40x128xi32, #tpu.memory_space<vmem>>, vector<1x16xi32>,
      %swap3A_108 = vector.shape_cast %swap3A_107 : vector<1x16xi32> to vector<16xi32>
      %swap3A_109 = vector.shape_cast %and3A_104 : vector<16xi32> to vector<1x16xi32>
      tpu.vector_store %arg7[%swap3A_105, %swap3A_106], %swap3A_109 {strides = array<i32>} : memref<40x128xi32, #tpu.memory_space<vmem>>, vector<1x16xi32>,
      %get3A_110 = arith.index_cast %scan3A_73 : i32 to index
      %get3A_111 = arith.constant 32 : index
      %get3A_112 = tpu.vector_load %arg6[%get3A_110, %get3A_111] {strides = array<i32>} : memref<40x128xi32, #tpu.memory_space<vmem>>, vector<1x16xi32>,
      %get3A_113 = vector.shape_cast %get3A_112 : vector<1x16xi32> to vector<16xi32>
      %shift_right_logical3A_114 = arith.constant 14 : i32
      %shift_right_logical3A_115 = vector.broadcast %shift_right_logical3A_114 : i32 to vector<16xi32>
      %shift_right_logical3A_116 = arith.shrui %get3A_113, %shift_right_logical3A_115 : vector<16xi32>
      %swap3A_117 = arith.index_cast %scan3A_73 : i32 to index
      %swap3A_118 = arith.constant 32 : index
      %swap3A_119 = tpu.vector_load %arg6[%swap3A_117, %swap3A_118] {strides = array<i32>} : memref<40x128xi32, #tpu.memory_space<vmem>>, vector<1x16xi32>,
      %swap3A_120 = vector.shape_cast %swap3A_119 : vector<1x16xi32> to vector<16xi32>
      %swap3A_121 = vector.shape_cast %shift_right_logical3A_116 : vector<16xi32> to vector<1x16xi32>
      tpu.vector_store %arg6[%swap3A_117, %swap3A_118], %swap3A_121 {strides = array<i32>} : memref<40x128xi32, #tpu.memory_space<vmem>>, vector<1x16xi32>,
      %and3A_122 = arith.constant 16383 : i32
      %and3A_123 = vector.broadcast %and3A_122 : i32 to vector<16xi32>
      %and3A_124 = arith.andi %get3A_113, %and3A_123 : vector<16xi32>
      %swap3A_125 = arith.index_cast %scan3A_73 : i32 to index
      %swap3A_126 = arith.constant 32 : index
      %swap3A_127 = tpu.vector_load %arg7[%swap3A_125, %swap3A_126] {strides = array<i32>} : memref<40x128xi32, #tpu.memory_space<vmem>>, vector<1x16xi32>,
      %swap3A_128 = vector.shape_cast %swap3A_127 : vector<1x16xi32> to vector<16xi32>
      %swap3A_129 = vector.shape_cast %and3A_124 : vector<16xi32> to vector<1x16xi32>
      tpu.vector_store %arg7[%swap3A_125, %swap3A_126], %swap3A_129 {strides = array<i32>} : memref<40x128xi32, #tpu.memory_space<vmem>>, vector<1x16xi32>,
      %get3A_130 = arith.index_cast %scan3A_73 : i32 to index
      %get3A_131 = arith.constant 48 : index
      %get3A_132 = tpu.vector_load %arg6[%get3A_130, %get3A_131] {strides = array<i32>} : memref<40x128xi32, #tpu.memory_space<vmem>>, vector<1x16xi32>,
      %get3A_133 = vector.shape_cast %get3A_132 : vector<1x16xi32> to vector<16xi32>
      %shift_right_logical3A_134 = arith.constant 14 : i32
      %shift_right_logical3A_135 = vector.broadcast %shift_right_logical3A_134 : i32 to vector<16xi32>
      %shift_right_logical3A_136 = arith.shrui %get3A_133, %shift_right_logical3A_135 : vector<16xi32>
      %swap3A_137 = arith.index_cast %scan3A_73 : i32 to index
      %swap3A_138 = arith.constant 48 : index
      %swap3A_139 = tpu.vector_load %arg6[%swap3A_137, %swap3A_138] {strides = array<i32>} : memref<40x128xi32, #tpu.memory_space<vmem>>, vector<1x16xi32>,
      %swap3A_140 = vector.shape_cast %swap3A_139 : vector<1x16xi32> to vector<16xi32>
      %swap3A_141 = vector.shape_cast %shift_right_logical3A_136 : vector<16xi32> to vector<1x16xi32>
      tpu.vector_store %arg6[%swap3A_137, %swap3A_138], %swap3A_141 {strides = array<i32>} : memref<40x128xi32, #tpu.memory_space<vmem>>, vector<1x16xi32>,
      %and3A_142 = arith.constant 16383 : i32
      %and3A_143 = vector.broadcast %and3A_142 : i32 to vector<16xi32>
      %and3A_144 = arith.andi %get3A_133, %and3A_143 : vector<16xi32>
      %swap3A_145 = arith.index_cast %scan3A_73 : i32 to index
      %swap3A_146 = arith.constant 48 : index
      %swap3A_147 = tpu.vector_load %arg7[%swap3A_145, %swap3A_146] {strides = array<i32>} : memref<40x128xi32, #tpu.memory_space<vmem>>, vector<1x16xi32>,
      %swap3A_148 = vector.shape_cast %swap3A_147 : vector<1x16xi32> to vector<16xi32>
      %swap3A_149 = vector.shape_cast %and3A_144 : vector<16xi32> to vector<1x16xi32>
      tpu.vector_store %arg7[%swap3A_145, %swap3A_146], %swap3A_149 {strides = array<i32>} : memref<40x128xi32, #tpu.memory_space<vmem>>, vector<1x16xi32>,
      %get3A_150 = arith.index_cast %scan3A_73 : i32 to index
      %get3A_151 = arith.constant 64 : index
      %get3A_152 = tpu.vector_load %arg6[%get3A_150, %get3A_151] {strides = array<i32>} : memref<40x128xi32, #tpu.memory_space<vmem>>, vector<1x16xi32>,
      %get3A_153 = vector.shape_cast %get3A_152 : vector<1x16xi32> to vector<16xi32>
      %shift_right_logical3A_154 = arith.constant 14 : i32
      %shift_right_logical3A_155 = vector.broadcast %shift_right_logical3A_154 : i32 to vector<16xi32>
      %shift_right_logical3A_156 = arith.shrui %get3A_153, %shift_right_logical3A_155 : vector<16xi32>
      %swap3A_157 = arith.index_cast %scan3A_73 : i32 to index
      %swap3A_158 = arith.constant 64 : index
      %swap3A_159 = tpu.vector_load %arg6[%swap3A_157, %swap3A_158] {strides = array<i32>} : memref<40x128xi32, #tpu.memory_space<vmem>>, vector<1x16xi32>,
      %swap3A_160 = vector.shape_cast %swap3A_159 : vector<1x16xi32> to vector<16xi32>
      %swap3A_161 = vector.shape_cast %shift_right_logical3A_156 : vector<16xi32> to vector<1x16xi32>
      tpu.vector_store %arg6[%swap3A_157, %swap3A_158], %swap3A_161 {strides = array<i32>} : memref<40x128xi32, #tpu.memory_space<vmem>>, vector<1x16xi32>,
      %and3A_162 = arith.constant 16383 : i32
      %and3A_163 = vector.broadcast %and3A_162 : i32 to vector<16xi32>
      %and3A_164 = arith.andi %get3A_153, %and3A_163 : vector<16xi32>
      %swap3A_165 = arith.index_cast %scan3A_73 : i32 to index
      %swap3A_166 = arith.constant 64 : index
      %swap3A_167 = tpu.vector_load %arg7[%swap3A_165, %swap3A_166] {strides = array<i32>} : memref<40x128xi32, #tpu.memory_space<vmem>>, vector<1x16xi32>,
      %swap3A_168 = vector.shape_cast %swap3A_167 : vector<1x16xi32> to vector<16xi32>
      %swap3A_169 = vector.shape_cast %and3A_164 : vector<16xi32> to vector<1x16xi32>
      tpu.vector_store %arg7[%swap3A_165, %swap3A_166], %swap3A_169 {strides = array<i32>} : memref<40x128xi32, #tpu.memory_space<vmem>>, vector<1x16xi32>,
      %get3A_170 = arith.index_cast %scan3A_73 : i32 to index
      %get3A_171 = arith.constant 80 : index
      %get3A_172 = tpu.vector_load %arg6[%get3A_170, %get3A_171] {strides = array<i32>} : memref<40x128xi32, #tpu.memory_space<vmem>>, vector<1x16xi32>,
      %get3A_173 = vector.shape_cast %get3A_172 : vector<1x16xi32> to vector<16xi32>
      %shift_right_logical3A_174 = arith.constant 14 : i32
      %shift_right_logical3A_175 = vector.broadcast %shift_right_logical3A_174 : i32 to vector<16xi32>
      %shift_right_logical3A_176 = arith.shrui %get3A_173, %shift_right_logical3A_175 : vector<16xi32>
      %swap3A_177 = arith.index_cast %scan3A_73 : i32 to index
      %swap3A_178 = arith.constant 80 : index
      %swap3A_179 = tpu.vector_load %arg6[%swap3A_177, %swap3A_178] {strides = array<i32>} : memref<40x128xi32, #tpu.memory_space<vmem>>, vector<1x16xi32>,
      %swap3A_180 = vector.shape_cast %swap3A_179 : vector<1x16xi32> to vector<16xi32>
      %swap3A_181 = vector.shape_cast %shift_right_logical3A_176 : vector<16xi32> to vector<1x16xi32>
      tpu.vector_store %arg6[%swap3A_177, %swap3A_178], %swap3A_181 {strides = array<i32>} : memref<40x128xi32, #tpu.memory_space<vmem>>, vector<1x16xi32>,
      %and3A_182 = arith.constant 16383 : i32
      %and3A_183 = vector.broadcast %and3A_182 : i32 to vector<16xi32>
      %and3A_184 = arith.andi %get3A_173, %and3A_183 : vector<16xi32>
      %swap3A_185 = arith.index_cast %scan3A_73 : i32 to index
      %swap3A_186 = arith.constant 80 : index
      %swap3A_187 = tpu.vector_load %arg7[%swap3A_185, %swap3A_186] {strides = array<i32>} : memref<40x128xi32, #tpu.memory_space<vmem>>, vector<1x16xi32>,
      %swap3A_188 = vector.shape_cast %swap3A_187 : vector<1x16xi32> to vector<16xi32>
      %swap3A_189 = vector.shape_cast %and3A_184 : vector<16xi32> to vector<1x16xi32>
      tpu.vector_store %arg7[%swap3A_185, %swap3A_186], %swap3A_189 {strides = array<i32>} : memref<40x128xi32, #tpu.memory_space<vmem>>, vector<1x16xi32>,
      %get3A_190 = arith.index_cast %scan3A_73 : i32 to index
      %get3A_191 = arith.constant 96 : index
      %get3A_192 = tpu.vector_load %arg6[%get3A_190, %get3A_191] {strides = array<i32>} : memref<40x128xi32, #tpu.memory_space<vmem>>, vector<1x16xi32>,
      %get3A_193 = vector.shape_cast %get3A_192 : vector<1x16xi32> to vector<16xi32>
      %shift_right_logical3A_194 = arith.constant 14 : i32
      %shift_right_logical3A_195 = vector.broadcast %shift_right_logical3A_194 : i32 to vector<16xi32>
      %shift_right_logical3A_196 = arith.shrui %get3A_193, %shift_right_logical3A_195 : vector<16xi32>
      %swap3A_197 = arith.index_cast %scan3A_73 : i32 to index
      %swap3A_198 = arith.constant 96 : index
      %swap3A_199 = tpu.vector_load %arg6[%swap3A_197, %swap3A_198] {strides = array<i32>} : memref<40x128xi32, #tpu.memory_space<vmem>>, vector<1x16xi32>,
      %swap3A_200 = vector.shape_cast %swap3A_199 : vector<1x16xi32> to vector<16xi32>
      %swap3A_201 = vector.shape_cast %shift_right_logical3A_196 : vector<16xi32> to vector<1x16xi32>
      tpu.vector_store %arg6[%swap3A_197, %swap3A_198], %swap3A_201 {strides = array<i32>} : memref<40x128xi32, #tpu.memory_space<vmem>>, vector<1x16xi32>,
      %and3A_202 = arith.constant 16383 : i32
      %and3A_203 = vector.broadcast %and3A_202 : i32 to vector<16xi32>
      %and3A_204 = arith.andi %get3A_193, %and3A_203 : vector<16xi32>
      %swap3A_205 = arith.index_cast %scan3A_73 : i32 to index
      %swap3A_206 = arith.constant 96 : index
      %swap3A_207 = tpu.vector_load %arg7[%swap3A_205, %swap3A_206] {strides = array<i32>} : memref<40x128xi32, #tpu.memory_space<vmem>>, vector<1x16xi32>,
      %swap3A_208 = vector.shape_cast %swap3A_207 : vector<1x16xi32> to vector<16xi32>
      %swap3A_209 = vector.shape_cast %and3A_204 : vector<16xi32> to vector<1x16xi32>
      tpu.vector_store %arg7[%swap3A_205, %swap3A_206], %swap3A_209 {strides = array<i32>} : memref<40x128xi32, #tpu.memory_space<vmem>>, vector<1x16xi32>,
      %get3A_210 = arith.index_cast %scan3A_73 : i32 to index
      %get3A_211 = arith.constant 112 : index
      %get3A_212 = tpu.vector_load %arg6[%get3A_210, %get3A_211] {strides = array<i32>} : memref<40x128xi32, #tpu.memory_space<vmem>>, vector<1x16xi32>,
      %get3A_213 = vector.shape_cast %get3A_212 : vector<1x16xi32> to vector<16xi32>
      %shift_right_logical3A_214 = arith.constant 14 : i32
      %shift_right_logical3A_215 = vector.broadcast %shift_right_logical3A_214 : i32 to vector<16xi32>
      %shift_right_logical3A_216 = arith.shrui %get3A_213, %shift_right_logical3A_215 : vector<16xi32>
      %swap3A_217 = arith.index_cast %scan3A_73 : i32 to index
      %swap3A_218 = arith.constant 112 : index
      %swap3A_219 = tpu.vector_load %arg6[%swap3A_217, %swap3A_218] {strides = array<i32>} : memref<40x128xi32, #tpu.memory_space<vmem>>, vector<1x16xi32>,
      %swap3A_220 = vector.shape_cast %swap3A_219 : vector<1x16xi32> to vector<16xi32>
      %swap3A_221 = vector.shape_cast %shift_right_logical3A_216 : vector<16xi32> to vector<1x16xi32>
      tpu.vector_store %arg6[%swap3A_217, %swap3A_218], %swap3A_221 {strides = array<i32>} : memref<40x128xi32, #tpu.memory_space<vmem>>, vector<1x16xi32>,
      %and3A_222 = arith.constant 16383 : i32
      %and3A_223 = vector.broadcast %and3A_222 : i32 to vector<16xi32>
      %and3A_224 = arith.andi %get3A_213, %and3A_223 : vector<16xi32>
      %swap3A_225 = arith.index_cast %scan3A_73 : i32 to index
      %swap3A_226 = arith.constant 112 : index
      %swap3A_227 = tpu.vector_load %arg7[%swap3A_225, %swap3A_226] {strides = array<i32>} : memref<40x128xi32, #tpu.memory_space<vmem>>, vector<1x16xi32>,
      %swap3A_228 = vector.shape_cast %swap3A_227 : vector<1x16xi32> to vector<16xi32>
      %swap3A_229 = vector.shape_cast %and3A_224 : vector<16xi32> to vector<1x16xi32>
      tpu.vector_store %arg7[%swap3A_225, %swap3A_226], %swap3A_229 {strides = array<i32>} : memref<40x128xi32, #tpu.memory_space<vmem>>, vector<1x16xi32>,
    }
    %scan3A_9 = arith.constant 40 : i32
    %dma_start3A = arith.constant 0 : i32
    %dma_start3A_10 = arith.constant 0 : i32
    %dma_start3A_11 = tpu.memref_slice %arg6[%dma_start3A, %dma_start3A_10] : memref<40x128xi32, #tpu.memory_space<vmem>> -> memref<1x128xi32, #tpu.memory_space<vmem>>
    %dma_start3A_12 = tpu.memref_squeeze %dma_start3A_11 : memref<1x128xi32, #tpu.memory_space<vmem>> -> memref<128xi32, #tpu.memory_space<vmem>>
    %dma_start3A_13 = arith.constant 0 : i32
    %dma_start3A_14 = arith.constant 0 : i32
    %dma_start3A_15 = tpu.memref_slice %arg2[%dma_start3A_13, %dma_start3A_14] : memref<10000x128xf32, #tpu.memory_space<hbm>> -> memref<10000x128xf32, #tpu.memory_space<hbm>>
    tpu.enqueue_indirect_dma source(%dma_start3A_15 : memref<10000x128xf32, #tpu.memory_space<hbm>>) target(%arg8 : memref<128x128xf32, #tpu.memory_space<vmem>>) offsets(%dma_start3A_12 : memref<128xi32, #tpu.memory_space<vmem>>) semaphore(%arg11 : memref<!tpu.dma_semaphore, #tpu.memory_space<semaphore_mem>>)
    %scan3A_16 = arith.constant 0 : i32
    %scan3A_17 = arith.constant 0 : i32
    %scan3A_18 = arith.constant 20 : i32
    %scan3A_19 = arith.addi %scan3A_17, %scan3A_18 : i32
    %scan3A_20 = arith.constant 1 : i32
    scf.for %scan3A_73 = %scan3A_17 to %scan3A_19 step %scan3A_20  : i32 {
      %mul3A_74 = arith.constant 2 : i32
      %mul3A_75 = arith.muli %mul3A_74, %scan3A_73 : i32
      %add3A_76 = arith.constant 0 : i32
      %add3A_77 = arith.addi %mul3A_75, %add3A_76 : i32
      %dma_wait3A_78 = arith.constant 0 : i32
      %dma_wait3A_79 = tpu.memref_slice %arg6[%add3A_77, %dma_wait3A_78] : memref<40x128xi32, #tpu.memory_space<vmem>> -> memref<1x128xi32, #tpu.memory_space<vmem>>
      %dma_wait3A_80 = tpu.memref_squeeze %dma_wait3A_79 : memref<1x128xi32, #tpu.memory_space<vmem>> -> memref<128xi32, #tpu.memory_space<vmem>>
      %dma_wait3A_81 = arith.constant 0 : i32
      %dma_wait3A_82 = arith.constant 0 : i32
      %dma_wait3A_83 = tpu.memref_slice %arg2[%dma_wait3A_81, %dma_wait3A_82] : memref<10000x128xf32, #tpu.memory_space<hbm>> -> memref<10000x128xf32, #tpu.memory_space<hbm>>
      tpu.wait_indirect_dma semaphore(%arg11 : memref<!tpu.dma_semaphore, #tpu.memory_space<semaphore_mem>>) src(%dma_wait3A_83 : memref<10000x128xf32, #tpu.memory_space<hbm>>) dst(%arg8 : memref<128x128xf32, #tpu.memory_space<vmem>>)
      %dma_start3A_84 = arith.constant 0 : i32
      %dma_start3A_85 = tpu.memref_slice %arg7[%add3A_77, %dma_start3A_84] : memref<40x128xi32, #tpu.memory_space<vmem>> -> memref<1x128xi32, #tpu.memory_space<vmem>>
      %dma_start3A_86 = tpu.memref_squeeze %dma_start3A_85 : memref<1x128xi32, #tpu.memory_space<vmem>> -> memref<128xi32, #tpu.memory_space<vmem>>
      %dma_start3A_87 = arith.constant 0 : i32
      %dma_start3A_88 = arith.constant 0 : i32
      %dma_start3A_89 = tpu.memref_slice %arg10[%dma_start3A_87, %dma_start3A_88] : memref<10240x128xf32, #tpu.memory_space<vmem_shared>> -> memref<10240x128xf32, #tpu.memory_space<vmem_shared>>
      tpu.enqueue_indirect_dma source(%arg8 : memref<128x128xf32, #tpu.memory_space<vmem>>) target(%dma_start3A_89 : memref<10240x128xf32, #tpu.memory_space<vmem_shared>>) offsets(%dma_start3A_86 : memref<128xi32, #tpu.memory_space<vmem>>) semaphore(%arg13 : memref<!tpu.dma_semaphore, #tpu.memory_space<semaphore_mem>>) {add = true}
      %add3A_90 = arith.constant 1 : i32
      %add3A_91 = arith.addi %add3A_77, %add3A_90 : i32
      %lt3A = arith.constant 40 : i32
      %lt3A_92 = arith.cmpi slt, %add3A_91, %lt3A : i32
      %ge3A = arith.constant 1 : i32
      %ge3A_93 = arith.cmpi sge, %add3A_77, %ge3A : i32
      %and3A = arith.andi %lt3A_92, %ge3A_93 : i1
      %convert_element_type3A = arith.extui %and3A : i1 to i32
      %cond3A = arith.constant 0 : i32
      %cond3A_94 = arith.cmpi ne, %convert_element_type3A, %cond3A : i32
      scf.if %cond3A_94 {
        %sub3A = arith.constant 1 : i32
        %sub3A_135 = arith.subi %add3A_77, %sub3A : i32
        %dma_wait3A_136 = arith.constant 0 : i32
        %dma_wait3A_137 = tpu.memref_slice %arg7[%sub3A_135, %dma_wait3A_136] : memref<40x128xi32, #tpu.memory_space<vmem>> -> memref<1x128xi32, #tpu.memory_space<vmem>>
        %dma_wait3A_138 = tpu.memref_squeeze %dma_wait3A_137 : memref<1x128xi32, #tpu.memory_space<vmem>> -> memref<128xi32, #tpu.memory_space<vmem>>
        %dma_wait3A_139 = arith.constant 0 : i32
        %dma_wait3A_140 = arith.constant 0 : i32
        %dma_wait3A_141 = tpu.memref_slice %arg10[%dma_wait3A_139, %dma_wait3A_140] : memref<10240x128xf32, #tpu.memory_space<vmem_shared>> -> memref<10240x128xf32, #tpu.memory_space<vmem_shared>>
        tpu.wait_indirect_dma semaphore(%arg14 : memref<!tpu.dma_semaphore, #tpu.memory_space<semaphore_mem>>) src(%arg9 : memref<128x128xf32, #tpu.memory_space<vmem>>) dst(%dma_wait3A_141 : memref<10240x128xf32, #tpu.memory_space<vmem_shared>>)
      } else {
      }
      %add3A_95 = arith.constant 1 : i32
      %add3A_96 = arith.addi %add3A_77, %add3A_95 : i32
      %lt3A_97 = arith.constant 40 : i32
      %lt3A_98 = arith.cmpi slt, %add3A_96, %lt3A_97 : i32
      %convert_element_type3A_99 = arith.extui %lt3A_98 : i1 to i32
      %cond3A_100 = arith.constant 0 : i32
      %cond3A_101 = arith.cmpi ne, %convert_element_type3A_99, %cond3A_100 : i32
      scf.if %cond3A_101 {
        %add3A_135 = arith.constant 1 : i32
        %add3A_136 = arith.addi %add3A_77, %add3A_135 : i32
        %dma_start3A_137 = arith.constant 0 : i32
        %dma_start3A_138 = tpu.memref_slice %arg6[%add3A_136, %dma_start3A_137] : memref<40x128xi32, #tpu.memory_space<vmem>> -> memref<1x128xi32, #tpu.memory_space<vmem>>
        %dma_start3A_139 = tpu.memref_squeeze %dma_start3A_138 : memref<1x128xi32, #tpu.memory_space<vmem>> -> memref<128xi32, #tpu.memory_space<vmem>>
        %dma_start3A_140 = arith.constant 0 : i32
        %dma_start3A_141 = arith.constant 0 : i32
        %dma_start3A_142 = tpu.memref_slice %arg2[%dma_start3A_140, %dma_start3A_141] : memref<10000x128xf32, #tpu.memory_space<hbm>> -> memref<10000x128xf32, #tpu.memory_space<hbm>>
        tpu.enqueue_indirect_dma source(%dma_start3A_142 : memref<10000x128xf32, #tpu.memory_space<hbm>>) target(%arg9 : memref<128x128xf32, #tpu.memory_space<vmem>>) offsets(%dma_start3A_139 : memref<128xi32, #tpu.memory_space<vmem>>) semaphore(%arg12 : memref<!tpu.dma_semaphore, #tpu.memory_space<semaphore_mem>>)
      } else {
      }
      %mul3A_102 = arith.constant 2 : i32
      %mul3A_103 = arith.muli %mul3A_102, %scan3A_73 : i32
      %add3A_104 = arith.constant 1 : i32
      %add3A_105 = arith.addi %mul3A_103, %add3A_104 : i32
      %dma_wait3A_106 = arith.constant 0 : i32
      %dma_wait3A_107 = tpu.memref_slice %arg6[%add3A_105, %dma_wait3A_106] : memref<40x128xi32, #tpu.memory_space<vmem>> -> memref<1x128xi32, #tpu.memory_space<vmem>>
      %dma_wait3A_108 = tpu.memref_squeeze %dma_wait3A_107 : memref<1x128xi32, #tpu.memory_space<vmem>> -> memref<128xi32, #tpu.memory_space<vmem>>
      %dma_wait3A_109 = arith.constant 0 : i32
      %dma_wait3A_110 = arith.constant 0 : i32
      %dma_wait3A_111 = tpu.memref_slice %arg2[%dma_wait3A_109, %dma_wait3A_110] : memref<10000x128xf32, #tpu.memory_space<hbm>> -> memref<10000x128xf32, #tpu.memory_space<hbm>>
      tpu.wait_indirect_dma semaphore(%arg12 : memref<!tpu.dma_semaphore, #tpu.memory_space<semaphore_mem>>) src(%dma_wait3A_111 : memref<10000x128xf32, #tpu.memory_space<hbm>>) dst(%arg9 : memref<128x128xf32, #tpu.memory_space<vmem>>)
      %dma_start3A_112 = arith.constant 0 : i32
      %dma_start3A_113 = tpu.memref_slice %arg7[%add3A_105, %dma_start3A_112] : memref<40x128xi32, #tpu.memory_space<vmem>> -> memref<1x128xi32, #tpu.memory_space<vmem>>
      %dma_start3A_114 = tpu.memref_squeeze %dma_start3A_113 : memref<1x128xi32, #tpu.memory_space<vmem>> -> memref<128xi32, #tpu.memory_space<vmem>>
      %dma_start3A_115 = arith.constant 0 : i32
      %dma_start3A_116 = arith.constant 0 : i32
      %dma_start3A_117 = tpu.memref_slice %arg10[%dma_start3A_115, %dma_start3A_116] : memref<10240x128xf32, #tpu.memory_space<vmem_shared>> -> memref<10240x128xf32, #tpu.memory_space<vmem_shared>>
      tpu.enqueue_indirect_dma source(%arg9 : memref<128x128xf32, #tpu.memory_space<vmem>>) target(%dma_start3A_117 : memref<10240x128xf32, #tpu.memory_space<vmem_shared>>) offsets(%dma_start3A_114 : memref<128xi32, #tpu.memory_space<vmem>>) semaphore(%arg14 : memref<!tpu.dma_semaphore, #tpu.memory_space<semaphore_mem>>) {add = true}
      %add3A_118 = arith.constant 1 : i32
      %add3A_119 = arith.addi %add3A_105, %add3A_118 : i32
      %lt3A_120 = arith.constant 40 : i32
      %lt3A_121 = arith.cmpi slt, %add3A_119, %lt3A_120 : i32
      %ge3A_122 = arith.constant 1 : i32
      %ge3A_123 = arith.cmpi sge, %add3A_105, %ge3A_122 : i32
      %and3A_124 = arith.andi %lt3A_121, %ge3A_123 : i1
      %convert_element_type3A_125 = arith.extui %and3A_124 : i1 to i32
      %cond3A_126 = arith.constant 0 : i32
      %cond3A_127 = arith.cmpi ne, %convert_element_type3A_125, %cond3A_126 : i32
      scf.if %cond3A_127 {
        %sub3A = arith.constant 1 : i32
        %sub3A_135 = arith.subi %add3A_105, %sub3A : i32
        %dma_wait3A_136 = arith.constant 0 : i32
        %dma_wait3A_137 = tpu.memref_slice %arg7[%sub3A_135, %dma_wait3A_136] : memref<40x128xi32, #tpu.memory_space<vmem>> -> memref<1x128xi32, #tpu.memory_space<vmem>>
        %dma_wait3A_138 = tpu.memref_squeeze %dma_wait3A_137 : memref<1x128xi32, #tpu.memory_space<vmem>> -> memref<128xi32, #tpu.memory_space<vmem>>
        %dma_wait3A_139 = arith.constant 0 : i32
        %dma_wait3A_140 = arith.constant 0 : i32
        %dma_wait3A_141 = tpu.memref_slice %arg10[%dma_wait3A_139, %dma_wait3A_140] : memref<10240x128xf32, #tpu.memory_space<vmem_shared>> -> memref<10240x128xf32, #tpu.memory_space<vmem_shared>>
        tpu.wait_indirect_dma semaphore(%arg13 : memref<!tpu.dma_semaphore, #tpu.memory_space<semaphore_mem>>) src(%arg8 : memref<128x128xf32, #tpu.memory_space<vmem>>) dst(%dma_wait3A_141 : memref<10240x128xf32, #tpu.memory_space<vmem_shared>>)
      } else {
      }
      %add3A_128 = arith.constant 1 : i32
      %add3A_129 = arith.addi %add3A_105, %add3A_128 : i32
      %lt3A_130 = arith.constant 40 : i32
      %lt3A_131 = arith.cmpi slt, %add3A_129, %lt3A_130 : i32
      %convert_element_type3A_132 = arith.extui %lt3A_131 : i1 to i32
      %cond3A_133 = arith.constant 0 : i32
      %cond3A_134 = arith.cmpi ne, %convert_element_type3A_132, %cond3A_133 : i32
      scf.if %cond3A_134 {
        %add3A_135 = arith.constant 1 : i32
        %add3A_136 = arith.addi %add3A_105, %add3A_135 : i32
        %dma_start3A_137 = arith.constant 0 : i32
        %dma_start3A_138 = tpu.memref_slice %arg6[%add3A_136, %dma_start3A_137] : memref<40x128xi32, #tpu.memory_space<vmem>> -> memref<1x128xi32, #tpu.memory_space<vmem>>
        %dma_start3A_139 = tpu.memref_squeeze %dma_start3A_138 : memref<1x128xi32, #tpu.memory_space<vmem>> -> memref<128xi32, #tpu.memory_space<vmem>>
        %dma_start3A_140 = arith.constant 0 : i32
        %dma_start3A_141 = arith.constant 0 : i32
        %dma_start3A_142 = tpu.memref_slice %arg2[%dma_start3A_140, %dma_start3A_141] : memref<10000x128xf32, #tpu.memory_space<hbm>> -> memref<10000x128xf32, #tpu.memory_space<hbm>>
        tpu.enqueue_indirect_dma source(%dma_start3A_142 : memref<10000x128xf32, #tpu.memory_space<hbm>>) target(%arg8 : memref<128x128xf32, #tpu.memory_space<vmem>>) offsets(%dma_start3A_139 : memref<128xi32, #tpu.memory_space<vmem>>) semaphore(%arg11 : memref<!tpu.dma_semaphore, #tpu.memory_space<semaphore_mem>>)
      } else {
      }
    }
    %scan3A_21 = arith.constant 20 : i32
    %dma_wait3A = arith.constant 38 : i32
    %dma_wait3A_22 = arith.constant 0 : i32
    %dma_wait3A_23 = tpu.memref_slice %arg7[%dma_wait3A, %dma_wait3A_22] : memref<40x128xi32, #tpu.memory_space<vmem>> -> memref<1x128xi32, #tpu.memory_space<vmem>>
    %dma_wait3A_24 = tpu.memref_squeeze %dma_wait3A_23 : memref<1x128xi32, #tpu.memory_space<vmem>> -> memref<128xi32, #tpu.memory_space<vmem>>
    %dma_wait3A_25 = arith.constant 0 : i32
    %dma_wait3A_26 = arith.constant 0 : i32
    %dma_wait3A_27 = tpu.memref_slice %arg10[%dma_wait3A_25, %dma_wait3A_26] : memref<10240x128xf32, #tpu.memory_space<vmem_shared>> -> memref<10240x128xf32, #tpu.memory_space<vmem_shared>>
    tpu.wait_indirect_dma semaphore(%arg13 : memref<!tpu.dma_semaphore, #tpu.memory_space<semaphore_mem>>) src(%arg8 : memref<128x128xf32, #tpu.memory_space<vmem>>) dst(%dma_wait3A_27 : memref<10240x128xf32, #tpu.memory_space<vmem_shared>>)
    %dma_wait3A_28 = arith.constant 39 : i32
    %dma_wait3A_29 = arith.constant 0 : i32
    %dma_wait3A_30 = tpu.memref_slice %arg7[%dma_wait3A_28, %dma_wait3A_29] : memref<40x128xi32, #tpu.memory_space<vmem>> -> memref<1x128xi32, #tpu.memory_space<vmem>>
    %dma_wait3A_31 = tpu.memref_squeeze %dma_wait3A_30 : memref<1x128xi32, #tpu.memory_space<vmem>> -> memref<128xi32, #tpu.memory_space<vmem>>
    %dma_wait3A_32 = arith.constant 0 : i32
    %dma_wait3A_33 = arith.constant 0 : i32
    %dma_wait3A_34 = tpu.memref_slice %arg10[%dma_wait3A_32, %dma_wait3A_33] : memref<10240x128xf32, #tpu.memory_space<vmem_shared>> -> memref<10240x128xf32, #tpu.memory_space<vmem_shared>>
    tpu.wait_indirect_dma semaphore(%arg14 : memref<!tpu.dma_semaphore, #tpu.memory_space<semaphore_mem>>) src(%arg9 : memref<128x128xf32, #tpu.memory_space<vmem>>) dst(%dma_wait3A_34 : memref<10240x128xf32, #tpu.memory_space<vmem_shared>>)
    "tpu.region"() ({
      %run_scoped3A = tpu.sem_alloc : memref<!tpu.dma_semaphore, #tpu.memory_space<semaphore_mem>>
      %dma_start3A_73 = arith.constant 40 : i32
      %dma_start3A_74 = arith.constant 0 : i32
      %dma_start3A_75 = tpu.memref_slice %arg3[%add3A, %dma_start3A_73, %dma_start3A_74] : memref<32x80x128xi32, #tpu.memory_space<hbm>> -> memref<1x40x128xi32, #tpu.memory_space<hbm>>
      %dma_start3A_76 = tpu.memref_squeeze %dma_start3A_75 : memref<1x40x128xi32, #tpu.memory_space<hbm>> -> memref<40x128xi32, #tpu.memory_space<hbm>>
      %dma_start3A_77 = arith.constant 40 : i32
      %dma_start3A_78 = arith.constant 0 : i32
      %dma_start3A_79 = tpu.memref_slice %arg3[%add3A, %dma_start3A_77, %dma_start3A_78] : memref<32x80x128xi32, #tpu.memory_space<hbm>> -> memref<1x40x128xi32, #tpu.memory_space<hbm>>
      %dma_start3A_80 = tpu.memref_squeeze %dma_start3A_79 : memref<1x40x128xi32, #tpu.memory_space<hbm>> -> memref<40x128xi32, #tpu.memory_space<hbm>>
      tpu.enqueue_dma source(%dma_start3A_80 : memref<40x128xi32, #tpu.memory_space<hbm>>) target(%arg6 : memref<40x128xi32, #tpu.memory_space<vmem>>) target_semaphore(%run_scoped3A : memref<!tpu.dma_semaphore, #tpu.memory_space<semaphore_mem>>)
      %dma_wait3A_81 = arith.constant 40 : i32
      %dma_wait3A_82 = arith.constant 0 : i32
      %dma_wait3A_83 = tpu.memref_slice %arg3[%add3A, %dma_wait3A_81, %dma_wait3A_82] : memref<32x80x128xi32, #tpu.memory_space<hbm>> -> memref<1x40x128xi32, #tpu.memory_space<hbm>>
      %dma_wait3A_84 = tpu.memref_squeeze %dma_wait3A_83 : memref<1x40x128xi32, #tpu.memory_space<hbm>> -> memref<40x128xi32, #tpu.memory_space<hbm>>
      %dma_wait3A_85 = arith.constant 40 : i32
      %dma_wait3A_86 = arith.constant 0 : i32
      %dma_wait3A_87 = tpu.memref_slice %arg3[%add3A, %dma_wait3A_85, %dma_wait3A_86] : memref<32x80x128xi32, #tpu.memory_space<hbm>> -> memref<1x40x128xi32, #tpu.memory_space<hbm>>
      %dma_wait3A_88 = tpu.memref_squeeze %dma_wait3A_87 : memref<1x40x128xi32, #tpu.memory_space<hbm>> -> memref<40x128xi32, #tpu.memory_space<hbm>>
      tpu.wait_dma2 semaphore(%run_scoped3A : memref<!tpu.dma_semaphore, #tpu.memory_space<semaphore_mem>>) src(%dma_wait3A_88 : memref<40x128xi32, #tpu.memory_space<hbm>>) dst(%arg6 : memref<40x128xi32, #tpu.memory_space<vmem>>)
      tpu.yield
    }) : () -> ()
    %scan3A_35 = arith.constant 0 : i32
    %scan3A_36 = arith.constant 0 : i32
    %scan3A_37 = arith.constant 40 : i32
    %scan3A_38 = arith.addi %scan3A_36, %scan3A_37 : i32
    %scan3A_39 = arith.constant 1 : i32
    scf.for %scan3A_73 = %scan3A_36 to %scan3A_38 step %scan3A_39  : i32 {
      %get3A = arith.index_cast %scan3A_73 : i32 to index
      %get3A_74 = arith.constant 0 : index
      %get3A_75 = tpu.vector_load %arg6[%get3A, %get3A_74] {strides = array<i32>} : memref<40x128xi32, #tpu.memory_space<vmem>>, vector<1x16xi32>,
      %get3A_76 = vector.shape_cast %get3A_75 : vector<1x16xi32> to vector<16xi32>
      %shift_right_logical3A = arith.constant 14 : i32
      %shift_right_logical3A_77 = vector.broadcast %shift_right_logical3A : i32 to vector<16xi32>
      %shift_right_logical3A_78 = arith.shrui %get3A_76, %shift_right_logical3A_77 : vector<16xi32>
      %swap3A = arith.index_cast %scan3A_73 : i32 to index
      %swap3A_79 = arith.constant 0 : index
      %swap3A_80 = tpu.vector_load %arg6[%swap3A, %swap3A_79] {strides = array<i32>} : memref<40x128xi32, #tpu.memory_space<vmem>>, vector<1x16xi32>,
      %swap3A_81 = vector.shape_cast %swap3A_80 : vector<1x16xi32> to vector<16xi32>
      %swap3A_82 = vector.shape_cast %shift_right_logical3A_78 : vector<16xi32> to vector<1x16xi32>
      tpu.vector_store %arg6[%swap3A, %swap3A_79], %swap3A_82 {strides = array<i32>} : memref<40x128xi32, #tpu.memory_space<vmem>>, vector<1x16xi32>,
      %and3A = arith.constant 16383 : i32
      %and3A_83 = vector.broadcast %and3A : i32 to vector<16xi32>
      %and3A_84 = arith.andi %get3A_76, %and3A_83 : vector<16xi32>
      %swap3A_85 = arith.index_cast %scan3A_73 : i32 to index
      %swap3A_86 = arith.constant 0 : index
      %swap3A_87 = tpu.vector_load %arg7[%swap3A_85, %swap3A_86] {strides = array<i32>} : memref<40x128xi32, #tpu.memory_space<vmem>>, vector<1x16xi32>,
      %swap3A_88 = vector.shape_cast %swap3A_87 : vector<1x16xi32> to vector<16xi32>
      %swap3A_89 = vector.shape_cast %and3A_84 : vector<16xi32> to vector<1x16xi32>
      tpu.vector_store %arg7[%swap3A_85, %swap3A_86], %swap3A_89 {strides = array<i32>} : memref<40x128xi32, #tpu.memory_space<vmem>>, vector<1x16xi32>,
      %get3A_90 = arith.index_cast %scan3A_73 : i32 to index
      %get3A_91 = arith.constant 16 : index
      %get3A_92 = tpu.vector_load %arg6[%get3A_90, %get3A_91] {strides = array<i32>} : memref<40x128xi32, #tpu.memory_space<vmem>>, vector<1x16xi32>,
      %get3A_93 = vector.shape_cast %get3A_92 : vector<1x16xi32> to vector<16xi32>
      %shift_right_logical3A_94 = arith.constant 14 : i32
      %shift_right_logical3A_95 = vector.broadcast %shift_right_logical3A_94 : i32 to vector<16xi32>
      %shift_right_logical3A_96 = arith.shrui %get3A_93, %shift_right_logical3A_95 : vector<16xi32>
      %swap3A_97 = arith.index_cast %scan3A_73 : i32 to index
      %swap3A_98 = arith.constant 16 : index
      %swap3A_99 = tpu.vector_load %arg6[%swap3A_97, %swap3A_98] {strides = array<i32>} : memref<40x128xi32, #tpu.memory_space<vmem>>, vector<1x16xi32>,
      %swap3A_100 = vector.shape_cast %swap3A_99 : vector<1x16xi32> to vector<16xi32>
      %swap3A_101 = vector.shape_cast %shift_right_logical3A_96 : vector<16xi32> to vector<1x16xi32>
      tpu.vector_store %arg6[%swap3A_97, %swap3A_98], %swap3A_101 {strides = array<i32>} : memref<40x128xi32, #tpu.memory_space<vmem>>, vector<1x16xi32>,
      %and3A_102 = arith.constant 16383 : i32
      %and3A_103 = vector.broadcast %and3A_102 : i32 to vector<16xi32>
      %and3A_104 = arith.andi %get3A_93, %and3A_103 : vector<16xi32>
      %swap3A_105 = arith.index_cast %scan3A_73 : i32 to index
      %swap3A_106 = arith.constant 16 : index
      %swap3A_107 = tpu.vector_load %arg7[%swap3A_105, %swap3A_106] {strides = array<i32>} : memref<40x128xi32, #tpu.memory_space<vmem>>, vector<1x16xi32>,
      %swap3A_108 = vector.shape_cast %swap3A_107 : vector<1x16xi32> to vector<16xi32>
      %swap3A_109 = vector.shape_cast %and3A_104 : vector<16xi32> to vector<1x16xi32>
      tpu.vector_store %arg7[%swap3A_105, %swap3A_106], %swap3A_109 {strides = array<i32>} : memref<40x128xi32, #tpu.memory_space<vmem>>, vector<1x16xi32>,
      %get3A_110 = arith.index_cast %scan3A_73 : i32 to index
      %get3A_111 = arith.constant 32 : index
      %get3A_112 = tpu.vector_load %arg6[%get3A_110, %get3A_111] {strides = array<i32>} : memref<40x128xi32, #tpu.memory_space<vmem>>, vector<1x16xi32>,
      %get3A_113 = vector.shape_cast %get3A_112 : vector<1x16xi32> to vector<16xi32>
      %shift_right_logical3A_114 = arith.constant 14 : i32
      %shift_right_logical3A_115 = vector.broadcast %shift_right_logical3A_114 : i32 to vector<16xi32>
      %shift_right_logical3A_116 = arith.shrui %get3A_113, %shift_right_logical3A_115 : vector<16xi32>
      %swap3A_117 = arith.index_cast %scan3A_73 : i32 to index
      %swap3A_118 = arith.constant 32 : index
      %swap3A_119 = tpu.vector_load %arg6[%swap3A_117, %swap3A_118] {strides = array<i32>} : memref<40x128xi32, #tpu.memory_space<vmem>>, vector<1x16xi32>,
      %swap3A_120 = vector.shape_cast %swap3A_119 : vector<1x16xi32> to vector<16xi32>
      %swap3A_121 = vector.shape_cast %shift_right_logical3A_116 : vector<16xi32> to vector<1x16xi32>
      tpu.vector_store %arg6[%swap3A_117, %swap3A_118], %swap3A_121 {strides = array<i32>} : memref<40x128xi32, #tpu.memory_space<vmem>>, vector<1x16xi32>,
      %and3A_122 = arith.constant 16383 : i32
      %and3A_123 = vector.broadcast %and3A_122 : i32 to vector<16xi32>
      %and3A_124 = arith.andi %get3A_113, %and3A_123 : vector<16xi32>
      %swap3A_125 = arith.index_cast %scan3A_73 : i32 to index
      %swap3A_126 = arith.constant 32 : index
      %swap3A_127 = tpu.vector_load %arg7[%swap3A_125, %swap3A_126] {strides = array<i32>} : memref<40x128xi32, #tpu.memory_space<vmem>>, vector<1x16xi32>,
      %swap3A_128 = vector.shape_cast %swap3A_127 : vector<1x16xi32> to vector<16xi32>
      %swap3A_129 = vector.shape_cast %and3A_124 : vector<16xi32> to vector<1x16xi32>
      tpu.vector_store %arg7[%swap3A_125, %swap3A_126], %swap3A_129 {strides = array<i32>} : memref<40x128xi32, #tpu.memory_space<vmem>>, vector<1x16xi32>,
      %get3A_130 = arith.index_cast %scan3A_73 : i32 to index
      %get3A_131 = arith.constant 48 : index
      %get3A_132 = tpu.vector_load %arg6[%get3A_130, %get3A_131] {strides = array<i32>} : memref<40x128xi32, #tpu.memory_space<vmem>>, vector<1x16xi32>,
      %get3A_133 = vector.shape_cast %get3A_132 : vector<1x16xi32> to vector<16xi32>
      %shift_right_logical3A_134 = arith.constant 14 : i32
      %shift_right_logical3A_135 = vector.broadcast %shift_right_logical3A_134 : i32 to vector<16xi32>
      %shift_right_logical3A_136 = arith.shrui %get3A_133, %shift_right_logical3A_135 : vector<16xi32>
      %swap3A_137 = arith.index_cast %scan3A_73 : i32 to index
      %swap3A_138 = arith.constant 48 : index
      %swap3A_139 = tpu.vector_load %arg6[%swap3A_137, %swap3A_138] {strides = array<i32>} : memref<40x128xi32, #tpu.memory_space<vmem>>, vector<1x16xi32>,
      %swap3A_140 = vector.shape_cast %swap3A_139 : vector<1x16xi32> to vector<16xi32>
      %swap3A_141 = vector.shape_cast %shift_right_logical3A_136 : vector<16xi32> to vector<1x16xi32>
      tpu.vector_store %arg6[%swap3A_137, %swap3A_138], %swap3A_141 {strides = array<i32>} : memref<40x128xi32, #tpu.memory_space<vmem>>, vector<1x16xi32>,
      %and3A_142 = arith.constant 16383 : i32
      %and3A_143 = vector.broadcast %and3A_142 : i32 to vector<16xi32>
      %and3A_144 = arith.andi %get3A_133, %and3A_143 : vector<16xi32>
      %swap3A_145 = arith.index_cast %scan3A_73 : i32 to index
      %swap3A_146 = arith.constant 48 : index
      %swap3A_147 = tpu.vector_load %arg7[%swap3A_145, %swap3A_146] {strides = array<i32>} : memref<40x128xi32, #tpu.memory_space<vmem>>, vector<1x16xi32>,
      %swap3A_148 = vector.shape_cast %swap3A_147 : vector<1x16xi32> to vector<16xi32>
      %swap3A_149 = vector.shape_cast %and3A_144 : vector<16xi32> to vector<1x16xi32>
      tpu.vector_store %arg7[%swap3A_145, %swap3A_146], %swap3A_149 {strides = array<i32>} : memref<40x128xi32, #tpu.memory_space<vmem>>, vector<1x16xi32>,
      %get3A_150 = arith.index_cast %scan3A_73 : i32 to index
      %get3A_151 = arith.constant 64 : index
      %get3A_152 = tpu.vector_load %arg6[%get3A_150, %get3A_151] {strides = array<i32>} : memref<40x128xi32, #tpu.memory_space<vmem>>, vector<1x16xi32>,
      %get3A_153 = vector.shape_cast %get3A_152 : vector<1x16xi32> to vector<16xi32>
      %shift_right_logical3A_154 = arith.constant 14 : i32
      %shift_right_logical3A_155 = vector.broadcast %shift_right_logical3A_154 : i32 to vector<16xi32>
      %shift_right_logical3A_156 = arith.shrui %get3A_153, %shift_right_logical3A_155 : vector<16xi32>
      %swap3A_157 = arith.index_cast %scan3A_73 : i32 to index
      %swap3A_158 = arith.constant 64 : index
      %swap3A_159 = tpu.vector_load %arg6[%swap3A_157, %swap3A_158] {strides = array<i32>} : memref<40x128xi32, #tpu.memory_space<vmem>>, vector<1x16xi32>,
      %swap3A_160 = vector.shape_cast %swap3A_159 : vector<1x16xi32> to vector<16xi32>
      %swap3A_161 = vector.shape_cast %shift_right_logical3A_156 : vector<16xi32> to vector<1x16xi32>
      tpu.vector_store %arg6[%swap3A_157, %swap3A_158], %swap3A_161 {strides = array<i32>} : memref<40x128xi32, #tpu.memory_space<vmem>>, vector<1x16xi32>,
      %and3A_162 = arith.constant 16383 : i32
      %and3A_163 = vector.broadcast %and3A_162 : i32 to vector<16xi32>
      %and3A_164 = arith.andi %get3A_153, %and3A_163 : vector<16xi32>
      %swap3A_165 = arith.index_cast %scan3A_73 : i32 to index
      %swap3A_166 = arith.constant 64 : index
      %swap3A_167 = tpu.vector_load %arg7[%swap3A_165, %swap3A_166] {strides = array<i32>} : memref<40x128xi32, #tpu.memory_space<vmem>>, vector<1x16xi32>,
      %swap3A_168 = vector.shape_cast %swap3A_167 : vector<1x16xi32> to vector<16xi32>
      %swap3A_169 = vector.shape_cast %and3A_164 : vector<16xi32> to vector<1x16xi32>
      tpu.vector_store %arg7[%swap3A_165, %swap3A_166], %swap3A_169 {strides = array<i32>} : memref<40x128xi32, #tpu.memory_space<vmem>>, vector<1x16xi32>,
      %get3A_170 = arith.index_cast %scan3A_73 : i32 to index
      %get3A_171 = arith.constant 80 : index
      %get3A_172 = tpu.vector_load %arg6[%get3A_170, %get3A_171] {strides = array<i32>} : memref<40x128xi32, #tpu.memory_space<vmem>>, vector<1x16xi32>,
      %get3A_173 = vector.shape_cast %get3A_172 : vector<1x16xi32> to vector<16xi32>
      %shift_right_logical3A_174 = arith.constant 14 : i32
      %shift_right_logical3A_175 = vector.broadcast %shift_right_logical3A_174 : i32 to vector<16xi32>
      %shift_right_logical3A_176 = arith.shrui %get3A_173, %shift_right_logical3A_175 : vector<16xi32>
      %swap3A_177 = arith.index_cast %scan3A_73 : i32 to index
      %swap3A_178 = arith.constant 80 : index
      %swap3A_179 = tpu.vector_load %arg6[%swap3A_177, %swap3A_178] {strides = array<i32>} : memref<40x128xi32, #tpu.memory_space<vmem>>, vector<1x16xi32>,
      %swap3A_180 = vector.shape_cast %swap3A_179 : vector<1x16xi32> to vector<16xi32>
      %swap3A_181 = vector.shape_cast %shift_right_logical3A_176 : vector<16xi32> to vector<1x16xi32>
      tpu.vector_store %arg6[%swap3A_177, %swap3A_178], %swap3A_181 {strides = array<i32>} : memref<40x128xi32, #tpu.memory_space<vmem>>, vector<1x16xi32>,
      %and3A_182 = arith.constant 16383 : i32
      %and3A_183 = vector.broadcast %and3A_182 : i32 to vector<16xi32>
      %and3A_184 = arith.andi %get3A_173, %and3A_183 : vector<16xi32>
      %swap3A_185 = arith.index_cast %scan3A_73 : i32 to index
      %swap3A_186 = arith.constant 80 : index
      %swap3A_187 = tpu.vector_load %arg7[%swap3A_185, %swap3A_186] {strides = array<i32>} : memref<40x128xi32, #tpu.memory_space<vmem>>, vector<1x16xi32>,
      %swap3A_188 = vector.shape_cast %swap3A_187 : vector<1x16xi32> to vector<16xi32>
      %swap3A_189 = vector.shape_cast %and3A_184 : vector<16xi32> to vector<1x16xi32>
      tpu.vector_store %arg7[%swap3A_185, %swap3A_186], %swap3A_189 {strides = array<i32>} : memref<40x128xi32, #tpu.memory_space<vmem>>, vector<1x16xi32>,
      %get3A_190 = arith.index_cast %scan3A_73 : i32 to index
      %get3A_191 = arith.constant 96 : index
      %get3A_192 = tpu.vector_load %arg6[%get3A_190, %get3A_191] {strides = array<i32>} : memref<40x128xi32, #tpu.memory_space<vmem>>, vector<1x16xi32>,
      %get3A_193 = vector.shape_cast %get3A_192 : vector<1x16xi32> to vector<16xi32>
      %shift_right_logical3A_194 = arith.constant 14 : i32
      %shift_right_logical3A_195 = vector.broadcast %shift_right_logical3A_194 : i32 to vector<16xi32>
      %shift_right_logical3A_196 = arith.shrui %get3A_193, %shift_right_logical3A_195 : vector<16xi32>
      %swap3A_197 = arith.index_cast %scan3A_73 : i32 to index
      %swap3A_198 = arith.constant 96 : index
      %swap3A_199 = tpu.vector_load %arg6[%swap3A_197, %swap3A_198] {strides = array<i32>} : memref<40x128xi32, #tpu.memory_space<vmem>>, vector<1x16xi32>,
      %swap3A_200 = vector.shape_cast %swap3A_199 : vector<1x16xi32> to vector<16xi32>
      %swap3A_201 = vector.shape_cast %shift_right_logical3A_196 : vector<16xi32> to vector<1x16xi32>
      tpu.vector_store %arg6[%swap3A_197, %swap3A_198], %swap3A_201 {strides = array<i32>} : memref<40x128xi32, #tpu.memory_space<vmem>>, vector<1x16xi32>,
      %and3A_202 = arith.constant 16383 : i32
      %and3A_203 = vector.broadcast %and3A_202 : i32 to vector<16xi32>
      %and3A_204 = arith.andi %get3A_193, %and3A_203 : vector<16xi32>
      %swap3A_205 = arith.index_cast %scan3A_73 : i32 to index
      %swap3A_206 = arith.constant 96 : index
      %swap3A_207 = tpu.vector_load %arg7[%swap3A_205, %swap3A_206] {strides = array<i32>} : memref<40x128xi32, #tpu.memory_space<vmem>>, vector<1x16xi32>,
      %swap3A_208 = vector.shape_cast %swap3A_207 : vector<1x16xi32> to vector<16xi32>
      %swap3A_209 = vector.shape_cast %and3A_204 : vector<16xi32> to vector<1x16xi32>
      tpu.vector_store %arg7[%swap3A_205, %swap3A_206], %swap3A_209 {strides = array<i32>} : memref<40x128xi32, #tpu.memory_space<vmem>>, vector<1x16xi32>,
      %get3A_210 = arith.index_cast %scan3A_73 : i32 to index
      %get3A_211 = arith.constant 112 : index
      %get3A_212 = tpu.vector_load %arg6[%get3A_210, %get3A_211] {strides = array<i32>} : memref<40x128xi32, #tpu.memory_space<vmem>>, vector<1x16xi32>,
      %get3A_213 = vector.shape_cast %get3A_212 : vector<1x16xi32> to vector<16xi32>
      %shift_right_logical3A_214 = arith.constant 14 : i32
      %shift_right_logical3A_215 = vector.broadcast %shift_right_logical3A_214 : i32 to vector<16xi32>
      %shift_right_logical3A_216 = arith.shrui %get3A_213, %shift_right_logical3A_215 : vector<16xi32>
      %swap3A_217 = arith.index_cast %scan3A_73 : i32 to index
      %swap3A_218 = arith.constant 112 : index
      %swap3A_219 = tpu.vector_load %arg6[%swap3A_217, %swap3A_218] {strides = array<i32>} : memref<40x128xi32, #tpu.memory_space<vmem>>, vector<1x16xi32>,
      %swap3A_220 = vector.shape_cast %swap3A_219 : vector<1x16xi32> to vector<16xi32>
      %swap3A_221 = vector.shape_cast %shift_right_logical3A_216 : vector<16xi32> to vector<1x16xi32>
      tpu.vector_store %arg6[%swap3A_217, %swap3A_218], %swap3A_221 {strides = array<i32>} : memref<40x128xi32, #tpu.memory_space<vmem>>, vector<1x16xi32>,
      %and3A_222 = arith.constant 16383 : i32
      %and3A_223 = vector.broadcast %and3A_222 : i32 to vector<16xi32>
      %and3A_224 = arith.andi %get3A_213, %and3A_223 : vector<16xi32>
      %swap3A_225 = arith.index_cast %scan3A_73 : i32 to index
      %swap3A_226 = arith.constant 112 : index
      %swap3A_227 = tpu.vector_load %arg7[%swap3A_225, %swap3A_226] {strides = array<i32>} : memref<40x128xi32, #tpu.memory_space<vmem>>, vector<1x16xi32>,
      %swap3A_228 = vector.shape_cast %swap3A_227 : vector<1x16xi32> to vector<16xi32>
      %swap3A_229 = vector.shape_cast %and3A_224 : vector<16xi32> to vector<1x16xi32>
      tpu.vector_store %arg7[%swap3A_225, %swap3A_226], %swap3A_229 {strides = array<i32>} : memref<40x128xi32, #tpu.memory_space<vmem>>, vector<1x16xi32>,
    }
    %scan3A_40 = arith.constant 40 : i32
    %dma_start3A_41 = arith.constant 0 : i32
    %dma_start3A_42 = arith.constant 0 : i32
    %dma_start3A_43 = tpu.memref_slice %arg6[%dma_start3A_41, %dma_start3A_42] : memref<40x128xi32, #tpu.memory_space<vmem>> -> memref<1x128xi32, #tpu.memory_space<vmem>>
    %dma_start3A_44 = tpu.memref_squeeze %dma_start3A_43 : memref<1x128xi32, #tpu.memory_space<vmem>> -> memref<128xi32, #tpu.memory_space<vmem>>
    %dma_start3A_45 = arith.constant 0 : i32
    %dma_start3A_46 = arith.constant 0 : i32
    %dma_start3A_47 = tpu.memref_slice %arg2[%dma_start3A_45, %dma_start3A_46] : memref<10000x128xf32, #tpu.memory_space<hbm>> -> memref<10000x128xf32, #tpu.memory_space<hbm>>
    tpu.enqueue_indirect_dma source(%dma_start3A_47 : memref<10000x128xf32, #tpu.memory_space<hbm>>) target(%arg8 : memref<128x128xf32, #tpu.memory_space<vmem>>) offsets(%dma_start3A_44 : memref<128xi32, #tpu.memory_space<vmem>>) semaphore(%arg11 : memref<!tpu.dma_semaphore, #tpu.memory_space<semaphore_mem>>)
    %scan3A_48 = arith.constant 0 : i32
    %scan3A_49 = arith.constant 0 : i32
    %scan3A_50 = arith.constant 20 : i32
    %scan3A_51 = arith.addi %scan3A_49, %scan3A_50 : i32
    %scan3A_52 = arith.constant 1 : i32
    scf.for %scan3A_73 = %scan3A_49 to %scan3A_51 step %scan3A_52  : i32 {
      %mul3A_74 = arith.constant 2 : i32
      %mul3A_75 = arith.muli %mul3A_74, %scan3A_73 : i32
      %add3A_76 = arith.constant 0 : i32
      %add3A_77 = arith.addi %mul3A_75, %add3A_76 : i32
      %dma_wait3A_78 = arith.constant 0 : i32
      %dma_wait3A_79 = tpu.memref_slice %arg6[%add3A_77, %dma_wait3A_78] : memref<40x128xi32, #tpu.memory_space<vmem>> -> memref<1x128xi32, #tpu.memory_space<vmem>>
      %dma_wait3A_80 = tpu.memref_squeeze %dma_wait3A_79 : memref<1x128xi32, #tpu.memory_space<vmem>> -> memref<128xi32, #tpu.memory_space<vmem>>
      %dma_wait3A_81 = arith.constant 0 : i32
      %dma_wait3A_82 = arith.constant 0 : i32
      %dma_wait3A_83 = tpu.memref_slice %arg2[%dma_wait3A_81, %dma_wait3A_82] : memref<10000x128xf32, #tpu.memory_space<hbm>> -> memref<10000x128xf32, #tpu.memory_space<hbm>>
      tpu.wait_indirect_dma semaphore(%arg11 : memref<!tpu.dma_semaphore, #tpu.memory_space<semaphore_mem>>) src(%dma_wait3A_83 : memref<10000x128xf32, #tpu.memory_space<hbm>>) dst(%arg8 : memref<128x128xf32, #tpu.memory_space<vmem>>)
      %dma_start3A_84 = arith.constant 0 : i32
      %dma_start3A_85 = tpu.memref_slice %arg7[%add3A_77, %dma_start3A_84] : memref<40x128xi32, #tpu.memory_space<vmem>> -> memref<1x128xi32, #tpu.memory_space<vmem>>
      %dma_start3A_86 = tpu.memref_squeeze %dma_start3A_85 : memref<1x128xi32, #tpu.memory_space<vmem>> -> memref<128xi32, #tpu.memory_space<vmem>>
      %dma_start3A_87 = arith.constant 0 : i32
      %dma_start3A_88 = arith.constant 0 : i32
      %dma_start3A_89 = tpu.memref_slice %arg10[%dma_start3A_87, %dma_start3A_88] : memref<10240x128xf32, #tpu.memory_space<vmem_shared>> -> memref<10240x128xf32, #tpu.memory_space<vmem_shared>>
      tpu.enqueue_indirect_dma source(%arg8 : memref<128x128xf32, #tpu.memory_space<vmem>>) target(%dma_start3A_89 : memref<10240x128xf32, #tpu.memory_space<vmem_shared>>) offsets(%dma_start3A_86 : memref<128xi32, #tpu.memory_space<vmem>>) semaphore(%arg13 : memref<!tpu.dma_semaphore, #tpu.memory_space<semaphore_mem>>) {add = true}
      %add3A_90 = arith.constant 1 : i32
      %add3A_91 = arith.addi %add3A_77, %add3A_90 : i32
      %lt3A = arith.constant 40 : i32
      %lt3A_92 = arith.cmpi slt, %add3A_91, %lt3A : i32
      %ge3A = arith.constant 1 : i32
      %ge3A_93 = arith.cmpi sge, %add3A_77, %ge3A : i32
      %and3A = arith.andi %lt3A_92, %ge3A_93 : i1
      %convert_element_type3A = arith.extui %and3A : i1 to i32
      %cond3A = arith.constant 0 : i32
      %cond3A_94 = arith.cmpi ne, %convert_element_type3A, %cond3A : i32
      scf.if %cond3A_94 {
        %sub3A = arith.constant 1 : i32
        %sub3A_135 = arith.subi %add3A_77, %sub3A : i32
        %dma_wait3A_136 = arith.constant 0 : i32
        %dma_wait3A_137 = tpu.memref_slice %arg7[%sub3A_135, %dma_wait3A_136] : memref<40x128xi32, #tpu.memory_space<vmem>> -> memref<1x128xi32, #tpu.memory_space<vmem>>
        %dma_wait3A_138 = tpu.memref_squeeze %dma_wait3A_137 : memref<1x128xi32, #tpu.memory_space<vmem>> -> memref<128xi32, #tpu.memory_space<vmem>>
        %dma_wait3A_139 = arith.constant 0 : i32
        %dma_wait3A_140 = arith.constant 0 : i32
        %dma_wait3A_141 = tpu.memref_slice %arg10[%dma_wait3A_139, %dma_wait3A_140] : memref<10240x128xf32, #tpu.memory_space<vmem_shared>> -> memref<10240x128xf32, #tpu.memory_space<vmem_shared>>
        tpu.wait_indirect_dma semaphore(%arg14 : memref<!tpu.dma_semaphore, #tpu.memory_space<semaphore_mem>>) src(%arg9 : memref<128x128xf32, #tpu.memory_space<vmem>>) dst(%dma_wait3A_141 : memref<10240x128xf32, #tpu.memory_space<vmem_shared>>)
      } else {
      }
      %add3A_95 = arith.constant 1 : i32
      %add3A_96 = arith.addi %add3A_77, %add3A_95 : i32
      %lt3A_97 = arith.constant 40 : i32
      %lt3A_98 = arith.cmpi slt, %add3A_96, %lt3A_97 : i32
      %convert_element_type3A_99 = arith.extui %lt3A_98 : i1 to i32
      %cond3A_100 = arith.constant 0 : i32
      %cond3A_101 = arith.cmpi ne, %convert_element_type3A_99, %cond3A_100 : i32
      scf.if %cond3A_101 {
        %add3A_135 = arith.constant 1 : i32
        %add3A_136 = arith.addi %add3A_77, %add3A_135 : i32
        %dma_start3A_137 = arith.constant 0 : i32
        %dma_start3A_138 = tpu.memref_slice %arg6[%add3A_136, %dma_start3A_137] : memref<40x128xi32, #tpu.memory_space<vmem>> -> memref<1x128xi32, #tpu.memory_space<vmem>>
        %dma_start3A_139 = tpu.memref_squeeze %dma_start3A_138 : memref<1x128xi32, #tpu.memory_space<vmem>> -> memref<128xi32, #tpu.memory_space<vmem>>
        %dma_start3A_140 = arith.constant 0 : i32
        %dma_start3A_141 = arith.constant 0 : i32
        %dma_start3A_142 = tpu.memref_slice %arg2[%dma_start3A_140, %dma_start3A_141] : memref<10000x128xf32, #tpu.memory_space<hbm>> -> memref<10000x128xf32, #tpu.memory_space<hbm>>
        tpu.enqueue_indirect_dma source(%dma_start3A_142 : memref<10000x128xf32, #tpu.memory_space<hbm>>) target(%arg9 : memref<128x128xf32, #tpu.memory_space<vmem>>) offsets(%dma_start3A_139 : memref<128xi32, #tpu.memory_space<vmem>>) semaphore(%arg12 : memref<!tpu.dma_semaphore, #tpu.memory_space<semaphore_mem>>)
      } else {
      }
      %mul3A_102 = arith.constant 2 : i32
      %mul3A_103 = arith.muli %mul3A_102, %scan3A_73 : i32
      %add3A_104 = arith.constant 1 : i32
      %add3A_105 = arith.addi %mul3A_103, %add3A_104 : i32
      %dma_wait3A_106 = arith.constant 0 : i32
      %dma_wait3A_107 = tpu.memref_slice %arg6[%add3A_105, %dma_wait3A_106] : memref<40x128xi32, #tpu.memory_space<vmem>> -> memref<1x128xi32, #tpu.memory_space<vmem>>
      %dma_wait3A_108 = tpu.memref_squeeze %dma_wait3A_107 : memref<1x128xi32, #tpu.memory_space<vmem>> -> memref<128xi32, #tpu.memory_space<vmem>>
      %dma_wait3A_109 = arith.constant 0 : i32
      %dma_wait3A_110 = arith.constant 0 : i32
      %dma_wait3A_111 = tpu.memref_slice %arg2[%dma_wait3A_109, %dma_wait3A_110] : memref<10000x128xf32, #tpu.memory_space<hbm>> -> memref<10000x128xf32, #tpu.memory_space<hbm>>
      tpu.wait_indirect_dma semaphore(%arg12 : memref<!tpu.dma_semaphore, #tpu.memory_space<semaphore_mem>>) src(%dma_wait3A_111 : memref<10000x128xf32, #tpu.memory_space<hbm>>) dst(%arg9 : memref<128x128xf32, #tpu.memory_space<vmem>>)
      %dma_start3A_112 = arith.constant 0 : i32
      %dma_start3A_113 = tpu.memref_slice %arg7[%add3A_105, %dma_start3A_112] : memref<40x128xi32, #tpu.memory_space<vmem>> -> memref<1x128xi32, #tpu.memory_space<vmem>>
      %dma_start3A_114 = tpu.memref_squeeze %dma_start3A_113 : memref<1x128xi32, #tpu.memory_space<vmem>> -> memref<128xi32, #tpu.memory_space<vmem>>
      %dma_start3A_115 = arith.constant 0 : i32
      %dma_start3A_116 = arith.constant 0 : i32
      %dma_start3A_117 = tpu.memref_slice %arg10[%dma_start3A_115, %dma_start3A_116] : memref<10240x128xf32, #tpu.memory_space<vmem_shared>> -> memref<10240x128xf32, #tpu.memory_space<vmem_shared>>
      tpu.enqueue_indirect_dma source(%arg9 : memref<128x128xf32, #tpu.memory_space<vmem>>) target(%dma_start3A_117 : memref<10240x128xf32, #tpu.memory_space<vmem_shared>>) offsets(%dma_start3A_114 : memref<128xi32, #tpu.memory_space<vmem>>) semaphore(%arg14 : memref<!tpu.dma_semaphore, #tpu.memory_space<semaphore_mem>>) {add = true}
      %add3A_118 = arith.constant 1 : i32
      %add3A_119 = arith.addi %add3A_105, %add3A_118 : i32
      %lt3A_120 = arith.constant 40 : i32
      %lt3A_121 = arith.cmpi slt, %add3A_119, %lt3A_120 : i32
      %ge3A_122 = arith.constant 1 : i32
      %ge3A_123 = arith.cmpi sge, %add3A_105, %ge3A_122 : i32
      %and3A_124 = arith.andi %lt3A_121, %ge3A_123 : i1
      %convert_element_type3A_125 = arith.extui %and3A_124 : i1 to i32
      %cond3A_126 = arith.constant 0 : i32
      %cond3A_127 = arith.cmpi ne, %convert_element_type3A_125, %cond3A_126 : i32
      scf.if %cond3A_127 {
        %sub3A = arith.constant 1 : i32
        %sub3A_135 = arith.subi %add3A_105, %sub3A : i32
        %dma_wait3A_136 = arith.constant 0 : i32
        %dma_wait3A_137 = tpu.memref_slice %arg7[%sub3A_135, %dma_wait3A_136] : memref<40x128xi32, #tpu.memory_space<vmem>> -> memref<1x128xi32, #tpu.memory_space<vmem>>
        %dma_wait3A_138 = tpu.memref_squeeze %dma_wait3A_137 : memref<1x128xi32, #tpu.memory_space<vmem>> -> memref<128xi32, #tpu.memory_space<vmem>>
        %dma_wait3A_139 = arith.constant 0 : i32
        %dma_wait3A_140 = arith.constant 0 : i32
        %dma_wait3A_141 = tpu.memref_slice %arg10[%dma_wait3A_139, %dma_wait3A_140] : memref<10240x128xf32, #tpu.memory_space<vmem_shared>> -> memref<10240x128xf32, #tpu.memory_space<vmem_shared>>
        tpu.wait_indirect_dma semaphore(%arg13 : memref<!tpu.dma_semaphore, #tpu.memory_space<semaphore_mem>>) src(%arg8 : memref<128x128xf32, #tpu.memory_space<vmem>>) dst(%dma_wait3A_141 : memref<10240x128xf32, #tpu.memory_space<vmem_shared>>)
      } else {
      }
      %add3A_128 = arith.constant 1 : i32
      %add3A_129 = arith.addi %add3A_105, %add3A_128 : i32
      %lt3A_130 = arith.constant 40 : i32
      %lt3A_131 = arith.cmpi slt, %add3A_129, %lt3A_130 : i32
      %convert_element_type3A_132 = arith.extui %lt3A_131 : i1 to i32
      %cond3A_133 = arith.constant 0 : i32
      %cond3A_134 = arith.cmpi ne, %convert_element_type3A_132, %cond3A_133 : i32
      scf.if %cond3A_134 {
        %add3A_135 = arith.constant 1 : i32
        %add3A_136 = arith.addi %add3A_105, %add3A_135 : i32
        %dma_start3A_137 = arith.constant 0 : i32
        %dma_start3A_138 = tpu.memref_slice %arg6[%add3A_136, %dma_start3A_137] : memref<40x128xi32, #tpu.memory_space<vmem>> -> memref<1x128xi32, #tpu.memory_space<vmem>>
        %dma_start3A_139 = tpu.memref_squeeze %dma_start3A_138 : memref<1x128xi32, #tpu.memory_space<vmem>> -> memref<128xi32, #tpu.memory_space<vmem>>
        %dma_start3A_140 = arith.constant 0 : i32
        %dma_start3A_141 = arith.constant 0 : i32
        %dma_start3A_142 = tpu.memref_slice %arg2[%dma_start3A_140, %dma_start3A_141] : memref<10000x128xf32, #tpu.memory_space<hbm>> -> memref<10000x128xf32, #tpu.memory_space<hbm>>
        tpu.enqueue_indirect_dma source(%dma_start3A_142 : memref<10000x128xf32, #tpu.memory_space<hbm>>) target(%arg8 : memref<128x128xf32, #tpu.memory_space<vmem>>) offsets(%dma_start3A_139 : memref<128xi32, #tpu.memory_space<vmem>>) semaphore(%arg11 : memref<!tpu.dma_semaphore, #tpu.memory_space<semaphore_mem>>)
      } else {
      }
    }
    %scan3A_53 = arith.constant 20 : i32
    %dma_wait3A_54 = arith.constant 38 : i32
    %dma_wait3A_55 = arith.constant 0 : i32
    %dma_wait3A_56 = tpu.memref_slice %arg7[%dma_wait3A_54, %dma_wait3A_55] : memref<40x128xi32, #tpu.memory_space<vmem>> -> memref<1x128xi32, #tpu.memory_space<vmem>>
    %dma_wait3A_57 = tpu.memref_squeeze %dma_wait3A_56 : memref<1x128xi32, #tpu.memory_space<vmem>> -> memref<128xi32, #tpu.memory_space<vmem>>
    %dma_wait3A_58 = arith.constant 0 : i32
    %dma_wait3A_59 = arith.constant 0 : i32
    %dma_wait3A_60 = tpu.memref_slice %arg10[%dma_wait3A_58, %dma_wait3A_59] : memref<10240x128xf32, #tpu.memory_space<vmem_shared>> -> memref<10240x128xf32, #tpu.memory_space<vmem_shared>>
    tpu.wait_indirect_dma semaphore(%arg13 : memref<!tpu.dma_semaphore, #tpu.memory_space<semaphore_mem>>) src(%arg8 : memref<128x128xf32, #tpu.memory_space<vmem>>) dst(%dma_wait3A_60 : memref<10240x128xf32, #tpu.memory_space<vmem_shared>>)
    %dma_wait3A_61 = arith.constant 39 : i32
    %dma_wait3A_62 = arith.constant 0 : i32
    %dma_wait3A_63 = tpu.memref_slice %arg7[%dma_wait3A_61, %dma_wait3A_62] : memref<40x128xi32, #tpu.memory_space<vmem>> -> memref<1x128xi32, #tpu.memory_space<vmem>>
    %dma_wait3A_64 = tpu.memref_squeeze %dma_wait3A_63 : memref<1x128xi32, #tpu.memory_space<vmem>> -> memref<128xi32, #tpu.memory_space<vmem>>
    %dma_wait3A_65 = arith.constant 0 : i32
    %dma_wait3A_66 = arith.constant 0 : i32
    %dma_wait3A_67 = tpu.memref_slice %arg10[%dma_wait3A_65, %dma_wait3A_66] : memref<10240x128xf32, #tpu.memory_space<vmem_shared>> -> memref<10240x128xf32, #tpu.memory_space<vmem_shared>>
    tpu.wait_indirect_dma semaphore(%arg14 : memref<!tpu.dma_semaphore, #tpu.memory_space<semaphore_mem>>) src(%arg9 : memref<128x128xf32, #tpu.memory_space<vmem>>) dst(%dma_wait3A_67 : memref<10240x128xf32, #tpu.memory_space<vmem_shared>>)
    %barrier3A_68 = arith.constant 0 : index
    tpu.barrier barrier_id(%barrier3A_68)
    %mul3A_69 = arith.constant 640 : i32
    %mul3A_70 = arith.muli %arg1, %mul3A_69 : i32
    %mul3A_71 = arith.constant 640 : i32
    %mul3A_72 = arith.muli %arg1, %mul3A_71 : i32
    "tpu.region"() ({
      %run_scoped3A = tpu.sem_alloc : memref<!tpu.dma_semaphore, #tpu.memory_space<semaphore_mem>>
      %dma_start3A_73 = arith.constant 0 : i32
      %dma_start3A_74 = tpu.memref_slice %arg5[%arg0, %mul3A_72, %dma_start3A_73] : memref<2x10240x128xf32, #tpu.memory_space<hbm>> -> memref<1x640x128xf32, #tpu.memory_space<hbm>>
      %dma_start3A_75 = tpu.memref_squeeze %dma_start3A_74 : memref<1x640x128xf32, #tpu.memory_space<hbm>> -> memref<640x128xf32, #tpu.memory_space<hbm>>
      %dma_start3A_76 = arith.constant 0 : i32
      %dma_start3A_77 = tpu.memref_slice %arg10[%mul3A_70, %dma_start3A_76] : memref<10240x128xf32, #tpu.memory_space<vmem_shared>> -> memref<640x128xf32, #tpu.memory_space<vmem_shared>>
      tpu.enqueue_dma source(%dma_start3A_77 : memref<640x128xf32, #tpu.memory_space<vmem_shared>>) target(%dma_start3A_75 : memref<640x128xf32, #tpu.memory_space<hbm>>) target_semaphore(%run_scoped3A : memref<!tpu.dma_semaphore, #tpu.memory_space<semaphore_mem>>)
      %dma_wait3A_78 = arith.constant 0 : i32
      %dma_wait3A_79 = tpu.memref_slice %arg5[%arg0, %mul3A_72, %dma_wait3A_78] : memref<2x10240x128xf32, #tpu.memory_space<hbm>> -> memref<1x640x128xf32, #tpu.memory_space<hbm>>
      %dma_wait3A_80 = tpu.memref_squeeze %dma_wait3A_79 : memref<1x640x128xf32, #tpu.memory_space<hbm>> -> memref<640x128xf32, #tpu.memory_space<hbm>>
      %dma_wait3A_81 = arith.constant 0 : i32
      %dma_wait3A_82 = tpu.memref_slice %arg10[%mul3A_70, %dma_wait3A_81] : memref<10240x128xf32, #tpu.memory_space<vmem_shared>> -> memref<640x128xf32, #tpu.memory_space<vmem_shared>>
      tpu.wait_dma2 semaphore(%run_scoped3A : memref<!tpu.dma_semaphore, #tpu.memory_space<semaphore_mem>>) src(%dma_wait3A_82 : memref<640x128xf32, #tpu.memory_space<vmem_shared>>) dst(%dma_wait3A_80 : memref<640x128xf32, #tpu.memory_space<hbm>>)
      tpu.yield
    }) : () -> ()
    return
  }
}

#map = affine_map<(d0, d1) -> (0, 0)>
#map1 = affine_map<(d0, d1) -> (0, 0, 0)>
module attributes {stable_mosaic.version = 14 : i64} {
  func.func @_agg_body(%arg0: i32, %arg1: i32, %arg2: memref<10000x128xf32, #tpu.memory_space<hbm>>, %arg3: memref<32x80x128xi32, #tpu.memory_space<hbm>>, %arg4: memref<10240x128xf32, #tpu.memory_space<hbm>>, %arg5: memref<2x10240x128xf32, #tpu.memory_space<hbm>>, %arg6: memref<40x128xi32, #tpu.memory_space<vmem>>, %arg7: memref<40x128xi32, #tpu.memory_space<vmem>>, %arg8: memref<128x128xf32, #tpu.memory_space<vmem>>, %arg9: memref<128x128xf32, #tpu.memory_space<vmem>>, %arg10: memref<10240x128xf32, #tpu.memory_space<vmem_shared>>, %arg11: memref<!tpu.dma_semaphore, #tpu.memory_space<semaphore_mem>>, %arg12: memref<!tpu.dma_semaphore, #tpu.memory_space<semaphore_mem>>, %arg13: memref<!tpu.dma_semaphore, #tpu.memory_space<semaphore_mem>>, %arg14: memref<!tpu.dma_semaphore, #tpu.memory_space<semaphore_mem>>) attributes {dimension_semantics = [#tpu.dimension_semantics<core_parallel>, #tpu.dimension_semantics<subcore_parallel>], iteration_bounds = array<i64: 2, 16>, scalar_prefetch = 0 : i64, scratch_operands = 9 : i64, tpu.core_type = #tpu.core_type<sc_vector_subcore>, window_params = [{transform_indices = #map}, {transform_indices = #map1}, {transform_indices = #map}, {transform_indices = #map1}]} {
    %mul3A = arith.constant 16 : i32
    %mul3A_0 = arith.muli %arg0, %mul3A : i32
    %add3A = arith.addi %mul3A_0, %arg1 : i32
    %mul3A_1 = arith.constant 640 : i32
    %mul3A_2 = arith.muli %arg1, %mul3A_1 : i32
    %mul3A_3 = arith.constant 640 : i32
    %mul3A_4 = arith.muli %arg1, %mul3A_3 : i32
    "tpu.region"() ({
      %run_scoped3A = tpu.sem_alloc : memref<!tpu.dma_semaphore, #tpu.memory_space<semaphore_mem>>
      %dma_start3A_73 = arith.constant 0 : i32
      %dma_start3A_74 = tpu.memref_slice %arg10[%mul3A_4, %dma_start3A_73] : memref<10240x128xf32, #tpu.memory_space<vmem_shared>> -> memref<640x128xf32, #tpu.memory_space<vmem_shared>>
      %dma_start3A_75 = arith.constant 0 : i32
      %dma_start3A_76 = tpu.memref_slice %arg4[%mul3A_2, %dma_start3A_75] : memref<10240x128xf32, #tpu.memory_space<hbm>> -> memref<640x128xf32, #tpu.memory_space<hbm>>
      tpu.enqueue_dma source(%dma_start3A_76 : memref<640x128xf32, #tpu.memory_space<hbm>>) target(%dma_start3A_74 : memref<640x128xf32, #tpu.memory_space<vmem_shared>>) target_semaphore(%run_scoped3A : memref<!tpu.dma_semaphore, #tpu.memory_space<semaphore_mem>>)
      %dma_wait3A_77 = arith.constant 0 : i32
      %dma_wait3A_78 = tpu.memref_slice %arg10[%mul3A_4, %dma_wait3A_77] : memref<10240x128xf32, #tpu.memory_space<vmem_shared>> -> memref<640x128xf32, #tpu.memory_space<vmem_shared>>
      %dma_wait3A_79 = arith.constant 0 : i32
      %dma_wait3A_80 = tpu.memref_slice %arg4[%mul3A_2, %dma_wait3A_79] : memref<10240x128xf32, #tpu.memory_space<hbm>> -> memref<640x128xf32, #tpu.memory_space<hbm>>
      tpu.wait_dma2 semaphore(%run_scoped3A : memref<!tpu.dma_semaphore, #tpu.memory_space<semaphore_mem>>) src(%dma_wait3A_80 : memref<640x128xf32, #tpu.memory_space<hbm>>) dst(%dma_wait3A_78 : memref<640x128xf32, #tpu.memory_space<vmem_shared>>)
      tpu.yield
    }) : () -> ()
    %barrier3A = arith.constant 0 : index
    tpu.barrier barrier_id(%barrier3A)
    "tpu.region"() ({
      %run_scoped3A = tpu.sem_alloc : memref<!tpu.dma_semaphore, #tpu.memory_space<semaphore_mem>>
      %dma_start3A_73 = arith.constant 0 : i32
      %dma_start3A_74 = arith.constant 0 : i32
      %dma_start3A_75 = tpu.memref_slice %arg3[%add3A, %dma_start3A_73, %dma_start3A_74] : memref<32x80x128xi32, #tpu.memory_space<hbm>> -> memref<1x40x128xi32, #tpu.memory_space<hbm>>
      %dma_start3A_76 = tpu.memref_squeeze %dma_start3A_75 : memref<1x40x128xi32, #tpu.memory_space<hbm>> -> memref<40x128xi32, #tpu.memory_space<hbm>>
      %dma_start3A_77 = arith.constant 0 : i32
      %dma_start3A_78 = arith.constant 0 : i32
      %dma_start3A_79 = tpu.memref_slice %arg3[%add3A, %dma_start3A_77, %dma_start3A_78] : memref<32x80x128xi32, #tpu.memory_space<hbm>> -> memref<1x40x128xi32, #tpu.memory_space<hbm>>
      %dma_start3A_80 = tpu.memref_squeeze %dma_start3A_79 : memref<1x40x128xi32, #tpu.memory_space<hbm>> -> memref<40x128xi32, #tpu.memory_space<hbm>>
      tpu.enqueue_dma source(%dma_start3A_80 : memref<40x128xi32, #tpu.memory_space<hbm>>) target(%arg6 : memref<40x128xi32, #tpu.memory_space<vmem>>) target_semaphore(%run_scoped3A : memref<!tpu.dma_semaphore, #tpu.memory_space<semaphore_mem>>)
      %dma_wait3A_81 = arith.constant 0 : i32
      %dma_wait3A_82 = arith.constant 0 : i32
      %dma_wait3A_83 = tpu.memref_slice %arg3[%add3A, %dma_wait3A_81, %dma_wait3A_82] : memref<32x80x128xi32, #tpu.memory_space<hbm>> -> memref<1x40x128xi32, #tpu.memory_space<hbm>>
      %dma_wait3A_84 = tpu.memref_squeeze %dma_wait3A_83 : memref<1x40x128xi32, #tpu.memory_space<hbm>> -> memref<40x128xi32, #tpu.memory_space<hbm>>
      %dma_wait3A_85 = arith.constant 0 : i32
      %dma_wait3A_86 = arith.constant 0 : i32
      %dma_wait3A_87 = tpu.memref_slice %arg3[%add3A, %dma_wait3A_85, %dma_wait3A_86] : memref<32x80x128xi32, #tpu.memory_space<hbm>> -> memref<1x40x128xi32, #tpu.memory_space<hbm>>
      %dma_wait3A_88 = tpu.memref_squeeze %dma_wait3A_87 : memref<1x40x128xi32, #tpu.memory_space<hbm>> -> memref<40x128xi32, #tpu.memory_space<hbm>>
      tpu.wait_dma2 semaphore(%run_scoped3A : memref<!tpu.dma_semaphore, #tpu.memory_space<semaphore_mem>>) src(%dma_wait3A_88 : memref<40x128xi32, #tpu.memory_space<hbm>>) dst(%arg6 : memref<40x128xi32, #tpu.memory_space<vmem>>)
      tpu.yield
    }) : () -> ()
    %scan3A = arith.constant 0 : i32
    %scan3A_5 = arith.constant 0 : i32
    %scan3A_6 = arith.constant 40 : i32
    %scan3A_7 = arith.addi %scan3A_5, %scan3A_6 : i32
    %scan3A_8 = arith.constant 1 : i32
    scf.for %scan3A_73 = %scan3A_5 to %scan3A_7 step %scan3A_8  : i32 {
      %get3A = arith.index_cast %scan3A_73 : i32 to index
      %get3A_74 = arith.constant 0 : index
      %get3A_75 = tpu.vector_load %arg6[%get3A, %get3A_74] {strides = array<i32>} : memref<40x128xi32, #tpu.memory_space<vmem>>, vector<1x16xi32>,
      %get3A_76 = vector.shape_cast %get3A_75 : vector<1x16xi32> to vector<16xi32>
      %shift_right_logical3A = arith.constant 14 : i32
      %shift_right_logical3A_77 = vector.broadcast %shift_right_logical3A : i32 to vector<16xi32>
      %shift_right_logical3A_78 = arith.shrui %get3A_76, %shift_right_logical3A_77 : vector<16xi32>
      %swap3A = arith.index_cast %scan3A_73 : i32 to index
      %swap3A_79 = arith.constant 0 : index
      %swap3A_80 = tpu.vector_load %arg6[%swap3A, %swap3A_79] {strides = array<i32>} : memref<40x128xi32, #tpu.memory_space<vmem>>, vector<1x16xi32>,
      %swap3A_81 = vector.shape_cast %swap3A_80 : vector<1x16xi32> to vector<16xi32>
      %swap3A_82 = vector.shape_cast %shift_right_logical3A_78 : vector<16xi32> to vector<1x16xi32>
      tpu.vector_store %arg6[%swap3A, %swap3A_79], %swap3A_82 {strides = array<i32>} : memref<40x128xi32, #tpu.memory_space<vmem>>, vector<1x16xi32>,
      %and3A = arith.constant 16383 : i32
      %and3A_83 = vector.broadcast %and3A : i32 to vector<16xi32>
      %and3A_84 = arith.andi %get3A_76, %and3A_83 : vector<16xi32>
      %swap3A_85 = arith.index_cast %scan3A_73 : i32 to index
      %swap3A_86 = arith.constant 0 : index
      %swap3A_87 = tpu.vector_load %arg7[%swap3A_85, %swap3A_86] {strides = array<i32>} : memref<40x128xi32, #tpu.memory_space<vmem>>, vector<1x16xi32>,
      %swap3A_88 = vector.shape_cast %swap3A_87 : vector<1x16xi32> to vector<16xi32>
      %swap3A_89 = vector.shape_cast %and3A_84 : vector<16xi32> to vector<1x16xi32>
      tpu.vector_store %arg7[%swap3A_85, %swap3A_86], %swap3A_89 {strides = array<i32>} : memref<40x128xi32, #tpu.memory_space<vmem>>, vector<1x16xi32>,
      %get3A_90 = arith.index_cast %scan3A_73 : i32 to index
      %get3A_91 = arith.constant 16 : index
      %get3A_92 = tpu.vector_load %arg6[%get3A_90, %get3A_91] {strides = array<i32>} : memref<40x128xi32, #tpu.memory_space<vmem>>, vector<1x16xi32>,
      %get3A_93 = vector.shape_cast %get3A_92 : vector<1x16xi32> to vector<16xi32>
      %shift_right_logical3A_94 = arith.constant 14 : i32
      %shift_right_logical3A_95 = vector.broadcast %shift_right_logical3A_94 : i32 to vector<16xi32>
      %shift_right_logical3A_96 = arith.shrui %get3A_93, %shift_right_logical3A_95 : vector<16xi32>
      %swap3A_97 = arith.index_cast %scan3A_73 : i32 to index
      %swap3A_98 = arith.constant 16 : index
      %swap3A_99 = tpu.vector_load %arg6[%swap3A_97, %swap3A_98] {strides = array<i32>} : memref<40x128xi32, #tpu.memory_space<vmem>>, vector<1x16xi32>,
      %swap3A_100 = vector.shape_cast %swap3A_99 : vector<1x16xi32> to vector<16xi32>
      %swap3A_101 = vector.shape_cast %shift_right_logical3A_96 : vector<16xi32> to vector<1x16xi32>
      tpu.vector_store %arg6[%swap3A_97, %swap3A_98], %swap3A_101 {strides = array<i32>} : memref<40x128xi32, #tpu.memory_space<vmem>>, vector<1x16xi32>,
      %and3A_102 = arith.constant 16383 : i32
      %and3A_103 = vector.broadcast %and3A_102 : i32 to vector<16xi32>
      %and3A_104 = arith.andi %get3A_93, %and3A_103 : vector<16xi32>
      %swap3A_105 = arith.index_cast %scan3A_73 : i32 to index
      %swap3A_106 = arith.constant 16 : index
      %swap3A_107 = tpu.vector_load %arg7[%swap3A_105, %swap3A_106] {strides = array<i32>} : memref<40x128xi32, #tpu.memory_space<vmem>>, vector<1x16xi32>,
      %swap3A_108 = vector.shape_cast %swap3A_107 : vector<1x16xi32> to vector<16xi32>
      %swap3A_109 = vector.shape_cast %and3A_104 : vector<16xi32> to vector<1x16xi32>
      tpu.vector_store %arg7[%swap3A_105, %swap3A_106], %swap3A_109 {strides = array<i32>} : memref<40x128xi32, #tpu.memory_space<vmem>>, vector<1x16xi32>,
      %get3A_110 = arith.index_cast %scan3A_73 : i32 to index
      %get3A_111 = arith.constant 32 : index
      %get3A_112 = tpu.vector_load %arg6[%get3A_110, %get3A_111] {strides = array<i32>} : memref<40x128xi32, #tpu.memory_space<vmem>>, vector<1x16xi32>,
      %get3A_113 = vector.shape_cast %get3A_112 : vector<1x16xi32> to vector<16xi32>
      %shift_right_logical3A_114 = arith.constant 14 : i32
      %shift_right_logical3A_115 = vector.broadcast %shift_right_logical3A_114 : i32 to vector<16xi32>
      %shift_right_logical3A_116 = arith.shrui %get3A_113, %shift_right_logical3A_115 : vector<16xi32>
      %swap3A_117 = arith.index_cast %scan3A_73 : i32 to index
      %swap3A_118 = arith.constant 32 : index
      %swap3A_119 = tpu.vector_load %arg6[%swap3A_117, %swap3A_118] {strides = array<i32>} : memref<40x128xi32, #tpu.memory_space<vmem>>, vector<1x16xi32>,
      %swap3A_120 = vector.shape_cast %swap3A_119 : vector<1x16xi32> to vector<16xi32>
      %swap3A_121 = vector.shape_cast %shift_right_logical3A_116 : vector<16xi32> to vector<1x16xi32>
      tpu.vector_store %arg6[%swap3A_117, %swap3A_118], %swap3A_121 {strides = array<i32>} : memref<40x128xi32, #tpu.memory_space<vmem>>, vector<1x16xi32>,
      %and3A_122 = arith.constant 16383 : i32
      %and3A_123 = vector.broadcast %and3A_122 : i32 to vector<16xi32>
      %and3A_124 = arith.andi %get3A_113, %and3A_123 : vector<16xi32>
      %swap3A_125 = arith.index_cast %scan3A_73 : i32 to index
      %swap3A_126 = arith.constant 32 : index
      %swap3A_127 = tpu.vector_load %arg7[%swap3A_125, %swap3A_126] {strides = array<i32>} : memref<40x128xi32, #tpu.memory_space<vmem>>, vector<1x16xi32>,
      %swap3A_128 = vector.shape_cast %swap3A_127 : vector<1x16xi32> to vector<16xi32>
      %swap3A_129 = vector.shape_cast %and3A_124 : vector<16xi32> to vector<1x16xi32>
      tpu.vector_store %arg7[%swap3A_125, %swap3A_126], %swap3A_129 {strides = array<i32>} : memref<40x128xi32, #tpu.memory_space<vmem>>, vector<1x16xi32>,
      %get3A_130 = arith.index_cast %scan3A_73 : i32 to index
      %get3A_131 = arith.constant 48 : index
      %get3A_132 = tpu.vector_load %arg6[%get3A_130, %get3A_131] {strides = array<i32>} : memref<40x128xi32, #tpu.memory_space<vmem>>, vector<1x16xi32>,
      %get3A_133 = vector.shape_cast %get3A_132 : vector<1x16xi32> to vector<16xi32>
      %shift_right_logical3A_134 = arith.constant 14 : i32
      %shift_right_logical3A_135 = vector.broadcast %shift_right_logical3A_134 : i32 to vector<16xi32>
      %shift_right_logical3A_136 = arith.shrui %get3A_133, %shift_right_logical3A_135 : vector<16xi32>
      %swap3A_137 = arith.index_cast %scan3A_73 : i32 to index
      %swap3A_138 = arith.constant 48 : index
      %swap3A_139 = tpu.vector_load %arg6[%swap3A_137, %swap3A_138] {strides = array<i32>} : memref<40x128xi32, #tpu.memory_space<vmem>>, vector<1x16xi32>,
      %swap3A_140 = vector.shape_cast %swap3A_139 : vector<1x16xi32> to vector<16xi32>
      %swap3A_141 = vector.shape_cast %shift_right_logical3A_136 : vector<16xi32> to vector<1x16xi32>
      tpu.vector_store %arg6[%swap3A_137, %swap3A_138], %swap3A_141 {strides = array<i32>} : memref<40x128xi32, #tpu.memory_space<vmem>>, vector<1x16xi32>,
      %and3A_142 = arith.constant 16383 : i32
      %and3A_143 = vector.broadcast %and3A_142 : i32 to vector<16xi32>
      %and3A_144 = arith.andi %get3A_133, %and3A_143 : vector<16xi32>
      %swap3A_145 = arith.index_cast %scan3A_73 : i32 to index
      %swap3A_146 = arith.constant 48 : index
      %swap3A_147 = tpu.vector_load %arg7[%swap3A_145, %swap3A_146] {strides = array<i32>} : memref<40x128xi32, #tpu.memory_space<vmem>>, vector<1x16xi32>,
      %swap3A_148 = vector.shape_cast %swap3A_147 : vector<1x16xi32> to vector<16xi32>
      %swap3A_149 = vector.shape_cast %and3A_144 : vector<16xi32> to vector<1x16xi32>
      tpu.vector_store %arg7[%swap3A_145, %swap3A_146], %swap3A_149 {strides = array<i32>} : memref<40x128xi32, #tpu.memory_space<vmem>>, vector<1x16xi32>,
      %get3A_150 = arith.index_cast %scan3A_73 : i32 to index
      %get3A_151 = arith.constant 64 : index
      %get3A_152 = tpu.vector_load %arg6[%get3A_150, %get3A_151] {strides = array<i32>} : memref<40x128xi32, #tpu.memory_space<vmem>>, vector<1x16xi32>,
      %get3A_153 = vector.shape_cast %get3A_152 : vector<1x16xi32> to vector<16xi32>
      %shift_right_logical3A_154 = arith.constant 14 : i32
      %shift_right_logical3A_155 = vector.broadcast %shift_right_logical3A_154 : i32 to vector<16xi32>
      %shift_right_logical3A_156 = arith.shrui %get3A_153, %shift_right_logical3A_155 : vector<16xi32>
      %swap3A_157 = arith.index_cast %scan3A_73 : i32 to index
      %swap3A_158 = arith.constant 64 : index
      %swap3A_159 = tpu.vector_load %arg6[%swap3A_157, %swap3A_158] {strides = array<i32>} : memref<40x128xi32, #tpu.memory_space<vmem>>, vector<1x16xi32>,
      %swap3A_160 = vector.shape_cast %swap3A_159 : vector<1x16xi32> to vector<16xi32>
      %swap3A_161 = vector.shape_cast %shift_right_logical3A_156 : vector<16xi32> to vector<1x16xi32>
      tpu.vector_store %arg6[%swap3A_157, %swap3A_158], %swap3A_161 {strides = array<i32>} : memref<40x128xi32, #tpu.memory_space<vmem>>, vector<1x16xi32>,
      %and3A_162 = arith.constant 16383 : i32
      %and3A_163 = vector.broadcast %and3A_162 : i32 to vector<16xi32>
      %and3A_164 = arith.andi %get3A_153, %and3A_163 : vector<16xi32>
      %swap3A_165 = arith.index_cast %scan3A_73 : i32 to index
      %swap3A_166 = arith.constant 64 : index
      %swap3A_167 = tpu.vector_load %arg7[%swap3A_165, %swap3A_166] {strides = array<i32>} : memref<40x128xi32, #tpu.memory_space<vmem>>, vector<1x16xi32>,
      %swap3A_168 = vector.shape_cast %swap3A_167 : vector<1x16xi32> to vector<16xi32>
      %swap3A_169 = vector.shape_cast %and3A_164 : vector<16xi32> to vector<1x16xi32>
      tpu.vector_store %arg7[%swap3A_165, %swap3A_166], %swap3A_169 {strides = array<i32>} : memref<40x128xi32, #tpu.memory_space<vmem>>, vector<1x16xi32>,
      %get3A_170 = arith.index_cast %scan3A_73 : i32 to index
      %get3A_171 = arith.constant 80 : index
      %get3A_172 = tpu.vector_load %arg6[%get3A_170, %get3A_171] {strides = array<i32>} : memref<40x128xi32, #tpu.memory_space<vmem>>, vector<1x16xi32>,
      %get3A_173 = vector.shape_cast %get3A_172 : vector<1x16xi32> to vector<16xi32>
      %shift_right_logical3A_174 = arith.constant 14 : i32
      %shift_right_logical3A_175 = vector.broadcast %shift_right_logical3A_174 : i32 to vector<16xi32>
      %shift_right_logical3A_176 = arith.shrui %get3A_173, %shift_right_logical3A_175 : vector<16xi32>
      %swap3A_177 = arith.index_cast %scan3A_73 : i32 to index
      %swap3A_178 = arith.constant 80 : index
      %swap3A_179 = tpu.vector_load %arg6[%swap3A_177, %swap3A_178] {strides = array<i32>} : memref<40x128xi32, #tpu.memory_space<vmem>>, vector<1x16xi32>,
      %swap3A_180 = vector.shape_cast %swap3A_179 : vector<1x16xi32> to vector<16xi32>
      %swap3A_181 = vector.shape_cast %shift_right_logical3A_176 : vector<16xi32> to vector<1x16xi32>
      tpu.vector_store %arg6[%swap3A_177, %swap3A_178], %swap3A_181 {strides = array<i32>} : memref<40x128xi32, #tpu.memory_space<vmem>>, vector<1x16xi32>,
      %and3A_182 = arith.constant 16383 : i32
      %and3A_183 = vector.broadcast %and3A_182 : i32 to vector<16xi32>
      %and3A_184 = arith.andi %get3A_173, %and3A_183 : vector<16xi32>
      %swap3A_185 = arith.index_cast %scan3A_73 : i32 to index
      %swap3A_186 = arith.constant 80 : index
      %swap3A_187 = tpu.vector_load %arg7[%swap3A_185, %swap3A_186] {strides = array<i32>} : memref<40x128xi32, #tpu.memory_space<vmem>>, vector<1x16xi32>,
      %swap3A_188 = vector.shape_cast %swap3A_187 : vector<1x16xi32> to vector<16xi32>
      %swap3A_189 = vector.shape_cast %and3A_184 : vector<16xi32> to vector<1x16xi32>
      tpu.vector_store %arg7[%swap3A_185, %swap3A_186], %swap3A_189 {strides = array<i32>} : memref<40x128xi32, #tpu.memory_space<vmem>>, vector<1x16xi32>,
      %get3A_190 = arith.index_cast %scan3A_73 : i32 to index
      %get3A_191 = arith.constant 96 : index
      %get3A_192 = tpu.vector_load %arg6[%get3A_190, %get3A_191] {strides = array<i32>} : memref<40x128xi32, #tpu.memory_space<vmem>>, vector<1x16xi32>,
      %get3A_193 = vector.shape_cast %get3A_192 : vector<1x16xi32> to vector<16xi32>
      %shift_right_logical3A_194 = arith.constant 14 : i32
      %shift_right_logical3A_195 = vector.broadcast %shift_right_logical3A_194 : i32 to vector<16xi32>
      %shift_right_logical3A_196 = arith.shrui %get3A_193, %shift_right_logical3A_195 : vector<16xi32>
      %swap3A_197 = arith.index_cast %scan3A_73 : i32 to index
      %swap3A_198 = arith.constant 96 : index
      %swap3A_199 = tpu.vector_load %arg6[%swap3A_197, %swap3A_198] {strides = array<i32>} : memref<40x128xi32, #tpu.memory_space<vmem>>, vector<1x16xi32>,
      %swap3A_200 = vector.shape_cast %swap3A_199 : vector<1x16xi32> to vector<16xi32>
      %swap3A_201 = vector.shape_cast %shift_right_logical3A_196 : vector<16xi32> to vector<1x16xi32>
      tpu.vector_store %arg6[%swap3A_197, %swap3A_198], %swap3A_201 {strides = array<i32>} : memref<40x128xi32, #tpu.memory_space<vmem>>, vector<1x16xi32>,
      %and3A_202 = arith.constant 16383 : i32
      %and3A_203 = vector.broadcast %and3A_202 : i32 to vector<16xi32>
      %and3A_204 = arith.andi %get3A_193, %and3A_203 : vector<16xi32>
      %swap3A_205 = arith.index_cast %scan3A_73 : i32 to index
      %swap3A_206 = arith.constant 96 : index
      %swap3A_207 = tpu.vector_load %arg7[%swap3A_205, %swap3A_206] {strides = array<i32>} : memref<40x128xi32, #tpu.memory_space<vmem>>, vector<1x16xi32>,
      %swap3A_208 = vector.shape_cast %swap3A_207 : vector<1x16xi32> to vector<16xi32>
      %swap3A_209 = vector.shape_cast %and3A_204 : vector<16xi32> to vector<1x16xi32>
      tpu.vector_store %arg7[%swap3A_205, %swap3A_206], %swap3A_209 {strides = array<i32>} : memref<40x128xi32, #tpu.memory_space<vmem>>, vector<1x16xi32>,
      %get3A_210 = arith.index_cast %scan3A_73 : i32 to index
      %get3A_211 = arith.constant 112 : index
      %get3A_212 = tpu.vector_load %arg6[%get3A_210, %get3A_211] {strides = array<i32>} : memref<40x128xi32, #tpu.memory_space<vmem>>, vector<1x16xi32>,
      %get3A_213 = vector.shape_cast %get3A_212 : vector<1x16xi32> to vector<16xi32>
      %shift_right_logical3A_214 = arith.constant 14 : i32
      %shift_right_logical3A_215 = vector.broadcast %shift_right_logical3A_214 : i32 to vector<16xi32>
      %shift_right_logical3A_216 = arith.shrui %get3A_213, %shift_right_logical3A_215 : vector<16xi32>
      %swap3A_217 = arith.index_cast %scan3A_73 : i32 to index
      %swap3A_218 = arith.constant 112 : index
      %swap3A_219 = tpu.vector_load %arg6[%swap3A_217, %swap3A_218] {strides = array<i32>} : memref<40x128xi32, #tpu.memory_space<vmem>>, vector<1x16xi32>,
      %swap3A_220 = vector.shape_cast %swap3A_219 : vector<1x16xi32> to vector<16xi32>
      %swap3A_221 = vector.shape_cast %shift_right_logical3A_216 : vector<16xi32> to vector<1x16xi32>
      tpu.vector_store %arg6[%swap3A_217, %swap3A_218], %swap3A_221 {strides = array<i32>} : memref<40x128xi32, #tpu.memory_space<vmem>>, vector<1x16xi32>,
      %and3A_222 = arith.constant 16383 : i32
      %and3A_223 = vector.broadcast %and3A_222 : i32 to vector<16xi32>
      %and3A_224 = arith.andi %get3A_213, %and3A_223 : vector<16xi32>
      %swap3A_225 = arith.index_cast %scan3A_73 : i32 to index
      %swap3A_226 = arith.constant 112 : index
      %swap3A_227 = tpu.vector_load %arg7[%swap3A_225, %swap3A_226] {strides = array<i32>} : memref<40x128xi32, #tpu.memory_space<vmem>>, vector<1x16xi32>,
      %swap3A_228 = vector.shape_cast %swap3A_227 : vector<1x16xi32> to vector<16xi32>
      %swap3A_229 = vector.shape_cast %and3A_224 : vector<16xi32> to vector<1x16xi32>
      tpu.vector_store %arg7[%swap3A_225, %swap3A_226], %swap3A_229 {strides = array<i32>} : memref<40x128xi32, #tpu.memory_space<vmem>>, vector<1x16xi32>,
    }
    %scan3A_9 = arith.constant 40 : i32
    %dma_start3A = arith.constant 0 : i32
    %dma_start3A_10 = arith.constant 0 : i32
    %dma_start3A_11 = tpu.memref_slice %arg6[%dma_start3A, %dma_start3A_10] : memref<40x128xi32, #tpu.memory_space<vmem>> -> memref<1x128xi32, #tpu.memory_space<vmem>>
    %dma_start3A_12 = tpu.memref_squeeze %dma_start3A_11 : memref<1x128xi32, #tpu.memory_space<vmem>> -> memref<128xi32, #tpu.memory_space<vmem>>
    %dma_start3A_13 = arith.constant 0 : i32
    %dma_start3A_14 = arith.constant 0 : i32
    %dma_start3A_15 = tpu.memref_slice %arg2[%dma_start3A_13, %dma_start3A_14] : memref<10000x128xf32, #tpu.memory_space<hbm>> -> memref<10000x128xf32, #tpu.memory_space<hbm>>
    tpu.enqueue_indirect_dma source(%dma_start3A_15 : memref<10000x128xf32, #tpu.memory_space<hbm>>) target(%arg8 : memref<128x128xf32, #tpu.memory_space<vmem>>) offsets(%dma_start3A_12 : memref<128xi32, #tpu.memory_space<vmem>>) semaphore(%arg11 : memref<!tpu.dma_semaphore, #tpu.memory_space<semaphore_mem>>)
    %scan3A_16 = arith.constant 0 : i32
    %scan3A_17 = arith.constant 0 : i32
    %scan3A_18 = arith.constant 20 : i32
    %scan3A_19 = arith.addi %scan3A_17, %scan3A_18 : i32
    %scan3A_20 = arith.constant 1 : i32
    scf.for %scan3A_73 = %scan3A_17 to %scan3A_19 step %scan3A_20  : i32 {
      %mul3A_74 = arith.constant 2 : i32
      %mul3A_75 = arith.muli %mul3A_74, %scan3A_73 : i32
      %add3A_76 = arith.constant 0 : i32
      %add3A_77 = arith.addi %mul3A_75, %add3A_76 : i32
      %dma_wait3A_78 = arith.constant 0 : i32
      %dma_wait3A_79 = tpu.memref_slice %arg6[%add3A_77, %dma_wait3A_78] : memref<40x128xi32, #tpu.memory_space<vmem>> -> memref<1x128xi32, #tpu.memory_space<vmem>>
      %dma_wait3A_80 = tpu.memref_squeeze %dma_wait3A_79 : memref<1x128xi32, #tpu.memory_space<vmem>> -> memref<128xi32, #tpu.memory_space<vmem>>
      %dma_wait3A_81 = arith.constant 0 : i32
      %dma_wait3A_82 = arith.constant 0 : i32
      %dma_wait3A_83 = tpu.memref_slice %arg2[%dma_wait3A_81, %dma_wait3A_82] : memref<10000x128xf32, #tpu.memory_space<hbm>> -> memref<10000x128xf32, #tpu.memory_space<hbm>>
      tpu.wait_indirect_dma semaphore(%arg11 : memref<!tpu.dma_semaphore, #tpu.memory_space<semaphore_mem>>) src(%dma_wait3A_83 : memref<10000x128xf32, #tpu.memory_space<hbm>>) dst(%arg8 : memref<128x128xf32, #tpu.memory_space<vmem>>)
      %dma_start3A_84 = arith.constant 0 : i32
      %dma_start3A_85 = tpu.memref_slice %arg7[%add3A_77, %dma_start3A_84] : memref<40x128xi32, #tpu.memory_space<vmem>> -> memref<1x128xi32, #tpu.memory_space<vmem>>
      %dma_start3A_86 = tpu.memref_squeeze %dma_start3A_85 : memref<1x128xi32, #tpu.memory_space<vmem>> -> memref<128xi32, #tpu.memory_space<vmem>>
      %dma_start3A_87 = arith.constant 0 : i32
      %dma_start3A_88 = arith.constant 0 : i32
      %dma_start3A_89 = tpu.memref_slice %arg10[%dma_start3A_87, %dma_start3A_88] : memref<10240x128xf32, #tpu.memory_space<vmem_shared>> -> memref<10240x128xf32, #tpu.memory_space<vmem_shared>>
      tpu.enqueue_indirect_dma source(%arg8 : memref<128x128xf32, #tpu.memory_space<vmem>>) target(%dma_start3A_89 : memref<10240x128xf32, #tpu.memory_space<vmem_shared>>) offsets(%dma_start3A_86 : memref<128xi32, #tpu.memory_space<vmem>>) semaphore(%arg13 : memref<!tpu.dma_semaphore, #tpu.memory_space<semaphore_mem>>) {add = true}
      %add3A_90 = arith.constant 1 : i32
      %add3A_91 = arith.addi %add3A_77, %add3A_90 : i32
      %lt3A = arith.constant 40 : i32
      %lt3A_92 = arith.cmpi slt, %add3A_91, %lt3A : i32
      %ge3A = arith.constant 1 : i32
      %ge3A_93 = arith.cmpi sge, %add3A_77, %ge3A : i32
      %and3A = arith.andi %lt3A_92, %ge3A_93 : i1
      %convert_element_type3A = arith.extui %and3A : i1 to i32
      %cond3A = arith.constant 0 : i32
      %cond3A_94 = arith.cmpi ne, %convert_element_type3A, %cond3A : i32
      scf.if %cond3A_94 {
        %sub3A = arith.constant 1 : i32
        %sub3A_135 = arith.subi %add3A_77, %sub3A : i32
        %dma_wait3A_136 = arith.constant 0 : i32
        %dma_wait3A_137 = tpu.memref_slice %arg7[%sub3A_135, %dma_wait3A_136] : memref<40x128xi32, #tpu.memory_space<vmem>> -> memref<1x128xi32, #tpu.memory_space<vmem>>
        %dma_wait3A_138 = tpu.memref_squeeze %dma_wait3A_137 : memref<1x128xi32, #tpu.memory_space<vmem>> -> memref<128xi32, #tpu.memory_space<vmem>>
        %dma_wait3A_139 = arith.constant 0 : i32
        %dma_wait3A_140 = arith.constant 0 : i32
        %dma_wait3A_141 = tpu.memref_slice %arg10[%dma_wait3A_139, %dma_wait3A_140] : memref<10240x128xf32, #tpu.memory_space<vmem_shared>> -> memref<10240x128xf32, #tpu.memory_space<vmem_shared>>
        tpu.wait_indirect_dma semaphore(%arg14 : memref<!tpu.dma_semaphore, #tpu.memory_space<semaphore_mem>>) src(%arg9 : memref<128x128xf32, #tpu.memory_space<vmem>>) dst(%dma_wait3A_141 : memref<10240x128xf32, #tpu.memory_space<vmem_shared>>)
      } else {
      }
      %add3A_95 = arith.constant 1 : i32
      %add3A_96 = arith.addi %add3A_77, %add3A_95 : i32
      %lt3A_97 = arith.constant 40 : i32
      %lt3A_98 = arith.cmpi slt, %add3A_96, %lt3A_97 : i32
      %convert_element_type3A_99 = arith.extui %lt3A_98 : i1 to i32
      %cond3A_100 = arith.constant 0 : i32
      %cond3A_101 = arith.cmpi ne, %convert_element_type3A_99, %cond3A_100 : i32
      scf.if %cond3A_101 {
        %add3A_135 = arith.constant 1 : i32
        %add3A_136 = arith.addi %add3A_77, %add3A_135 : i32
        %dma_start3A_137 = arith.constant 0 : i32
        %dma_start3A_138 = tpu.memref_slice %arg6[%add3A_136, %dma_start3A_137] : memref<40x128xi32, #tpu.memory_space<vmem>> -> memref<1x128xi32, #tpu.memory_space<vmem>>
        %dma_start3A_139 = tpu.memref_squeeze %dma_start3A_138 : memref<1x128xi32, #tpu.memory_space<vmem>> -> memref<128xi32, #tpu.memory_space<vmem>>
        %dma_start3A_140 = arith.constant 0 : i32
        %dma_start3A_141 = arith.constant 0 : i32
        %dma_start3A_142 = tpu.memref_slice %arg2[%dma_start3A_140, %dma_start3A_141] : memref<10000x128xf32, #tpu.memory_space<hbm>> -> memref<10000x128xf32, #tpu.memory_space<hbm>>
        tpu.enqueue_indirect_dma source(%dma_start3A_142 : memref<10000x128xf32, #tpu.memory_space<hbm>>) target(%arg9 : memref<128x128xf32, #tpu.memory_space<vmem>>) offsets(%dma_start3A_139 : memref<128xi32, #tpu.memory_space<vmem>>) semaphore(%arg12 : memref<!tpu.dma_semaphore, #tpu.memory_space<semaphore_mem>>)
      } else {
      }
      %mul3A_102 = arith.constant 2 : i32
      %mul3A_103 = arith.muli %mul3A_102, %scan3A_73 : i32
      %add3A_104 = arith.constant 1 : i32
      %add3A_105 = arith.addi %mul3A_103, %add3A_104 : i32
      %dma_wait3A_106 = arith.constant 0 : i32
      %dma_wait3A_107 = tpu.memref_slice %arg6[%add3A_105, %dma_wait3A_106] : memref<40x128xi32, #tpu.memory_space<vmem>> -> memref<1x128xi32, #tpu.memory_space<vmem>>
      %dma_wait3A_108 = tpu.memref_squeeze %dma_wait3A_107 : memref<1x128xi32, #tpu.memory_space<vmem>> -> memref<128xi32, #tpu.memory_space<vmem>>
      %dma_wait3A_109 = arith.constant 0 : i32
      %dma_wait3A_110 = arith.constant 0 : i32
      %dma_wait3A_111 = tpu.memref_slice %arg2[%dma_wait3A_109, %dma_wait3A_110] : memref<10000x128xf32, #tpu.memory_space<hbm>> -> memref<10000x128xf32, #tpu.memory_space<hbm>>
      tpu.wait_indirect_dma semaphore(%arg12 : memref<!tpu.dma_semaphore, #tpu.memory_space<semaphore_mem>>) src(%dma_wait3A_111 : memref<10000x128xf32, #tpu.memory_space<hbm>>) dst(%arg9 : memref<128x128xf32, #tpu.memory_space<vmem>>)
      %dma_start3A_112 = arith.constant 0 : i32
      %dma_start3A_113 = tpu.memref_slice %arg7[%add3A_105, %dma_start3A_112] : memref<40x128xi32, #tpu.memory_space<vmem>> -> memref<1x128xi32, #tpu.memory_space<vmem>>
      %dma_start3A_114 = tpu.memref_squeeze %dma_start3A_113 : memref<1x128xi32, #tpu.memory_space<vmem>> -> memref<128xi32, #tpu.memory_space<vmem>>
      %dma_start3A_115 = arith.constant 0 : i32
      %dma_start3A_116 = arith.constant 0 : i32
      %dma_start3A_117 = tpu.memref_slice %arg10[%dma_start3A_115, %dma_start3A_116] : memref<10240x128xf32, #tpu.memory_space<vmem_shared>> -> memref<10240x128xf32, #tpu.memory_space<vmem_shared>>
      tpu.enqueue_indirect_dma source(%arg9 : memref<128x128xf32, #tpu.memory_space<vmem>>) target(%dma_start3A_117 : memref<10240x128xf32, #tpu.memory_space<vmem_shared>>) offsets(%dma_start3A_114 : memref<128xi32, #tpu.memory_space<vmem>>) semaphore(%arg14 : memref<!tpu.dma_semaphore, #tpu.memory_space<semaphore_mem>>) {add = true}
      %add3A_118 = arith.constant 1 : i32
      %add3A_119 = arith.addi %add3A_105, %add3A_118 : i32
      %lt3A_120 = arith.constant 40 : i32
      %lt3A_121 = arith.cmpi slt, %add3A_119, %lt3A_120 : i32
      %ge3A_122 = arith.constant 1 : i32
      %ge3A_123 = arith.cmpi sge, %add3A_105, %ge3A_122 : i32
      %and3A_124 = arith.andi %lt3A_121, %ge3A_123 : i1
      %convert_element_type3A_125 = arith.extui %and3A_124 : i1 to i32
      %cond3A_126 = arith.constant 0 : i32
      %cond3A_127 = arith.cmpi ne, %convert_element_type3A_125, %cond3A_126 : i32
      scf.if %cond3A_127 {
        %sub3A = arith.constant 1 : i32
        %sub3A_135 = arith.subi %add3A_105, %sub3A : i32
        %dma_wait3A_136 = arith.constant 0 : i32
        %dma_wait3A_137 = tpu.memref_slice %arg7[%sub3A_135, %dma_wait3A_136] : memref<40x128xi32, #tpu.memory_space<vmem>> -> memref<1x128xi32, #tpu.memory_space<vmem>>
        %dma_wait3A_138 = tpu.memref_squeeze %dma_wait3A_137 : memref<1x128xi32, #tpu.memory_space<vmem>> -> memref<128xi32, #tpu.memory_space<vmem>>
        %dma_wait3A_139 = arith.constant 0 : i32
        %dma_wait3A_140 = arith.constant 0 : i32
        %dma_wait3A_141 = tpu.memref_slice %arg10[%dma_wait3A_139, %dma_wait3A_140] : memref<10240x128xf32, #tpu.memory_space<vmem_shared>> -> memref<10240x128xf32, #tpu.memory_space<vmem_shared>>
        tpu.wait_indirect_dma semaphore(%arg13 : memref<!tpu.dma_semaphore, #tpu.memory_space<semaphore_mem>>) src(%arg8 : memref<128x128xf32, #tpu.memory_space<vmem>>) dst(%dma_wait3A_141 : memref<10240x128xf32, #tpu.memory_space<vmem_shared>>)
      } else {
      }
      %add3A_128 = arith.constant 1 : i32
      %add3A_129 = arith.addi %add3A_105, %add3A_128 : i32
      %lt3A_130 = arith.constant 40 : i32
      %lt3A_131 = arith.cmpi slt, %add3A_129, %lt3A_130 : i32
      %convert_element_type3A_132 = arith.extui %lt3A_131 : i1 to i32
      %cond3A_133 = arith.constant 0 : i32
      %cond3A_134 = arith.cmpi ne, %convert_element_type3A_132, %cond3A_133 : i32
      scf.if %cond3A_134 {
        %add3A_135 = arith.constant 1 : i32
        %add3A_136 = arith.addi %add3A_105, %add3A_135 : i32
        %dma_start3A_137 = arith.constant 0 : i32
        %dma_start3A_138 = tpu.memref_slice %arg6[%add3A_136, %dma_start3A_137] : memref<40x128xi32, #tpu.memory_space<vmem>> -> memref<1x128xi32, #tpu.memory_space<vmem>>
        %dma_start3A_139 = tpu.memref_squeeze %dma_start3A_138 : memref<1x128xi32, #tpu.memory_space<vmem>> -> memref<128xi32, #tpu.memory_space<vmem>>
        %dma_start3A_140 = arith.constant 0 : i32
        %dma_start3A_141 = arith.constant 0 : i32
        %dma_start3A_142 = tpu.memref_slice %arg2[%dma_start3A_140, %dma_start3A_141] : memref<10000x128xf32, #tpu.memory_space<hbm>> -> memref<10000x128xf32, #tpu.memory_space<hbm>>
        tpu.enqueue_indirect_dma source(%dma_start3A_142 : memref<10000x128xf32, #tpu.memory_space<hbm>>) target(%arg8 : memref<128x128xf32, #tpu.memory_space<vmem>>) offsets(%dma_start3A_139 : memref<128xi32, #tpu.memory_space<vmem>>) semaphore(%arg11 : memref<!tpu.dma_semaphore, #tpu.memory_space<semaphore_mem>>)
      } else {
      }
    }
    %scan3A_21 = arith.constant 20 : i32
    %dma_wait3A = arith.constant 38 : i32
    %dma_wait3A_22 = arith.constant 0 : i32
    %dma_wait3A_23 = tpu.memref_slice %arg7[%dma_wait3A, %dma_wait3A_22] : memref<40x128xi32, #tpu.memory_space<vmem>> -> memref<1x128xi32, #tpu.memory_space<vmem>>
    %dma_wait3A_24 = tpu.memref_squeeze %dma_wait3A_23 : memref<1x128xi32, #tpu.memory_space<vmem>> -> memref<128xi32, #tpu.memory_space<vmem>>
    %dma_wait3A_25 = arith.constant 0 : i32
    %dma_wait3A_26 = arith.constant 0 : i32
    %dma_wait3A_27 = tpu.memref_slice %arg10[%dma_wait3A_25, %dma_wait3A_26] : memref<10240x128xf32, #tpu.memory_space<vmem_shared>> -> memref<10240x128xf32, #tpu.memory_space<vmem_shared>>
    tpu.wait_indirect_dma semaphore(%arg13 : memref<!tpu.dma_semaphore, #tpu.memory_space<semaphore_mem>>) src(%arg8 : memref<128x128xf32, #tpu.memory_space<vmem>>) dst(%dma_wait3A_27 : memref<10240x128xf32, #tpu.memory_space<vmem_shared>>)
    %dma_wait3A_28 = arith.constant 39 : i32
    %dma_wait3A_29 = arith.constant 0 : i32
    %dma_wait3A_30 = tpu.memref_slice %arg7[%dma_wait3A_28, %dma_wait3A_29] : memref<40x128xi32, #tpu.memory_space<vmem>> -> memref<1x128xi32, #tpu.memory_space<vmem>>
    %dma_wait3A_31 = tpu.memref_squeeze %dma_wait3A_30 : memref<1x128xi32, #tpu.memory_space<vmem>> -> memref<128xi32, #tpu.memory_space<vmem>>
    %dma_wait3A_32 = arith.constant 0 : i32
    %dma_wait3A_33 = arith.constant 0 : i32
    %dma_wait3A_34 = tpu.memref_slice %arg10[%dma_wait3A_32, %dma_wait3A_33] : memref<10240x128xf32, #tpu.memory_space<vmem_shared>> -> memref<10240x128xf32, #tpu.memory_space<vmem_shared>>
    tpu.wait_indirect_dma semaphore(%arg14 : memref<!tpu.dma_semaphore, #tpu.memory_space<semaphore_mem>>) src(%arg9 : memref<128x128xf32, #tpu.memory_space<vmem>>) dst(%dma_wait3A_34 : memref<10240x128xf32, #tpu.memory_space<vmem_shared>>)
    "tpu.region"() ({
      %run_scoped3A = tpu.sem_alloc : memref<!tpu.dma_semaphore, #tpu.memory_space<semaphore_mem>>
      %dma_start3A_73 = arith.constant 40 : i32
      %dma_start3A_74 = arith.constant 0 : i32
      %dma_start3A_75 = tpu.memref_slice %arg3[%add3A, %dma_start3A_73, %dma_start3A_74] : memref<32x80x128xi32, #tpu.memory_space<hbm>> -> memref<1x40x128xi32, #tpu.memory_space<hbm>>
      %dma_start3A_76 = tpu.memref_squeeze %dma_start3A_75 : memref<1x40x128xi32, #tpu.memory_space<hbm>> -> memref<40x128xi32, #tpu.memory_space<hbm>>
      %dma_start3A_77 = arith.constant 40 : i32
      %dma_start3A_78 = arith.constant 0 : i32
      %dma_start3A_79 = tpu.memref_slice %arg3[%add3A, %dma_start3A_77, %dma_start3A_78] : memref<32x80x128xi32, #tpu.memory_space<hbm>> -> memref<1x40x128xi32, #tpu.memory_space<hbm>>
      %dma_start3A_80 = tpu.memref_squeeze %dma_start3A_79 : memref<1x40x128xi32, #tpu.memory_space<hbm>> -> memref<40x128xi32, #tpu.memory_space<hbm>>
      tpu.enqueue_dma source(%dma_start3A_80 : memref<40x128xi32, #tpu.memory_space<hbm>>) target(%arg6 : memref<40x128xi32, #tpu.memory_space<vmem>>) target_semaphore(%run_scoped3A : memref<!tpu.dma_semaphore, #tpu.memory_space<semaphore_mem>>)
      %dma_wait3A_81 = arith.constant 40 : i32
      %dma_wait3A_82 = arith.constant 0 : i32
      %dma_wait3A_83 = tpu.memref_slice %arg3[%add3A, %dma_wait3A_81, %dma_wait3A_82] : memref<32x80x128xi32, #tpu.memory_space<hbm>> -> memref<1x40x128xi32, #tpu.memory_space<hbm>>
      %dma_wait3A_84 = tpu.memref_squeeze %dma_wait3A_83 : memref<1x40x128xi32, #tpu.memory_space<hbm>> -> memref<40x128xi32, #tpu.memory_space<hbm>>
      %dma_wait3A_85 = arith.constant 40 : i32
      %dma_wait3A_86 = arith.constant 0 : i32
      %dma_wait3A_87 = tpu.memref_slice %arg3[%add3A, %dma_wait3A_85, %dma_wait3A_86] : memref<32x80x128xi32, #tpu.memory_space<hbm>> -> memref<1x40x128xi32, #tpu.memory_space<hbm>>
      %dma_wait3A_88 = tpu.memref_squeeze %dma_wait3A_87 : memref<1x40x128xi32, #tpu.memory_space<hbm>> -> memref<40x128xi32, #tpu.memory_space<hbm>>
      tpu.wait_dma2 semaphore(%run_scoped3A : memref<!tpu.dma_semaphore, #tpu.memory_space<semaphore_mem>>) src(%dma_wait3A_88 : memref<40x128xi32, #tpu.memory_space<hbm>>) dst(%arg6 : memref<40x128xi32, #tpu.memory_space<vmem>>)
      tpu.yield
    }) : () -> ()
    %scan3A_35 = arith.constant 0 : i32
    %scan3A_36 = arith.constant 0 : i32
    %scan3A_37 = arith.constant 40 : i32
    %scan3A_38 = arith.addi %scan3A_36, %scan3A_37 : i32
    %scan3A_39 = arith.constant 1 : i32
    scf.for %scan3A_73 = %scan3A_36 to %scan3A_38 step %scan3A_39  : i32 {
      %get3A = arith.index_cast %scan3A_73 : i32 to index
      %get3A_74 = arith.constant 0 : index
      %get3A_75 = tpu.vector_load %arg6[%get3A, %get3A_74] {strides = array<i32>} : memref<40x128xi32, #tpu.memory_space<vmem>>, vector<1x16xi32>,
      %get3A_76 = vector.shape_cast %get3A_75 : vector<1x16xi32> to vector<16xi32>
      %shift_right_logical3A = arith.constant 14 : i32
      %shift_right_logical3A_77 = vector.broadcast %shift_right_logical3A : i32 to vector<16xi32>
      %shift_right_logical3A_78 = arith.shrui %get3A_76, %shift_right_logical3A_77 : vector<16xi32>
      %swap3A = arith.index_cast %scan3A_73 : i32 to index
      %swap3A_79 = arith.constant 0 : index
      %swap3A_80 = tpu.vector_load %arg6[%swap3A, %swap3A_79] {strides = array<i32>} : memref<40x128xi32, #tpu.memory_space<vmem>>, vector<1x16xi32>,
      %swap3A_81 = vector.shape_cast %swap3A_80 : vector<1x16xi32> to vector<16xi32>
      %swap3A_82 = vector.shape_cast %shift_right_logical3A_78 : vector<16xi32> to vector<1x16xi32>
      tpu.vector_store %arg6[%swap3A, %swap3A_79], %swap3A_82 {strides = array<i32>} : memref<40x128xi32, #tpu.memory_space<vmem>>, vector<1x16xi32>,
      %and3A = arith.constant 16383 : i32
      %and3A_83 = vector.broadcast %and3A : i32 to vector<16xi32>
      %and3A_84 = arith.andi %get3A_76, %and3A_83 : vector<16xi32>
      %swap3A_85 = arith.index_cast %scan3A_73 : i32 to index
      %swap3A_86 = arith.constant 0 : index
      %swap3A_87 = tpu.vector_load %arg7[%swap3A_85, %swap3A_86] {strides = array<i32>} : memref<40x128xi32, #tpu.memory_space<vmem>>, vector<1x16xi32>,
      %swap3A_88 = vector.shape_cast %swap3A_87 : vector<1x16xi32> to vector<16xi32>
      %swap3A_89 = vector.shape_cast %and3A_84 : vector<16xi32> to vector<1x16xi32>
      tpu.vector_store %arg7[%swap3A_85, %swap3A_86], %swap3A_89 {strides = array<i32>} : memref<40x128xi32, #tpu.memory_space<vmem>>, vector<1x16xi32>,
      %get3A_90 = arith.index_cast %scan3A_73 : i32 to index
      %get3A_91 = arith.constant 16 : index
      %get3A_92 = tpu.vector_load %arg6[%get3A_90, %get3A_91] {strides = array<i32>} : memref<40x128xi32, #tpu.memory_space<vmem>>, vector<1x16xi32>,
      %get3A_93 = vector.shape_cast %get3A_92 : vector<1x16xi32> to vector<16xi32>
      %shift_right_logical3A_94 = arith.constant 14 : i32
      %shift_right_logical3A_95 = vector.broadcast %shift_right_logical3A_94 : i32 to vector<16xi32>
      %shift_right_logical3A_96 = arith.shrui %get3A_93, %shift_right_logical3A_95 : vector<16xi32>
      %swap3A_97 = arith.index_cast %scan3A_73 : i32 to index
      %swap3A_98 = arith.constant 16 : index
      %swap3A_99 = tpu.vector_load %arg6[%swap3A_97, %swap3A_98] {strides = array<i32>} : memref<40x128xi32, #tpu.memory_space<vmem>>, vector<1x16xi32>,
      %swap3A_100 = vector.shape_cast %swap3A_99 : vector<1x16xi32> to vector<16xi32>
      %swap3A_101 = vector.shape_cast %shift_right_logical3A_96 : vector<16xi32> to vector<1x16xi32>
      tpu.vector_store %arg6[%swap3A_97, %swap3A_98], %swap3A_101 {strides = array<i32>} : memref<40x128xi32, #tpu.memory_space<vmem>>, vector<1x16xi32>,
      %and3A_102 = arith.constant 16383 : i32
      %and3A_103 = vector.broadcast %and3A_102 : i32 to vector<16xi32>
      %and3A_104 = arith.andi %get3A_93, %and3A_103 : vector<16xi32>
      %swap3A_105 = arith.index_cast %scan3A_73 : i32 to index
      %swap3A_106 = arith.constant 16 : index
      %swap3A_107 = tpu.vector_load %arg7[%swap3A_105, %swap3A_106] {strides = array<i32>} : memref<40x128xi32, #tpu.memory_space<vmem>>, vector<1x16xi32>,
      %swap3A_108 = vector.shape_cast %swap3A_107 : vector<1x16xi32> to vector<16xi32>
      %swap3A_109 = vector.shape_cast %and3A_104 : vector<16xi32> to vector<1x16xi32>
      tpu.vector_store %arg7[%swap3A_105, %swap3A_106], %swap3A_109 {strides = array<i32>} : memref<40x128xi32, #tpu.memory_space<vmem>>, vector<1x16xi32>,
      %get3A_110 = arith.index_cast %scan3A_73 : i32 to index
      %get3A_111 = arith.constant 32 : index
      %get3A_112 = tpu.vector_load %arg6[%get3A_110, %get3A_111] {strides = array<i32>} : memref<40x128xi32, #tpu.memory_space<vmem>>, vector<1x16xi32>,
      %get3A_113 = vector.shape_cast %get3A_112 : vector<1x16xi32> to vector<16xi32>
      %shift_right_logical3A_114 = arith.constant 14 : i32
      %shift_right_logical3A_115 = vector.broadcast %shift_right_logical3A_114 : i32 to vector<16xi32>
      %shift_right_logical3A_116 = arith.shrui %get3A_113, %shift_right_logical3A_115 : vector<16xi32>
      %swap3A_117 = arith.index_cast %scan3A_73 : i32 to index
      %swap3A_118 = arith.constant 32 : index
      %swap3A_119 = tpu.vector_load %arg6[%swap3A_117, %swap3A_118] {strides = array<i32>} : memref<40x128xi32, #tpu.memory_space<vmem>>, vector<1x16xi32>,
      %swap3A_120 = vector.shape_cast %swap3A_119 : vector<1x16xi32> to vector<16xi32>
      %swap3A_121 = vector.shape_cast %shift_right_logical3A_116 : vector<16xi32> to vector<1x16xi32>
      tpu.vector_store %arg6[%swap3A_117, %swap3A_118], %swap3A_121 {strides = array<i32>} : memref<40x128xi32, #tpu.memory_space<vmem>>, vector<1x16xi32>,
      %and3A_122 = arith.constant 16383 : i32
      %and3A_123 = vector.broadcast %and3A_122 : i32 to vector<16xi32>
      %and3A_124 = arith.andi %get3A_113, %and3A_123 : vector<16xi32>
      %swap3A_125 = arith.index_cast %scan3A_73 : i32 to index
      %swap3A_126 = arith.constant 32 : index
      %swap3A_127 = tpu.vector_load %arg7[%swap3A_125, %swap3A_126] {strides = array<i32>} : memref<40x128xi32, #tpu.memory_space<vmem>>, vector<1x16xi32>,
      %swap3A_128 = vector.shape_cast %swap3A_127 : vector<1x16xi32> to vector<16xi32>
      %swap3A_129 = vector.shape_cast %and3A_124 : vector<16xi32> to vector<1x16xi32>
      tpu.vector_store %arg7[%swap3A_125, %swap3A_126], %swap3A_129 {strides = array<i32>} : memref<40x128xi32, #tpu.memory_space<vmem>>, vector<1x16xi32>,
      %get3A_130 = arith.index_cast %scan3A_73 : i32 to index
      %get3A_131 = arith.constant 48 : index
      %get3A_132 = tpu.vector_load %arg6[%get3A_130, %get3A_131] {strides = array<i32>} : memref<40x128xi32, #tpu.memory_space<vmem>>, vector<1x16xi32>,
      %get3A_133 = vector.shape_cast %get3A_132 : vector<1x16xi32> to vector<16xi32>
      %shift_right_logical3A_134 = arith.constant 14 : i32
      %shift_right_logical3A_135 = vector.broadcast %shift_right_logical3A_134 : i32 to vector<16xi32>
      %shift_right_logical3A_136 = arith.shrui %get3A_133, %shift_right_logical3A_135 : vector<16xi32>
      %swap3A_137 = arith.index_cast %scan3A_73 : i32 to index
      %swap3A_138 = arith.constant 48 : index
      %swap3A_139 = tpu.vector_load %arg6[%swap3A_137, %swap3A_138] {strides = array<i32>} : memref<40x128xi32, #tpu.memory_space<vmem>>, vector<1x16xi32>,
      %swap3A_140 = vector.shape_cast %swap3A_139 : vector<1x16xi32> to vector<16xi32>
      %swap3A_141 = vector.shape_cast %shift_right_logical3A_136 : vector<16xi32> to vector<1x16xi32>
      tpu.vector_store %arg6[%swap3A_137, %swap3A_138], %swap3A_141 {strides = array<i32>} : memref<40x128xi32, #tpu.memory_space<vmem>>, vector<1x16xi32>,
      %and3A_142 = arith.constant 16383 : i32
      %and3A_143 = vector.broadcast %and3A_142 : i32 to vector<16xi32>
      %and3A_144 = arith.andi %get3A_133, %and3A_143 : vector<16xi32>
      %swap3A_145 = arith.index_cast %scan3A_73 : i32 to index
      %swap3A_146 = arith.constant 48 : index
      %swap3A_147 = tpu.vector_load %arg7[%swap3A_145, %swap3A_146] {strides = array<i32>} : memref<40x128xi32, #tpu.memory_space<vmem>>, vector<1x16xi32>,
      %swap3A_148 = vector.shape_cast %swap3A_147 : vector<1x16xi32> to vector<16xi32>
      %swap3A_149 = vector.shape_cast %and3A_144 : vector<16xi32> to vector<1x16xi32>
      tpu.vector_store %arg7[%swap3A_145, %swap3A_146], %swap3A_149 {strides = array<i32>} : memref<40x128xi32, #tpu.memory_space<vmem>>, vector<1x16xi32>,
      %get3A_150 = arith.index_cast %scan3A_73 : i32 to index
      %get3A_151 = arith.constant 64 : index
      %get3A_152 = tpu.vector_load %arg6[%get3A_150, %get3A_151] {strides = array<i32>} : memref<40x128xi32, #tpu.memory_space<vmem>>, vector<1x16xi32>,
      %get3A_153 = vector.shape_cast %get3A_152 : vector<1x16xi32> to vector<16xi32>
      %shift_right_logical3A_154 = arith.constant 14 : i32
      %shift_right_logical3A_155 = vector.broadcast %shift_right_logical3A_154 : i32 to vector<16xi32>
      %shift_right_logical3A_156 = arith.shrui %get3A_153, %shift_right_logical3A_155 : vector<16xi32>
      %swap3A_157 = arith.index_cast %scan3A_73 : i32 to index
      %swap3A_158 = arith.constant 64 : index
      %swap3A_159 = tpu.vector_load %arg6[%swap3A_157, %swap3A_158] {strides = array<i32>} : memref<40x128xi32, #tpu.memory_space<vmem>>, vector<1x16xi32>,
      %swap3A_160 = vector.shape_cast %swap3A_159 : vector<1x16xi32> to vector<16xi32>
      %swap3A_161 = vector.shape_cast %shift_right_logical3A_156 : vector<16xi32> to vector<1x16xi32>
      tpu.vector_store %arg6[%swap3A_157, %swap3A_158], %swap3A_161 {strides = array<i32>} : memref<40x128xi32, #tpu.memory_space<vmem>>, vector<1x16xi32>,
      %and3A_162 = arith.constant 16383 : i32
      %and3A_163 = vector.broadcast %and3A_162 : i32 to vector<16xi32>
      %and3A_164 = arith.andi %get3A_153, %and3A_163 : vector<16xi32>
      %swap3A_165 = arith.index_cast %scan3A_73 : i32 to index
      %swap3A_166 = arith.constant 64 : index
      %swap3A_167 = tpu.vector_load %arg7[%swap3A_165, %swap3A_166] {strides = array<i32>} : memref<40x128xi32, #tpu.memory_space<vmem>>, vector<1x16xi32>,
      %swap3A_168 = vector.shape_cast %swap3A_167 : vector<1x16xi32> to vector<16xi32>
      %swap3A_169 = vector.shape_cast %and3A_164 : vector<16xi32> to vector<1x16xi32>
      tpu.vector_store %arg7[%swap3A_165, %swap3A_166], %swap3A_169 {strides = array<i32>} : memref<40x128xi32, #tpu.memory_space<vmem>>, vector<1x16xi32>,
      %get3A_170 = arith.index_cast %scan3A_73 : i32 to index
      %get3A_171 = arith.constant 80 : index
      %get3A_172 = tpu.vector_load %arg6[%get3A_170, %get3A_171] {strides = array<i32>} : memref<40x128xi32, #tpu.memory_space<vmem>>, vector<1x16xi32>,
      %get3A_173 = vector.shape_cast %get3A_172 : vector<1x16xi32> to vector<16xi32>
      %shift_right_logical3A_174 = arith.constant 14 : i32
      %shift_right_logical3A_175 = vector.broadcast %shift_right_logical3A_174 : i32 to vector<16xi32>
      %shift_right_logical3A_176 = arith.shrui %get3A_173, %shift_right_logical3A_175 : vector<16xi32>
      %swap3A_177 = arith.index_cast %scan3A_73 : i32 to index
      %swap3A_178 = arith.constant 80 : index
      %swap3A_179 = tpu.vector_load %arg6[%swap3A_177, %swap3A_178] {strides = array<i32>} : memref<40x128xi32, #tpu.memory_space<vmem>>, vector<1x16xi32>,
      %swap3A_180 = vector.shape_cast %swap3A_179 : vector<1x16xi32> to vector<16xi32>
      %swap3A_181 = vector.shape_cast %shift_right_logical3A_176 : vector<16xi32> to vector<1x16xi32>
      tpu.vector_store %arg6[%swap3A_177, %swap3A_178], %swap3A_181 {strides = array<i32>} : memref<40x128xi32, #tpu.memory_space<vmem>>, vector<1x16xi32>,
      %and3A_182 = arith.constant 16383 : i32
      %and3A_183 = vector.broadcast %and3A_182 : i32 to vector<16xi32>
      %and3A_184 = arith.andi %get3A_173, %and3A_183 : vector<16xi32>
      %swap3A_185 = arith.index_cast %scan3A_73 : i32 to index
      %swap3A_186 = arith.constant 80 : index
      %swap3A_187 = tpu.vector_load %arg7[%swap3A_185, %swap3A_186] {strides = array<i32>} : memref<40x128xi32, #tpu.memory_space<vmem>>, vector<1x16xi32>,
      %swap3A_188 = vector.shape_cast %swap3A_187 : vector<1x16xi32> to vector<16xi32>
      %swap3A_189 = vector.shape_cast %and3A_184 : vector<16xi32> to vector<1x16xi32>
      tpu.vector_store %arg7[%swap3A_185, %swap3A_186], %swap3A_189 {strides = array<i32>} : memref<40x128xi32, #tpu.memory_space<vmem>>, vector<1x16xi32>,
      %get3A_190 = arith.index_cast %scan3A_73 : i32 to index
      %get3A_191 = arith.constant 96 : index
      %get3A_192 = tpu.vector_load %arg6[%get3A_190, %get3A_191] {strides = array<i32>} : memref<40x128xi32, #tpu.memory_space<vmem>>, vector<1x16xi32>,
      %get3A_193 = vector.shape_cast %get3A_192 : vector<1x16xi32> to vector<16xi32>
      %shift_right_logical3A_194 = arith.constant 14 : i32
      %shift_right_logical3A_195 = vector.broadcast %shift_right_logical3A_194 : i32 to vector<16xi32>
      %shift_right_logical3A_196 = arith.shrui %get3A_193, %shift_right_logical3A_195 : vector<16xi32>
      %swap3A_197 = arith.index_cast %scan3A_73 : i32 to index
      %swap3A_198 = arith.constant 96 : index
      %swap3A_199 = tpu.vector_load %arg6[%swap3A_197, %swap3A_198] {strides = array<i32>} : memref<40x128xi32, #tpu.memory_space<vmem>>, vector<1x16xi32>,
      %swap3A_200 = vector.shape_cast %swap3A_199 : vector<1x16xi32> to vector<16xi32>
      %swap3A_201 = vector.shape_cast %shift_right_logical3A_196 : vector<16xi32> to vector<1x16xi32>
      tpu.vector_store %arg6[%swap3A_197, %swap3A_198], %swap3A_201 {strides = array<i32>} : memref<40x128xi32, #tpu.memory_space<vmem>>, vector<1x16xi32>,
      %and3A_202 = arith.constant 16383 : i32
      %and3A_203 = vector.broadcast %and3A_202 : i32 to vector<16xi32>
      %and3A_204 = arith.andi %get3A_193, %and3A_203 : vector<16xi32>
      %swap3A_205 = arith.index_cast %scan3A_73 : i32 to index
      %swap3A_206 = arith.constant 96 : index
      %swap3A_207 = tpu.vector_load %arg7[%swap3A_205, %swap3A_206] {strides = array<i32>} : memref<40x128xi32, #tpu.memory_space<vmem>>, vector<1x16xi32>,
      %swap3A_208 = vector.shape_cast %swap3A_207 : vector<1x16xi32> to vector<16xi32>
      %swap3A_209 = vector.shape_cast %and3A_204 : vector<16xi32> to vector<1x16xi32>
      tpu.vector_store %arg7[%swap3A_205, %swap3A_206], %swap3A_209 {strides = array<i32>} : memref<40x128xi32, #tpu.memory_space<vmem>>, vector<1x16xi32>,
      %get3A_210 = arith.index_cast %scan3A_73 : i32 to index
      %get3A_211 = arith.constant 112 : index
      %get3A_212 = tpu.vector_load %arg6[%get3A_210, %get3A_211] {strides = array<i32>} : memref<40x128xi32, #tpu.memory_space<vmem>>, vector<1x16xi32>,
      %get3A_213 = vector.shape_cast %get3A_212 : vector<1x16xi32> to vector<16xi32>
      %shift_right_logical3A_214 = arith.constant 14 : i32
      %shift_right_logical3A_215 = vector.broadcast %shift_right_logical3A_214 : i32 to vector<16xi32>
      %shift_right_logical3A_216 = arith.shrui %get3A_213, %shift_right_logical3A_215 : vector<16xi32>
      %swap3A_217 = arith.index_cast %scan3A_73 : i32 to index
      %swap3A_218 = arith.constant 112 : index
      %swap3A_219 = tpu.vector_load %arg6[%swap3A_217, %swap3A_218] {strides = array<i32>} : memref<40x128xi32, #tpu.memory_space<vmem>>, vector<1x16xi32>,
      %swap3A_220 = vector.shape_cast %swap3A_219 : vector<1x16xi32> to vector<16xi32>
      %swap3A_221 = vector.shape_cast %shift_right_logical3A_216 : vector<16xi32> to vector<1x16xi32>
      tpu.vector_store %arg6[%swap3A_217, %swap3A_218], %swap3A_221 {strides = array<i32>} : memref<40x128xi32, #tpu.memory_space<vmem>>, vector<1x16xi32>,
      %and3A_222 = arith.constant 16383 : i32
      %and3A_223 = vector.broadcast %and3A_222 : i32 to vector<16xi32>
      %and3A_224 = arith.andi %get3A_213, %and3A_223 : vector<16xi32>
      %swap3A_225 = arith.index_cast %scan3A_73 : i32 to index
      %swap3A_226 = arith.constant 112 : index
      %swap3A_227 = tpu.vector_load %arg7[%swap3A_225, %swap3A_226] {strides = array<i32>} : memref<40x128xi32, #tpu.memory_space<vmem>>, vector<1x16xi32>,
      %swap3A_228 = vector.shape_cast %swap3A_227 : vector<1x16xi32> to vector<16xi32>
      %swap3A_229 = vector.shape_cast %and3A_224 : vector<16xi32> to vector<1x16xi32>
      tpu.vector_store %arg7[%swap3A_225, %swap3A_226], %swap3A_229 {strides = array<i32>} : memref<40x128xi32, #tpu.memory_space<vmem>>, vector<1x16xi32>,
    }
    %scan3A_40 = arith.constant 40 : i32
    %dma_start3A_41 = arith.constant 0 : i32
    %dma_start3A_42 = arith.constant 0 : i32
    %dma_start3A_43 = tpu.memref_slice %arg6[%dma_start3A_41, %dma_start3A_42] : memref<40x128xi32, #tpu.memory_space<vmem>> -> memref<1x128xi32, #tpu.memory_space<vmem>>
    %dma_start3A_44 = tpu.memref_squeeze %dma_start3A_43 : memref<1x128xi32, #tpu.memory_space<vmem>> -> memref<128xi32, #tpu.memory_space<vmem>>
    %dma_start3A_45 = arith.constant 0 : i32
    %dma_start3A_46 = arith.constant 0 : i32
    %dma_start3A_47 = tpu.memref_slice %arg2[%dma_start3A_45, %dma_start3A_46] : memref<10000x128xf32, #tpu.memory_space<hbm>> -> memref<10000x128xf32, #tpu.memory_space<hbm>>
    tpu.enqueue_indirect_dma source(%dma_start3A_47 : memref<10000x128xf32, #tpu.memory_space<hbm>>) target(%arg8 : memref<128x128xf32, #tpu.memory_space<vmem>>) offsets(%dma_start3A_44 : memref<128xi32, #tpu.memory_space<vmem>>) semaphore(%arg11 : memref<!tpu.dma_semaphore, #tpu.memory_space<semaphore_mem>>)
    %scan3A_48 = arith.constant 0 : i32
    %scan3A_49 = arith.constant 0 : i32
    %scan3A_50 = arith.constant 20 : i32
    %scan3A_51 = arith.addi %scan3A_49, %scan3A_50 : i32
    %scan3A_52 = arith.constant 1 : i32
    scf.for %scan3A_73 = %scan3A_49 to %scan3A_51 step %scan3A_52  : i32 {
      %mul3A_74 = arith.constant 2 : i32
      %mul3A_75 = arith.muli %mul3A_74, %scan3A_73 : i32
      %add3A_76 = arith.constant 0 : i32
      %add3A_77 = arith.addi %mul3A_75, %add3A_76 : i32
      %dma_wait3A_78 = arith.constant 0 : i32
      %dma_wait3A_79 = tpu.memref_slice %arg6[%add3A_77, %dma_wait3A_78] : memref<40x128xi32, #tpu.memory_space<vmem>> -> memref<1x128xi32, #tpu.memory_space<vmem>>
      %dma_wait3A_80 = tpu.memref_squeeze %dma_wait3A_79 : memref<1x128xi32, #tpu.memory_space<vmem>> -> memref<128xi32, #tpu.memory_space<vmem>>
      %dma_wait3A_81 = arith.constant 0 : i32
      %dma_wait3A_82 = arith.constant 0 : i32
      %dma_wait3A_83 = tpu.memref_slice %arg2[%dma_wait3A_81, %dma_wait3A_82] : memref<10000x128xf32, #tpu.memory_space<hbm>> -> memref<10000x128xf32, #tpu.memory_space<hbm>>
      tpu.wait_indirect_dma semaphore(%arg11 : memref<!tpu.dma_semaphore, #tpu.memory_space<semaphore_mem>>) src(%dma_wait3A_83 : memref<10000x128xf32, #tpu.memory_space<hbm>>) dst(%arg8 : memref<128x128xf32, #tpu.memory_space<vmem>>)
      %dma_start3A_84 = arith.constant 0 : i32
      %dma_start3A_85 = tpu.memref_slice %arg7[%add3A_77, %dma_start3A_84] : memref<40x128xi32, #tpu.memory_space<vmem>> -> memref<1x128xi32, #tpu.memory_space<vmem>>
      %dma_start3A_86 = tpu.memref_squeeze %dma_start3A_85 : memref<1x128xi32, #tpu.memory_space<vmem>> -> memref<128xi32, #tpu.memory_space<vmem>>
      %dma_start3A_87 = arith.constant 0 : i32
      %dma_start3A_88 = arith.constant 0 : i32
      %dma_start3A_89 = tpu.memref_slice %arg10[%dma_start3A_87, %dma_start3A_88] : memref<10240x128xf32, #tpu.memory_space<vmem_shared>> -> memref<10240x128xf32, #tpu.memory_space<vmem_shared>>
      tpu.enqueue_indirect_dma source(%arg8 : memref<128x128xf32, #tpu.memory_space<vmem>>) target(%dma_start3A_89 : memref<10240x128xf32, #tpu.memory_space<vmem_shared>>) offsets(%dma_start3A_86 : memref<128xi32, #tpu.memory_space<vmem>>) semaphore(%arg13 : memref<!tpu.dma_semaphore, #tpu.memory_space<semaphore_mem>>) {add = true}
      %add3A_90 = arith.constant 1 : i32
      %add3A_91 = arith.addi %add3A_77, %add3A_90 : i32
      %lt3A = arith.constant 40 : i32
      %lt3A_92 = arith.cmpi slt, %add3A_91, %lt3A : i32
      %ge3A = arith.constant 1 : i32
      %ge3A_93 = arith.cmpi sge, %add3A_77, %ge3A : i32
      %and3A = arith.andi %lt3A_92, %ge3A_93 : i1
      %convert_element_type3A = arith.extui %and3A : i1 to i32
      %cond3A = arith.constant 0 : i32
      %cond3A_94 = arith.cmpi ne, %convert_element_type3A, %cond3A : i32
      scf.if %cond3A_94 {
        %sub3A = arith.constant 1 : i32
        %sub3A_135 = arith.subi %add3A_77, %sub3A : i32
        %dma_wait3A_136 = arith.constant 0 : i32
        %dma_wait3A_137 = tpu.memref_slice %arg7[%sub3A_135, %dma_wait3A_136] : memref<40x128xi32, #tpu.memory_space<vmem>> -> memref<1x128xi32, #tpu.memory_space<vmem>>
        %dma_wait3A_138 = tpu.memref_squeeze %dma_wait3A_137 : memref<1x128xi32, #tpu.memory_space<vmem>> -> memref<128xi32, #tpu.memory_space<vmem>>
        %dma_wait3A_139 = arith.constant 0 : i32
        %dma_wait3A_140 = arith.constant 0 : i32
        %dma_wait3A_141 = tpu.memref_slice %arg10[%dma_wait3A_139, %dma_wait3A_140] : memref<10240x128xf32, #tpu.memory_space<vmem_shared>> -> memref<10240x128xf32, #tpu.memory_space<vmem_shared>>
        tpu.wait_indirect_dma semaphore(%arg14 : memref<!tpu.dma_semaphore, #tpu.memory_space<semaphore_mem>>) src(%arg9 : memref<128x128xf32, #tpu.memory_space<vmem>>) dst(%dma_wait3A_141 : memref<10240x128xf32, #tpu.memory_space<vmem_shared>>)
      } else {
      }
      %add3A_95 = arith.constant 1 : i32
      %add3A_96 = arith.addi %add3A_77, %add3A_95 : i32
      %lt3A_97 = arith.constant 40 : i32
      %lt3A_98 = arith.cmpi slt, %add3A_96, %lt3A_97 : i32
      %convert_element_type3A_99 = arith.extui %lt3A_98 : i1 to i32
      %cond3A_100 = arith.constant 0 : i32
      %cond3A_101 = arith.cmpi ne, %convert_element_type3A_99, %cond3A_100 : i32
      scf.if %cond3A_101 {
        %add3A_135 = arith.constant 1 : i32
        %add3A_136 = arith.addi %add3A_77, %add3A_135 : i32
        %dma_start3A_137 = arith.constant 0 : i32
        %dma_start3A_138 = tpu.memref_slice %arg6[%add3A_136, %dma_start3A_137] : memref<40x128xi32, #tpu.memory_space<vmem>> -> memref<1x128xi32, #tpu.memory_space<vmem>>
        %dma_start3A_139 = tpu.memref_squeeze %dma_start3A_138 : memref<1x128xi32, #tpu.memory_space<vmem>> -> memref<128xi32, #tpu.memory_space<vmem>>
        %dma_start3A_140 = arith.constant 0 : i32
        %dma_start3A_141 = arith.constant 0 : i32
        %dma_start3A_142 = tpu.memref_slice %arg2[%dma_start3A_140, %dma_start3A_141] : memref<10000x128xf32, #tpu.memory_space<hbm>> -> memref<10000x128xf32, #tpu.memory_space<hbm>>
        tpu.enqueue_indirect_dma source(%dma_start3A_142 : memref<10000x128xf32, #tpu.memory_space<hbm>>) target(%arg9 : memref<128x128xf32, #tpu.memory_space<vmem>>) offsets(%dma_start3A_139 : memref<128xi32, #tpu.memory_space<vmem>>) semaphore(%arg12 : memref<!tpu.dma_semaphore, #tpu.memory_space<semaphore_mem>>)
      } else {
      }
      %mul3A_102 = arith.constant 2 : i32
      %mul3A_103 = arith.muli %mul3A_102, %scan3A_73 : i32
      %add3A_104 = arith.constant 1 : i32
      %add3A_105 = arith.addi %mul3A_103, %add3A_104 : i32
      %dma_wait3A_106 = arith.constant 0 : i32
      %dma_wait3A_107 = tpu.memref_slice %arg6[%add3A_105, %dma_wait3A_106] : memref<40x128xi32, #tpu.memory_space<vmem>> -> memref<1x128xi32, #tpu.memory_space<vmem>>
      %dma_wait3A_108 = tpu.memref_squeeze %dma_wait3A_107 : memref<1x128xi32, #tpu.memory_space<vmem>> -> memref<128xi32, #tpu.memory_space<vmem>>
      %dma_wait3A_109 = arith.constant 0 : i32
      %dma_wait3A_110 = arith.constant 0 : i32
      %dma_wait3A_111 = tpu.memref_slice %arg2[%dma_wait3A_109, %dma_wait3A_110] : memref<10000x128xf32, #tpu.memory_space<hbm>> -> memref<10000x128xf32, #tpu.memory_space<hbm>>
      tpu.wait_indirect_dma semaphore(%arg12 : memref<!tpu.dma_semaphore, #tpu.memory_space<semaphore_mem>>) src(%dma_wait3A_111 : memref<10000x128xf32, #tpu.memory_space<hbm>>) dst(%arg9 : memref<128x128xf32, #tpu.memory_space<vmem>>)
      %dma_start3A_112 = arith.constant 0 : i32
      %dma_start3A_113 = tpu.memref_slice %arg7[%add3A_105, %dma_start3A_112] : memref<40x128xi32, #tpu.memory_space<vmem>> -> memref<1x128xi32, #tpu.memory_space<vmem>>
      %dma_start3A_114 = tpu.memref_squeeze %dma_start3A_113 : memref<1x128xi32, #tpu.memory_space<vmem>> -> memref<128xi32, #tpu.memory_space<vmem>>
      %dma_start3A_115 = arith.constant 0 : i32
      %dma_start3A_116 = arith.constant 0 : i32
      %dma_start3A_117 = tpu.memref_slice %arg10[%dma_start3A_115, %dma_start3A_116] : memref<10240x128xf32, #tpu.memory_space<vmem_shared>> -> memref<10240x128xf32, #tpu.memory_space<vmem_shared>>
      tpu.enqueue_indirect_dma source(%arg9 : memref<128x128xf32, #tpu.memory_space<vmem>>) target(%dma_start3A_117 : memref<10240x128xf32, #tpu.memory_space<vmem_shared>>) offsets(%dma_start3A_114 : memref<128xi32, #tpu.memory_space<vmem>>) semaphore(%arg14 : memref<!tpu.dma_semaphore, #tpu.memory_space<semaphore_mem>>) {add = true}
      %add3A_118 = arith.constant 1 : i32
      %add3A_119 = arith.addi %add3A_105, %add3A_118 : i32
      %lt3A_120 = arith.constant 40 : i32
      %lt3A_121 = arith.cmpi slt, %add3A_119, %lt3A_120 : i32
      %ge3A_122 = arith.constant 1 : i32
      %ge3A_123 = arith.cmpi sge, %add3A_105, %ge3A_122 : i32
      %and3A_124 = arith.andi %lt3A_121, %ge3A_123 : i1
      %convert_element_type3A_125 = arith.extui %and3A_124 : i1 to i32
      %cond3A_126 = arith.constant 0 : i32
      %cond3A_127 = arith.cmpi ne, %convert_element_type3A_125, %cond3A_126 : i32
      scf.if %cond3A_127 {
        %sub3A = arith.constant 1 : i32
        %sub3A_135 = arith.subi %add3A_105, %sub3A : i32
        %dma_wait3A_136 = arith.constant 0 : i32
        %dma_wait3A_137 = tpu.memref_slice %arg7[%sub3A_135, %dma_wait3A_136] : memref<40x128xi32, #tpu.memory_space<vmem>> -> memref<1x128xi32, #tpu.memory_space<vmem>>
        %dma_wait3A_138 = tpu.memref_squeeze %dma_wait3A_137 : memref<1x128xi32, #tpu.memory_space<vmem>> -> memref<128xi32, #tpu.memory_space<vmem>>
        %dma_wait3A_139 = arith.constant 0 : i32
        %dma_wait3A_140 = arith.constant 0 : i32
        %dma_wait3A_141 = tpu.memref_slice %arg10[%dma_wait3A_139, %dma_wait3A_140] : memref<10240x128xf32, #tpu.memory_space<vmem_shared>> -> memref<10240x128xf32, #tpu.memory_space<vmem_shared>>
        tpu.wait_indirect_dma semaphore(%arg13 : memref<!tpu.dma_semaphore, #tpu.memory_space<semaphore_mem>>) src(%arg8 : memref<128x128xf32, #tpu.memory_space<vmem>>) dst(%dma_wait3A_141 : memref<10240x128xf32, #tpu.memory_space<vmem_shared>>)
      } else {
      }
      %add3A_128 = arith.constant 1 : i32
      %add3A_129 = arith.addi %add3A_105, %add3A_128 : i32
      %lt3A_130 = arith.constant 40 : i32
      %lt3A_131 = arith.cmpi slt, %add3A_129, %lt3A_130 : i32
      %convert_element_type3A_132 = arith.extui %lt3A_131 : i1 to i32
      %cond3A_133 = arith.constant 0 : i32
      %cond3A_134 = arith.cmpi ne, %convert_element_type3A_132, %cond3A_133 : i32
      scf.if %cond3A_134 {
        %add3A_135 = arith.constant 1 : i32
        %add3A_136 = arith.addi %add3A_105, %add3A_135 : i32
        %dma_start3A_137 = arith.constant 0 : i32
        %dma_start3A_138 = tpu.memref_slice %arg6[%add3A_136, %dma_start3A_137] : memref<40x128xi32, #tpu.memory_space<vmem>> -> memref<1x128xi32, #tpu.memory_space<vmem>>
        %dma_start3A_139 = tpu.memref_squeeze %dma_start3A_138 : memref<1x128xi32, #tpu.memory_space<vmem>> -> memref<128xi32, #tpu.memory_space<vmem>>
        %dma_start3A_140 = arith.constant 0 : i32
        %dma_start3A_141 = arith.constant 0 : i32
        %dma_start3A_142 = tpu.memref_slice %arg2[%dma_start3A_140, %dma_start3A_141] : memref<10000x128xf32, #tpu.memory_space<hbm>> -> memref<10000x128xf32, #tpu.memory_space<hbm>>
        tpu.enqueue_indirect_dma source(%dma_start3A_142 : memref<10000x128xf32, #tpu.memory_space<hbm>>) target(%arg8 : memref<128x128xf32, #tpu.memory_space<vmem>>) offsets(%dma_start3A_139 : memref<128xi32, #tpu.memory_space<vmem>>) semaphore(%arg11 : memref<!tpu.dma_semaphore, #tpu.memory_space<semaphore_mem>>)
      } else {
      }
    }
    %scan3A_53 = arith.constant 20 : i32
    %dma_wait3A_54 = arith.constant 38 : i32
    %dma_wait3A_55 = arith.constant 0 : i32
    %dma_wait3A_56 = tpu.memref_slice %arg7[%dma_wait3A_54, %dma_wait3A_55] : memref<40x128xi32, #tpu.memory_space<vmem>> -> memref<1x128xi32, #tpu.memory_space<vmem>>
    %dma_wait3A_57 = tpu.memref_squeeze %dma_wait3A_56 : memref<1x128xi32, #tpu.memory_space<vmem>> -> memref<128xi32, #tpu.memory_space<vmem>>
    %dma_wait3A_58 = arith.constant 0 : i32
    %dma_wait3A_59 = arith.constant 0 : i32
    %dma_wait3A_60 = tpu.memref_slice %arg10[%dma_wait3A_58, %dma_wait3A_59] : memref<10240x128xf32, #tpu.memory_space<vmem_shared>> -> memref<10240x128xf32, #tpu.memory_space<vmem_shared>>
    tpu.wait_indirect_dma semaphore(%arg13 : memref<!tpu.dma_semaphore, #tpu.memory_space<semaphore_mem>>) src(%arg8 : memref<128x128xf32, #tpu.memory_space<vmem>>) dst(%dma_wait3A_60 : memref<10240x128xf32, #tpu.memory_space<vmem_shared>>)
    %dma_wait3A_61 = arith.constant 39 : i32
    %dma_wait3A_62 = arith.constant 0 : i32
    %dma_wait3A_63 = tpu.memref_slice %arg7[%dma_wait3A_61, %dma_wait3A_62] : memref<40x128xi32, #tpu.memory_space<vmem>> -> memref<1x128xi32, #tpu.memory_space<vmem>>
    %dma_wait3A_64 = tpu.memref_squeeze %dma_wait3A_63 : memref<1x128xi32, #tpu.memory_space<vmem>> -> memref<128xi32, #tpu.memory_space<vmem>>
    %dma_wait3A_65 = arith.constant 0 : i32
    %dma_wait3A_66 = arith.constant 0 : i32
    %dma_wait3A_67 = tpu.memref_slice %arg10[%dma_wait3A_65, %dma_wait3A_66] : memref<10240x128xf32, #tpu.memory_space<vmem_shared>> -> memref<10240x128xf32, #tpu.memory_space<vmem_shared>>
    tpu.wait_indirect_dma semaphore(%arg14 : memref<!tpu.dma_semaphore, #tpu.memory_space<semaphore_mem>>) src(%arg9 : memref<128x128xf32, #tpu.memory_space<vmem>>) dst(%dma_wait3A_67 : memref<10240x128xf32, #tpu.memory_space<vmem_shared>>)
    %barrier3A_68 = arith.constant 0 : index
    tpu.barrier barrier_id(%barrier3A_68)
    %mul3A_69 = arith.constant 640 : i32
    %mul3A_70 = arith.muli %arg1, %mul3A_69 : i32
    %mul3A_71 = arith.constant 640 : i32
    %mul3A_72 = arith.muli %arg1, %mul3A_71 : i32
    "tpu.region"() ({
      %run_scoped3A = tpu.sem_alloc : memref<!tpu.dma_semaphore, #tpu.memory_space<semaphore_mem>>
      %dma_start3A_73 = arith.constant 0 : i32
      %dma_start3A_74 = tpu.memref_slice %arg5[%arg0, %mul3A_72, %dma_start3A_73] : memref<2x10240x128xf32, #tpu.memory_space<hbm>> -> memref<1x640x128xf32, #tpu.memory_space<hbm>>
      %dma_start3A_75 = tpu.memref_squeeze %dma_start3A_74 : memref<1x640x128xf32, #tpu.memory_space<hbm>> -> memref<640x128xf32, #tpu.memory_space<hbm>>
      %dma_start3A_76 = arith.constant 0 : i32
      %dma_start3A_77 = tpu.memref_slice %arg10[%mul3A_70, %dma_start3A_76] : memref<10240x128xf32, #tpu.memory_space<vmem_shared>> -> memref<640x128xf32, #tpu.memory_space<vmem_shared>>
      tpu.enqueue_dma source(%dma_start3A_77 : memref<640x128xf32, #tpu.memory_space<vmem_shared>>) target(%dma_start3A_75 : memref<640x128xf32, #tpu.memory_space<hbm>>) target_semaphore(%run_scoped3A : memref<!tpu.dma_semaphore, #tpu.memory_space<semaphore_mem>>)
      %dma_wait3A_78 = arith.constant 0 : i32
      %dma_wait3A_79 = tpu.memref_slice %arg5[%arg0, %mul3A_72, %dma_wait3A_78] : memref<2x10240x128xf32, #tpu.memory_space<hbm>> -> memref<1x640x128xf32, #tpu.memory_space<hbm>>
      %dma_wait3A_80 = tpu.memref_squeeze %dma_wait3A_79 : memref<1x640x128xf32, #tpu.memory_space<hbm>> -> memref<640x128xf32, #tpu.memory_space<hbm>>
      %dma_wait3A_81 = arith.constant 0 : i32
      %dma_wait3A_82 = tpu.memref_slice %arg10[%mul3A_70, %dma_wait3A_81] : memref<10240x128xf32, #tpu.memory_space<vmem_shared>> -> memref<640x128xf32, #tpu.memory_space<vmem_shared>>
      tpu.wait_dma2 semaphore(%run_scoped3A : memref<!tpu.dma_semaphore, #tpu.memory_space<semaphore_mem>>) src(%dma_wait3A_82 : memref<640x128xf32, #tpu.memory_space<vmem_shared>>) dst(%dma_wait3A_80 : memref<640x128xf32, #tpu.memory_space<hbm>>)
      tpu.yield
    }) : () -> ()
    return
  }
}

#map = affine_map<(d0, d1) -> (0, 0)>
#map1 = affine_map<(d0, d1) -> (0, 0, 0)>
module attributes {stable_mosaic.version = 14 : i64} {
  func.func @_agg_body(%arg0: i32, %arg1: i32, %arg2: memref<10000x128xf32, #tpu.memory_space<hbm>>, %arg3: memref<32x80x128xi32, #tpu.memory_space<hbm>>, %arg4: memref<10240x128xf32, #tpu.memory_space<hbm>>, %arg5: memref<2x10240x128xf32, #tpu.memory_space<hbm>>, %arg6: memref<40x128xi32, #tpu.memory_space<vmem>>, %arg7: memref<40x128xi32, #tpu.memory_space<vmem>>, %arg8: memref<128x128xf32, #tpu.memory_space<vmem>>, %arg9: memref<128x128xf32, #tpu.memory_space<vmem>>, %arg10: memref<10240x128xf32, #tpu.memory_space<vmem_shared>>, %arg11: memref<!tpu.dma_semaphore, #tpu.memory_space<semaphore_mem>>, %arg12: memref<!tpu.dma_semaphore, #tpu.memory_space<semaphore_mem>>, %arg13: memref<!tpu.dma_semaphore, #tpu.memory_space<semaphore_mem>>, %arg14: memref<!tpu.dma_semaphore, #tpu.memory_space<semaphore_mem>>) attributes {dimension_semantics = [#tpu.dimension_semantics<core_parallel>, #tpu.dimension_semantics<subcore_parallel>], iteration_bounds = array<i64: 2, 16>, scalar_prefetch = 0 : i64, scratch_operands = 9 : i64, tpu.core_type = #tpu.core_type<sc_vector_subcore>, window_params = [{transform_indices = #map}, {transform_indices = #map1}, {transform_indices = #map}, {transform_indices = #map1}]} {
    %mul3A = arith.constant 16 : i32
    %mul3A_0 = arith.muli %arg0, %mul3A : i32
    %add3A = arith.addi %mul3A_0, %arg1 : i32
    %mul3A_1 = arith.constant 640 : i32
    %mul3A_2 = arith.muli %arg1, %mul3A_1 : i32
    %mul3A_3 = arith.constant 640 : i32
    %mul3A_4 = arith.muli %arg1, %mul3A_3 : i32
    "tpu.region"() ({
      %run_scoped3A = tpu.sem_alloc : memref<!tpu.dma_semaphore, #tpu.memory_space<semaphore_mem>>
      %dma_start3A_73 = arith.constant 0 : i32
      %dma_start3A_74 = tpu.memref_slice %arg10[%mul3A_4, %dma_start3A_73] : memref<10240x128xf32, #tpu.memory_space<vmem_shared>> -> memref<640x128xf32, #tpu.memory_space<vmem_shared>>
      %dma_start3A_75 = arith.constant 0 : i32
      %dma_start3A_76 = tpu.memref_slice %arg4[%mul3A_2, %dma_start3A_75] : memref<10240x128xf32, #tpu.memory_space<hbm>> -> memref<640x128xf32, #tpu.memory_space<hbm>>
      tpu.enqueue_dma source(%dma_start3A_76 : memref<640x128xf32, #tpu.memory_space<hbm>>) target(%dma_start3A_74 : memref<640x128xf32, #tpu.memory_space<vmem_shared>>) target_semaphore(%run_scoped3A : memref<!tpu.dma_semaphore, #tpu.memory_space<semaphore_mem>>)
      %dma_wait3A_77 = arith.constant 0 : i32
      %dma_wait3A_78 = tpu.memref_slice %arg10[%mul3A_4, %dma_wait3A_77] : memref<10240x128xf32, #tpu.memory_space<vmem_shared>> -> memref<640x128xf32, #tpu.memory_space<vmem_shared>>
      %dma_wait3A_79 = arith.constant 0 : i32
      %dma_wait3A_80 = tpu.memref_slice %arg4[%mul3A_2, %dma_wait3A_79] : memref<10240x128xf32, #tpu.memory_space<hbm>> -> memref<640x128xf32, #tpu.memory_space<hbm>>
      tpu.wait_dma2 semaphore(%run_scoped3A : memref<!tpu.dma_semaphore, #tpu.memory_space<semaphore_mem>>) src(%dma_wait3A_80 : memref<640x128xf32, #tpu.memory_space<hbm>>) dst(%dma_wait3A_78 : memref<640x128xf32, #tpu.memory_space<vmem_shared>>)
      tpu.yield
    }) : () -> ()
    %barrier3A = arith.constant 0 : index
    tpu.barrier barrier_id(%barrier3A)
    "tpu.region"() ({
      %run_scoped3A = tpu.sem_alloc : memref<!tpu.dma_semaphore, #tpu.memory_space<semaphore_mem>>
      %dma_start3A_73 = arith.constant 0 : i32
      %dma_start3A_74 = arith.constant 0 : i32
      %dma_start3A_75 = tpu.memref_slice %arg3[%add3A, %dma_start3A_73, %dma_start3A_74] : memref<32x80x128xi32, #tpu.memory_space<hbm>> -> memref<1x40x128xi32, #tpu.memory_space<hbm>>
      %dma_start3A_76 = tpu.memref_squeeze %dma_start3A_75 : memref<1x40x128xi32, #tpu.memory_space<hbm>> -> memref<40x128xi32, #tpu.memory_space<hbm>>
      %dma_start3A_77 = arith.constant 0 : i32
      %dma_start3A_78 = arith.constant 0 : i32
      %dma_start3A_79 = tpu.memref_slice %arg3[%add3A, %dma_start3A_77, %dma_start3A_78] : memref<32x80x128xi32, #tpu.memory_space<hbm>> -> memref<1x40x128xi32, #tpu.memory_space<hbm>>
      %dma_start3A_80 = tpu.memref_squeeze %dma_start3A_79 : memref<1x40x128xi32, #tpu.memory_space<hbm>> -> memref<40x128xi32, #tpu.memory_space<hbm>>
      tpu.enqueue_dma source(%dma_start3A_80 : memref<40x128xi32, #tpu.memory_space<hbm>>) target(%arg6 : memref<40x128xi32, #tpu.memory_space<vmem>>) target_semaphore(%run_scoped3A : memref<!tpu.dma_semaphore, #tpu.memory_space<semaphore_mem>>)
      %dma_wait3A_81 = arith.constant 0 : i32
      %dma_wait3A_82 = arith.constant 0 : i32
      %dma_wait3A_83 = tpu.memref_slice %arg3[%add3A, %dma_wait3A_81, %dma_wait3A_82] : memref<32x80x128xi32, #tpu.memory_space<hbm>> -> memref<1x40x128xi32, #tpu.memory_space<hbm>>
      %dma_wait3A_84 = tpu.memref_squeeze %dma_wait3A_83 : memref<1x40x128xi32, #tpu.memory_space<hbm>> -> memref<40x128xi32, #tpu.memory_space<hbm>>
      %dma_wait3A_85 = arith.constant 0 : i32
      %dma_wait3A_86 = arith.constant 0 : i32
      %dma_wait3A_87 = tpu.memref_slice %arg3[%add3A, %dma_wait3A_85, %dma_wait3A_86] : memref<32x80x128xi32, #tpu.memory_space<hbm>> -> memref<1x40x128xi32, #tpu.memory_space<hbm>>
      %dma_wait3A_88 = tpu.memref_squeeze %dma_wait3A_87 : memref<1x40x128xi32, #tpu.memory_space<hbm>> -> memref<40x128xi32, #tpu.memory_space<hbm>>
      tpu.wait_dma2 semaphore(%run_scoped3A : memref<!tpu.dma_semaphore, #tpu.memory_space<semaphore_mem>>) src(%dma_wait3A_88 : memref<40x128xi32, #tpu.memory_space<hbm>>) dst(%arg6 : memref<40x128xi32, #tpu.memory_space<vmem>>)
      tpu.yield
    }) : () -> ()
    %scan3A = arith.constant 0 : i32
    %scan3A_5 = arith.constant 0 : i32
    %scan3A_6 = arith.constant 40 : i32
    %scan3A_7 = arith.addi %scan3A_5, %scan3A_6 : i32
    %scan3A_8 = arith.constant 1 : i32
    scf.for %scan3A_73 = %scan3A_5 to %scan3A_7 step %scan3A_8  : i32 {
      %get3A = arith.index_cast %scan3A_73 : i32 to index
      %get3A_74 = arith.constant 0 : index
      %get3A_75 = tpu.vector_load %arg6[%get3A, %get3A_74] {strides = array<i32>} : memref<40x128xi32, #tpu.memory_space<vmem>>, vector<1x16xi32>,
      %get3A_76 = vector.shape_cast %get3A_75 : vector<1x16xi32> to vector<16xi32>
      %shift_right_logical3A = arith.constant 14 : i32
      %shift_right_logical3A_77 = vector.broadcast %shift_right_logical3A : i32 to vector<16xi32>
      %shift_right_logical3A_78 = arith.shrui %get3A_76, %shift_right_logical3A_77 : vector<16xi32>
      %swap3A = arith.index_cast %scan3A_73 : i32 to index
      %swap3A_79 = arith.constant 0 : index
      %swap3A_80 = tpu.vector_load %arg6[%swap3A, %swap3A_79] {strides = array<i32>} : memref<40x128xi32, #tpu.memory_space<vmem>>, vector<1x16xi32>,
      %swap3A_81 = vector.shape_cast %swap3A_80 : vector<1x16xi32> to vector<16xi32>
      %swap3A_82 = vector.shape_cast %shift_right_logical3A_78 : vector<16xi32> to vector<1x16xi32>
      tpu.vector_store %arg6[%swap3A, %swap3A_79], %swap3A_82 {strides = array<i32>} : memref<40x128xi32, #tpu.memory_space<vmem>>, vector<1x16xi32>,
      %and3A = arith.constant 16383 : i32
      %and3A_83 = vector.broadcast %and3A : i32 to vector<16xi32>
      %and3A_84 = arith.andi %get3A_76, %and3A_83 : vector<16xi32>
      %swap3A_85 = arith.index_cast %scan3A_73 : i32 to index
      %swap3A_86 = arith.constant 0 : index
      %swap3A_87 = tpu.vector_load %arg7[%swap3A_85, %swap3A_86] {strides = array<i32>} : memref<40x128xi32, #tpu.memory_space<vmem>>, vector<1x16xi32>,
      %swap3A_88 = vector.shape_cast %swap3A_87 : vector<1x16xi32> to vector<16xi32>
      %swap3A_89 = vector.shape_cast %and3A_84 : vector<16xi32> to vector<1x16xi32>
      tpu.vector_store %arg7[%swap3A_85, %swap3A_86], %swap3A_89 {strides = array<i32>} : memref<40x128xi32, #tpu.memory_space<vmem>>, vector<1x16xi32>,
      %get3A_90 = arith.index_cast %scan3A_73 : i32 to index
      %get3A_91 = arith.constant 16 : index
      %get3A_92 = tpu.vector_load %arg6[%get3A_90, %get3A_91] {strides = array<i32>} : memref<40x128xi32, #tpu.memory_space<vmem>>, vector<1x16xi32>,
      %get3A_93 = vector.shape_cast %get3A_92 : vector<1x16xi32> to vector<16xi32>
      %shift_right_logical3A_94 = arith.constant 14 : i32
      %shift_right_logical3A_95 = vector.broadcast %shift_right_logical3A_94 : i32 to vector<16xi32>
      %shift_right_logical3A_96 = arith.shrui %get3A_93, %shift_right_logical3A_95 : vector<16xi32>
      %swap3A_97 = arith.index_cast %scan3A_73 : i32 to index
      %swap3A_98 = arith.constant 16 : index
      %swap3A_99 = tpu.vector_load %arg6[%swap3A_97, %swap3A_98] {strides = array<i32>} : memref<40x128xi32, #tpu.memory_space<vmem>>, vector<1x16xi32>,
      %swap3A_100 = vector.shape_cast %swap3A_99 : vector<1x16xi32> to vector<16xi32>
      %swap3A_101 = vector.shape_cast %shift_right_logical3A_96 : vector<16xi32> to vector<1x16xi32>
      tpu.vector_store %arg6[%swap3A_97, %swap3A_98], %swap3A_101 {strides = array<i32>} : memref<40x128xi32, #tpu.memory_space<vmem>>, vector<1x16xi32>,
      %and3A_102 = arith.constant 16383 : i32
      %and3A_103 = vector.broadcast %and3A_102 : i32 to vector<16xi32>
      %and3A_104 = arith.andi %get3A_93, %and3A_103 : vector<16xi32>
      %swap3A_105 = arith.index_cast %scan3A_73 : i32 to index
      %swap3A_106 = arith.constant 16 : index
      %swap3A_107 = tpu.vector_load %arg7[%swap3A_105, %swap3A_106] {strides = array<i32>} : memref<40x128xi32, #tpu.memory_space<vmem>>, vector<1x16xi32>,
      %swap3A_108 = vector.shape_cast %swap3A_107 : vector<1x16xi32> to vector<16xi32>
      %swap3A_109 = vector.shape_cast %and3A_104 : vector<16xi32> to vector<1x16xi32>
      tpu.vector_store %arg7[%swap3A_105, %swap3A_106], %swap3A_109 {strides = array<i32>} : memref<40x128xi32, #tpu.memory_space<vmem>>, vector<1x16xi32>,
      %get3A_110 = arith.index_cast %scan3A_73 : i32 to index
      %get3A_111 = arith.constant 32 : index
      %get3A_112 = tpu.vector_load %arg6[%get3A_110, %get3A_111] {strides = array<i32>} : memref<40x128xi32, #tpu.memory_space<vmem>>, vector<1x16xi32>,
      %get3A_113 = vector.shape_cast %get3A_112 : vector<1x16xi32> to vector<16xi32>
      %shift_right_logical3A_114 = arith.constant 14 : i32
      %shift_right_logical3A_115 = vector.broadcast %shift_right_logical3A_114 : i32 to vector<16xi32>
      %shift_right_logical3A_116 = arith.shrui %get3A_113, %shift_right_logical3A_115 : vector<16xi32>
      %swap3A_117 = arith.index_cast %scan3A_73 : i32 to index
      %swap3A_118 = arith.constant 32 : index
      %swap3A_119 = tpu.vector_load %arg6[%swap3A_117, %swap3A_118] {strides = array<i32>} : memref<40x128xi32, #tpu.memory_space<vmem>>, vector<1x16xi32>,
      %swap3A_120 = vector.shape_cast %swap3A_119 : vector<1x16xi32> to vector<16xi32>
      %swap3A_121 = vector.shape_cast %shift_right_logical3A_116 : vector<16xi32> to vector<1x16xi32>
      tpu.vector_store %arg6[%swap3A_117, %swap3A_118], %swap3A_121 {strides = array<i32>} : memref<40x128xi32, #tpu.memory_space<vmem>>, vector<1x16xi32>,
      %and3A_122 = arith.constant 16383 : i32
      %and3A_123 = vector.broadcast %and3A_122 : i32 to vector<16xi32>
      %and3A_124 = arith.andi %get3A_113, %and3A_123 : vector<16xi32>
      %swap3A_125 = arith.index_cast %scan3A_73 : i32 to index
      %swap3A_126 = arith.constant 32 : index
      %swap3A_127 = tpu.vector_load %arg7[%swap3A_125, %swap3A_126] {strides = array<i32>} : memref<40x128xi32, #tpu.memory_space<vmem>>, vector<1x16xi32>,
      %swap3A_128 = vector.shape_cast %swap3A_127 : vector<1x16xi32> to vector<16xi32>
      %swap3A_129 = vector.shape_cast %and3A_124 : vector<16xi32> to vector<1x16xi32>
      tpu.vector_store %arg7[%swap3A_125, %swap3A_126], %swap3A_129 {strides = array<i32>} : memref<40x128xi32, #tpu.memory_space<vmem>>, vector<1x16xi32>,
      %get3A_130 = arith.index_cast %scan3A_73 : i32 to index
      %get3A_131 = arith.constant 48 : index
      %get3A_132 = tpu.vector_load %arg6[%get3A_130, %get3A_131] {strides = array<i32>} : memref<40x128xi32, #tpu.memory_space<vmem>>, vector<1x16xi32>,
      %get3A_133 = vector.shape_cast %get3A_132 : vector<1x16xi32> to vector<16xi32>
      %shift_right_logical3A_134 = arith.constant 14 : i32
      %shift_right_logical3A_135 = vector.broadcast %shift_right_logical3A_134 : i32 to vector<16xi32>
      %shift_right_logical3A_136 = arith.shrui %get3A_133, %shift_right_logical3A_135 : vector<16xi32>
      %swap3A_137 = arith.index_cast %scan3A_73 : i32 to index
      %swap3A_138 = arith.constant 48 : index
      %swap3A_139 = tpu.vector_load %arg6[%swap3A_137, %swap3A_138] {strides = array<i32>} : memref<40x128xi32, #tpu.memory_space<vmem>>, vector<1x16xi32>,
      %swap3A_140 = vector.shape_cast %swap3A_139 : vector<1x16xi32> to vector<16xi32>
      %swap3A_141 = vector.shape_cast %shift_right_logical3A_136 : vector<16xi32> to vector<1x16xi32>
      tpu.vector_store %arg6[%swap3A_137, %swap3A_138], %swap3A_141 {strides = array<i32>} : memref<40x128xi32, #tpu.memory_space<vmem>>, vector<1x16xi32>,
      %and3A_142 = arith.constant 16383 : i32
      %and3A_143 = vector.broadcast %and3A_142 : i32 to vector<16xi32>
      %and3A_144 = arith.andi %get3A_133, %and3A_143 : vector<16xi32>
      %swap3A_145 = arith.index_cast %scan3A_73 : i32 to index
      %swap3A_146 = arith.constant 48 : index
      %swap3A_147 = tpu.vector_load %arg7[%swap3A_145, %swap3A_146] {strides = array<i32>} : memref<40x128xi32, #tpu.memory_space<vmem>>, vector<1x16xi32>,
      %swap3A_148 = vector.shape_cast %swap3A_147 : vector<1x16xi32> to vector<16xi32>
      %swap3A_149 = vector.shape_cast %and3A_144 : vector<16xi32> to vector<1x16xi32>
      tpu.vector_store %arg7[%swap3A_145, %swap3A_146], %swap3A_149 {strides = array<i32>} : memref<40x128xi32, #tpu.memory_space<vmem>>, vector<1x16xi32>,
      %get3A_150 = arith.index_cast %scan3A_73 : i32 to index
      %get3A_151 = arith.constant 64 : index
      %get3A_152 = tpu.vector_load %arg6[%get3A_150, %get3A_151] {strides = array<i32>} : memref<40x128xi32, #tpu.memory_space<vmem>>, vector<1x16xi32>,
      %get3A_153 = vector.shape_cast %get3A_152 : vector<1x16xi32> to vector<16xi32>
      %shift_right_logical3A_154 = arith.constant 14 : i32
      %shift_right_logical3A_155 = vector.broadcast %shift_right_logical3A_154 : i32 to vector<16xi32>
      %shift_right_logical3A_156 = arith.shrui %get3A_153, %shift_right_logical3A_155 : vector<16xi32>
      %swap3A_157 = arith.index_cast %scan3A_73 : i32 to index
      %swap3A_158 = arith.constant 64 : index
      %swap3A_159 = tpu.vector_load %arg6[%swap3A_157, %swap3A_158] {strides = array<i32>} : memref<40x128xi32, #tpu.memory_space<vmem>>, vector<1x16xi32>,
      %swap3A_160 = vector.shape_cast %swap3A_159 : vector<1x16xi32> to vector<16xi32>
      %swap3A_161 = vector.shape_cast %shift_right_logical3A_156 : vector<16xi32> to vector<1x16xi32>
      tpu.vector_store %arg6[%swap3A_157, %swap3A_158], %swap3A_161 {strides = array<i32>} : memref<40x128xi32, #tpu.memory_space<vmem>>, vector<1x16xi32>,
      %and3A_162 = arith.constant 16383 : i32
      %and3A_163 = vector.broadcast %and3A_162 : i32 to vector<16xi32>
      %and3A_164 = arith.andi %get3A_153, %and3A_163 : vector<16xi32>
      %swap3A_165 = arith.index_cast %scan3A_73 : i32 to index
      %swap3A_166 = arith.constant 64 : index
      %swap3A_167 = tpu.vector_load %arg7[%swap3A_165, %swap3A_166] {strides = array<i32>} : memref<40x128xi32, #tpu.memory_space<vmem>>, vector<1x16xi32>,
      %swap3A_168 = vector.shape_cast %swap3A_167 : vector<1x16xi32> to vector<16xi32>
      %swap3A_169 = vector.shape_cast %and3A_164 : vector<16xi32> to vector<1x16xi32>
      tpu.vector_store %arg7[%swap3A_165, %swap3A_166], %swap3A_169 {strides = array<i32>} : memref<40x128xi32, #tpu.memory_space<vmem>>, vector<1x16xi32>,
      %get3A_170 = arith.index_cast %scan3A_73 : i32 to index
      %get3A_171 = arith.constant 80 : index
      %get3A_172 = tpu.vector_load %arg6[%get3A_170, %get3A_171] {strides = array<i32>} : memref<40x128xi32, #tpu.memory_space<vmem>>, vector<1x16xi32>,
      %get3A_173 = vector.shape_cast %get3A_172 : vector<1x16xi32> to vector<16xi32>
      %shift_right_logical3A_174 = arith.constant 14 : i32
      %shift_right_logical3A_175 = vector.broadcast %shift_right_logical3A_174 : i32 to vector<16xi32>
      %shift_right_logical3A_176 = arith.shrui %get3A_173, %shift_right_logical3A_175 : vector<16xi32>
      %swap3A_177 = arith.index_cast %scan3A_73 : i32 to index
      %swap3A_178 = arith.constant 80 : index
      %swap3A_179 = tpu.vector_load %arg6[%swap3A_177, %swap3A_178] {strides = array<i32>} : memref<40x128xi32, #tpu.memory_space<vmem>>, vector<1x16xi32>,
      %swap3A_180 = vector.shape_cast %swap3A_179 : vector<1x16xi32> to vector<16xi32>
      %swap3A_181 = vector.shape_cast %shift_right_logical3A_176 : vector<16xi32> to vector<1x16xi32>
      tpu.vector_store %arg6[%swap3A_177, %swap3A_178], %swap3A_181 {strides = array<i32>} : memref<40x128xi32, #tpu.memory_space<vmem>>, vector<1x16xi32>,
      %and3A_182 = arith.constant 16383 : i32
      %and3A_183 = vector.broadcast %and3A_182 : i32 to vector<16xi32>
      %and3A_184 = arith.andi %get3A_173, %and3A_183 : vector<16xi32>
      %swap3A_185 = arith.index_cast %scan3A_73 : i32 to index
      %swap3A_186 = arith.constant 80 : index
      %swap3A_187 = tpu.vector_load %arg7[%swap3A_185, %swap3A_186] {strides = array<i32>} : memref<40x128xi32, #tpu.memory_space<vmem>>, vector<1x16xi32>,
      %swap3A_188 = vector.shape_cast %swap3A_187 : vector<1x16xi32> to vector<16xi32>
      %swap3A_189 = vector.shape_cast %and3A_184 : vector<16xi32> to vector<1x16xi32>
      tpu.vector_store %arg7[%swap3A_185, %swap3A_186], %swap3A_189 {strides = array<i32>} : memref<40x128xi32, #tpu.memory_space<vmem>>, vector<1x16xi32>,
      %get3A_190 = arith.index_cast %scan3A_73 : i32 to index
      %get3A_191 = arith.constant 96 : index
      %get3A_192 = tpu.vector_load %arg6[%get3A_190, %get3A_191] {strides = array<i32>} : memref<40x128xi32, #tpu.memory_space<vmem>>, vector<1x16xi32>,
      %get3A_193 = vector.shape_cast %get3A_192 : vector<1x16xi32> to vector<16xi32>
      %shift_right_logical3A_194 = arith.constant 14 : i32
      %shift_right_logical3A_195 = vector.broadcast %shift_right_logical3A_194 : i32 to vector<16xi32>
      %shift_right_logical3A_196 = arith.shrui %get3A_193, %shift_right_logical3A_195 : vector<16xi32>
      %swap3A_197 = arith.index_cast %scan3A_73 : i32 to index
      %swap3A_198 = arith.constant 96 : index
      %swap3A_199 = tpu.vector_load %arg6[%swap3A_197, %swap3A_198] {strides = array<i32>} : memref<40x128xi32, #tpu.memory_space<vmem>>, vector<1x16xi32>,
      %swap3A_200 = vector.shape_cast %swap3A_199 : vector<1x16xi32> to vector<16xi32>
      %swap3A_201 = vector.shape_cast %shift_right_logical3A_196 : vector<16xi32> to vector<1x16xi32>
      tpu.vector_store %arg6[%swap3A_197, %swap3A_198], %swap3A_201 {strides = array<i32>} : memref<40x128xi32, #tpu.memory_space<vmem>>, vector<1x16xi32>,
      %and3A_202 = arith.constant 16383 : i32
      %and3A_203 = vector.broadcast %and3A_202 : i32 to vector<16xi32>
      %and3A_204 = arith.andi %get3A_193, %and3A_203 : vector<16xi32>
      %swap3A_205 = arith.index_cast %scan3A_73 : i32 to index
      %swap3A_206 = arith.constant 96 : index
      %swap3A_207 = tpu.vector_load %arg7[%swap3A_205, %swap3A_206] {strides = array<i32>} : memref<40x128xi32, #tpu.memory_space<vmem>>, vector<1x16xi32>,
      %swap3A_208 = vector.shape_cast %swap3A_207 : vector<1x16xi32> to vector<16xi32>
      %swap3A_209 = vector.shape_cast %and3A_204 : vector<16xi32> to vector<1x16xi32>
      tpu.vector_store %arg7[%swap3A_205, %swap3A_206], %swap3A_209 {strides = array<i32>} : memref<40x128xi32, #tpu.memory_space<vmem>>, vector<1x16xi32>,
      %get3A_210 = arith.index_cast %scan3A_73 : i32 to index
      %get3A_211 = arith.constant 112 : index
      %get3A_212 = tpu.vector_load %arg6[%get3A_210, %get3A_211] {strides = array<i32>} : memref<40x128xi32, #tpu.memory_space<vmem>>, vector<1x16xi32>,
      %get3A_213 = vector.shape_cast %get3A_212 : vector<1x16xi32> to vector<16xi32>
      %shift_right_logical3A_214 = arith.constant 14 : i32
      %shift_right_logical3A_215 = vector.broadcast %shift_right_logical3A_214 : i32 to vector<16xi32>
      %shift_right_logical3A_216 = arith.shrui %get3A_213, %shift_right_logical3A_215 : vector<16xi32>
      %swap3A_217 = arith.index_cast %scan3A_73 : i32 to index
      %swap3A_218 = arith.constant 112 : index
      %swap3A_219 = tpu.vector_load %arg6[%swap3A_217, %swap3A_218] {strides = array<i32>} : memref<40x128xi32, #tpu.memory_space<vmem>>, vector<1x16xi32>,
      %swap3A_220 = vector.shape_cast %swap3A_219 : vector<1x16xi32> to vector<16xi32>
      %swap3A_221 = vector.shape_cast %shift_right_logical3A_216 : vector<16xi32> to vector<1x16xi32>
      tpu.vector_store %arg6[%swap3A_217, %swap3A_218], %swap3A_221 {strides = array<i32>} : memref<40x128xi32, #tpu.memory_space<vmem>>, vector<1x16xi32>,
      %and3A_222 = arith.constant 16383 : i32
      %and3A_223 = vector.broadcast %and3A_222 : i32 to vector<16xi32>
      %and3A_224 = arith.andi %get3A_213, %and3A_223 : vector<16xi32>
      %swap3A_225 = arith.index_cast %scan3A_73 : i32 to index
      %swap3A_226 = arith.constant 112 : index
      %swap3A_227 = tpu.vector_load %arg7[%swap3A_225, %swap3A_226] {strides = array<i32>} : memref<40x128xi32, #tpu.memory_space<vmem>>, vector<1x16xi32>,
      %swap3A_228 = vector.shape_cast %swap3A_227 : vector<1x16xi32> to vector<16xi32>
      %swap3A_229 = vector.shape_cast %and3A_224 : vector<16xi32> to vector<1x16xi32>
      tpu.vector_store %arg7[%swap3A_225, %swap3A_226], %swap3A_229 {strides = array<i32>} : memref<40x128xi32, #tpu.memory_space<vmem>>, vector<1x16xi32>,
    }
    %scan3A_9 = arith.constant 40 : i32
    %dma_start3A = arith.constant 0 : i32
    %dma_start3A_10 = arith.constant 0 : i32
    %dma_start3A_11 = tpu.memref_slice %arg6[%dma_start3A, %dma_start3A_10] : memref<40x128xi32, #tpu.memory_space<vmem>> -> memref<1x128xi32, #tpu.memory_space<vmem>>
    %dma_start3A_12 = tpu.memref_squeeze %dma_start3A_11 : memref<1x128xi32, #tpu.memory_space<vmem>> -> memref<128xi32, #tpu.memory_space<vmem>>
    %dma_start3A_13 = arith.constant 0 : i32
    %dma_start3A_14 = arith.constant 0 : i32
    %dma_start3A_15 = tpu.memref_slice %arg2[%dma_start3A_13, %dma_start3A_14] : memref<10000x128xf32, #tpu.memory_space<hbm>> -> memref<10000x128xf32, #tpu.memory_space<hbm>>
    tpu.enqueue_indirect_dma source(%dma_start3A_15 : memref<10000x128xf32, #tpu.memory_space<hbm>>) target(%arg8 : memref<128x128xf32, #tpu.memory_space<vmem>>) offsets(%dma_start3A_12 : memref<128xi32, #tpu.memory_space<vmem>>) semaphore(%arg11 : memref<!tpu.dma_semaphore, #tpu.memory_space<semaphore_mem>>)
    %scan3A_16 = arith.constant 0 : i32
    %scan3A_17 = arith.constant 0 : i32
    %scan3A_18 = arith.constant 20 : i32
    %scan3A_19 = arith.addi %scan3A_17, %scan3A_18 : i32
    %scan3A_20 = arith.constant 1 : i32
    scf.for %scan3A_73 = %scan3A_17 to %scan3A_19 step %scan3A_20  : i32 {
      %mul3A_74 = arith.constant 2 : i32
      %mul3A_75 = arith.muli %mul3A_74, %scan3A_73 : i32
      %add3A_76 = arith.constant 0 : i32
      %add3A_77 = arith.addi %mul3A_75, %add3A_76 : i32
      %dma_wait3A_78 = arith.constant 0 : i32
      %dma_wait3A_79 = tpu.memref_slice %arg6[%add3A_77, %dma_wait3A_78] : memref<40x128xi32, #tpu.memory_space<vmem>> -> memref<1x128xi32, #tpu.memory_space<vmem>>
      %dma_wait3A_80 = tpu.memref_squeeze %dma_wait3A_79 : memref<1x128xi32, #tpu.memory_space<vmem>> -> memref<128xi32, #tpu.memory_space<vmem>>
      %dma_wait3A_81 = arith.constant 0 : i32
      %dma_wait3A_82 = arith.constant 0 : i32
      %dma_wait3A_83 = tpu.memref_slice %arg2[%dma_wait3A_81, %dma_wait3A_82] : memref<10000x128xf32, #tpu.memory_space<hbm>> -> memref<10000x128xf32, #tpu.memory_space<hbm>>
      tpu.wait_indirect_dma semaphore(%arg11 : memref<!tpu.dma_semaphore, #tpu.memory_space<semaphore_mem>>) src(%dma_wait3A_83 : memref<10000x128xf32, #tpu.memory_space<hbm>>) dst(%arg8 : memref<128x128xf32, #tpu.memory_space<vmem>>)
      %dma_start3A_84 = arith.constant 0 : i32
      %dma_start3A_85 = tpu.memref_slice %arg7[%add3A_77, %dma_start3A_84] : memref<40x128xi32, #tpu.memory_space<vmem>> -> memref<1x128xi32, #tpu.memory_space<vmem>>
      %dma_start3A_86 = tpu.memref_squeeze %dma_start3A_85 : memref<1x128xi32, #tpu.memory_space<vmem>> -> memref<128xi32, #tpu.memory_space<vmem>>
      %dma_start3A_87 = arith.constant 0 : i32
      %dma_start3A_88 = arith.constant 0 : i32
      %dma_start3A_89 = tpu.memref_slice %arg10[%dma_start3A_87, %dma_start3A_88] : memref<10240x128xf32, #tpu.memory_space<vmem_shared>> -> memref<10240x128xf32, #tpu.memory_space<vmem_shared>>
      tpu.enqueue_indirect_dma source(%arg8 : memref<128x128xf32, #tpu.memory_space<vmem>>) target(%dma_start3A_89 : memref<10240x128xf32, #tpu.memory_space<vmem_shared>>) offsets(%dma_start3A_86 : memref<128xi32, #tpu.memory_space<vmem>>) semaphore(%arg13 : memref<!tpu.dma_semaphore, #tpu.memory_space<semaphore_mem>>) {add = true}
      %add3A_90 = arith.constant 1 : i32
      %add3A_91 = arith.addi %add3A_77, %add3A_90 : i32
      %lt3A = arith.constant 40 : i32
      %lt3A_92 = arith.cmpi slt, %add3A_91, %lt3A : i32
      %ge3A = arith.constant 1 : i32
      %ge3A_93 = arith.cmpi sge, %add3A_77, %ge3A : i32
      %and3A = arith.andi %lt3A_92, %ge3A_93 : i1
      %convert_element_type3A = arith.extui %and3A : i1 to i32
      %cond3A = arith.constant 0 : i32
      %cond3A_94 = arith.cmpi ne, %convert_element_type3A, %cond3A : i32
      scf.if %cond3A_94 {
        %sub3A = arith.constant 1 : i32
        %sub3A_135 = arith.subi %add3A_77, %sub3A : i32
        %dma_wait3A_136 = arith.constant 0 : i32
        %dma_wait3A_137 = tpu.memref_slice %arg7[%sub3A_135, %dma_wait3A_136] : memref<40x128xi32, #tpu.memory_space<vmem>> -> memref<1x128xi32, #tpu.memory_space<vmem>>
        %dma_wait3A_138 = tpu.memref_squeeze %dma_wait3A_137 : memref<1x128xi32, #tpu.memory_space<vmem>> -> memref<128xi32, #tpu.memory_space<vmem>>
        %dma_wait3A_139 = arith.constant 0 : i32
        %dma_wait3A_140 = arith.constant 0 : i32
        %dma_wait3A_141 = tpu.memref_slice %arg10[%dma_wait3A_139, %dma_wait3A_140] : memref<10240x128xf32, #tpu.memory_space<vmem_shared>> -> memref<10240x128xf32, #tpu.memory_space<vmem_shared>>
        tpu.wait_indirect_dma semaphore(%arg14 : memref<!tpu.dma_semaphore, #tpu.memory_space<semaphore_mem>>) src(%arg9 : memref<128x128xf32, #tpu.memory_space<vmem>>) dst(%dma_wait3A_141 : memref<10240x128xf32, #tpu.memory_space<vmem_shared>>)
      } else {
      }
      %add3A_95 = arith.constant 1 : i32
      %add3A_96 = arith.addi %add3A_77, %add3A_95 : i32
      %lt3A_97 = arith.constant 40 : i32
      %lt3A_98 = arith.cmpi slt, %add3A_96, %lt3A_97 : i32
      %convert_element_type3A_99 = arith.extui %lt3A_98 : i1 to i32
      %cond3A_100 = arith.constant 0 : i32
      %cond3A_101 = arith.cmpi ne, %convert_element_type3A_99, %cond3A_100 : i32
      scf.if %cond3A_101 {
        %add3A_135 = arith.constant 1 : i32
        %add3A_136 = arith.addi %add3A_77, %add3A_135 : i32
        %dma_start3A_137 = arith.constant 0 : i32
        %dma_start3A_138 = tpu.memref_slice %arg6[%add3A_136, %dma_start3A_137] : memref<40x128xi32, #tpu.memory_space<vmem>> -> memref<1x128xi32, #tpu.memory_space<vmem>>
        %dma_start3A_139 = tpu.memref_squeeze %dma_start3A_138 : memref<1x128xi32, #tpu.memory_space<vmem>> -> memref<128xi32, #tpu.memory_space<vmem>>
        %dma_start3A_140 = arith.constant 0 : i32
        %dma_start3A_141 = arith.constant 0 : i32
        %dma_start3A_142 = tpu.memref_slice %arg2[%dma_start3A_140, %dma_start3A_141] : memref<10000x128xf32, #tpu.memory_space<hbm>> -> memref<10000x128xf32, #tpu.memory_space<hbm>>
        tpu.enqueue_indirect_dma source(%dma_start3A_142 : memref<10000x128xf32, #tpu.memory_space<hbm>>) target(%arg9 : memref<128x128xf32, #tpu.memory_space<vmem>>) offsets(%dma_start3A_139 : memref<128xi32, #tpu.memory_space<vmem>>) semaphore(%arg12 : memref<!tpu.dma_semaphore, #tpu.memory_space<semaphore_mem>>)
      } else {
      }
      %mul3A_102 = arith.constant 2 : i32
      %mul3A_103 = arith.muli %mul3A_102, %scan3A_73 : i32
      %add3A_104 = arith.constant 1 : i32
      %add3A_105 = arith.addi %mul3A_103, %add3A_104 : i32
      %dma_wait3A_106 = arith.constant 0 : i32
      %dma_wait3A_107 = tpu.memref_slice %arg6[%add3A_105, %dma_wait3A_106] : memref<40x128xi32, #tpu.memory_space<vmem>> -> memref<1x128xi32, #tpu.memory_space<vmem>>
      %dma_wait3A_108 = tpu.memref_squeeze %dma_wait3A_107 : memref<1x128xi32, #tpu.memory_space<vmem>> -> memref<128xi32, #tpu.memory_space<vmem>>
      %dma_wait3A_109 = arith.constant 0 : i32
      %dma_wait3A_110 = arith.constant 0 : i32
      %dma_wait3A_111 = tpu.memref_slice %arg2[%dma_wait3A_109, %dma_wait3A_110] : memref<10000x128xf32, #tpu.memory_space<hbm>> -> memref<10000x128xf32, #tpu.memory_space<hbm>>
      tpu.wait_indirect_dma semaphore(%arg12 : memref<!tpu.dma_semaphore, #tpu.memory_space<semaphore_mem>>) src(%dma_wait3A_111 : memref<10000x128xf32, #tpu.memory_space<hbm>>) dst(%arg9 : memref<128x128xf32, #tpu.memory_space<vmem>>)
      %dma_start3A_112 = arith.constant 0 : i32
      %dma_start3A_113 = tpu.memref_slice %arg7[%add3A_105, %dma_start3A_112] : memref<40x128xi32, #tpu.memory_space<vmem>> -> memref<1x128xi32, #tpu.memory_space<vmem>>
      %dma_start3A_114 = tpu.memref_squeeze %dma_start3A_113 : memref<1x128xi32, #tpu.memory_space<vmem>> -> memref<128xi32, #tpu.memory_space<vmem>>
      %dma_start3A_115 = arith.constant 0 : i32
      %dma_start3A_116 = arith.constant 0 : i32
      %dma_start3A_117 = tpu.memref_slice %arg10[%dma_start3A_115, %dma_start3A_116] : memref<10240x128xf32, #tpu.memory_space<vmem_shared>> -> memref<10240x128xf32, #tpu.memory_space<vmem_shared>>
      tpu.enqueue_indirect_dma source(%arg9 : memref<128x128xf32, #tpu.memory_space<vmem>>) target(%dma_start3A_117 : memref<10240x128xf32, #tpu.memory_space<vmem_shared>>) offsets(%dma_start3A_114 : memref<128xi32, #tpu.memory_space<vmem>>) semaphore(%arg14 : memref<!tpu.dma_semaphore, #tpu.memory_space<semaphore_mem>>) {add = true}
      %add3A_118 = arith.constant 1 : i32
      %add3A_119 = arith.addi %add3A_105, %add3A_118 : i32
      %lt3A_120 = arith.constant 40 : i32
      %lt3A_121 = arith.cmpi slt, %add3A_119, %lt3A_120 : i32
      %ge3A_122 = arith.constant 1 : i32
      %ge3A_123 = arith.cmpi sge, %add3A_105, %ge3A_122 : i32
      %and3A_124 = arith.andi %lt3A_121, %ge3A_123 : i1
      %convert_element_type3A_125 = arith.extui %and3A_124 : i1 to i32
      %cond3A_126 = arith.constant 0 : i32
      %cond3A_127 = arith.cmpi ne, %convert_element_type3A_125, %cond3A_126 : i32
      scf.if %cond3A_127 {
        %sub3A = arith.constant 1 : i32
        %sub3A_135 = arith.subi %add3A_105, %sub3A : i32
        %dma_wait3A_136 = arith.constant 0 : i32
        %dma_wait3A_137 = tpu.memref_slice %arg7[%sub3A_135, %dma_wait3A_136] : memref<40x128xi32, #tpu.memory_space<vmem>> -> memref<1x128xi32, #tpu.memory_space<vmem>>
        %dma_wait3A_138 = tpu.memref_squeeze %dma_wait3A_137 : memref<1x128xi32, #tpu.memory_space<vmem>> -> memref<128xi32, #tpu.memory_space<vmem>>
        %dma_wait3A_139 = arith.constant 0 : i32
        %dma_wait3A_140 = arith.constant 0 : i32
        %dma_wait3A_141 = tpu.memref_slice %arg10[%dma_wait3A_139, %dma_wait3A_140] : memref<10240x128xf32, #tpu.memory_space<vmem_shared>> -> memref<10240x128xf32, #tpu.memory_space<vmem_shared>>
        tpu.wait_indirect_dma semaphore(%arg13 : memref<!tpu.dma_semaphore, #tpu.memory_space<semaphore_mem>>) src(%arg8 : memref<128x128xf32, #tpu.memory_space<vmem>>) dst(%dma_wait3A_141 : memref<10240x128xf32, #tpu.memory_space<vmem_shared>>)
      } else {
      }
      %add3A_128 = arith.constant 1 : i32
      %add3A_129 = arith.addi %add3A_105, %add3A_128 : i32
      %lt3A_130 = arith.constant 40 : i32
      %lt3A_131 = arith.cmpi slt, %add3A_129, %lt3A_130 : i32
      %convert_element_type3A_132 = arith.extui %lt3A_131 : i1 to i32
      %cond3A_133 = arith.constant 0 : i32
      %cond3A_134 = arith.cmpi ne, %convert_element_type3A_132, %cond3A_133 : i32
      scf.if %cond3A_134 {
        %add3A_135 = arith.constant 1 : i32
        %add3A_136 = arith.addi %add3A_105, %add3A_135 : i32
        %dma_start3A_137 = arith.constant 0 : i32
        %dma_start3A_138 = tpu.memref_slice %arg6[%add3A_136, %dma_start3A_137] : memref<40x128xi32, #tpu.memory_space<vmem>> -> memref<1x128xi32, #tpu.memory_space<vmem>>
        %dma_start3A_139 = tpu.memref_squeeze %dma_start3A_138 : memref<1x128xi32, #tpu.memory_space<vmem>> -> memref<128xi32, #tpu.memory_space<vmem>>
        %dma_start3A_140 = arith.constant 0 : i32
        %dma_start3A_141 = arith.constant 0 : i32
        %dma_start3A_142 = tpu.memref_slice %arg2[%dma_start3A_140, %dma_start3A_141] : memref<10000x128xf32, #tpu.memory_space<hbm>> -> memref<10000x128xf32, #tpu.memory_space<hbm>>
        tpu.enqueue_indirect_dma source(%dma_start3A_142 : memref<10000x128xf32, #tpu.memory_space<hbm>>) target(%arg8 : memref<128x128xf32, #tpu.memory_space<vmem>>) offsets(%dma_start3A_139 : memref<128xi32, #tpu.memory_space<vmem>>) semaphore(%arg11 : memref<!tpu.dma_semaphore, #tpu.memory_space<semaphore_mem>>)
      } else {
      }
    }
    %scan3A_21 = arith.constant 20 : i32
    %dma_wait3A = arith.constant 38 : i32
    %dma_wait3A_22 = arith.constant 0 : i32
    %dma_wait3A_23 = tpu.memref_slice %arg7[%dma_wait3A, %dma_wait3A_22] : memref<40x128xi32, #tpu.memory_space<vmem>> -> memref<1x128xi32, #tpu.memory_space<vmem>>
    %dma_wait3A_24 = tpu.memref_squeeze %dma_wait3A_23 : memref<1x128xi32, #tpu.memory_space<vmem>> -> memref<128xi32, #tpu.memory_space<vmem>>
    %dma_wait3A_25 = arith.constant 0 : i32
    %dma_wait3A_26 = arith.constant 0 : i32
    %dma_wait3A_27 = tpu.memref_slice %arg10[%dma_wait3A_25, %dma_wait3A_26] : memref<10240x128xf32, #tpu.memory_space<vmem_shared>> -> memref<10240x128xf32, #tpu.memory_space<vmem_shared>>
    tpu.wait_indirect_dma semaphore(%arg13 : memref<!tpu.dma_semaphore, #tpu.memory_space<semaphore_mem>>) src(%arg8 : memref<128x128xf32, #tpu.memory_space<vmem>>) dst(%dma_wait3A_27 : memref<10240x128xf32, #tpu.memory_space<vmem_shared>>)
    %dma_wait3A_28 = arith.constant 39 : i32
    %dma_wait3A_29 = arith.constant 0 : i32
    %dma_wait3A_30 = tpu.memref_slice %arg7[%dma_wait3A_28, %dma_wait3A_29] : memref<40x128xi32, #tpu.memory_space<vmem>> -> memref<1x128xi32, #tpu.memory_space<vmem>>
    %dma_wait3A_31 = tpu.memref_squeeze %dma_wait3A_30 : memref<1x128xi32, #tpu.memory_space<vmem>> -> memref<128xi32, #tpu.memory_space<vmem>>
    %dma_wait3A_32 = arith.constant 0 : i32
    %dma_wait3A_33 = arith.constant 0 : i32
    %dma_wait3A_34 = tpu.memref_slice %arg10[%dma_wait3A_32, %dma_wait3A_33] : memref<10240x128xf32, #tpu.memory_space<vmem_shared>> -> memref<10240x128xf32, #tpu.memory_space<vmem_shared>>
    tpu.wait_indirect_dma semaphore(%arg14 : memref<!tpu.dma_semaphore, #tpu.memory_space<semaphore_mem>>) src(%arg9 : memref<128x128xf32, #tpu.memory_space<vmem>>) dst(%dma_wait3A_34 : memref<10240x128xf32, #tpu.memory_space<vmem_shared>>)
    "tpu.region"() ({
      %run_scoped3A = tpu.sem_alloc : memref<!tpu.dma_semaphore, #tpu.memory_space<semaphore_mem>>
      %dma_start3A_73 = arith.constant 40 : i32
      %dma_start3A_74 = arith.constant 0 : i32
      %dma_start3A_75 = tpu.memref_slice %arg3[%add3A, %dma_start3A_73, %dma_start3A_74] : memref<32x80x128xi32, #tpu.memory_space<hbm>> -> memref<1x40x128xi32, #tpu.memory_space<hbm>>
      %dma_start3A_76 = tpu.memref_squeeze %dma_start3A_75 : memref<1x40x128xi32, #tpu.memory_space<hbm>> -> memref<40x128xi32, #tpu.memory_space<hbm>>
      %dma_start3A_77 = arith.constant 40 : i32
      %dma_start3A_78 = arith.constant 0 : i32
      %dma_start3A_79 = tpu.memref_slice %arg3[%add3A, %dma_start3A_77, %dma_start3A_78] : memref<32x80x128xi32, #tpu.memory_space<hbm>> -> memref<1x40x128xi32, #tpu.memory_space<hbm>>
      %dma_start3A_80 = tpu.memref_squeeze %dma_start3A_79 : memref<1x40x128xi32, #tpu.memory_space<hbm>> -> memref<40x128xi32, #tpu.memory_space<hbm>>
      tpu.enqueue_dma source(%dma_start3A_80 : memref<40x128xi32, #tpu.memory_space<hbm>>) target(%arg6 : memref<40x128xi32, #tpu.memory_space<vmem>>) target_semaphore(%run_scoped3A : memref<!tpu.dma_semaphore, #tpu.memory_space<semaphore_mem>>)
      %dma_wait3A_81 = arith.constant 40 : i32
      %dma_wait3A_82 = arith.constant 0 : i32
      %dma_wait3A_83 = tpu.memref_slice %arg3[%add3A, %dma_wait3A_81, %dma_wait3A_82] : memref<32x80x128xi32, #tpu.memory_space<hbm>> -> memref<1x40x128xi32, #tpu.memory_space<hbm>>
      %dma_wait3A_84 = tpu.memref_squeeze %dma_wait3A_83 : memref<1x40x128xi32, #tpu.memory_space<hbm>> -> memref<40x128xi32, #tpu.memory_space<hbm>>
      %dma_wait3A_85 = arith.constant 40 : i32
      %dma_wait3A_86 = arith.constant 0 : i32
      %dma_wait3A_87 = tpu.memref_slice %arg3[%add3A, %dma_wait3A_85, %dma_wait3A_86] : memref<32x80x128xi32, #tpu.memory_space<hbm>> -> memref<1x40x128xi32, #tpu.memory_space<hbm>>
      %dma_wait3A_88 = tpu.memref_squeeze %dma_wait3A_87 : memref<1x40x128xi32, #tpu.memory_space<hbm>> -> memref<40x128xi32, #tpu.memory_space<hbm>>
      tpu.wait_dma2 semaphore(%run_scoped3A : memref<!tpu.dma_semaphore, #tpu.memory_space<semaphore_mem>>) src(%dma_wait3A_88 : memref<40x128xi32, #tpu.memory_space<hbm>>) dst(%arg6 : memref<40x128xi32, #tpu.memory_space<vmem>>)
      tpu.yield
    }) : () -> ()
    %scan3A_35 = arith.constant 0 : i32
    %scan3A_36 = arith.constant 0 : i32
    %scan3A_37 = arith.constant 40 : i32
    %scan3A_38 = arith.addi %scan3A_36, %scan3A_37 : i32
    %scan3A_39 = arith.constant 1 : i32
    scf.for %scan3A_73 = %scan3A_36 to %scan3A_38 step %scan3A_39  : i32 {
      %get3A = arith.index_cast %scan3A_73 : i32 to index
      %get3A_74 = arith.constant 0 : index
      %get3A_75 = tpu.vector_load %arg6[%get3A, %get3A_74] {strides = array<i32>} : memref<40x128xi32, #tpu.memory_space<vmem>>, vector<1x16xi32>,
      %get3A_76 = vector.shape_cast %get3A_75 : vector<1x16xi32> to vector<16xi32>
      %shift_right_logical3A = arith.constant 14 : i32
      %shift_right_logical3A_77 = vector.broadcast %shift_right_logical3A : i32 to vector<16xi32>
      %shift_right_logical3A_78 = arith.shrui %get3A_76, %shift_right_logical3A_77 : vector<16xi32>
      %swap3A = arith.index_cast %scan3A_73 : i32 to index
      %swap3A_79 = arith.constant 0 : index
      %swap3A_80 = tpu.vector_load %arg6[%swap3A, %swap3A_79] {strides = array<i32>} : memref<40x128xi32, #tpu.memory_space<vmem>>, vector<1x16xi32>,
      %swap3A_81 = vector.shape_cast %swap3A_80 : vector<1x16xi32> to vector<16xi32>
      %swap3A_82 = vector.shape_cast %shift_right_logical3A_78 : vector<16xi32> to vector<1x16xi32>
      tpu.vector_store %arg6[%swap3A, %swap3A_79], %swap3A_82 {strides = array<i32>} : memref<40x128xi32, #tpu.memory_space<vmem>>, vector<1x16xi32>,
      %and3A = arith.constant 16383 : i32
      %and3A_83 = vector.broadcast %and3A : i32 to vector<16xi32>
      %and3A_84 = arith.andi %get3A_76, %and3A_83 : vector<16xi32>
      %swap3A_85 = arith.index_cast %scan3A_73 : i32 to index
      %swap3A_86 = arith.constant 0 : index
      %swap3A_87 = tpu.vector_load %arg7[%swap3A_85, %swap3A_86] {strides = array<i32>} : memref<40x128xi32, #tpu.memory_space<vmem>>, vector<1x16xi32>,
      %swap3A_88 = vector.shape_cast %swap3A_87 : vector<1x16xi32> to vector<16xi32>
      %swap3A_89 = vector.shape_cast %and3A_84 : vector<16xi32> to vector<1x16xi32>
      tpu.vector_store %arg7[%swap3A_85, %swap3A_86], %swap3A_89 {strides = array<i32>} : memref<40x128xi32, #tpu.memory_space<vmem>>, vector<1x16xi32>,
      %get3A_90 = arith.index_cast %scan3A_73 : i32 to index
      %get3A_91 = arith.constant 16 : index
      %get3A_92 = tpu.vector_load %arg6[%get3A_90, %get3A_91] {strides = array<i32>} : memref<40x128xi32, #tpu.memory_space<vmem>>, vector<1x16xi32>,
      %get3A_93 = vector.shape_cast %get3A_92 : vector<1x16xi32> to vector<16xi32>
      %shift_right_logical3A_94 = arith.constant 14 : i32
      %shift_right_logical3A_95 = vector.broadcast %shift_right_logical3A_94 : i32 to vector<16xi32>
      %shift_right_logical3A_96 = arith.shrui %get3A_93, %shift_right_logical3A_95 : vector<16xi32>
      %swap3A_97 = arith.index_cast %scan3A_73 : i32 to index
      %swap3A_98 = arith.constant 16 : index
      %swap3A_99 = tpu.vector_load %arg6[%swap3A_97, %swap3A_98] {strides = array<i32>} : memref<40x128xi32, #tpu.memory_space<vmem>>, vector<1x16xi32>,
      %swap3A_100 = vector.shape_cast %swap3A_99 : vector<1x16xi32> to vector<16xi32>
      %swap3A_101 = vector.shape_cast %shift_right_logical3A_96 : vector<16xi32> to vector<1x16xi32>
      tpu.vector_store %arg6[%swap3A_97, %swap3A_98], %swap3A_101 {strides = array<i32>} : memref<40x128xi32, #tpu.memory_space<vmem>>, vector<1x16xi32>,
      %and3A_102 = arith.constant 16383 : i32
      %and3A_103 = vector.broadcast %and3A_102 : i32 to vector<16xi32>
      %and3A_104 = arith.andi %get3A_93, %and3A_103 : vector<16xi32>
      %swap3A_105 = arith.index_cast %scan3A_73 : i32 to index
      %swap3A_106 = arith.constant 16 : index
      %swap3A_107 = tpu.vector_load %arg7[%swap3A_105, %swap3A_106] {strides = array<i32>} : memref<40x128xi32, #tpu.memory_space<vmem>>, vector<1x16xi32>,
      %swap3A_108 = vector.shape_cast %swap3A_107 : vector<1x16xi32> to vector<16xi32>
      %swap3A_109 = vector.shape_cast %and3A_104 : vector<16xi32> to vector<1x16xi32>
      tpu.vector_store %arg7[%swap3A_105, %swap3A_106], %swap3A_109 {strides = array<i32>} : memref<40x128xi32, #tpu.memory_space<vmem>>, vector<1x16xi32>,
      %get3A_110 = arith.index_cast %scan3A_73 : i32 to index
      %get3A_111 = arith.constant 32 : index
      %get3A_112 = tpu.vector_load %arg6[%get3A_110, %get3A_111] {strides = array<i32>} : memref<40x128xi32, #tpu.memory_space<vmem>>, vector<1x16xi32>,
      %get3A_113 = vector.shape_cast %get3A_112 : vector<1x16xi32> to vector<16xi32>
      %shift_right_logical3A_114 = arith.constant 14 : i32
      %shift_right_logical3A_115 = vector.broadcast %shift_right_logical3A_114 : i32 to vector<16xi32>
      %shift_right_logical3A_116 = arith.shrui %get3A_113, %shift_right_logical3A_115 : vector<16xi32>
      %swap3A_117 = arith.index_cast %scan3A_73 : i32 to index
      %swap3A_118 = arith.constant 32 : index
      %swap3A_119 = tpu.vector_load %arg6[%swap3A_117, %swap3A_118] {strides = array<i32>} : memref<40x128xi32, #tpu.memory_space<vmem>>, vector<1x16xi32>,
      %swap3A_120 = vector.shape_cast %swap3A_119 : vector<1x16xi32> to vector<16xi32>
      %swap3A_121 = vector.shape_cast %shift_right_logical3A_116 : vector<16xi32> to vector<1x16xi32>
      tpu.vector_store %arg6[%swap3A_117, %swap3A_118], %swap3A_121 {strides = array<i32>} : memref<40x128xi32, #tpu.memory_space<vmem>>, vector<1x16xi32>,
      %and3A_122 = arith.constant 16383 : i32
      %and3A_123 = vector.broadcast %and3A_122 : i32 to vector<16xi32>
      %and3A_124 = arith.andi %get3A_113, %and3A_123 : vector<16xi32>
      %swap3A_125 = arith.index_cast %scan3A_73 : i32 to index
      %swap3A_126 = arith.constant 32 : index
      %swap3A_127 = tpu.vector_load %arg7[%swap3A_125, %swap3A_126] {strides = array<i32>} : memref<40x128xi32, #tpu.memory_space<vmem>>, vector<1x16xi32>,
      %swap3A_128 = vector.shape_cast %swap3A_127 : vector<1x16xi32> to vector<16xi32>
      %swap3A_129 = vector.shape_cast %and3A_124 : vector<16xi32> to vector<1x16xi32>
      tpu.vector_store %arg7[%swap3A_125, %swap3A_126], %swap3A_129 {strides = array<i32>} : memref<40x128xi32, #tpu.memory_space<vmem>>, vector<1x16xi32>,
      %get3A_130 = arith.index_cast %scan3A_73 : i32 to index
      %get3A_131 = arith.constant 48 : index
      %get3A_132 = tpu.vector_load %arg6[%get3A_130, %get3A_131] {strides = array<i32>} : memref<40x128xi32, #tpu.memory_space<vmem>>, vector<1x16xi32>,
      %get3A_133 = vector.shape_cast %get3A_132 : vector<1x16xi32> to vector<16xi32>
      %shift_right_logical3A_134 = arith.constant 14 : i32
      %shift_right_logical3A_135 = vector.broadcast %shift_right_logical3A_134 : i32 to vector<16xi32>
      %shift_right_logical3A_136 = arith.shrui %get3A_133, %shift_right_logical3A_135 : vector<16xi32>
      %swap3A_137 = arith.index_cast %scan3A_73 : i32 to index
      %swap3A_138 = arith.constant 48 : index
      %swap3A_139 = tpu.vector_load %arg6[%swap3A_137, %swap3A_138] {strides = array<i32>} : memref<40x128xi32, #tpu.memory_space<vmem>>, vector<1x16xi32>,
      %swap3A_140 = vector.shape_cast %swap3A_139 : vector<1x16xi32> to vector<16xi32>
      %swap3A_141 = vector.shape_cast %shift_right_logical3A_136 : vector<16xi32> to vector<1x16xi32>
      tpu.vector_store %arg6[%swap3A_137, %swap3A_138], %swap3A_141 {strides = array<i32>} : memref<40x128xi32, #tpu.memory_space<vmem>>, vector<1x16xi32>,
      %and3A_142 = arith.constant 16383 : i32
      %and3A_143 = vector.broadcast %and3A_142 : i32 to vector<16xi32>
      %and3A_144 = arith.andi %get3A_133, %and3A_143 : vector<16xi32>
      %swap3A_145 = arith.index_cast %scan3A_73 : i32 to index
      %swap3A_146 = arith.constant 48 : index
      %swap3A_147 = tpu.vector_load %arg7[%swap3A_145, %swap3A_146] {strides = array<i32>} : memref<40x128xi32, #tpu.memory_space<vmem>>, vector<1x16xi32>,
      %swap3A_148 = vector.shape_cast %swap3A_147 : vector<1x16xi32> to vector<16xi32>
      %swap3A_149 = vector.shape_cast %and3A_144 : vector<16xi32> to vector<1x16xi32>
      tpu.vector_store %arg7[%swap3A_145, %swap3A_146], %swap3A_149 {strides = array<i32>} : memref<40x128xi32, #tpu.memory_space<vmem>>, vector<1x16xi32>,
      %get3A_150 = arith.index_cast %scan3A_73 : i32 to index
      %get3A_151 = arith.constant 64 : index
      %get3A_152 = tpu.vector_load %arg6[%get3A_150, %get3A_151] {strides = array<i32>} : memref<40x128xi32, #tpu.memory_space<vmem>>, vector<1x16xi32>,
      %get3A_153 = vector.shape_cast %get3A_152 : vector<1x16xi32> to vector<16xi32>
      %shift_right_logical3A_154 = arith.constant 14 : i32
      %shift_right_logical3A_155 = vector.broadcast %shift_right_logical3A_154 : i32 to vector<16xi32>
      %shift_right_logical3A_156 = arith.shrui %get3A_153, %shift_right_logical3A_155 : vector<16xi32>
      %swap3A_157 = arith.index_cast %scan3A_73 : i32 to index
      %swap3A_158 = arith.constant 64 : index
      %swap3A_159 = tpu.vector_load %arg6[%swap3A_157, %swap3A_158] {strides = array<i32>} : memref<40x128xi32, #tpu.memory_space<vmem>>, vector<1x16xi32>,
      %swap3A_160 = vector.shape_cast %swap3A_159 : vector<1x16xi32> to vector<16xi32>
      %swap3A_161 = vector.shape_cast %shift_right_logical3A_156 : vector<16xi32> to vector<1x16xi32>
      tpu.vector_store %arg6[%swap3A_157, %swap3A_158], %swap3A_161 {strides = array<i32>} : memref<40x128xi32, #tpu.memory_space<vmem>>, vector<1x16xi32>,
      %and3A_162 = arith.constant 16383 : i32
      %and3A_163 = vector.broadcast %and3A_162 : i32 to vector<16xi32>
      %and3A_164 = arith.andi %get3A_153, %and3A_163 : vector<16xi32>
      %swap3A_165 = arith.index_cast %scan3A_73 : i32 to index
      %swap3A_166 = arith.constant 64 : index
      %swap3A_167 = tpu.vector_load %arg7[%swap3A_165, %swap3A_166] {strides = array<i32>} : memref<40x128xi32, #tpu.memory_space<vmem>>, vector<1x16xi32>,
      %swap3A_168 = vector.shape_cast %swap3A_167 : vector<1x16xi32> to vector<16xi32>
      %swap3A_169 = vector.shape_cast %and3A_164 : vector<16xi32> to vector<1x16xi32>
      tpu.vector_store %arg7[%swap3A_165, %swap3A_166], %swap3A_169 {strides = array<i32>} : memref<40x128xi32, #tpu.memory_space<vmem>>, vector<1x16xi32>,
      %get3A_170 = arith.index_cast %scan3A_73 : i32 to index
      %get3A_171 = arith.constant 80 : index
      %get3A_172 = tpu.vector_load %arg6[%get3A_170, %get3A_171] {strides = array<i32>} : memref<40x128xi32, #tpu.memory_space<vmem>>, vector<1x16xi32>,
      %get3A_173 = vector.shape_cast %get3A_172 : vector<1x16xi32> to vector<16xi32>
      %shift_right_logical3A_174 = arith.constant 14 : i32
      %shift_right_logical3A_175 = vector.broadcast %shift_right_logical3A_174 : i32 to vector<16xi32>
      %shift_right_logical3A_176 = arith.shrui %get3A_173, %shift_right_logical3A_175 : vector<16xi32>
      %swap3A_177 = arith.index_cast %scan3A_73 : i32 to index
      %swap3A_178 = arith.constant 80 : index
      %swap3A_179 = tpu.vector_load %arg6[%swap3A_177, %swap3A_178] {strides = array<i32>} : memref<40x128xi32, #tpu.memory_space<vmem>>, vector<1x16xi32>,
      %swap3A_180 = vector.shape_cast %swap3A_179 : vector<1x16xi32> to vector<16xi32>
      %swap3A_181 = vector.shape_cast %shift_right_logical3A_176 : vector<16xi32> to vector<1x16xi32>
      tpu.vector_store %arg6[%swap3A_177, %swap3A_178], %swap3A_181 {strides = array<i32>} : memref<40x128xi32, #tpu.memory_space<vmem>>, vector<1x16xi32>,
      %and3A_182 = arith.constant 16383 : i32
      %and3A_183 = vector.broadcast %and3A_182 : i32 to vector<16xi32>
      %and3A_184 = arith.andi %get3A_173, %and3A_183 : vector<16xi32>
      %swap3A_185 = arith.index_cast %scan3A_73 : i32 to index
      %swap3A_186 = arith.constant 80 : index
      %swap3A_187 = tpu.vector_load %arg7[%swap3A_185, %swap3A_186] {strides = array<i32>} : memref<40x128xi32, #tpu.memory_space<vmem>>, vector<1x16xi32>,
      %swap3A_188 = vector.shape_cast %swap3A_187 : vector<1x16xi32> to vector<16xi32>
      %swap3A_189 = vector.shape_cast %and3A_184 : vector<16xi32> to vector<1x16xi32>
      tpu.vector_store %arg7[%swap3A_185, %swap3A_186], %swap3A_189 {strides = array<i32>} : memref<40x128xi32, #tpu.memory_space<vmem>>, vector<1x16xi32>,
      %get3A_190 = arith.index_cast %scan3A_73 : i32 to index
      %get3A_191 = arith.constant 96 : index
      %get3A_192 = tpu.vector_load %arg6[%get3A_190, %get3A_191] {strides = array<i32>} : memref<40x128xi32, #tpu.memory_space<vmem>>, vector<1x16xi32>,
      %get3A_193 = vector.shape_cast %get3A_192 : vector<1x16xi32> to vector<16xi32>
      %shift_right_logical3A_194 = arith.constant 14 : i32
      %shift_right_logical3A_195 = vector.broadcast %shift_right_logical3A_194 : i32 to vector<16xi32>
      %shift_right_logical3A_196 = arith.shrui %get3A_193, %shift_right_logical3A_195 : vector<16xi32>
      %swap3A_197 = arith.index_cast %scan3A_73 : i32 to index
      %swap3A_198 = arith.constant 96 : index
      %swap3A_199 = tpu.vector_load %arg6[%swap3A_197, %swap3A_198] {strides = array<i32>} : memref<40x128xi32, #tpu.memory_space<vmem>>, vector<1x16xi32>,
      %swap3A_200 = vector.shape_cast %swap3A_199 : vector<1x16xi32> to vector<16xi32>
      %swap3A_201 = vector.shape_cast %shift_right_logical3A_196 : vector<16xi32> to vector<1x16xi32>
      tpu.vector_store %arg6[%swap3A_197, %swap3A_198], %swap3A_201 {strides = array<i32>} : memref<40x128xi32, #tpu.memory_space<vmem>>, vector<1x16xi32>,
      %and3A_202 = arith.constant 16383 : i32
      %and3A_203 = vector.broadcast %and3A_202 : i32 to vector<16xi32>
      %and3A_204 = arith.andi %get3A_193, %and3A_203 : vector<16xi32>
      %swap3A_205 = arith.index_cast %scan3A_73 : i32 to index
      %swap3A_206 = arith.constant 96 : index
      %swap3A_207 = tpu.vector_load %arg7[%swap3A_205, %swap3A_206] {strides = array<i32>} : memref<40x128xi32, #tpu.memory_space<vmem>>, vector<1x16xi32>,
      %swap3A_208 = vector.shape_cast %swap3A_207 : vector<1x16xi32> to vector<16xi32>
      %swap3A_209 = vector.shape_cast %and3A_204 : vector<16xi32> to vector<1x16xi32>
      tpu.vector_store %arg7[%swap3A_205, %swap3A_206], %swap3A_209 {strides = array<i32>} : memref<40x128xi32, #tpu.memory_space<vmem>>, vector<1x16xi32>,
      %get3A_210 = arith.index_cast %scan3A_73 : i32 to index
      %get3A_211 = arith.constant 112 : index
      %get3A_212 = tpu.vector_load %arg6[%get3A_210, %get3A_211] {strides = array<i32>} : memref<40x128xi32, #tpu.memory_space<vmem>>, vector<1x16xi32>,
      %get3A_213 = vector.shape_cast %get3A_212 : vector<1x16xi32> to vector<16xi32>
      %shift_right_logical3A_214 = arith.constant 14 : i32
      %shift_right_logical3A_215 = vector.broadcast %shift_right_logical3A_214 : i32 to vector<16xi32>
      %shift_right_logical3A_216 = arith.shrui %get3A_213, %shift_right_logical3A_215 : vector<16xi32>
      %swap3A_217 = arith.index_cast %scan3A_73 : i32 to index
      %swap3A_218 = arith.constant 112 : index
      %swap3A_219 = tpu.vector_load %arg6[%swap3A_217, %swap3A_218] {strides = array<i32>} : memref<40x128xi32, #tpu.memory_space<vmem>>, vector<1x16xi32>,
      %swap3A_220 = vector.shape_cast %swap3A_219 : vector<1x16xi32> to vector<16xi32>
      %swap3A_221 = vector.shape_cast %shift_right_logical3A_216 : vector<16xi32> to vector<1x16xi32>
      tpu.vector_store %arg6[%swap3A_217, %swap3A_218], %swap3A_221 {strides = array<i32>} : memref<40x128xi32, #tpu.memory_space<vmem>>, vector<1x16xi32>,
      %and3A_222 = arith.constant 16383 : i32
      %and3A_223 = vector.broadcast %and3A_222 : i32 to vector<16xi32>
      %and3A_224 = arith.andi %get3A_213, %and3A_223 : vector<16xi32>
      %swap3A_225 = arith.index_cast %scan3A_73 : i32 to index
      %swap3A_226 = arith.constant 112 : index
      %swap3A_227 = tpu.vector_load %arg7[%swap3A_225, %swap3A_226] {strides = array<i32>} : memref<40x128xi32, #tpu.memory_space<vmem>>, vector<1x16xi32>,
      %swap3A_228 = vector.shape_cast %swap3A_227 : vector<1x16xi32> to vector<16xi32>
      %swap3A_229 = vector.shape_cast %and3A_224 : vector<16xi32> to vector<1x16xi32>
      tpu.vector_store %arg7[%swap3A_225, %swap3A_226], %swap3A_229 {strides = array<i32>} : memref<40x128xi32, #tpu.memory_space<vmem>>, vector<1x16xi32>,
    }
    %scan3A_40 = arith.constant 40 : i32
    %dma_start3A_41 = arith.constant 0 : i32
    %dma_start3A_42 = arith.constant 0 : i32
    %dma_start3A_43 = tpu.memref_slice %arg6[%dma_start3A_41, %dma_start3A_42] : memref<40x128xi32, #tpu.memory_space<vmem>> -> memref<1x128xi32, #tpu.memory_space<vmem>>
    %dma_start3A_44 = tpu.memref_squeeze %dma_start3A_43 : memref<1x128xi32, #tpu.memory_space<vmem>> -> memref<128xi32, #tpu.memory_space<vmem>>
    %dma_start3A_45 = arith.constant 0 : i32
    %dma_start3A_46 = arith.constant 0 : i32
    %dma_start3A_47 = tpu.memref_slice %arg2[%dma_start3A_45, %dma_start3A_46] : memref<10000x128xf32, #tpu.memory_space<hbm>> -> memref<10000x128xf32, #tpu.memory_space<hbm>>
    tpu.enqueue_indirect_dma source(%dma_start3A_47 : memref<10000x128xf32, #tpu.memory_space<hbm>>) target(%arg8 : memref<128x128xf32, #tpu.memory_space<vmem>>) offsets(%dma_start3A_44 : memref<128xi32, #tpu.memory_space<vmem>>) semaphore(%arg11 : memref<!tpu.dma_semaphore, #tpu.memory_space<semaphore_mem>>)
    %scan3A_48 = arith.constant 0 : i32
    %scan3A_49 = arith.constant 0 : i32
    %scan3A_50 = arith.constant 20 : i32
    %scan3A_51 = arith.addi %scan3A_49, %scan3A_50 : i32
    %scan3A_52 = arith.constant 1 : i32
    scf.for %scan3A_73 = %scan3A_49 to %scan3A_51 step %scan3A_52  : i32 {
      %mul3A_74 = arith.constant 2 : i32
      %mul3A_75 = arith.muli %mul3A_74, %scan3A_73 : i32
      %add3A_76 = arith.constant 0 : i32
      %add3A_77 = arith.addi %mul3A_75, %add3A_76 : i32
      %dma_wait3A_78 = arith.constant 0 : i32
      %dma_wait3A_79 = tpu.memref_slice %arg6[%add3A_77, %dma_wait3A_78] : memref<40x128xi32, #tpu.memory_space<vmem>> -> memref<1x128xi32, #tpu.memory_space<vmem>>
      %dma_wait3A_80 = tpu.memref_squeeze %dma_wait3A_79 : memref<1x128xi32, #tpu.memory_space<vmem>> -> memref<128xi32, #tpu.memory_space<vmem>>
      %dma_wait3A_81 = arith.constant 0 : i32
      %dma_wait3A_82 = arith.constant 0 : i32
      %dma_wait3A_83 = tpu.memref_slice %arg2[%dma_wait3A_81, %dma_wait3A_82] : memref<10000x128xf32, #tpu.memory_space<hbm>> -> memref<10000x128xf32, #tpu.memory_space<hbm>>
      tpu.wait_indirect_dma semaphore(%arg11 : memref<!tpu.dma_semaphore, #tpu.memory_space<semaphore_mem>>) src(%dma_wait3A_83 : memref<10000x128xf32, #tpu.memory_space<hbm>>) dst(%arg8 : memref<128x128xf32, #tpu.memory_space<vmem>>)
      %dma_start3A_84 = arith.constant 0 : i32
      %dma_start3A_85 = tpu.memref_slice %arg7[%add3A_77, %dma_start3A_84] : memref<40x128xi32, #tpu.memory_space<vmem>> -> memref<1x128xi32, #tpu.memory_space<vmem>>
      %dma_start3A_86 = tpu.memref_squeeze %dma_start3A_85 : memref<1x128xi32, #tpu.memory_space<vmem>> -> memref<128xi32, #tpu.memory_space<vmem>>
      %dma_start3A_87 = arith.constant 0 : i32
      %dma_start3A_88 = arith.constant 0 : i32
      %dma_start3A_89 = tpu.memref_slice %arg10[%dma_start3A_87, %dma_start3A_88] : memref<10240x128xf32, #tpu.memory_space<vmem_shared>> -> memref<10240x128xf32, #tpu.memory_space<vmem_shared>>
      tpu.enqueue_indirect_dma source(%arg8 : memref<128x128xf32, #tpu.memory_space<vmem>>) target(%dma_start3A_89 : memref<10240x128xf32, #tpu.memory_space<vmem_shared>>) offsets(%dma_start3A_86 : memref<128xi32, #tpu.memory_space<vmem>>) semaphore(%arg13 : memref<!tpu.dma_semaphore, #tpu.memory_space<semaphore_mem>>) {add = true}
      %add3A_90 = arith.constant 1 : i32
      %add3A_91 = arith.addi %add3A_77, %add3A_90 : i32
      %lt3A = arith.constant 40 : i32
      %lt3A_92 = arith.cmpi slt, %add3A_91, %lt3A : i32
      %ge3A = arith.constant 1 : i32
      %ge3A_93 = arith.cmpi sge, %add3A_77, %ge3A : i32
      %and3A = arith.andi %lt3A_92, %ge3A_93 : i1
      %convert_element_type3A = arith.extui %and3A : i1 to i32
      %cond3A = arith.constant 0 : i32
      %cond3A_94 = arith.cmpi ne, %convert_element_type3A, %cond3A : i32
      scf.if %cond3A_94 {
        %sub3A = arith.constant 1 : i32
        %sub3A_135 = arith.subi %add3A_77, %sub3A : i32
        %dma_wait3A_136 = arith.constant 0 : i32
        %dma_wait3A_137 = tpu.memref_slice %arg7[%sub3A_135, %dma_wait3A_136] : memref<40x128xi32, #tpu.memory_space<vmem>> -> memref<1x128xi32, #tpu.memory_space<vmem>>
        %dma_wait3A_138 = tpu.memref_squeeze %dma_wait3A_137 : memref<1x128xi32, #tpu.memory_space<vmem>> -> memref<128xi32, #tpu.memory_space<vmem>>
        %dma_wait3A_139 = arith.constant 0 : i32
        %dma_wait3A_140 = arith.constant 0 : i32
        %dma_wait3A_141 = tpu.memref_slice %arg10[%dma_wait3A_139, %dma_wait3A_140] : memref<10240x128xf32, #tpu.memory_space<vmem_shared>> -> memref<10240x128xf32, #tpu.memory_space<vmem_shared>>
        tpu.wait_indirect_dma semaphore(%arg14 : memref<!tpu.dma_semaphore, #tpu.memory_space<semaphore_mem>>) src(%arg9 : memref<128x128xf32, #tpu.memory_space<vmem>>) dst(%dma_wait3A_141 : memref<10240x128xf32, #tpu.memory_space<vmem_shared>>)
      } else {
      }
      %add3A_95 = arith.constant 1 : i32
      %add3A_96 = arith.addi %add3A_77, %add3A_95 : i32
      %lt3A_97 = arith.constant 40 : i32
      %lt3A_98 = arith.cmpi slt, %add3A_96, %lt3A_97 : i32
      %convert_element_type3A_99 = arith.extui %lt3A_98 : i1 to i32
      %cond3A_100 = arith.constant 0 : i32
      %cond3A_101 = arith.cmpi ne, %convert_element_type3A_99, %cond3A_100 : i32
      scf.if %cond3A_101 {
        %add3A_135 = arith.constant 1 : i32
        %add3A_136 = arith.addi %add3A_77, %add3A_135 : i32
        %dma_start3A_137 = arith.constant 0 : i32
        %dma_start3A_138 = tpu.memref_slice %arg6[%add3A_136, %dma_start3A_137] : memref<40x128xi32, #tpu.memory_space<vmem>> -> memref<1x128xi32, #tpu.memory_space<vmem>>
        %dma_start3A_139 = tpu.memref_squeeze %dma_start3A_138 : memref<1x128xi32, #tpu.memory_space<vmem>> -> memref<128xi32, #tpu.memory_space<vmem>>
        %dma_start3A_140 = arith.constant 0 : i32
        %dma_start3A_141 = arith.constant 0 : i32
        %dma_start3A_142 = tpu.memref_slice %arg2[%dma_start3A_140, %dma_start3A_141] : memref<10000x128xf32, #tpu.memory_space<hbm>> -> memref<10000x128xf32, #tpu.memory_space<hbm>>
        tpu.enqueue_indirect_dma source(%dma_start3A_142 : memref<10000x128xf32, #tpu.memory_space<hbm>>) target(%arg9 : memref<128x128xf32, #tpu.memory_space<vmem>>) offsets(%dma_start3A_139 : memref<128xi32, #tpu.memory_space<vmem>>) semaphore(%arg12 : memref<!tpu.dma_semaphore, #tpu.memory_space<semaphore_mem>>)
      } else {
      }
      %mul3A_102 = arith.constant 2 : i32
      %mul3A_103 = arith.muli %mul3A_102, %scan3A_73 : i32
      %add3A_104 = arith.constant 1 : i32
      %add3A_105 = arith.addi %mul3A_103, %add3A_104 : i32
      %dma_wait3A_106 = arith.constant 0 : i32
      %dma_wait3A_107 = tpu.memref_slice %arg6[%add3A_105, %dma_wait3A_106] : memref<40x128xi32, #tpu.memory_space<vmem>> -> memref<1x128xi32, #tpu.memory_space<vmem>>
      %dma_wait3A_108 = tpu.memref_squeeze %dma_wait3A_107 : memref<1x128xi32, #tpu.memory_space<vmem>> -> memref<128xi32, #tpu.memory_space<vmem>>
      %dma_wait3A_109 = arith.constant 0 : i32
      %dma_wait3A_110 = arith.constant 0 : i32
      %dma_wait3A_111 = tpu.memref_slice %arg2[%dma_wait3A_109, %dma_wait3A_110] : memref<10000x128xf32, #tpu.memory_space<hbm>> -> memref<10000x128xf32, #tpu.memory_space<hbm>>
      tpu.wait_indirect_dma semaphore(%arg12 : memref<!tpu.dma_semaphore, #tpu.memory_space<semaphore_mem>>) src(%dma_wait3A_111 : memref<10000x128xf32, #tpu.memory_space<hbm>>) dst(%arg9 : memref<128x128xf32, #tpu.memory_space<vmem>>)
      %dma_start3A_112 = arith.constant 0 : i32
      %dma_start3A_113 = tpu.memref_slice %arg7[%add3A_105, %dma_start3A_112] : memref<40x128xi32, #tpu.memory_space<vmem>> -> memref<1x128xi32, #tpu.memory_space<vmem>>
      %dma_start3A_114 = tpu.memref_squeeze %dma_start3A_113 : memref<1x128xi32, #tpu.memory_space<vmem>> -> memref<128xi32, #tpu.memory_space<vmem>>
      %dma_start3A_115 = arith.constant 0 : i32
      %dma_start3A_116 = arith.constant 0 : i32
      %dma_start3A_117 = tpu.memref_slice %arg10[%dma_start3A_115, %dma_start3A_116] : memref<10240x128xf32, #tpu.memory_space<vmem_shared>> -> memref<10240x128xf32, #tpu.memory_space<vmem_shared>>
      tpu.enqueue_indirect_dma source(%arg9 : memref<128x128xf32, #tpu.memory_space<vmem>>) target(%dma_start3A_117 : memref<10240x128xf32, #tpu.memory_space<vmem_shared>>) offsets(%dma_start3A_114 : memref<128xi32, #tpu.memory_space<vmem>>) semaphore(%arg14 : memref<!tpu.dma_semaphore, #tpu.memory_space<semaphore_mem>>) {add = true}
      %add3A_118 = arith.constant 1 : i32
      %add3A_119 = arith.addi %add3A_105, %add3A_118 : i32
      %lt3A_120 = arith.constant 40 : i32
      %lt3A_121 = arith.cmpi slt, %add3A_119, %lt3A_120 : i32
      %ge3A_122 = arith.constant 1 : i32
      %ge3A_123 = arith.cmpi sge, %add3A_105, %ge3A_122 : i32
      %and3A_124 = arith.andi %lt3A_121, %ge3A_123 : i1
      %convert_element_type3A_125 = arith.extui %and3A_124 : i1 to i32
      %cond3A_126 = arith.constant 0 : i32
      %cond3A_127 = arith.cmpi ne, %convert_element_type3A_125, %cond3A_126 : i32
      scf.if %cond3A_127 {
        %sub3A = arith.constant 1 : i32
        %sub3A_135 = arith.subi %add3A_105, %sub3A : i32
        %dma_wait3A_136 = arith.constant 0 : i32
        %dma_wait3A_137 = tpu.memref_slice %arg7[%sub3A_135, %dma_wait3A_136] : memref<40x128xi32, #tpu.memory_space<vmem>> -> memref<1x128xi32, #tpu.memory_space<vmem>>
        %dma_wait3A_138 = tpu.memref_squeeze %dma_wait3A_137 : memref<1x128xi32, #tpu.memory_space<vmem>> -> memref<128xi32, #tpu.memory_space<vmem>>
        %dma_wait3A_139 = arith.constant 0 : i32
        %dma_wait3A_140 = arith.constant 0 : i32
        %dma_wait3A_141 = tpu.memref_slice %arg10[%dma_wait3A_139, %dma_wait3A_140] : memref<10240x128xf32, #tpu.memory_space<vmem_shared>> -> memref<10240x128xf32, #tpu.memory_space<vmem_shared>>
        tpu.wait_indirect_dma semaphore(%arg13 : memref<!tpu.dma_semaphore, #tpu.memory_space<semaphore_mem>>) src(%arg8 : memref<128x128xf32, #tpu.memory_space<vmem>>) dst(%dma_wait3A_141 : memref<10240x128xf32, #tpu.memory_space<vmem_shared>>)
      } else {
      }
      %add3A_128 = arith.constant 1 : i32
      %add3A_129 = arith.addi %add3A_105, %add3A_128 : i32
      %lt3A_130 = arith.constant 40 : i32
      %lt3A_131 = arith.cmpi slt, %add3A_129, %lt3A_130 : i32
      %convert_element_type3A_132 = arith.extui %lt3A_131 : i1 to i32
      %cond3A_133 = arith.constant 0 : i32
      %cond3A_134 = arith.cmpi ne, %convert_element_type3A_132, %cond3A_133 : i32
      scf.if %cond3A_134 {
        %add3A_135 = arith.constant 1 : i32
        %add3A_136 = arith.addi %add3A_105, %add3A_135 : i32
        %dma_start3A_137 = arith.constant 0 : i32
        %dma_start3A_138 = tpu.memref_slice %arg6[%add3A_136, %dma_start3A_137] : memref<40x128xi32, #tpu.memory_space<vmem>> -> memref<1x128xi32, #tpu.memory_space<vmem>>
        %dma_start3A_139 = tpu.memref_squeeze %dma_start3A_138 : memref<1x128xi32, #tpu.memory_space<vmem>> -> memref<128xi32, #tpu.memory_space<vmem>>
        %dma_start3A_140 = arith.constant 0 : i32
        %dma_start3A_141 = arith.constant 0 : i32
        %dma_start3A_142 = tpu.memref_slice %arg2[%dma_start3A_140, %dma_start3A_141] : memref<10000x128xf32, #tpu.memory_space<hbm>> -> memref<10000x128xf32, #tpu.memory_space<hbm>>
        tpu.enqueue_indirect_dma source(%dma_start3A_142 : memref<10000x128xf32, #tpu.memory_space<hbm>>) target(%arg8 : memref<128x128xf32, #tpu.memory_space<vmem>>) offsets(%dma_start3A_139 : memref<128xi32, #tpu.memory_space<vmem>>) semaphore(%arg11 : memref<!tpu.dma_semaphore, #tpu.memory_space<semaphore_mem>>)
      } else {
      }
    }
    %scan3A_53 = arith.constant 20 : i32
    %dma_wait3A_54 = arith.constant 38 : i32
    %dma_wait3A_55 = arith.constant 0 : i32
    %dma_wait3A_56 = tpu.memref_slice %arg7[%dma_wait3A_54, %dma_wait3A_55] : memref<40x128xi32, #tpu.memory_space<vmem>> -> memref<1x128xi32, #tpu.memory_space<vmem>>
    %dma_wait3A_57 = tpu.memref_squeeze %dma_wait3A_56 : memref<1x128xi32, #tpu.memory_space<vmem>> -> memref<128xi32, #tpu.memory_space<vmem>>
    %dma_wait3A_58 = arith.constant 0 : i32
    %dma_wait3A_59 = arith.constant 0 : i32
    %dma_wait3A_60 = tpu.memref_slice %arg10[%dma_wait3A_58, %dma_wait3A_59] : memref<10240x128xf32, #tpu.memory_space<vmem_shared>> -> memref<10240x128xf32, #tpu.memory_space<vmem_shared>>
    tpu.wait_indirect_dma semaphore(%arg13 : memref<!tpu.dma_semaphore, #tpu.memory_space<semaphore_mem>>) src(%arg8 : memref<128x128xf32, #tpu.memory_space<vmem>>) dst(%dma_wait3A_60 : memref<10240x128xf32, #tpu.memory_space<vmem_shared>>)
    %dma_wait3A_61 = arith.constant 39 : i32
    %dma_wait3A_62 = arith.constant 0 : i32
    %dma_wait3A_63 = tpu.memref_slice %arg7[%dma_wait3A_61, %dma_wait3A_62] : memref<40x128xi32, #tpu.memory_space<vmem>> -> memref<1x128xi32, #tpu.memory_space<vmem>>
    %dma_wait3A_64 = tpu.memref_squeeze %dma_wait3A_63 : memref<1x128xi32, #tpu.memory_space<vmem>> -> memref<128xi32, #tpu.memory_space<vmem>>
    %dma_wait3A_65 = arith.constant 0 : i32
    %dma_wait3A_66 = arith.constant 0 : i32
    %dma_wait3A_67 = tpu.memref_slice %arg10[%dma_wait3A_65, %dma_wait3A_66] : memref<10240x128xf32, #tpu.memory_space<vmem_shared>> -> memref<10240x128xf32, #tpu.memory_space<vmem_shared>>
    tpu.wait_indirect_dma semaphore(%arg14 : memref<!tpu.dma_semaphore, #tpu.memory_space<semaphore_mem>>) src(%arg9 : memref<128x128xf32, #tpu.memory_space<vmem>>) dst(%dma_wait3A_67 : memref<10240x128xf32, #tpu.memory_space<vmem_shared>>)
    %barrier3A_68 = arith.constant 0 : index
    tpu.barrier barrier_id(%barrier3A_68)
    %mul3A_69 = arith.constant 640 : i32
    %mul3A_70 = arith.muli %arg1, %mul3A_69 : i32
    %mul3A_71 = arith.constant 640 : i32
    %mul3A_72 = arith.muli %arg1, %mul3A_71 : i32
    "tpu.region"() ({
      %run_scoped3A = tpu.sem_alloc : memref<!tpu.dma_semaphore, #tpu.memory_space<semaphore_mem>>
      %dma_start3A_73 = arith.constant 0 : i32
      %dma_start3A_74 = tpu.memref_slice %arg5[%arg0, %mul3A_72, %dma_start3A_73] : memref<2x10240x128xf32, #tpu.memory_space<hbm>> -> memref<1x640x128xf32, #tpu.memory_space<hbm>>
      %dma_start3A_75 = tpu.memref_squeeze %dma_start3A_74 : memref<1x640x128xf32, #tpu.memory_space<hbm>> -> memref<640x128xf32, #tpu.memory_space<hbm>>
      %dma_start3A_76 = arith.constant 0 : i32
      %dma_start3A_77 = tpu.memref_slice %arg10[%mul3A_70, %dma_start3A_76] : memref<10240x128xf32, #tpu.memory_space<vmem_shared>> -> memref<640x128xf32, #tpu.memory_space<vmem_shared>>
      tpu.enqueue_dma source(%dma_start3A_77 : memref<640x128xf32, #tpu.memory_space<vmem_shared>>) target(%dma_start3A_75 : memref<640x128xf32, #tpu.memory_space<hbm>>) target_semaphore(%run_scoped3A : memref<!tpu.dma_semaphore, #tpu.memory_space<semaphore_mem>>)
      %dma_wait3A_78 = arith.constant 0 : i32
      %dma_wait3A_79 = tpu.memref_slice %arg5[%arg0, %mul3A_72, %dma_wait3A_78] : memref<2x10240x128xf32, #tpu.memory_space<hbm>> -> memref<1x640x128xf32, #tpu.memory_space<hbm>>
      %dma_wait3A_80 = tpu.memref_squeeze %dma_wait3A_79 : memref<1x640x128xf32, #tpu.memory_space<hbm>> -> memref<640x128xf32, #tpu.memory_space<hbm>>
      %dma_wait3A_81 = arith.constant 0 : i32
      %dma_wait3A_82 = tpu.memref_slice %arg10[%mul3A_70, %dma_wait3A_81] : memref<10240x128xf32, #tpu.memory_space<vmem_shared>> -> memref<640x128xf32, #tpu.memory_space<vmem_shared>>
      tpu.wait_dma2 semaphore(%run_scoped3A : memref<!tpu.dma_semaphore, #tpu.memory_space<semaphore_mem>>) src(%dma_wait3A_82 : memref<640x128xf32, #tpu.memory_space<vmem_shared>>) dst(%dma_wait3A_80 : memref<640x128xf32, #tpu.memory_space<hbm>>)
      tpu.yield
    }) : () -> ()
    return
  }
}

module attributes {stable_mosaic.version = 14 : i64} {
  func.func @_fc_body(%arg0: i32, %arg1: memref<128x128xf32, #tpu.memory_space<vmem>>, %arg2: memref<128x128xf32, #tpu.memory_space<vmem>>, %arg3: memref<1x128xf32, #tpu.memory_space<vmem>>, %arg4: memref<2x2x128x1xf32, #tpu.memory_space<vmem>>, %arg5: memref<128x128xf32, #tpu.memory_space<vmem>>) attributes {dimension_semantics = [#tpu.dimension_semantics<arbitrary>], iteration_bounds = array<i64: 79>, scalar_prefetch = 0 : i64, scratch_operands = 0 : i64, tpu.core_type = #tpu.core_type<tc>, window_params = [{transform_indices = @transform_0, window_bounds = array<i64: 128, 128>}, {pipeline_mode = #tpu.pipeline_mode<synchronous>, transform_indices = @transform_1, window_bounds = array<i64: 128, 128>}, {pipeline_mode = #tpu.pipeline_mode<synchronous>, transform_indices = @transform_2, window_bounds = array<i64: 1, 128>}, {transform_indices = @transform_3, window_bounds = array<i64: 2, 2, 128, 1>}, {transform_indices = @transform_4, window_bounds = array<i64: 128, 128>}]} {
    %get3A = arith.constant 0 : index
    %get3A_0 = arith.constant 0 : index
    %get3A_1 = arith.constant 0 : index
    %get3A_2 = arith.constant 0 : index
    %get3A_3 = vector.load %arg4[%get3A, %get3A_0, %get3A_1, %get3A_2] : memref<2x2x128x1xf32, #tpu.memory_space<vmem>>, vector<2x2x128x1xf32>
    %slice3A = vector.extract_strided_slice %get3A_3 {offsets = [0, 0, 0, 0], sizes = [1, 1, 128, 1], strides = [1, 1, 1, 1]} : vector<2x2x128x1xf32> to vector<1x1x128x1xf32>
    %squeeze3A = vector.shape_cast %slice3A : vector<1x1x128x1xf32> to vector<128x1xf32>
    %slice3A_4 = vector.extract_strided_slice %get3A_3 {offsets = [1, 0, 0, 0], sizes = [1, 1, 128, 1], strides = [1, 1, 1, 1]} : vector<2x2x128x1xf32> to vector<1x1x128x1xf32>
    %squeeze3A_5 = vector.shape_cast %slice3A_4 : vector<1x1x128x1xf32> to vector<128x1xf32>
    %add3A = arith.addf %squeeze3A, %squeeze3A_5 : vector<128x1xf32>
    %max3A = arith.constant 1.000000e+00 : f32
    %max3A_6 = vector.broadcast %max3A : f32 to vector<128x1xf32>
    %max3A_7 = arith.maximumf %add3A, %max3A_6 : vector<128x1xf32>
    %rsqrt3A = math.rsqrt %max3A_7 : vector<128x1xf32>
    %get3A_8 = arith.constant 0 : index
    %get3A_9 = arith.constant 0 : index
    %get3A_10 = vector.load %arg1[%get3A_8, %get3A_9] : memref<128x128xf32, #tpu.memory_space<vmem>>, vector<128x128xf32>
    %get3A_11 = arith.constant 0 : index
    %get3A_12 = arith.constant 0 : index
    %get3A_13 = vector.load %arg2[%get3A_11, %get3A_12] : memref<128x128xf32, #tpu.memory_space<vmem>>, vector<128x128xf32>
    %dot_general3A = arith.constant dense<0.000000e+00> : vector<128x128xf32>
    %dot_general3A_14 = tpu.matmul %get3A_10, %get3A_13, %dot_general3A {dimension_numbers = #tpu.dot_dimension_numbers<[1], [0], [0], [1], [0, 0, 1, 1], [], []>, transpose_lhs_hint = false} : vector<128x128xf32>, vector<128x128xf32>, vector<128x128xf32> -> vector<128x128xf32>
    %get3A_15 = arith.constant 0 : index
    %get3A_16 = arith.constant 0 : index
    %get3A_17 = vector.load %arg3[%get3A_15, %get3A_16] : memref<1x128xf32, #tpu.memory_space<vmem>>, vector<1x128xf32>
    %add3A_18 = vector.broadcast %get3A_17 : vector<1x128xf32> to vector<128x128xf32>
    %add3A_19 = arith.addf %dot_general3A_14, %add3A_18 : vector<128x128xf32>
    %mul3A = vector.broadcast %rsqrt3A : vector<128x1xf32> to vector<128x128xf32>
    %mul3A_20 = arith.mulf %add3A_19, %mul3A : vector<128x128xf32>
    %swap3A = arith.constant 0 : index
    %swap3A_21 = arith.constant 0 : index
    %swap3A_22 = vector.load %arg5[%swap3A, %swap3A_21] : memref<128x128xf32, #tpu.memory_space<vmem>>, vector<128x128xf32>
    tpu.vector_store %arg5[%swap3A, %swap3A_21], %mul3A_20 {strides = array<i32>} : memref<128x128xf32, #tpu.memory_space<vmem>>, vector<128x128xf32>,
    return
  }
  func.func @transform_0(%arg0: i32) -> (i32, i32) {
    %c0_i32 = arith.constant 0 : i32
    %c0_i32_0 = arith.constant 0 : i32
    return %arg0, %c0_i32 : i32, i32
  }
  func.func @transform_1(%arg0: i32) -> (i32, i32) {
    %c0_i32 = arith.constant 0 : i32
    %c0_i32_0 = arith.constant 0 : i32
    %c0_i32_1 = arith.constant 0 : i32
    return %c0_i32, %c0_i32_0 : i32, i32
  }
  func.func @transform_2(%arg0: i32) -> (i32, i32) {
    %c0_i32 = arith.constant 0 : i32
    %c0_i32_0 = arith.constant 0 : i32
    %c0_i32_1 = arith.constant 0 : i32
    return %c0_i32, %c0_i32_0 : i32, i32
  }
  func.func @transform_3(%arg0: i32) -> (i32, i32, i32, i32) {
    %c0_i32 = arith.constant 0 : i32
    %c0_i32_0 = arith.constant 0 : i32
    %c0_i32_1 = arith.constant 0 : i32
    %c0_i32_2 = arith.constant 0 : i32
    return %c0_i32, %c0_i32_0, %arg0, %c0_i32_1 : i32, i32, i32, i32
  }
  func.func @transform_4(%arg0: i32) -> (i32, i32) {
    %c0_i32 = arith.constant 0 : i32
    %c0_i32_0 = arith.constant 0 : i32
    return %arg0, %c0_i32 : i32, i32
  }
}

module attributes {stable_mosaic.version = 14 : i64} {
  func.func @_layer_a_body(%arg0: i32, %arg1: memref<2x128x128xf32, #tpu.memory_space<vmem>>, %arg2: memref<2x2x128x1xf32, #tpu.memory_space<vmem>>, %arg3: memref<1x128xf32, #tpu.memory_space<vmem>>, %arg4: memref<128x128xf32, #tpu.memory_space<vmem>>) attributes {dimension_semantics = [#tpu.dimension_semantics<arbitrary>], iteration_bounds = array<i64: 79>, scalar_prefetch = 0 : i64, scratch_operands = 0 : i64, tpu.core_type = #tpu.core_type<tc>, window_params = [{transform_indices = @transform_0, window_bounds = array<i64: 2, 128, 128>}, {transform_indices = @transform_1, window_bounds = array<i64: 2, 2, 128, 1>}, {pipeline_mode = #tpu.pipeline_mode<synchronous>, transform_indices = @transform_2, window_bounds = array<i64: 1, 128>}, {transform_indices = @transform_3, window_bounds = array<i64: 128, 128>}]} {
    %get3A = arith.constant 0 : index
    %get3A_0 = arith.constant 0 : index
    %get3A_1 = arith.constant 0 : index
    %get3A_2 = arith.constant 0 : index
    %get3A_3 = vector.load %arg2[%get3A, %get3A_0, %get3A_1, %get3A_2] : memref<2x2x128x1xf32, #tpu.memory_space<vmem>>, vector<2x2x128x1xf32>
    %slice3A = vector.extract_strided_slice %get3A_3 {offsets = [0, 0, 0, 0], sizes = [1, 1, 128, 1], strides = [1, 1, 1, 1]} : vector<2x2x128x1xf32> to vector<1x1x128x1xf32>
    %squeeze3A = vector.shape_cast %slice3A : vector<1x1x128x1xf32> to vector<128x1xf32>
    %slice3A_4 = vector.extract_strided_slice %get3A_3 {offsets = [1, 0, 0, 0], sizes = [1, 1, 128, 1], strides = [1, 1, 1, 1]} : vector<2x2x128x1xf32> to vector<1x1x128x1xf32>
    %squeeze3A_5 = vector.shape_cast %slice3A_4 : vector<1x1x128x1xf32> to vector<128x1xf32>
    %add3A = arith.addf %squeeze3A, %squeeze3A_5 : vector<128x1xf32>
    %max3A = arith.constant 1.000000e+00 : f32
    %max3A_6 = vector.broadcast %max3A : f32 to vector<128x1xf32>
    %max3A_7 = arith.maximumf %add3A, %max3A_6 : vector<128x1xf32>
    %rsqrt3A = math.rsqrt %max3A_7 : vector<128x1xf32>
    %slice3A_8 = vector.extract_strided_slice %get3A_3 {offsets = [0, 1, 0, 0], sizes = [1, 1, 128, 1], strides = [1, 1, 1, 1]} : vector<2x2x128x1xf32> to vector<1x1x128x1xf32>
    %squeeze3A_9 = vector.shape_cast %slice3A_8 : vector<1x1x128x1xf32> to vector<128x1xf32>
    %slice3A_10 = vector.extract_strided_slice %get3A_3 {offsets = [1, 1, 0, 0], sizes = [1, 1, 128, 1], strides = [1, 1, 1, 1]} : vector<2x2x128x1xf32> to vector<1x1x128x1xf32>
    %squeeze3A_11 = vector.shape_cast %slice3A_10 : vector<1x1x128x1xf32> to vector<128x1xf32>
    %add3A_12 = arith.addf %squeeze3A_9, %squeeze3A_11 : vector<128x1xf32>
    %max3A_13 = arith.constant 1.000000e+00 : f32
    %max3A_14 = vector.broadcast %max3A_13 : f32 to vector<128x1xf32>
    %max3A_15 = arith.maximumf %add3A_12, %max3A_14 : vector<128x1xf32>
    %rsqrt3A_16 = math.rsqrt %max3A_15 : vector<128x1xf32>
    %get3A_17 = arith.constant 0 : index
    %get3A_18 = arith.constant 0 : index
    %get3A_19 = arith.constant 0 : index
    %get3A_20 = vector.load %arg1[%get3A_17, %get3A_18, %get3A_19] : memref<2x128x128xf32, #tpu.memory_space<vmem>>, vector<1x128x128xf32>
    %get3A_21 = vector.shape_cast %get3A_20 : vector<1x128x128xf32> to vector<128x128xf32>
    %get3A_22 = arith.constant 1 : index
    %get3A_23 = arith.constant 0 : index
    %get3A_24 = arith.constant 0 : index
    %get3A_25 = vector.load %arg1[%get3A_22, %get3A_23, %get3A_24] : memref<2x128x128xf32, #tpu.memory_space<vmem>>, vector<1x128x128xf32>
    %get3A_26 = vector.shape_cast %get3A_25 : vector<1x128x128xf32> to vector<128x128xf32>
    %add3A_27 = arith.addf %get3A_21, %get3A_26 : vector<128x128xf32>
    %mul3A = vector.broadcast %rsqrt3A_16 : vector<128x1xf32> to vector<128x128xf32>
    %mul3A_28 = arith.mulf %add3A_27, %mul3A : vector<128x128xf32>
    %get3A_29 = arith.constant 0 : index
    %get3A_30 = arith.constant 0 : index
    %get3A_31 = vector.load %arg3[%get3A_29, %get3A_30] : memref<1x128xf32, #tpu.memory_space<vmem>>, vector<1x128xf32>
    %add3A_32 = vector.broadcast %get3A_31 : vector<1x128xf32> to vector<128x128xf32>
    %add3A_33 = arith.addf %mul3A_28, %add3A_32 : vector<128x128xf32>
    %max3A_34 = arith.constant 0.000000e+00 : f32
    %max3A_35 = vector.broadcast %max3A_34 : f32 to vector<128x128xf32>
    %max3A_36 = arith.maximumf %add3A_33, %max3A_35 : vector<128x128xf32>
    %mul3A_37 = vector.broadcast %rsqrt3A : vector<128x1xf32> to vector<128x128xf32>
    %mul3A_38 = arith.mulf %max3A_36, %mul3A_37 : vector<128x128xf32>
    %swap3A = arith.constant 0 : index
    %swap3A_39 = arith.constant 0 : index
    %swap3A_40 = vector.load %arg4[%swap3A, %swap3A_39] : memref<128x128xf32, #tpu.memory_space<vmem>>, vector<128x128xf32>
    tpu.vector_store %arg4[%swap3A, %swap3A_39], %mul3A_38 {strides = array<i32>} : memref<128x128xf32, #tpu.memory_space<vmem>>, vector<128x128xf32>,
    return
  }
  func.func @transform_0(%arg0: i32) -> (i32, i32, i32) {
    %c0_i32 = arith.constant 0 : i32
    %c0_i32_0 = arith.constant 0 : i32
    %c0_i32_1 = arith.constant 0 : i32
    return %c0_i32, %arg0, %c0_i32_0 : i32, i32, i32
  }
  func.func @transform_1(%arg0: i32) -> (i32, i32, i32, i32) {
    %c0_i32 = arith.constant 0 : i32
    %c0_i32_0 = arith.constant 0 : i32
    %c0_i32_1 = arith.constant 0 : i32
    %c0_i32_2 = arith.constant 0 : i32
    return %c0_i32, %c0_i32_0, %arg0, %c0_i32_1 : i32, i32, i32, i32
  }
  func.func @transform_2(%arg0: i32) -> (i32, i32) {
    %c0_i32 = arith.constant 0 : i32
    %c0_i32_0 = arith.constant 0 : i32
    %c0_i32_1 = arith.constant 0 : i32
    return %c0_i32, %c0_i32_0 : i32, i32
  }
  func.func @transform_3(%arg0: i32) -> (i32, i32) {
    %c0_i32 = arith.constant 0 : i32
    %c0_i32_0 = arith.constant 0 : i32
    return %arg0, %c0_i32 : i32, i32
  }
}

module attributes {stable_mosaic.version = 14 : i64} {
  func.func @_layer_b_body(%arg0: i32, %arg1: memref<2x128x128xf32, #tpu.memory_space<vmem>>, %arg2: memref<2x2x128x1xf32, #tpu.memory_space<vmem>>, %arg3: memref<128x128xf32, #tpu.memory_space<vmem>>, %arg4: memref<1x128xf32, #tpu.memory_space<vmem>>, %arg5: memref<128x128xf32, #tpu.memory_space<vmem>>, %arg6: memref<128x128xf32, #tpu.memory_space<vmem>>) attributes {dimension_semantics = [#tpu.dimension_semantics<arbitrary>], iteration_bounds = array<i64: 79>, scalar_prefetch = 0 : i64, scratch_operands = 0 : i64, tpu.core_type = #tpu.core_type<tc>, window_params = [{transform_indices = @transform_0, window_bounds = array<i64: 2, 128, 128>}, {transform_indices = @transform_1, window_bounds = array<i64: 2, 2, 128, 1>}, {pipeline_mode = #tpu.pipeline_mode<synchronous>, transform_indices = @transform_2, window_bounds = array<i64: 128, 128>}, {pipeline_mode = #tpu.pipeline_mode<synchronous>, transform_indices = @transform_3, window_bounds = array<i64: 1, 128>}, {transform_indices = @transform_4, window_bounds = array<i64: 128, 128>}, {transform_indices = @transform_5, window_bounds = array<i64: 128, 128>}]} {
    %get3A = arith.constant 0 : index
    %get3A_0 = arith.constant 0 : index
    %get3A_1 = arith.constant 0 : index
    %get3A_2 = arith.constant 0 : index
    %get3A_3 = vector.load %arg2[%get3A, %get3A_0, %get3A_1, %get3A_2] : memref<2x2x128x1xf32, #tpu.memory_space<vmem>>, vector<2x2x128x1xf32>
    %slice3A = vector.extract_strided_slice %get3A_3 {offsets = [0, 0, 0, 0], sizes = [1, 1, 128, 1], strides = [1, 1, 1, 1]} : vector<2x2x128x1xf32> to vector<1x1x128x1xf32>
    %squeeze3A = vector.shape_cast %slice3A : vector<1x1x128x1xf32> to vector<128x1xf32>
    %slice3A_4 = vector.extract_strided_slice %get3A_3 {offsets = [1, 0, 0, 0], sizes = [1, 1, 128, 1], strides = [1, 1, 1, 1]} : vector<2x2x128x1xf32> to vector<1x1x128x1xf32>
    %squeeze3A_5 = vector.shape_cast %slice3A_4 : vector<1x1x128x1xf32> to vector<128x1xf32>
    %add3A = arith.addf %squeeze3A, %squeeze3A_5 : vector<128x1xf32>
    %max3A = arith.constant 1.000000e+00 : f32
    %max3A_6 = vector.broadcast %max3A : f32 to vector<128x1xf32>
    %max3A_7 = arith.maximumf %add3A, %max3A_6 : vector<128x1xf32>
    %rsqrt3A = math.rsqrt %max3A_7 : vector<128x1xf32>
    %slice3A_8 = vector.extract_strided_slice %get3A_3 {offsets = [0, 1, 0, 0], sizes = [1, 1, 128, 1], strides = [1, 1, 1, 1]} : vector<2x2x128x1xf32> to vector<1x1x128x1xf32>
    %squeeze3A_9 = vector.shape_cast %slice3A_8 : vector<1x1x128x1xf32> to vector<128x1xf32>
    %slice3A_10 = vector.extract_strided_slice %get3A_3 {offsets = [1, 1, 0, 0], sizes = [1, 1, 128, 1], strides = [1, 1, 1, 1]} : vector<2x2x128x1xf32> to vector<1x1x128x1xf32>
    %squeeze3A_11 = vector.shape_cast %slice3A_10 : vector<1x1x128x1xf32> to vector<128x1xf32>
    %add3A_12 = arith.addf %squeeze3A_9, %squeeze3A_11 : vector<128x1xf32>
    %max3A_13 = arith.constant 1.000000e+00 : f32
    %max3A_14 = vector.broadcast %max3A_13 : f32 to vector<128x1xf32>
    %max3A_15 = arith.maximumf %add3A_12, %max3A_14 : vector<128x1xf32>
    %rsqrt3A_16 = math.rsqrt %max3A_15 : vector<128x1xf32>
    %get3A_17 = arith.constant 0 : index
    %get3A_18 = arith.constant 0 : index
    %get3A_19 = arith.constant 0 : index
    %get3A_20 = vector.load %arg1[%get3A_17, %get3A_18, %get3A_19] : memref<2x128x128xf32, #tpu.memory_space<vmem>>, vector<1x128x128xf32>
    %get3A_21 = vector.shape_cast %get3A_20 : vector<1x128x128xf32> to vector<128x128xf32>
    %get3A_22 = arith.constant 1 : index
    %get3A_23 = arith.constant 0 : index
    %get3A_24 = arith.constant 0 : index
    %get3A_25 = vector.load %arg1[%get3A_22, %get3A_23, %get3A_24] : memref<2x128x128xf32, #tpu.memory_space<vmem>>, vector<1x128x128xf32>
    %get3A_26 = vector.shape_cast %get3A_25 : vector<1x128x128xf32> to vector<128x128xf32>
    %add3A_27 = arith.addf %get3A_21, %get3A_26 : vector<128x128xf32>
    %mul3A = vector.broadcast %rsqrt3A_16 : vector<128x1xf32> to vector<128x128xf32>
    %mul3A_28 = arith.mulf %add3A_27, %mul3A : vector<128x128xf32>
    %get3A_29 = arith.constant 0 : index
    %get3A_30 = arith.constant 0 : index
    %get3A_31 = vector.load %arg3[%get3A_29, %get3A_30] : memref<128x128xf32, #tpu.memory_space<vmem>>, vector<128x128xf32>
    %dot_general3A = arith.constant dense<0.000000e+00> : vector<128x128xf32>
    %dot_general3A_32 = tpu.matmul %mul3A_28, %get3A_31, %dot_general3A {dimension_numbers = #tpu.dot_dimension_numbers<[1], [0], [0], [1], [0, 0, 1, 1], [], []>, transpose_lhs_hint = false} : vector<128x128xf32>, vector<128x128xf32>, vector<128x128xf32> -> vector<128x128xf32>
    %get3A_33 = arith.constant 0 : index
    %get3A_34 = arith.constant 0 : index
    %get3A_35 = vector.load %arg4[%get3A_33, %get3A_34] : memref<1x128xf32, #tpu.memory_space<vmem>>, vector<1x128xf32>
    %add3A_36 = vector.broadcast %get3A_35 : vector<1x128xf32> to vector<128x128xf32>
    %add3A_37 = arith.addf %dot_general3A_32, %add3A_36 : vector<128x128xf32>
    %max3A_38 = arith.constant 0.000000e+00 : f32
    %max3A_39 = vector.broadcast %max3A_38 : f32 to vector<128x128xf32>
    %max3A_40 = arith.maximumf %add3A_37, %max3A_39 : vector<128x128xf32>
    %swap3A = arith.constant 0 : index
    %swap3A_41 = arith.constant 0 : index
    %swap3A_42 = vector.load %arg5[%swap3A, %swap3A_41] : memref<128x128xf32, #tpu.memory_space<vmem>>, vector<128x128xf32>
    tpu.vector_store %arg5[%swap3A, %swap3A_41], %max3A_40 {strides = array<i32>} : memref<128x128xf32, #tpu.memory_space<vmem>>, vector<128x128xf32>,
    %mul3A_43 = vector.broadcast %rsqrt3A : vector<128x1xf32> to vector<128x128xf32>
    %mul3A_44 = arith.mulf %max3A_40, %mul3A_43 : vector<128x128xf32>
    %swap3A_45 = arith.constant 0 : index
    %swap3A_46 = arith.constant 0 : index
    %swap3A_47 = vector.load %arg6[%swap3A_45, %swap3A_46] : memref<128x128xf32, #tpu.memory_space<vmem>>, vector<128x128xf32>
    tpu.vector_store %arg6[%swap3A_45, %swap3A_46], %mul3A_44 {strides = array<i32>} : memref<128x128xf32, #tpu.memory_space<vmem>>, vector<128x128xf32>,
    return
  }
  func.func @transform_0(%arg0: i32) -> (i32, i32, i32) {
    %c0_i32 = arith.constant 0 : i32
    %c0_i32_0 = arith.constant 0 : i32
    %c0_i32_1 = arith.constant 0 : i32
    return %c0_i32, %arg0, %c0_i32_0 : i32, i32, i32
  }
  func.func @transform_1(%arg0: i32) -> (i32, i32, i32, i32) {
    %c0_i32 = arith.constant 0 : i32
    %c0_i32_0 = arith.constant 0 : i32
    %c0_i32_1 = arith.constant 0 : i32
    %c0_i32_2 = arith.constant 0 : i32
    return %c0_i32, %c0_i32_0, %arg0, %c0_i32_1 : i32, i32, i32, i32
  }
  func.func @transform_2(%arg0: i32) -> (i32, i32) {
    %c0_i32 = arith.constant 0 : i32
    %c0_i32_0 = arith.constant 0 : i32
    %c0_i32_1 = arith.constant 0 : i32
    return %c0_i32, %c0_i32_0 : i32, i32
  }
  func.func @transform_3(%arg0: i32) -> (i32, i32) {
    %c0_i32 = arith.constant 0 : i32
    %c0_i32_0 = arith.constant 0 : i32
    %c0_i32_1 = arith.constant 0 : i32
    return %c0_i32, %c0_i32_0 : i32, i32
  }
  func.func @transform_4(%arg0: i32) -> (i32, i32) {
    %c0_i32 = arith.constant 0 : i32
    %c0_i32_0 = arith.constant 0 : i32
    return %arg0, %c0_i32 : i32, i32
  }
  func.func @transform_5(%arg0: i32) -> (i32, i32) {
    %c0_i32 = arith.constant 0 : i32
    %c0_i32_0 = arith.constant 0 : i32
    return %arg0, %c0_i32 : i32, i32
  }
}

module attributes {stable_mosaic.version = 14 : i64} {
  func.func @_layer_c_body(%arg0: i32, %arg1: memref<2x128x128xf32, #tpu.memory_space<vmem>>, %arg2: memref<2x2x128x1xf32, #tpu.memory_space<vmem>>, %arg3: memref<128x16xf32, #tpu.memory_space<vmem>>, %arg4: memref<1x16xf32, #tpu.memory_space<vmem>>, %arg5: memref<128x16xf32, #tpu.memory_space<vmem>>) attributes {dimension_semantics = [#tpu.dimension_semantics<arbitrary>], iteration_bounds = array<i64: 79>, scalar_prefetch = 0 : i64, scratch_operands = 0 : i64, tpu.core_type = #tpu.core_type<tc>, window_params = [{transform_indices = @transform_0, window_bounds = array<i64: 2, 128, 128>}, {transform_indices = @transform_1, window_bounds = array<i64: 2, 2, 128, 1>}, {pipeline_mode = #tpu.pipeline_mode<synchronous>, transform_indices = @transform_2, window_bounds = array<i64: 128, 16>}, {pipeline_mode = #tpu.pipeline_mode<synchronous>, transform_indices = @transform_3, window_bounds = array<i64: 1, 16>}, {transform_indices = @transform_4, window_bounds = array<i64: 128, 16>}]} {
    %get3A = arith.constant 0 : index
    %get3A_0 = arith.constant 0 : index
    %get3A_1 = arith.constant 0 : index
    %get3A_2 = arith.constant 0 : index
    %get3A_3 = vector.load %arg2[%get3A, %get3A_0, %get3A_1, %get3A_2] : memref<2x2x128x1xf32, #tpu.memory_space<vmem>>, vector<2x2x128x1xf32>
    %slice3A = vector.extract_strided_slice %get3A_3 {offsets = [0, 1, 0, 0], sizes = [1, 1, 128, 1], strides = [1, 1, 1, 1]} : vector<2x2x128x1xf32> to vector<1x1x128x1xf32>
    %squeeze3A = vector.shape_cast %slice3A : vector<1x1x128x1xf32> to vector<128x1xf32>
    %slice3A_4 = vector.extract_strided_slice %get3A_3 {offsets = [1, 1, 0, 0], sizes = [1, 1, 128, 1], strides = [1, 1, 1, 1]} : vector<2x2x128x1xf32> to vector<1x1x128x1xf32>
    %squeeze3A_5 = vector.shape_cast %slice3A_4 : vector<1x1x128x1xf32> to vector<128x1xf32>
    %add3A = arith.addf %squeeze3A, %squeeze3A_5 : vector<128x1xf32>
    %max3A = arith.constant 1.000000e+00 : f32
    %max3A_6 = vector.broadcast %max3A : f32 to vector<128x1xf32>
    %max3A_7 = arith.maximumf %add3A, %max3A_6 : vector<128x1xf32>
    %rsqrt3A = math.rsqrt %max3A_7 : vector<128x1xf32>
    %get3A_8 = arith.constant 0 : index
    %get3A_9 = arith.constant 0 : index
    %get3A_10 = arith.constant 0 : index
    %get3A_11 = vector.load %arg1[%get3A_8, %get3A_9, %get3A_10] : memref<2x128x128xf32, #tpu.memory_space<vmem>>, vector<1x128x128xf32>
    %get3A_12 = vector.shape_cast %get3A_11 : vector<1x128x128xf32> to vector<128x128xf32>
    %get3A_13 = arith.constant 1 : index
    %get3A_14 = arith.constant 0 : index
    %get3A_15 = arith.constant 0 : index
    %get3A_16 = vector.load %arg1[%get3A_13, %get3A_14, %get3A_15] : memref<2x128x128xf32, #tpu.memory_space<vmem>>, vector<1x128x128xf32>
    %get3A_17 = vector.shape_cast %get3A_16 : vector<1x128x128xf32> to vector<128x128xf32>
    %add3A_18 = arith.addf %get3A_12, %get3A_17 : vector<128x128xf32>
    %mul3A = vector.broadcast %rsqrt3A : vector<128x1xf32> to vector<128x128xf32>
    %mul3A_19 = arith.mulf %add3A_18, %mul3A : vector<128x128xf32>
    %get3A_20 = arith.constant 0 : index
    %get3A_21 = arith.constant 0 : index
    %get3A_22 = vector.load %arg3[%get3A_20, %get3A_21] : memref<128x16xf32, #tpu.memory_space<vmem>>, vector<128x16xf32>
    %dot_general3A = arith.constant dense<0.000000e+00> : vector<128x16xf32>
    %dot_general3A_23 = tpu.matmul %mul3A_19, %get3A_22, %dot_general3A {dimension_numbers = #tpu.dot_dimension_numbers<[1], [0], [0], [1], [0, 0, 1, 1], [], []>, transpose_lhs_hint = false} : vector<128x128xf32>, vector<128x16xf32>, vector<128x16xf32> -> vector<128x16xf32>
    %get3A_24 = arith.constant 0 : index
    %get3A_25 = arith.constant 0 : index
    %get3A_26 = vector.load %arg4[%get3A_24, %get3A_25] : memref<1x16xf32, #tpu.memory_space<vmem>>, vector<1x16xf32>
    %add3A_27 = vector.broadcast %get3A_26 : vector<1x16xf32> to vector<128x16xf32>
    %add3A_28 = arith.addf %dot_general3A_23, %add3A_27 : vector<128x16xf32>
    %swap3A = arith.constant 0 : index
    %swap3A_29 = arith.constant 0 : index
    %swap3A_30 = vector.load %arg5[%swap3A, %swap3A_29] : memref<128x16xf32, #tpu.memory_space<vmem>>, vector<128x16xf32>
    tpu.vector_store %arg5[%swap3A, %swap3A_29], %add3A_28 {strides = array<i32>} : memref<128x16xf32, #tpu.memory_space<vmem>>, vector<128x16xf32>,
    return
  }
  func.func @transform_0(%arg0: i32) -> (i32, i32, i32) {
    %c0_i32 = arith.constant 0 : i32
    %c0_i32_0 = arith.constant 0 : i32
    %c0_i32_1 = arith.constant 0 : i32
    return %c0_i32, %arg0, %c0_i32_0 : i32, i32, i32
  }
  func.func @transform_1(%arg0: i32) -> (i32, i32, i32, i32) {
    %c0_i32 = arith.constant 0 : i32
    %c0_i32_0 = arith.constant 0 : i32
    %c0_i32_1 = arith.constant 0 : i32
    %c0_i32_2 = arith.constant 0 : i32
    return %c0_i32, %c0_i32_0, %arg0, %c0_i32_1 : i32, i32, i32, i32
  }
  func.func @transform_2(%arg0: i32) -> (i32, i32) {
    %c0_i32 = arith.constant 0 : i32
    %c0_i32_0 = arith.constant 0 : i32
    %c0_i32_1 = arith.constant 0 : i32
    return %c0_i32, %c0_i32_0 : i32, i32
  }
  func.func @transform_3(%arg0: i32) -> (i32, i32) {
    %c0_i32 = arith.constant 0 : i32
    %c0_i32_0 = arith.constant 0 : i32
    %c0_i32_1 = arith.constant 0 : i32
    return %c0_i32, %c0_i32_0 : i32, i32
  }
  func.func @transform_4(%arg0: i32) -> (i32, i32) {
    %c0_i32 = arith.constant 0 : i32
    %c0_i32_0 = arith.constant 0 : i32
    return %arg0, %c0_i32 : i32, i32
  }
}

</mosaic_0001>

<sc_bundles>
// kernel: kernel.10.cloned.1.call-start
scs
__scs_entry_jumppad:
0x0: {  	(pc) =	sbr.rel $0x88, $3  }
0x1: {  	(tag) =	ssettag $0x0;
	lr =	simm.s32 $0x1  }
0x2: {  	[smem:$0x3F98] =	sst lr;
	_ =	strace $0xD0000000  }
0x3: {  	_ = 	snop  }
0x4: {  	_ = 	snop  }
0x5: {  	_ = 	snop  }
0x6: {  	_ = 	snop  }
0x7: {  	_ = 	snop  }
__scs_overlays_trampoline_lowered:
0x8: {  	[smem:$0x3FA7] =	sst s0  }
0x9: {  	[smem:$0x3FA8] =	sst s1  }
0xa: {  	[smem:$0x3FA9] =	sst s2  }
0xb: {  	[smem:$0x3FAA] =	sst s3  }
0xc: {  	[smem:$0x3FAB] =	sst s4  }
0xd: {  	[smem:$0x3FAC] =	sst s5  }
0xe: {  	[smem:$0x3FAD] =	sst s6  }
0xf: {  	[smem:$0x3FAE] =	sst s7  }
0x10: {  	[smem:$0x3FAF] =	sst s8  }
0x11: {  	[smem:$0x3FB0] =	sst s9;
	s0 =	simm.s32 @!p0 $0x0  }
0x12: {  	s1 =	sld [smem:$0x3F96];
	s0 =	simm.s32 @p0 $0x1  }
0x13: {  	[smem:$0x3FB1] =	sst s0;
	s0 =	simm.s32 @!p1 $0x0  }
0x14: {  	s2 =	sld [smem:$0x3F95];
	s0 =	simm.s32 @p1 $0x1  }
0x15: {  	[smem:$0x3FB2] =	sst s0;
	s0 =	simm.s32 @!p2 $0x0  }
0x16: {  	s3 =	sld [smem:$0x3FDB];
	s0 =	simm.s32 @p2 $0x1  }
0x17: {  	s4 =	simm.s32 $0x1BF5;
	[smem:$0x3FB4] =	sst s0  }
0x18: {  	s0 =	sld [smem:$0x3F97];
	_ =	swait.ge [sflag:s4], $0x0  }
0x19: {  	s7 =	sld [smem:$0x3F98]  }
0x1a: {  	s8 =	sadd.s32 $0xFFFFE003, lr  }
0x1b: {  	s9 =	sadd.s32 $0xFFFFFEF7, lr;
	s5 =	simm.s32 $0xFFFFFFFF;
	p2 =	slt.u32 s8, $0xFFFFF086  }
0x1c: {  	p1 =	slt.u32 s9, $0xF7A;
	s5 =	simm.s32 @!p2 $0x0  }
0x1d: {  	s5 =	simm.s32 @p1 $0x1;
	p0 =	seq.s32 s7, s2  }
0x1e: {  	s7 =	smul.u32 @!p0 $0xF7A, s2;
	p2 =	seq.s32 @!p0 s5, $0x0  }
0x1f: {  	s9 =	smul.u32 $0xF7A, s1;
	s8 =	simm.s32 @!p0 $0x1BF5;
	p2 =	por !p2, p0  }
0x20: {  	[sflag:s8] =	ssyncset.s32 @!p0 $0xFFFFF086;
	s6 =	sadd.s32 @!p0 s3, s7;
	s7 =	simm.s32 @!p0 $0x108  }
0x21: {  	s3 =	sadd.s32 s3, s9;
	s6 =	sadd.s32 @!p0 $0x88, s6;
	s7 =	simm.s32 @p2 $0x1082  }
0x22: {  	[simem:s7], [sflag:s8] =	dma.local @!p0 [hbm:s6], $0xF7A  }
0x23: {  	s9 =	sor.u32 $0xD0000000, s2;
	s6 =	simm.s32 $0x108;
	_ =	swait.ge @!p0 [sflag:s8], $0x0  }
0x24: {  	s3 =	sadd.s32 $0x88, s3;
	s6 =	simm.s32 @!p1 $0x1082;
	[sflag:s4] =	ssyncset.s32 $0xFFFFF086  }
0x25: {  	[simem:s6], [sflag:s4] =	dma.local [hbm:s3], $0xF7A  }
0x26: {  	[smem:$0x3F98] =	sst s1;
	(tag) =	ssettag s2;
	_ =	strace s9  }
0x27: {  	s1 =	sld [smem:$0x3FA8]  }
0x28: {  	s2 =	sld [smem:$0x3FA9]  }
0x29: {  	s4 =	sld [smem:$0x3FAB]  }
0x2a: {  	p0 =	seq.s32 s5, $0x0;
	s5 =	sld [smem:$0x3FAC]  }
0x2b: {  	s6 =	sld [smem:$0x3FAD]  }
0x2c: {  	s7 =	sld [smem:$0x3FAE]  }
0x2d: {  	s3 =	simm.s32 $0x108;
	s8 =	sld [smem:$0x3FAF]  }
0x2e: {  	s3 =	simm.s32 @!p0 $0x1082;
	s9 =	sld [smem:$0x3FB0]  }
0x2f: {  	lr =	sadd.s32 s0, s3;
	s0 =	sld [smem:$0x3FA7]  }
0x30: {  	s3 =	sld [smem:$0x3FAA]  }
0x31: {  	[smem:$0x3FB3] =	sst s10  }
0x32: {  	s10 =	sld [smem:$0x3FB1];
	_ =	sdelay $0x3  }
0x33: {  	p0 =	seq.s32 s10, $0x1;
	s10 =	sld [smem:$0x3FB3];
	_ =	sdelay $0x3  }
0x34: {  	[smem:$0x3FB3] =	sst s10  }
0x35: {  	s10 =	sld [smem:$0x3FB2];
	_ =	sdelay $0x3  }
0x36: {  	p1 =	seq.s32 s10, $0x1;
	s10 =	sld [smem:$0x3FB3];
	_ =	sdelay $0x3  }
0x37: {  	[smem:$0x3FB3] =	sst s10  }
0x38: {  	s10 =	sld [smem:$0x3FB4]  }
0x39: {  	_ = 	snop;
	(pc) =	sbr.ind lr, $3  }
0x3a: {  	_ = 	snop  }
0x3b: {  	_ = 	snop  }
0x3c: {  	p2 =	seq.s32 s10, $0x1;
	s10 =	sld [smem:$0x3FB3]  }
0x3d: {  	_ =	shalt  }
0x3e: {  	_ =	shalt  }
0x3f: {  	_ =	shalt  }
0x40: {  	_ =	shalt  }
0x41: {  	_ =	shalt  }
0x42: {  	_ =	shalt  }
0x43: {  	_ =	shalt  }
0x44: {  	_ =	shalt  }
0x45: {  	_ =	shalt  }
0x46: {  	_ =	shalt  }
0x47: {  	_ =	shalt  }
0x48: {  	_ =	shalt  }
0x49: {  	_ =	shalt  }
0x4a: {  	_ =	shalt  }
0x4b: {  	_ =	shalt  }
0x4c: {  	_ =	shalt  }
0x4d: {  	_ =	shalt  }
0x4e: {  	_ =	shalt  }
0x4f: {  	_ =	shalt  }
0x50: {  	_ =	shalt  }
0x51: {  	_ =	shalt  }
0x52: {  	_ =	shalt  }
0x53: {  	_ =	shalt  }
0x54: {  	_ =	shalt  }
0x55: {  	_ =	shalt  }
0x56: {  	_ =	shalt  }
0x57: {  	_ =	shalt  }
0x58: {  	_ =	shalt  }
0x59: {  	_ =	shalt  }
0x5a: {  	_ =	shalt  }
0x5b: {  	_ =	shalt  }
0x5c: {  	_ =	shalt  }
0x5d: {  	_ =	shalt  }
0x5e: {  	_ =	shalt  }
0x5f: {  	_ =	shalt  }
0x60: {  	_ =	shalt  }
0x61: {  	_ =	shalt  }
0x62: {  	_ =	shalt  }
0x63: {  	_ =	shalt  }
0x64: {  	_ =	shalt  }
0x65: {  	_ =	shalt  }
0x66: {  	_ =	shalt  }
0x67: {  	_ =	shalt  }
0x68: {  	_ =	shalt  }
0x69: {  	_ =	shalt  }
0x6a: {  	_ =	shalt  }
0x6b: {  	_ =	shalt  }
0x6c: {  	_ =	shalt  }
0x6d: {  	_ =	shalt  }
0x6e: {  	_ =	shalt  }
0x6f: {  	_ =	shalt  }
0x70: {  	_ =	shalt  }
0x71: {  	_ =	shalt  }
0x72: {  	_ =	shalt  }
0x73: {  	_ =	shalt  }
0x74: {  	_ =	shalt  }
0x75: {  	_ =	shalt  }
0x76: {  	_ =	shalt  }
0x77: {  	_ =	shalt  }
0x78: {  	_ =	shalt  }
0x79: {  	_ =	shalt  }
0x7a: {  	_ =	shalt  }
0x7b: {  	_ =	shalt  }
0x7c: {  	_ =	shalt  }
0x7d: {  	_ =	shalt  }
0x7e: {  	_ =	shalt  }
0x7f: {  	_ =	shalt  }
0x80: {  	_ =	shalt  }
0x81: {  	_ =	shalt  }
0x82: {  	_ =	shalt  }
0x83: {  	_ =	shalt  }
0x84: {  	_ =	shalt  }
0x85: {  	_ =	shalt  }
0x86: {  	_ =	shalt  }
0x87: {  	_ =	shalt  }
.Lfunc_end0:
.L_simem_size_0:
called_computation_lowered:
.L_overlay_start_0:
0x88: {  	s2 =	sld [smem:$0x3FD9]  }
0x89: {  	s3 =	sld [smem:$0x3FFE];
	_ =	sdelay $0x1  }
0x8a: {  	s1 =	srdreg.scid  }
0x8b: {  	s0 =	sand.u32 $0x1, s1  }
0x8c: {  	s14 =	sshll.u32 s0, $0xA;
	s2 =	sadd.s32 s3, s2  }
0x8d: {  	s2 =	sadd.s32 s2, s14  }
0x8e: {  	[smem:$0x3FBF] =	sst s2  }
0x8f: {  	_ = 	snop  }
0x90: {  	s2 =	sld [smem:$0x3FD0];
	_ =	sdelay $0x2  }
0x91: {  	s15 =	simm.s32 $0xA;
	s4 =	simm.s32 $0x10  }
0x92: {  	[smem:s4], [sflag:s15] =	dma.local [hbm:s2], $0x1  }
0x93: {  	_ =	swait.eq [sflag:s15], $0x1  }
0x94: {  	[sflag:s15] =	ssyncset.done $0x0  }
0x95: {  	s16 =	sld [smem:$0x10];
	[sflag:s15] =	ssyncadd.s32 $0xFFFFFFFF  }
0x96: {  	s17 =	sld [smem:$0x11];
	(tm) =	ssettm $0x1  }
0x97: {  	s18 =	sld [smem:$0x3FFB];
	_ =	sdelay $0x3  }
0x98: {  	_ =	strace s18  }
0x99: {  	s4 =	sld [smem:$0x3FFC];
	_ =	sdelay $0x3  }
0x9a: {  	_ =	strace s4  }
0x9b: {  	s4 =	sld [smem:$0x3FFD];
	_ =	sdelay $0x3  }
0x9c: {  	_ =	strace s4  }
0x9d: {  	_ =	strace $0x8FFFFFFF  }
0x9e: {  	s19 =	sld [smem:$0x3FDB];
	_ =	sdelay $0x1  }
0x9f: {  	s5 =	simm.s32 $_scs_section_size  }
0xa0: {  	s6 =	simm.s32 $_size__tile_overlayer_lowered;
	s7 =	simm.s32 $_tile_overlayer_lowered  }
0xa1: {  	s22 =	simm.s32 $0x1BFF;
	s21 =	sshll.u32 s7, $0x1;
	s4 =	sadd.s32 s5, s19  }
0xa2: {  	s8 =	simm.s32 $0x0;
	s20 =	sshll.u32 s6, $0x1;
	s6 =	sadd.s32 s21, s4  }
0xa3: {  	[timem:s8], [sflag:s22] =	dma.local [hbm:s6], s20  }
0xa4: {  	_ =	swait.ge [sflag:s22], s20  }
0xa5: {  	s5 =	ssub.s32 $0x0, s20;
	[sflag:s22] =	ssyncset.done $0x0  }
0xa6: {  	[sflag:s22] =	ssyncadd.s32 s5;
	_ =	sdelay $0x1  }
0xa7: {  	s23 =	simm.s32 $0x1B8B  }
0xa8: {  	_ =	swait.ge [sflag:s23], $0x1  }
0xa9: {  	[sflag:s23] =	ssyncset.done $0x0  }
0xaa: {  	s25 =	simm.s32 $0x1B8E;
	s24 =	sld [smem:$0x3FFE];
	[sflag:s23] =	ssyncadd.s32 $0xFFFFFFFF  }
0xab: {  	s26 =	simm.s32 $execute0_lowered;
	[smem:$0x3FD2] =	sst s25  }
0xac: {  	s6 =	sshll.u32 s26, $0x1;
	_ =	strace $0x80000046;
	[dreg:$0x1] =	wrdreg $0xFFFFFFFF  }
0xad: {  	s28 =	simm.s32 $_size_execute0_lowered;
	s4 =	sadd.s32 s4, s6;
	[dreg:$0x0] =	wrdreg $0x0  }
0xae: {  	s6 =	sshll.u32 s28, $0x1;
	[dreg:$0x2] =	wrdreg s4  }
0xaf: {  	[dreg:$0x3] =	wrdreg s6  }
0xb0: {  	[dreg:$0x4] =	wrdreg $0xC0  }
0xb1: {  	_ =	task [dreg:s8], $0x5FFFF  }
0xb2: {  	[dreg:$0x1] =	wrdreg $0xFFFFFFFF  }
0xb3: {  	[dreg:$0x0] =	wrdreg $0x60  }
0xb4: {  	[dreg:$0x2] =	wrdreg s17  }
0xb5: {  	[dreg:$0x3] =	wrdreg s24  }
0xb6: {  	[dreg:$0x4] =	wrdreg s16  }
0xb7: {  	[dreg:$0x5] =	wrdreg $0x50800  }
0xb8: {  	[dreg:$0x6] =	wrdreg $0x53000  }
0xb9: {  	[dreg:$0x7] =	wrdreg $0x9  }
0xba: {  	_ =	task.clear_ibuf [dreg:s8], $0x8FFFF;
	_ =	strace $0x90000046  }
0xbb: {  	s29 =	simm.s32 $0x9;
	_ =	strace $0x80000048  }
0xbc: {  	_ =	swait.ge [sflag:s29], $0x1  }
0xbd: {  	[sflag:s29] =	ssyncadd.s32 $0xFFFFFFFF  }
0xbe: {  	_ =	strace $0x90000048  }
0xbf: {  	_ =	sfence  }
0xc0: {  	s30 =	sld [smem:$0x0];
	_ =	sdelay $0x2  }
0xc1: {  	s31 =	sshll.u32 s1, $0xD;
	s1 =	sshrl.u32 s1, $0x2  }
0xc2: {  	s3 =	sand.u32 $0x4000, s31;
	s1 =	sadd.s32 s1, s30  }
0xc3: {  	s0 =	sor.u32 s3, s0;
	s1 =	sshll.u32 s1, $0x11  }
0xc4: {  	s0 =	sor.u32 s1, s0  }
0xc5: {  	s0 =	sadd.s32 $0x8F2B, s0  }
0xc6: {  	[sflag:s0] =	ssyncadd.remote.s32 $0x1  }
0xc7: {  	_ =	sfence.sel $0xFFFF  }
0xc8: {  	[dreg:$0x0] =	wrdreg $0xFFFFFFFF;
	(pc) =	sbr.abs _section_cstart, $3  }
0xc9: {  	[dreg:$0x1] =	wrdreg $0xFFFFFFFF  }
0xca: {  	_ =	task.clear_ibuf [dreg:s8], $0x2FFFF;
	_ =	strace $0x9FFFFFFF  }
0xcb: {  	(tm) =	ssettm $0x7FFFFFFF  }
tec
execute0_lowered:
.L_overlay_start_1:
0x0: {  	(tag) =	ssettag $0x1  }
0x1: {  	s8 =	rddreg [dreg:$0x0]  }
0x2: {  	s5 =	rddreg [dreg:$0x1]  }
0x3: {  	s7 =	rddreg [dreg:$0x2]  }
0x4: {  	s2 =	rddreg [dreg:$0x3]  }
0x5: {  	s3 =	rddreg [dreg:$0x4]  }
0x6: {  	s0 =	rddreg [dreg:$0x5]  }
0x7: {  	s4 =	simm.s32 $0x0;
	s1 =	stileid.u32;
	s6 =	srdreg.scid  }
0x8: {  	s15 =	simm.s32 $0x5000;
	s16 =	simm.s32 $0x20;
	s17 =	simm.s32 $0x10  }
0x9: {  	s18 =	simm.s32 $0x0;
	[smem:$0x7FF] =	sst s4;
	s9 =	smul.u32 $0x280, s1  }
0xa: {  	s6 =	sand.u32 $0x1, s6;
	s14 =	smul.u32 $0x500, s1;
	s29 =	sshll.u32 s1, $0x6  }
0xb: {  	_ =	strace $0x80000047;
	s10 =	ssub.s32 $0x2, s6;
	s11 =	smul.u32 $0x5000, s6  }
0xc: {  	s6 =	sshll.u32 s6, $0x4;
	s12 =	sshrl.u32 s9, $0x3;
	s13 =	sshrl.u32 s10, $0x1  }
0xd: {  	s6 =	sor.u32 s1, s6;
	s28 =	sadd.s32 s9, s2;
	s31 =	sadd.s32 s9, s3  }
0xe: {  	s5 =	sadd.s32 s12, s5;
	s10 =	ssub.s32 s10, s13;
	s11 =	sadd.s32 s14, s11  }
0xf: {  	s30 =	smul.u32 $0x500, s6;
	s6 =	sor.u32 $0x1C01, s29;
	s12 =	simm.s32 $0x1  }
0x10: {  	s13 =	sshrl.u32 s31, $0x3;
	s14 =	simm.s32 $0x80;
	s11 =	sshrl.u32 s11, $0x3  }
0x11: {  	s5 =	sadd.s32 $0x2E00, s5;
	s10 =	smax.u32 s10, $0x1;
	s7 =	sadd.s32 s7, s11  }
0x12: {  	v0 =	vimm.f32 $1.000000000e+00;
	s8 =	sadd.s32 s8, s30;
	s11 =	sshrl.u32 s28, $0x3;
	s9 =	sadd.s32 $0x10, s7  }
.LBB2_1:
0x13: {  	[spmem:s11], [sflag:s6] =	dma.local [hbm:s5], $0x50  }
0x14: {  	_ =	swait.ge [sflag:s12], $0x50  }
0x15: {  	[sflag:s12] =	ssyncset.done $0x0  }
0x16: {  	[sflag:s12] =	ssyncadd.s32 $0xFFFFFFB0  }
0x17: {  	[spmem:s13], [sflag:s6] =	dma.local [hbm:s5], $0x50  }
0x18: {  	_ =	swait.ge [sflag:s12], $0x50  }
0x19: {  	[sflag:s12] =	ssyncset.done $0x0  }
0x1a: {  	[sflag:s12] =	ssyncadd.s32 $0xFFFFFFB0  }
0x1b: {  	[tilespmem:s4], [sflag:$0x1] =	stream.linear.gather [hbm4b:s8+s4], $0x2800, $0x38;
	[tilespmem:$0x5580] =	vst v63  }
0x1c: {  	_ =	swait.ge [sflag:s12], $0x2800  }
0x1d: {  	[sflag:s12] =	ssyncset.done $0x0  }
0x1e: {  	s19 =	simm.s32 $0x0;
	[sflag:s12] =	ssyncadd.s32 $0xFFFFD800  }
0x1f: {  	v1 =	vld [tilespmem:s19+$0x0]  }
0x20: {  	v4 =	vld [tilespmem:s19+$0x10]  }
0x21: {  	v6 =	vld [tilespmem:s19+$0x20]  }
0x22: {  	v5 =	vld [tilespmem:s19+$0x30]  }
0x23: {  	v2 =	vld [tilespmem:s19+$0x40]  }
0x24: {  	v3 =	vld [tilespmem:s19+$0x50];
	v7 =	vshrl.u32 v1, $0xE  }
0x25: {  	s20 =	simm.s32 $0x200;
	v1 =	vand.u32 $0x3FFF, v1;
	v8 =	vshrl.u32 v4, $0xE;
	v4 =	vand.u32 $0x3FFF, v4;
	[tilespmem:s19+$0x0] =	vst v7;
	v7 =	vld [tilespmem:s19+$0x60]  }
.LBB2_2:
0x26: {  	p0 =	sne.s32 s20, $0x9E00;
	[tilespmem:s19+$0x10] =	vst v8;
	v8 =	vshrl.u32 v6, $0xE;
	v6 =	vand.u32 $0x3FFF, v6;
	v9 =	vld [tilespmem:s19+$0x70]  }
0x27: {  	[tilespmem:s19+$0x20] =	vst v8;
	v8 =	vshrl.u32 v5, $0xE;
	v5 =	vand.u32 $0x3FFF, v5  }
0x28: {  	[tilespmem:s19+$0x30] =	vst v8;
	v8 =	vshrl.u32 v2, $0xE;
	v2 =	vand.u32 $0x3FFF, v2  }
0x29: {  	[tilespmem:s19+$0x40] =	vst v8;
	v8 =	vshrl.u32 v3, $0xE;
	v3 =	vand.u32 $0x3FFF, v3  }
0x2a: {  	[tilespmem:s19+$0x50] =	vst v8;
	v8 =	vshrl.u32 v7, $0xE;
	v7 =	vand.u32 $0x3FFF, v7  }
0x2b: {  	[tilespmem:s19+$0x60] =	vst v8;
	v8 =	vshrl.u32 v9, $0xE;
	v9 =	vand.u32 $0x3FFF, v9  }
0x2c: {  	[tilespmem:s19+$0x70] =	vst v8  }
0x2d: {  	[tilespmem:s19+$0x2800] =	vst v1  }
0x2e: {  	s21 =	sshra.s32 s20, $0x2;
	[tilespmem:s19+$0x2810] =	vst v4  }
0x2f: {  	v1 =	vld [tilespmem:s21+$0x0];
	[tilespmem:s19+$0x2820] =	vst v6  }
0x30: {  	v4 =	vld [tilespmem:s21+$0x10];
	[tilespmem:s19+$0x2830] =	vst v5  }
.Ltmp0:
0x31: {  	v6 =	vld [tilespmem:s21+$0x20];
	[tilespmem:s19+$0x2840] =	vst v2;
	(pc) =	sbr.rel @p0 .LBB2_2-.Ltmp0, $4  }
0x32: {  	v5 =	vld [tilespmem:s21+$0x30];
	[tilespmem:s19+$0x2850] =	vst v3  }
0x33: {  	v2 =	vld [tilespmem:s21+$0x40];
	[tilespmem:s19+$0x2860] =	vst v7  }
0x34: {  	v7 =	vshrl.u32 v1, $0xE;
	v1 =	vand.u32 $0x3FFF, v1;
	v3 =	vld [tilespmem:s21+$0x50];
	[tilespmem:s19+$0x2870] =	vst v9;
	s19 =	smov.u32 s21  }
0x35: {  	s20 =	sadd.s32 $0x200, s20;
	[tilespmem:s19+$0x0] =	vst v7;
	v8 =	vshrl.u32 v4, $0xE;
	v4 =	vand.u32 $0x3FFF, v4;
	v7 =	vld [tilespmem:s19+$0x60]  }
0x36: {  	[tilespmem:s19+$0x10] =	vst v8  }
0x37: {  	[tilespmem:s19+$0x2800] =	vst v1  }
0x38: {  	v57 =	vshrl.u32 v6, $0xE;
	[tilespmem:s19+$0x2810] =	vst v4  }
0x39: {  	v1 =	vand.u32 $0x3FFF, v6;
	[tilespmem:s19+$0x20] =	vst v57  }
0x3a: {  	v58 =	vshrl.u32 v5, $0xE;
	[tilespmem:s19+$0x2820] =	vst v1  }
0x3b: {  	v63 =	vand.u32 $0x3FFF, v5;
	[tilespmem:s19+$0x30] =	vst v58  }
0x3c: {  	v59 =	vshrl.u32 v2, $0xE;
	[tilespmem:s19+$0x2830] =	vst v63  }
0x3d: {  	v9 =	vld [tilespmem:s19+$0x70];
	v1 =	vand.u32 $0x3FFF, v2;
	[tilespmem:s19+$0x40] =	vst v59  }
0x3e: {  	v60 =	vshrl.u32 v3, $0xE;
	[tilespmem:s19+$0x2840] =	vst v1  }
0x3f: {  	v2 =	vand.u32 $0x3FFF, v3;
	[tilespmem:s19+$0x50] =	vst v60  }
0x40: {  	v61 =	vshrl.u32 v7, $0xE;
	[tilespmem:s19+$0x2850] =	vst v2  }
0x41: {  	v1 =	vand.u32 $0x3FFF, v7;
	[tilespmem:s19+$0x60] =	vst v61  }
0x42: {  	v62 =	vshrl.u32 v9, $0xE;
	[tilespmem:s19+$0x2860] =	vst v1  }
0x43: {  	v2 =	vand.u32 $0x3FFF, v9;
	[tilespmem:s19+$0x70] =	vst v62  }
0x44: {  	[tilespmem:s19+$0x2870] =	vst v2  }
0x45: {  	[tilespmem:$0x5000] =	vst v0  }
0x46: {  	[tilespmem:$0x5010] =	vst v0  }
0x47: {  	[tilespmem:$0x5020] =	vst v0  }
0x48: {  	[tilespmem:$0x5030] =	vst v0  }
0x49: {  	[tilespmem:$0x5040] =	vst v0  }
0x4a: {  	[tilespmem:$0x5050] =	vst v0  }
0x4b: {  	[tilespmem:$0x5060] =	vst v0  }
0x4c: {  	[tilespmem:$0x5070] =	vst v0  }
0x4d: {  	s30 =	simm.s32 $0x0;
	[bflag:$0x0] =	sbarrier.arrive $0xFFFF  }
0x4e: {  	[spmem:s2] =	stream.indirect.scatter.add.f32 [tilespmem:s15], [sflag:$0x1], $0x1, s30, s14, $0xb8;
	[tilespmem:$0x5580] =	vst v63  }
0x4f: {  	_ =	swait.ge [sflag:s12], $0x80  }
0x50: {  	[sflag:s12] =	ssyncset.done $0x0  }
0x51: {  	s31 =	simm.s32 $0x2800;
	[sflag:s12] =	ssyncadd.s32 $0xFFFFFF80  }
0x52: {  	[spmem:s3] =	stream.indirect.scatter.add.f32 [tilespmem:s15], [sflag:$0x1], $0x1, s31, s14, $0xb8;
	[tilespmem:$0x5580] =	vst v63  }
0x53: {  	_ =	swait.ge [sflag:s12], $0x80  }
0x54: {  	s20 =	simm.s32 $0x400;
	s19 =	simm.s32 $0x200;
	[sflag:s12] =	ssyncset.done $0x0  }
.LBB2_4:
0x55: {  	s21 =	sshra.s32 s19, $0x2  }
0x56: {  	[sflag:s12] =	ssyncadd.s32 $0xFFFFFF80;
	s19 =	smov.u32 s20;
	s22 =	sadd.s32 $0x200, s20  }
0x57: {  	[spmem:s2] =	stream.indirect.scatter.add.f32 [tilespmem:s15], [sflag:$0x1], $0x1, s21, s14, $0xb8;
	[tilespmem:$0x5580] =	vst v63  }
0x58: {  	p0 =	sne.s32 s20, $0x9E00;
	_ =	swait.ge [sflag:s12], $0x80  }
.Ltmp1:
0x59: {  	[sflag:s12] =	ssyncset.done $0x0;
	(pc) =	sbr.rel @p0 .LBB2_4-.Ltmp1, $4  }
0x5a: {  	s20 =	sadd.s32 $0x2800, s21;
	[sflag:s12] =	ssyncadd.s32 $0xFFFFFF80  }
0x5b: {  	[spmem:s3] =	stream.indirect.scatter.add.f32 [tilespmem:s15], [sflag:$0x1], $0x1, s20, s14, $0xb8;
	[tilespmem:$0x5580] =	vst v63  }
0x5c: {  	_ =	swait.ge [sflag:s12], $0x80  }
0x5d: {  	s20 =	smov.u32 s22;
	[sflag:s12] =	ssyncset.done $0x0  }
0x5e: {  	s19 =	sshra.s32 s19, $0x2;
	[sflag:s12] =	ssyncadd.s32 $0xFFFFFF80  }
0x5f: {  	[spmem:s2] =	stream.indirect.scatter.add.f32 [tilespmem:s15], [sflag:$0x1], $0x1, s19, s14, $0xb8;
	[tilespmem:$0x5580] =	vst v63  }
0x60: {  	_ =	swait.ge [sflag:s12], $0x80  }
0x61: {  	[sflag:s12] =	ssyncset.done $0x0  }
0x62: {  	s19 =	sadd.s32 $0x2800, s19;
	[sflag:s12] =	ssyncadd.s32 $0xFFFFFF80  }
0x63: {  	[spmem:s3] =	stream.indirect.scatter.add.f32 [tilespmem:s15], [sflag:$0x1], $0x1, s19, s14, $0xb8;
	[tilespmem:$0x5580] =	vst v63  }
0x64: {  	_ =	swait.ge [sflag:s12], $0x80  }
0x65: {  	[sflag:s12] =	ssyncset.done $0x0  }
0x66: {  	[sflag:s12] =	ssyncadd.s32 $0xFFFFFF80  }
0x67: {  	[bflag:$0x0] =	sbarrier.arrive $0xFFFF  }
0x68: {  	[hbm:s7@s16], [sflag:s6] =	dma.strided [spmem:s11@s17], $0x50, s12, $0x10   }
0x69: {  	s18 =	sadd.s32 $0x1, s18;
	_ =	swait.ge [sflag:s12], $0x50  }
0x6a: {  	p0 =	sne.s32 s18, s10;
	[sflag:s12] =	ssyncset.done $0x0  }
.Ltmp2:
0x6b: {  	[sflag:s12] =	ssyncadd.s32 $0xFFFFFFB0;
	(pc) =	sbr.rel @p0 .LBB2_1-.Ltmp2, $4  }
0x6c: {  	[hbm:s9@s16], [sflag:s6] =	dma.strided [spmem:s13@s17], $0x50, s12, $0x10   }
0x6d: {  	_ =	swait.ge [sflag:s12], $0x50  }
0x6e: {  	[sflag:s12] =	ssyncset.done $0x0  }
0x6f: {  	[sflag:s12] =	ssyncadd.s32 $0xFFFFFFB0  }
0x70: {  	_ =	sfence.sel $0x180000  }
0x71: {  	[bflag:$0x0] =	sbarrier.arrive $0xFFFF  }
0x72: {  	p0 =	sne.s32 s1, $0x0;
	_ =	strace $0x90000047  }
0x73: {  	s0 =	sadd.s32 @!p0 $0x100000, s0;
	[bflag:$0x2] =	sbarrier.arrive $0xFFFF  }
0x74: {  	[sflag:s0] =	ssyncadd.tile.s32 @!p0 $0x1;
	_ =	shalt  }
.Lfunc_end2:
_tile_overlayer_lowered:
.L_overlay_start_2:
0x75: {  	(tag) =	ssettag $0x2  }
0x76: {  	s0 =	rddreg [dreg:$0x0];
	s2 =	stileid.u32  }
0x77: {  	s1 =	rddreg [dreg:$0x1];
	p0 =	sne.s32 s2, $0x0  }
0x78: {  	s3 =	rddreg [dreg:$0x2];
	[bflag:$0x3] =	sbarrier.arrive $0xFFFF;
	s2 =	simm.s32 @!p0 $0x1C01  }
0x79: {  	[timem:s3], [sflag:s2] =	dma.local @!p0 [hbm:s0], s1  }
0x7a: {  	s0 =	simm.s32 @!p0 $0x1  }
0x7b: {  	_ =	swait.ge @!p0 [sflag:s0], s1  }
0x7c: {  	s1 =	ssub.s32 @!p0 $0x0, s1;
	[sflag:s0] =	ssyncset.done @!p0 $0x0  }
0x7d: {  	[sflag:s0] =	ssyncadd.s32 @!p0 s1  }
0x7e: {  	[bflag:$0x3] =	sbarrier.arrive $0xFFFF  }
0x7f: {  	_ =	shalt  }

// kernel: kernel.13.cloned.1.call-start
scs
__scs_entry_jumppad:
0x0: {  	(pc) =	sbr.rel $0x88, $3  }
0x1: {  	(tag) =	ssettag $0x0;
	lr =	simm.s32 $0x1  }
0x2: {  	[smem:$0x3F98] =	sst lr;
	_ =	strace $0xD0000000  }
0x3: {  	_ = 	snop  }
0x4: {  	_ = 	snop  }
0x5: {  	_ = 	snop  }
0x6: {  	_ = 	snop  }
0x7: {  	_ = 	snop  }
__scs_overlays_trampoline_lowered:
0x8: {  	[smem:$0x3FA7] =	sst s0  }
0x9: {  	[smem:$0x3FA8] =	sst s1  }
0xa: {  	[smem:$0x3FA9] =	sst s2  }
0xb: {  	[smem:$0x3FAA] =	sst s3  }
0xc: {  	[smem:$0x3FAB] =	sst s4  }
0xd: {  	[smem:$0x3FAC] =	sst s5  }
0xe: {  	[smem:$0x3FAD] =	sst s6  }
0xf: {  	[smem:$0x3FAE] =	sst s7  }
0x10: {  	[smem:$0x3FAF] =	sst s8  }
0x11: {  	[smem:$0x3FB0] =	sst s9;
	s0 =	simm.s32 @!p0 $0x0  }
0x12: {  	s1 =	sld [smem:$0x3F96];
	s0 =	simm.s32 @p0 $0x1  }
0x13: {  	[smem:$0x3FB1] =	sst s0;
	s0 =	simm.s32 @!p1 $0x0  }
0x14: {  	s2 =	sld [smem:$0x3F95];
	s0 =	simm.s32 @p1 $0x1  }
0x15: {  	[smem:$0x3FB2] =	sst s0;
	s0 =	simm.s32 @!p2 $0x0  }
0x16: {  	s3 =	sld [smem:$0x3FDB];
	s0 =	simm.s32 @p2 $0x1  }
0x17: {  	s4 =	simm.s32 $0x1BF5;
	[smem:$0x3FB4] =	sst s0  }
0x18: {  	s0 =	sld [smem:$0x3F97];
	_ =	swait.ge [sflag:s4], $0x0  }
0x19: {  	s7 =	sld [smem:$0x3F98]  }
0x1a: {  	s8 =	sadd.s32 $0xFFFFE003, lr  }
0x1b: {  	s9 =	sadd.s32 $0xFFFFFEF7, lr;
	s5 =	simm.s32 $0xFFFFFFFF;
	p2 =	slt.u32 s8, $0xFFFFF086  }
0x1c: {  	p1 =	slt.u32 s9, $0xF7A;
	s5 =	simm.s32 @!p2 $0x0  }
0x1d: {  	s5 =	simm.s32 @p1 $0x1;
	p0 =	seq.s32 s7, s2  }
0x1e: {  	s7 =	smul.u32 @!p0 $0xF7A, s2;
	p2 =	seq.s32 @!p0 s5, $0x0  }
0x1f: {  	s9 =	smul.u32 $0xF7A, s1;
	s8 =	simm.s32 @!p0 $0x1BF5;
	p2 =	por !p2, p0  }
0x20: {  	[sflag:s8] =	ssyncset.s32 @!p0 $0xFFFFF086;
	s6 =	sadd.s32 @!p0 s3, s7;
	s7 =	simm.s32 @!p0 $0x108  }
0x21: {  	s3 =	sadd.s32 s3, s9;
	s6 =	sadd.s32 @!p0 $0x88, s6;
	s7 =	simm.s32 @p2 $0x1082  }
0x22: {  	[simem:s7], [sflag:s8] =	dma.local @!p0 [hbm:s6], $0xF7A  }
0x23: {  	s9 =	sor.u32 $0xD0000000, s2;
	s6 =	simm.s32 $0x108;
	_ =	swait.ge @!p0 [sflag:s8], $0x0  }
0x24: {  	s3 =	sadd.s32 $0x88, s3;
	s6 =	simm.s32 @!p1 $0x1082;
	[sflag:s4] =	ssyncset.s32 $0xFFFFF086  }
0x25: {  	[simem:s6], [sflag:s4] =	dma.local [hbm:s3], $0xF7A  }
0x26: {  	[smem:$0x3F98] =	sst s1;
	(tag) =	ssettag s2;
	_ =	strace s9  }
0x27: {  	s1 =	sld [smem:$0x3FA8]  }
0x28: {  	s2 =	sld [smem:$0x3FA9]  }
0x29: {  	s4 =	sld [smem:$0x3FAB]  }
0x2a: {  	p0 =	seq.s32 s5, $0x0;
	s5 =	sld [smem:$0x3FAC]  }
0x2b: {  	s6 =	sld [smem:$0x3FAD]  }
0x2c: {  	s7 =	sld [smem:$0x3FAE]  }
0x2d: {  	s3 =	simm.s32 $0x108;
	s8 =	sld [smem:$0x3FAF]  }
0x2e: {  	s3 =	simm.s32 @!p0 $0x1082;
	s9 =	sld [smem:$0x3FB0]  }
0x2f: {  	lr =	sadd.s32 s0, s3;
	s0 =	sld [smem:$0x3FA7]  }
0x30: {  	s3 =	sld [smem:$0x3FAA]  }
0x31: {  	[smem:$0x3FB3] =	sst s10  }
0x32: {  	s10 =	sld [smem:$0x3FB1];
	_ =	sdelay $0x3  }
0x33: {  	p0 =	seq.s32 s10, $0x1;
	s10 =	sld [smem:$0x3FB3];
	_ =	sdelay $0x3  }
0x34: {  	[smem:$0x3FB3] =	sst s10  }
0x35: {  	s10 =	sld [smem:$0x3FB2];
	_ =	sdelay $0x3  }
0x36: {  	p1 =	seq.s32 s10, $0x1;
	s10 =	sld [smem:$0x3FB3];
	_ =	sdelay $0x3  }
0x37: {  	[smem:$0x3FB3] =	sst s10  }
0x38: {  	s10 =	sld [smem:$0x3FB4]  }
0x39: {  	_ = 	snop;
	(pc) =	sbr.ind lr, $3  }
0x3a: {  	_ = 	snop  }
0x3b: {  	_ = 	snop  }
0x3c: {  	p2 =	seq.s32 s10, $0x1;
	s10 =	sld [smem:$0x3FB3]  }
0x3d: {  	_ =	shalt  }
0x3e: {  	_ =	shalt  }
0x3f: {  	_ =	shalt  }
0x40: {  	_ =	shalt  }
0x41: {  	_ =	shalt  }
0x42: {  	_ =	shalt  }
0x43: {  	_ =	shalt  }
0x44: {  	_ =	shalt  }
0x45: {  	_ =	shalt  }
0x46: {  	_ =	shalt  }
0x47: {  	_ =	shalt  }
0x48: {  	_ =	shalt  }
0x49: {  	_ =	shalt  }
0x4a: {  	_ =	shalt  }
0x4b: {  	_ =	shalt  }
0x4c: {  	_ =	shalt  }
0x4d: {  	_ =	shalt  }
0x4e: {  	_ =	shalt  }
0x4f: {  	_ =	shalt  }
0x50: {  	_ =	shalt  }
0x51: {  	_ =	shalt  }
0x52: {  	_ =	shalt  }
0x53: {  	_ =	shalt  }
0x54: {  	_ =	shalt  }
0x55: {  	_ =	shalt  }
0x56: {  	_ =	shalt  }
0x57: {  	_ =	shalt  }
0x58: {  	_ =	shalt  }
0x59: {  	_ =	shalt  }
0x5a: {  	_ =	shalt  }
0x5b: {  	_ =	shalt  }
0x5c: {  	_ =	shalt  }
0x5d: {  	_ =	shalt  }
0x5e: {  	_ =	shalt  }
0x5f: {  	_ =	shalt  }
0x60: {  	_ =	shalt  }
0x61: {  	_ =	shalt  }
0x62: {  	_ =	shalt  }
0x63: {  	_ =	shalt  }
0x64: {  	_ =	shalt  }
0x65: {  	_ =	shalt  }
0x66: {  	_ =	shalt  }
0x67: {  	_ =	shalt  }
0x68: {  	_ =	shalt  }
0x69: {  	_ =	shalt  }
0x6a: {  	_ =	shalt  }
0x6b: {  	_ =	shalt  }
0x6c: {  	_ =	shalt  }
0x6d: {  	_ =	shalt  }
0x6e: {  	_ =	shalt  }
0x6f: {  	_ =	shalt  }
0x70: {  	_ =	shalt  }
0x71: {  	_ =	shalt  }
0x72: {  	_ =	shalt  }
0x73: {  	_ =	shalt  }
0x74: {  	_ =	shalt  }
0x75: {  	_ =	shalt  }
0x76: {  	_ =	shalt  }
0x77: {  	_ =	shalt  }
0x78: {  	_ =	shalt  }
0x79: {  	_ =	shalt  }
0x7a: {  	_ =	shalt  }
0x7b: {  	_ =	shalt  }
0x7c: {  	_ =	shalt  }
0x7d: {  	_ =	shalt  }
0x7e: {  	_ =	shalt  }
0x7f: {  	_ =	shalt  }
0x80: {  	_ =	shalt  }
0x81: {  	_ =	shalt  }
0x82: {  	_ =	shalt  }
0x83: {  	_ =	shalt  }
0x84: {  	_ =	shalt  }
0x85: {  	_ =	shalt  }
0x86: {  	_ =	shalt  }
0x87: {  	_ =	shalt  }
.Lfunc_end0:
.L_simem_size_0:
called_computation.1_lowered:
.L_overlay_start_0:
0x88: {  	s2 =	sld [smem:$0x3FD9]  }
0x89: {  	s3 =	sld [smem:$0x3FFE];
	_ =	sdelay $0x1  }
0x8a: {  	s1 =	srdreg.scid  }
0x8b: {  	s0 =	sand.u32 $0x1, s1  }
0x8c: {  	s14 =	sshll.u32 s0, $0xA;
	s2 =	sadd.s32 s3, s2  }
0x8d: {  	s2 =	sadd.s32 s2, s14  }
0x8e: {  	[smem:$0x3FBF] =	sst s2  }
0x8f: {  	_ = 	snop  }
0x90: {  	s2 =	sld [smem:$0x3FD0];
	_ =	sdelay $0x2  }
0x91: {  	s15 =	simm.s32 $0xA;
	s4 =	simm.s32 $0x10  }
0x92: {  	[smem:s4], [sflag:s15] =	dma.local [hbm:s2], $0x1  }
0x93: {  	_ =	swait.eq [sflag:s15], $0x1  }
0x94: {  	[sflag:s15] =	ssyncset.done $0x0  }
0x95: {  	[sflag:s15] =	ssyncadd.s32 $0xFFFFFFFF  }
0x96: {  	s16 =	sld [smem:$0x11];
	(tm) =	ssettm $0x1  }
0x97: {  	s17 =	sld [smem:$0x3FFB];
	_ =	sdelay $0x3  }
0x98: {  	_ =	strace s17  }
0x99: {  	s3 =	sld [smem:$0x3FFC];
	_ =	sdelay $0x3  }
0x9a: {  	_ =	strace s3  }
0x9b: {  	s3 =	sld [smem:$0x3FFD];
	_ =	sdelay $0x3  }
0x9c: {  	_ =	strace s3  }
0x9d: {  	_ =	strace $0x8FFFFFFF  }
0x9e: {  	s18 =	sld [smem:$0x3FDB];
	_ =	sdelay $0x1  }
0x9f: {  	s19 =	simm.s32 $_scs_section_size  }
0xa0: {  	s5 =	simm.s32 $_size__tile_overlayer_lowered;
	s6 =	simm.s32 $_tile_overlayer_lowered  }
0xa1: {  	s22 =	simm.s32 $0x1BFF;
	s21 =	sshll.u32 s6, $0x1;
	s3 =	sadd.s32 s19, s18  }
0xa2: {  	s7 =	simm.s32 $0x0;
	s20 =	sshll.u32 s5, $0x1;
	s5 =	sadd.s32 s21, s3  }
0xa3: {  	[timem:s7], [sflag:s22] =	dma.local [hbm:s5], s20  }
0xa4: {  	_ =	swait.ge [sflag:s22], s20  }
0xa5: {  	s4 =	ssub.s32 $0x0, s20;
	[sflag:s22] =	ssyncset.done $0x0  }
0xa6: {  	[sflag:s22] =	ssyncadd.s32 s4;
	_ =	sdelay $0x1  }
0xa7: {  	s23 =	simm.s32 $0x1B8B  }
0xa8: {  	_ =	swait.ge [sflag:s23], $0x1  }
0xa9: {  	[sflag:s23] =	ssyncset.done $0x0  }
0xaa: {  	s25 =	simm.s32 $0x1B8E;
	s24 =	sld [smem:$0x3FFE];
	[sflag:s23] =	ssyncadd.s32 $0xFFFFFFFF  }
0xab: {  	s26 =	simm.s32 $execute0_lowered;
	[smem:$0x3FD2] =	sst s25  }
0xac: {  	s5 =	sshll.u32 s26, $0x1;
	_ =	strace $0x80000049;
	[dreg:$0x1] =	wrdreg $0xFFFFFFFF  }
0xad: {  	s28 =	simm.s32 $_size_execute0_lowered;
	s3 =	sadd.s32 s3, s5;
	[dreg:$0x0] =	wrdreg $0x0  }
0xae: {  	s5 =	sshll.u32 s28, $0x1;
	[dreg:$0x2] =	wrdreg s3  }
0xaf: {  	[dreg:$0x3] =	wrdreg s5  }
0xb0: {  	[dreg:$0x4] =	wrdreg $0xC0  }
0xb1: {  	_ =	task [dreg:s7], $0x5FFFF  }
0xb2: {  	[dreg:$0x1] =	wrdreg $0xFFFFFFFF  }
0xb3: {  	[dreg:$0x0] =	wrdreg $0x60  }
0xb4: {  	[dreg:$0x2] =	wrdreg s16  }
0xb5: {  	[dreg:$0x3] =	wrdreg s24  }
0xb6: {  	[dreg:$0x4] =	wrdreg $0xA8000  }
0xb7: {  	[dreg:$0x5] =	wrdreg $0x9  }
0xb8: {  	_ =	task.clear_ibuf [dreg:s7], $0x6FFFF;
	_ =	strace $0x90000049  }
0xb9: {  	s29 =	simm.s32 $0x9;
	_ =	strace $0x8000004B  }
0xba: {  	_ =	swait.ge [sflag:s29], $0x1  }
0xbb: {  	[sflag:s29] =	ssyncadd.s32 $0xFFFFFFFF  }
0xbc: {  	_ =	strace $0x9000004B  }
0xbd: {  	_ =	sfence  }
0xbe: {  	s30 =	sld [smem:$0x0];
	_ =	sdelay $0x2  }
0xbf: {  	s31 =	sshll.u32 s1, $0xD;
	s1 =	sshrl.u32 s1, $0x2  }
0xc0: {  	s3 =	sand.u32 $0x4000, s31;
	s1 =	sadd.s32 s1, s30  }
0xc1: {  	s0 =	sor.u32 s3, s0;
	s1 =	sshll.u32 s1, $0x11  }
0xc2: {  	s0 =	sor.u32 s1, s0  }
0xc3: {  	s0 =	sadd.s32 $0x8F2B, s0  }
0xc4: {  	[sflag:s0] =	ssyncadd.remote.s32 $0x1  }
0xc5: {  	_ =	sfence.sel $0xFFFF  }
0xc6: {  	[dreg:$0x0] =	wrdreg $0xFFFFFFFF;
	(pc) =	sbr.abs _section_cstart, $3  }
0xc7: {  	[dreg:$0x1] =	wrdreg $0xFFFFFFFF  }
0xc8: {  	_ =	task.clear_ibuf [dreg:s7], $0x2FFFF;
	_ =	strace $0x9FFFFFFF  }
0xc9: {  	(tm) =	ssettm $0x7FFFFFFF  }
tec
execute0_lowered:
.L_overlay_start_1:
0x0: {  	(tag) =	ssettag $0x1  }
0x1: {  	s1 =	rddreg [dreg:$0x0]  }
0x2: {  	s6 =	rddreg [dreg:$0x1]  }
0x3: {  	s0 =	srdreg.scid;
	s3 =	rddreg [dreg:$0x2]  }
0x4: {  	s4 =	simm.s32 $0x0;
	s14 =	simm.s32 $0x2800;
	s15 =	simm.s32 $0x1  }
0x5: {  	s16 =	simm.s32 $0x1400;
	s17 =	simm.s32 $0x6800;
	s18 =	simm.s32 $0x2  }
0x6: {  	s19 =	simm.s32 $0x1480;
	s20 =	simm.s32 $0x3;
	s21 =	simm.s32 $0x100  }
0x7: {  	s22 =	simm.s32 $0x4;
	s5 =	sand.u32 $0x1, s0;
	s0 =	stileid.u32  }
0x8: {  	s23 =	simm.s32 $0x0;
	[smem:$0x7FF] =	sst s4;
	s8 =	smul.u32 $0x14000, s0  }
0x9: {  	s2 =	sshll.u32 s5, $0x4;
	s9 =	smul.u32 $0x140000, s5;
	s5 =	ssub.s32 $0x2, s5  }
0xa: {  	s29 =	smul.u32 $0x50000, s0;
	s31 =	sshll.u32 s0, $0x6;
	s2 =	sor.u32 s0, s2  }
0xb: {  	s11 =	sshrl.u32 s5, $0x1;
	s7 =	smul.u32 $0x2800, s2;
	s2 =	rddreg [dreg:$0x3]  }
0xc: {  	_ =	strace $0x8000004A;
	s28 =	sshrl.u32 s8, $0x3;
	s8 =	sadd.s32 s8, s9  }
0xd: {  	s11 =	ssub.s32 s5, s11;
	s30 =	sshrl.u32 s29, $0x2;
	s8 =	sshrl.u32 s8, $0x3  }
.Ltmp0:
0xe: {  	s13 =	sadd.s32 s30, s3;
	s7 =	sshrl.u32 s7, $0x3;
	(pc) =	sbr.rel .LBB2_1-.Ltmp0, $4  }
0xf: {  	s12 =	sadd.s32 s8, s6;
	s10 =	sadd.s32 s7, s6;
	s7 =	sadd.s32 s28, s6  }
0x10: {  	s6 =	sor.u32 $0x1C05, s31;
	s9 =	sadd.s32 $0xD5400, s12;
	s12 =	simm.s32 $0x5  }
0x11: {  	s5 =	sadd.s32 $0xAD400, s7;
	s7 =	sadd.s32 $0x3400, s10;
	s8 =	sadd.s32 $0x3680, s10  }
0x12: {  	s10 =	smax.u32 s11, $0x1;
	s11 =	sshrl.u32 s13, $0x3;
	s13 =	simm.s32 $0x80  }
.LBB2_11:
0x13: {  	_ =	swait.ge [sflag:s22], $0x4000  }
0x14: {  	s23 =	sadd.s32 $0x1, s23;
	[sflag:s22] =	ssyncset.done $0x0  }
0x15: {  	p0 =	sne.s32 s23, s10;
	[sflag:s22] =	ssyncadd.s32 $0xFFFFC000  }
.Ltmp1:
0x16: {  	[bflag:$0x0] =	sbarrier.arrive $0xFFFF;
	(pc) =	sbr.rel @!p0 .LBB2_12-.Ltmp1, $4  }
0x17: {  	[hbm:s9], [sflag:s6] =	dma.local [spmem:s11], $0x2800  }
0x18: {  	_ =	swait.ge [sflag:s12], $0x2800  }
0x19: {  	[sflag:s12] =	ssyncset.done $0x0  }
0x1a: {  	[sflag:s12] =	ssyncadd.s32 $0xFFFFD800  }
.LBB2_1:
0x1b: {  	[spmem:s11], [sflag:s6] =	dma.local [hbm:s5], $0x2800  }
0x1c: {  	_ =	swait.ge [sflag:s12], $0x2800  }
0x1d: {  	[sflag:s12] =	ssyncset.done $0x0  }
0x1e: {  	[sflag:s12] =	ssyncadd.s32 $0xFFFFD800  }
0x1f: {  	[bflag:$0x0] =	sbarrier.arrive $0xFFFF  }
0x20: {  	[tilespmem:s4], [sflag:$0x5] =	stream.linear.gather [hbm4b:s7+s4], $0x1400, $0x38;
	[tilespmem:$0x1E800] =	vst v63  }
0x21: {  	_ =	swait.ge [sflag:s12], $0x1400  }
0x22: {  	[sflag:s12] =	ssyncset.done $0x0  }
0x23: {  	s24 =	simm.s32 $0x0;
	[sflag:s12] =	ssyncadd.s32 $0xFFFFEC00  }
0x24: {  	v0 =	vld [tilespmem:s24+$0x0]  }
0x25: {  	v3 =	vld [tilespmem:s24+$0x10]  }
0x26: {  	v5 =	vld [tilespmem:s24+$0x20]  }
0x27: {  	v4 =	vld [tilespmem:s24+$0x30]  }
0x28: {  	v1 =	vld [tilespmem:s24+$0x40]  }
0x29: {  	v2 =	vld [tilespmem:s24+$0x50];
	v6 =	vshrl.u32 v0, $0xE  }
0x2a: {  	s25 =	simm.s32 $0x200;
	v0 =	vand.u32 $0x3FFF, v0;
	v7 =	vshrl.u32 v3, $0xE;
	v3 =	vand.u32 $0x3FFF, v3;
	[tilespmem:s24+$0x0] =	vst v6;
	v6 =	vld [tilespmem:s24+$0x60]  }
.LBB2_2:
0x2b: {  	p0 =	sne.s32 s25, $0x4E00;
	[tilespmem:s24+$0x10] =	vst v7;
	v7 =	vshrl.u32 v5, $0xE;
	v5 =	vand.u32 $0x3FFF, v5;
	v8 =	vld [tilespmem:s24+$0x70]  }
0x2c: {  	[tilespmem:s24+$0x20] =	vst v7;
	v7 =	vshrl.u32 v4, $0xE;
	v4 =	vand.u32 $0x3FFF, v4  }
0x2d: {  	[tilespmem:s24+$0x30] =	vst v7;
	v7 =	vshrl.u32 v1, $0xE;
	v1 =	vand.u32 $0x3FFF, v1  }
0x2e: {  	[tilespmem:s24+$0x40] =	vst v7;
	v7 =	vshrl.u32 v2, $0xE;
	v2 =	vand.u32 $0x3FFF, v2  }
0x2f: {  	[tilespmem:s24+$0x50] =	vst v7;
	v7 =	vshrl.u32 v6, $0xE;
	v6 =	vand.u32 $0x3FFF, v6  }
0x30: {  	[tilespmem:s24+$0x60] =	vst v7;
	v7 =	vshrl.u32 v8, $0xE;
	v8 =	vand.u32 $0x3FFF, v8  }
0x31: {  	[tilespmem:s24+$0x70] =	vst v7  }
0x32: {  	[tilespmem:s24+$0x1400] =	vst v0  }
0x33: {  	s26 =	sshra.s32 s25, $0x2;
	[tilespmem:s24+$0x1410] =	vst v3  }
0x34: {  	v0 =	vld [tilespmem:s26+$0x0];
	[tilespmem:s24+$0x1420] =	vst v5  }
0x35: {  	v3 =	vld [tilespmem:s26+$0x10];
	[tilespmem:s24+$0x1430] =	vst v4  }
.Ltmp2:
0x36: {  	v5 =	vld [tilespmem:s26+$0x20];
	[tilespmem:s24+$0x1440] =	vst v1;
	(pc) =	sbr.rel @p0 .LBB2_2-.Ltmp2, $4  }
0x37: {  	v4 =	vld [tilespmem:s26+$0x30];
	[tilespmem:s24+$0x1450] =	vst v2  }
0x38: {  	v1 =	vld [tilespmem:s26+$0x40];
	[tilespmem:s24+$0x1460] =	vst v6  }
0x39: {  	v6 =	vshrl.u32 v0, $0xE;
	v0 =	vand.u32 $0x3FFF, v0;
	v2 =	vld [tilespmem:s26+$0x50];
	[tilespmem:s24+$0x1470] =	vst v8;
	s24 =	smov.u32 s26  }
0x3a: {  	s25 =	sadd.s32 $0x200, s25;
	[tilespmem:s24+$0x0] =	vst v6;
	v7 =	vshrl.u32 v3, $0xE;
	v3 =	vand.u32 $0x3FFF, v3;
	v6 =	vld [tilespmem:s24+$0x60]  }
0x3b: {  	[tilespmem:s24+$0x10] =	vst v7  }
0x3c: {  	[tilespmem:s24+$0x1400] =	vst v0  }
0x3d: {  	v52 =	vshrl.u32 v5, $0xE;
	[tilespmem:s24+$0x1410] =	vst v3  }
0x3e: {  	v58 =	vand.u32 $0x3FFF, v5;
	[tilespmem:s24+$0x20] =	vst v52  }
0x3f: {  	v53 =	vshrl.u32 v4, $0xE;
	[tilespmem:s24+$0x1420] =	vst v58  }
0x40: {  	v59 =	vand.u32 $0x3FFF, v4;
	[tilespmem:s24+$0x30] =	vst v53  }
0x41: {  	v54 =	vshrl.u32 v1, $0xE;
	[tilespmem:s24+$0x1430] =	vst v59  }
0x42: {  	v8 =	vld [tilespmem:s24+$0x70];
	v60 =	vand.u32 $0x3FFF, v1;
	[tilespmem:s24+$0x40] =	vst v54  }
0x43: {  	v55 =	vshrl.u32 v2, $0xE;
	[tilespmem:s24+$0x1440] =	vst v60  }
0x44: {  	v61 =	vand.u32 $0x3FFF, v2;
	[tilespmem:s24+$0x50] =	vst v55  }
0x45: {  	v56 =	vshrl.u32 v6, $0xE;
	[tilespmem:s24+$0x1450] =	vst v61  }
0x46: {  	v62 =	vand.u32 $0x3FFF, v6;
	[tilespmem:s24+$0x60] =	vst v56  }
0x47: {  	v57 =	vshrl.u32 v8, $0xE;
	[tilespmem:s24+$0x1460] =	vst v62  }
0x48: {  	v63 =	vand.u32 $0x3FFF, v8;
	[tilespmem:s24+$0x70] =	vst v57  }
0x49: {  	[tilespmem:s24+$0x1470] =	vst v63  }
0x4a: {  	[tilespmem:s14], [sflag:$0x1] =	stream.indirect.gather [hbm4b:s1+s13], $0x80, s4, s13, $0xb8;
	[tilespmem:$0x1E800] =	vst v63  }
0x4b: {  	_ =	swait.ge [sflag:s15], $0x4000  }
0x4c: {  	[sflag:s15] =	ssyncset.done $0x0  }
0x4d: {  	[sflag:s15] =	ssyncadd.s32 $0xFFFFC000  }
0x4e: {  	[spmem:s3] =	stream.indirect.scatter.add.f32 [tilespmem:s14], [sflag:$0x3], $0x80, s16, s13, $0xb8;
	[tilespmem:$0x1E800] =	vst v63  }
0x4f: {  	_ = 	snop  }
0x50: {  	[tilespmem:s17], [sflag:$0x2] =	stream.indirect.gather [hbm4b:s1+s13], $0x80, s13, s13, $0xb8;
	[tilespmem:$0x1E800] =	vst v63  }
0x51: {  	_ =	swait.ge [sflag:s18], $0x4000  }
0x52: {  	[sflag:s18] =	ssyncset.done $0x0  }
0x53: {  	[sflag:s18] =	ssyncadd.s32 $0xFFFFC000  }
0x54: {  	[spmem:s3] =	stream.indirect.scatter.add.f32 [tilespmem:s17], [sflag:$0x4], $0x80, s19, s13, $0xb8;
	[tilespmem:$0x1E800] =	vst v63  }
0x55: {  	_ =	swait.ge [sflag:s20], $0x4000  }
0x56: {  	[sflag:s20] =	ssyncset.done $0x0  }
0x57: {  	s24 =	simm.s32 $0xFFFFB800;
	[sflag:s20] =	ssyncadd.s32 $0xFFFFC000  }
0x58: {  	[tilespmem:s14], [sflag:$0x1] =	stream.indirect.gather [hbm4b:s1+s13], $0x80, s21, s13, $0xb8;
	[tilespmem:$0x1E800] =	vst v63  }
.LBB2_4:
0x59: {  	_ =	swait.ge [sflag:s15], $0x4000  }
0x5a: {  	s25 =	sshra.s32 s24, $0x2;
	[sflag:s15] =	ssyncset.done $0x0  }
0x5b: {  	s26 =	sadd.s32 $0x2700, s25;
	[sflag:s15] =	ssyncadd.s32 $0xFFFFC000  }
0x5c: {  	[spmem:s3] =	stream.indirect.scatter.add.f32 [tilespmem:s14], [sflag:$0x3], $0x80, s26, s13, $0xb8;
	[tilespmem:$0x1E800] =	vst v63  }
0x5d: {  	_ =	swait.ge [sflag:s22], $0x4000  }
0x5e: {  	[sflag:s22] =	ssyncset.done $0x0  }
0x5f: {  	s30 =	sadd.s32 $0x1380, s25;
	[sflag:s22] =	ssyncadd.s32 $0xFFFFC000  }
0x60: {  	[tilespmem:s17], [sflag:$0x2] =	stream.indirect.gather [hbm4b:s1+s13], $0x80, s30, s13, $0xb8;
	[tilespmem:$0x1E800] =	vst v63  }
0x61: {  	_ =	swait.ge [sflag:s18], $0x4000  }
0x62: {  	p0 =	seq.s32 s24, $0x0;
	[sflag:s18] =	ssyncset.done $0x0  }
.Ltmp3:
0x63: {  	s31 =	sadd.s32 $0x2780, s25;
	[sflag:s18] =	ssyncadd.s32 $0xFFFFC000;
	(pc) =	sbr.rel @p0 .LBB2_6-.Ltmp3, $4  }
0x64: {  	[spmem:s3] =	stream.indirect.scatter.add.f32 [tilespmem:s17], [sflag:$0x4], $0x80, s31, s13, $0xb8;
	[tilespmem:$0x1E800] =	vst v63  }
0x65: {  	_ =	swait.ge [sflag:s20], $0x4000  }
0x66: {  	[sflag:s20] =	ssyncset.done $0x0  }
0x67: {  	[sflag:s20] =	ssyncadd.s32 $0xFFFFC000  }
.Ltmp4:
0x68: {  	(pc) =	sbr.rel .LBB2_4-.Ltmp4, $3  }
0x69: {  	_ =	sdelay $0x1  }
0x6a: {  	s25 =	sadd.s32 $0x1400, s25;
	s24 =	sadd.s32 $0x400, s24  }
0x6b: {  	[tilespmem:s14], [sflag:$0x1] =	stream.indirect.gather [hbm4b:s1+s13], $0x80, s25, s13, $0xb8;
	[tilespmem:$0x1E800] =	vst v63  }
.LBB2_6:
0x6c: {  	_ =	swait.ge [sflag:s22], $0x4000  }
0x6d: {  	[sflag:s22] =	ssyncset.done $0x0  }
0x6e: {  	s24 =	simm.s32 $0x0;
	[sflag:s22] =	ssyncadd.s32 $0xFFFFC000  }
0x6f: {  	[tilespmem:s24], [sflag:$0x5] =	stream.linear.gather [hbm4b:s8+s24], $0x1400, $0x38;
	[tilespmem:$0x1E800] =	vst v63  }
0x70: {  	_ =	swait.ge [sflag:s12], $0x1400  }
0x71: {  	[sflag:s12] =	ssyncset.done $0x0  }
0x72: {  	s24 =	simm.s32 $0x0;
	[sflag:s12] =	ssyncadd.s32 $0xFFFFEC00  }
0x73: {  	v0 =	vld [tilespmem:s24+$0x0]  }
0x74: {  	v3 =	vld [tilespmem:s24+$0x10]  }
0x75: {  	v5 =	vld [tilespmem:s24+$0x20]  }
0x76: {  	v4 =	vld [tilespmem:s24+$0x30]  }
0x77: {  	v1 =	vld [tilespmem:s24+$0x40]  }
0x78: {  	v2 =	vld [tilespmem:s24+$0x50];
	v6 =	vshrl.u32 v0, $0xE  }
0x79: {  	s25 =	simm.s32 $0x200;
	v0 =	vand.u32 $0x3FFF, v0;
	v7 =	vshrl.u32 v3, $0xE;
	v3 =	vand.u32 $0x3FFF, v3;
	[tilespmem:s24+$0x0] =	vst v6;
	v6 =	vld [tilespmem:s24+$0x60]  }
.LBB2_7:
0x7a: {  	p0 =	sne.s32 s25, $0x4E00;
	[tilespmem:s24+$0x10] =	vst v7;
	v7 =	vshrl.u32 v5, $0xE;
	v5 =	vand.u32 $0x3FFF, v5;
	v8 =	vld [tilespmem:s24+$0x70]  }
0x7b: {  	[tilespmem:s24+$0x20] =	vst v7;
	v7 =	vshrl.u32 v4, $0xE;
	v4 =	vand.u32 $0x3FFF, v4  }
0x7c: {  	[tilespmem:s24+$0x30] =	vst v7;
	v7 =	vshrl.u32 v1, $0xE;
	v1 =	vand.u32 $0x3FFF, v1  }
0x7d: {  	[tilespmem:s24+$0x40] =	vst v7;
	v7 =	vshrl.u32 v2, $0xE;
	v2 =	vand.u32 $0x3FFF, v2  }
0x7e: {  	[tilespmem:s24+$0x50] =	vst v7;
	v7 =	vshrl.u32 v6, $0xE;
	v6 =	vand.u32 $0x3FFF, v6  }
0x7f: {  	[tilespmem:s24+$0x60] =	vst v7;
	v7 =	vshrl.u32 v8, $0xE;
	v8 =	vand.u32 $0x3FFF, v8  }
0x80: {  	[tilespmem:s24+$0x70] =	vst v7  }
0x81: {  	[tilespmem:s24+$0x1400] =	vst v0  }
0x82: {  	s26 =	sshra.s32 s25, $0x2;
	[tilespmem:s24+$0x1410] =	vst v3  }
0x83: {  	v0 =	vld [tilespmem:s26+$0x0];
	[tilespmem:s24+$0x1420] =	vst v5  }
0x84: {  	v3 =	vld [tilespmem:s26+$0x10];
	[tilespmem:s24+$0x1430] =	vst v4  }
.Ltmp5:
0x85: {  	v5 =	vld [tilespmem:s26+$0x20];
	[tilespmem:s24+$0x1440] =	vst v1;
	(pc) =	sbr.rel @p0 .LBB2_7-.Ltmp5, $4  }
0x86: {  	v4 =	vld [tilespmem:s26+$0x30];
	[tilespmem:s24+$0x1450] =	vst v2  }
0x87: {  	v1 =	vld [tilespmem:s26+$0x40];
	[tilespmem:s24+$0x1460] =	vst v6  }
0x88: {  	v6 =	vshrl.u32 v0, $0xE;
	v0 =	vand.u32 $0x3FFF, v0;
	v2 =	vld [tilespmem:s26+$0x50];
	[tilespmem:s24+$0x1470] =	vst v8;
	s24 =	smov.u32 s26  }
0x89: {  	s25 =	sadd.s32 $0x200, s25;
	[tilespmem:s24+$0x0] =	vst v6;
	v7 =	vshrl.u32 v3, $0xE;
	v3 =	vand.u32 $0x3FFF, v3;
	v6 =	vld [tilespmem:s24+$0x60]  }
0x8a: {  	[tilespmem:s24+$0x10] =	vst v7  }
0x8b: {  	[tilespmem:s24+$0x1400] =	vst v0  }
0x8c: {  	v52 =	vshrl.u32 v5, $0xE;
	[tilespmem:s24+$0x1410] =	vst v3  }
0x8d: {  	v58 =	vand.u32 $0x3FFF, v5;
	[tilespmem:s24+$0x20] =	vst v52  }
0x8e: {  	v53 =	vshrl.u32 v4, $0xE;
	[tilespmem:s24+$0x1420] =	vst v58  }
0x8f: {  	v59 =	vand.u32 $0x3FFF, v4;
	[tilespmem:s24+$0x30] =	vst v53  }
0x90: {  	v54 =	vshrl.u32 v1, $0xE;
	[tilespmem:s24+$0x1430] =	vst v59  }
0x91: {  	v8 =	vld [tilespmem:s24+$0x70];
	v60 =	vand.u32 $0x3FFF, v1;
	[tilespmem:s24+$0x40] =	vst v54  }
0x92: {  	v55 =	vshrl.u32 v2, $0xE;
	[tilespmem:s24+$0x1440] =	vst v60  }
0x93: {  	v61 =	vand.u32 $0x3FFF, v2;
	[tilespmem:s24+$0x50] =	vst v55  }
0x94: {  	v56 =	vshrl.u32 v6, $0xE;
	[tilespmem:s24+$0x1450] =	vst v61  }
0x95: {  	v62 =	vand.u32 $0x3FFF, v6;
	[tilespmem:s24+$0x60] =	vst v56  }
0x96: {  	v57 =	vshrl.u32 v8, $0xE;
	[tilespmem:s24+$0x1460] =	vst v62  }
0x97: {  	v63 =	vand.u32 $0x3FFF, v8;
	[tilespmem:s24+$0x70] =	vst v57  }
0x98: {  	[tilespmem:s24+$0x1470] =	vst v63  }
0x99: {  	[tilespmem:s14], [sflag:$0x1] =	stream.indirect.gather [hbm4b:s1+s13], $0x80, s4, s13, $0xb8;
	[tilespmem:$0x1E800] =	vst v63  }
0x9a: {  	_ =	swait.ge [sflag:s15], $0x4000  }
0x9b: {  	[sflag:s15] =	ssyncset.done $0x0  }
0x9c: {  	[sflag:s15] =	ssyncadd.s32 $0xFFFFC000  }
0x9d: {  	[spmem:s3] =	stream.indirect.scatter.add.f32 [tilespmem:s14], [sflag:$0x3], $0x80, s16, s13, $0xb8;
	[tilespmem:$0x1E800] =	vst v63  }
0x9e: {  	_ = 	snop  }
0x9f: {  	[tilespmem:s17], [sflag:$0x2] =	stream.indirect.gather [hbm4b:s1+s13], $0x80, s13, s13, $0xb8;
	[tilespmem:$0x1E800] =	vst v63  }
0xa0: {  	_ =	swait.ge [sflag:s18], $0x4000  }
0xa1: {  	[sflag:s18] =	ssyncset.done $0x0  }
0xa2: {  	[sflag:s18] =	ssyncadd.s32 $0xFFFFC000  }
0xa3: {  	[spmem:s3] =	stream.indirect.scatter.add.f32 [tilespmem:s17], [sflag:$0x4], $0x80, s19, s13, $0xb8;
	[tilespmem:$0x1E800] =	vst v63  }
0xa4: {  	_ =	swait.ge [sflag:s20], $0x4000  }
0xa5: {  	[sflag:s20] =	ssyncset.done $0x0  }
0xa6: {  	s24 =	simm.s32 $0xFFFFB800;
	[sflag:s20] =	ssyncadd.s32 $0xFFFFC000  }
0xa7: {  	[tilespmem:s14], [sflag:$0x1] =	stream.indirect.gather [hbm4b:s1+s13], $0x80, s21, s13, $0xb8;
	[tilespmem:$0x1E800] =	vst v63  }
.LBB2_9:
0xa8: {  	_ =	swait.ge [sflag:s15], $0x4000  }
0xa9: {  	s25 =	sshra.s32 s24, $0x2;
	[sflag:s15] =	ssyncset.done $0x0  }
0xaa: {  	s26 =	sadd.s32 $0x2700, s25;
	[sflag:s15] =	ssyncadd.s32 $0xFFFFC000  }
0xab: {  	[spmem:s3] =	stream.indirect.scatter.add.f32 [tilespmem:s14], [sflag:$0x3], $0x80, s26, s13, $0xb8;
	[tilespmem:$0x1E800] =	vst v63  }
0xac: {  	_ =	swait.ge [sflag:s22], $0x4000  }
0xad: {  	[sflag:s22] =	ssyncset.done $0x0  }
0xae: {  	s30 =	sadd.s32 $0x1380, s25;
	[sflag:s22] =	ssyncadd.s32 $0xFFFFC000  }
0xaf: {  	[tilespmem:s17], [sflag:$0x2] =	stream.indirect.gather [hbm4b:s1+s13], $0x80, s30, s13, $0xb8;
	[tilespmem:$0x1E800] =	vst v63  }
0xb0: {  	_ =	swait.ge [sflag:s18], $0x4000  }
0xb1: {  	p0 =	seq.s32 s24, $0x0;
	[sflag:s18] =	ssyncset.done $0x0  }
.Ltmp6:
0xb2: {  	s31 =	sadd.s32 $0x2780, s25;
	[sflag:s18] =	ssyncadd.s32 $0xFFFFC000;
	(pc) =	sbr.rel @p0 .LBB2_11-.Ltmp6, $4  }
0xb3: {  	[spmem:s3] =	stream.indirect.scatter.add.f32 [tilespmem:s17], [sflag:$0x4], $0x80, s31, s13, $0xb8;
	[tilespmem:$0x1E800] =	vst v63  }
0xb4: {  	_ =	swait.ge [sflag:s20], $0x4000  }
0xb5: {  	[sflag:s20] =	ssyncset.done $0x0  }
0xb6: {  	[sflag:s20] =	ssyncadd.s32 $0xFFFFC000  }
.Ltmp7:
0xb7: {  	(pc) =	sbr.rel .LBB2_9-.Ltmp7, $3  }
0xb8: {  	_ =	sdelay $0x1  }
0xb9: {  	s25 =	sadd.s32 $0x1400, s25;
	s24 =	sadd.s32 $0x400, s24  }
0xba: {  	[tilespmem:s14], [sflag:$0x1] =	stream.indirect.gather [hbm4b:s1+s13], $0x80, s25, s13, $0xb8;
	[tilespmem:$0x1E800] =	vst v63  }
.LBB2_12:
0xbb: {  	_ =	sfence.sel $0x180000  }
0xbc: {  	[bflag:$0x0] =	sbarrier.arrive $0xFFFF  }
0xbd: {  	p0 =	sne.s32 s0, $0x0;
	_ =	strace $0x9000004A  }
0xbe: {  	s0 =	sadd.s32 @!p0 $0x100000, s2;
	[bflag:$0x2] =	sbarrier.arrive $0xFFFF  }
0xbf: {  	[sflag:s0] =	ssyncadd.tile.s32 @!p0 $0x1;
	_ =	shalt  }
.Lfunc_end2:
_tile_overlayer_lowered:
.L_overlay_start_2:
0xc0: {  	(tag) =	ssettag $0x2  }
0xc1: {  	s0 =	rddreg [dreg:$0x0];
	s2 =	stileid.u32  }
0xc2: {  	s1 =	rddreg [dreg:$0x1];
	p0 =	sne.s32 s2, $0x0  }
0xc3: {  	s3 =	rddreg [dreg:$0x2];
	[bflag:$0x3] =	sbarrier.arrive $0xFFFF;
	s2 =	simm.s32 @!p0 $0x1C05  }
0xc4: {  	[timem:s3], [sflag:s2] =	dma.local @!p0 [hbm:s0], s1  }
0xc5: {  	s0 =	simm.s32 @!p0 $0x5  }
0xc6: {  	_ =	swait.ge @!p0 [sflag:s0], s1  }
0xc7: {  	s1 =	ssub.s32 @!p0 $0x0, s1;
	[sflag:s0] =	ssyncset.done @!p0 $0x0  }
0xc8: {  	[sflag:s0] =	ssyncadd.s32 @!p0 s1  }
0xc9: {  	[bflag:$0x3] =	sbarrier.arrive $0xFFFF  }
0xca: {  	_ =	shalt  }

// kernel: kernel.16.cloned.1.call-start
scs
__scs_entry_jumppad:
0x0: {  	(pc) =	sbr.rel $0x88, $3  }
0x1: {  	(tag) =	ssettag $0x0;
	lr =	simm.s32 $0x1  }
0x2: {  	[smem:$0x3F98] =	sst lr;
	_ =	strace $0xD0000000  }
0x3: {  	_ = 	snop  }
0x4: {  	_ = 	snop  }
0x5: {  	_ = 	snop  }
0x6: {  	_ = 	snop  }
0x7: {  	_ = 	snop  }
__scs_overlays_trampoline_lowered:
0x8: {  	[smem:$0x3FA7] =	sst s0  }
0x9: {  	[smem:$0x3FA8] =	sst s1  }
0xa: {  	[smem:$0x3FA9] =	sst s2  }
0xb: {  	[smem:$0x3FAA] =	sst s3  }
0xc: {  	[smem:$0x3FAB] =	sst s4  }
0xd: {  	[smem:$0x3FAC] =	sst s5  }
0xe: {  	[smem:$0x3FAD] =	sst s6  }
0xf: {  	[smem:$0x3FAE] =	sst s7  }
0x10: {  	[smem:$0x3FAF] =	sst s8  }
0x11: {  	[smem:$0x3FB0] =	sst s9;
	s0 =	simm.s32 @!p0 $0x0  }
0x12: {  	s1 =	sld [smem:$0x3F96];
	s0 =	simm.s32 @p0 $0x1  }
0x13: {  	[smem:$0x3FB1] =	sst s0;
	s0 =	simm.s32 @!p1 $0x0  }
0x14: {  	s2 =	sld [smem:$0x3F95];
	s0 =	simm.s32 @p1 $0x1  }
0x15: {  	[smem:$0x3FB2] =	sst s0;
	s0 =	simm.s32 @!p2 $0x0  }
0x16: {  	s3 =	sld [smem:$0x3FDB];
	s0 =	simm.s32 @p2 $0x1  }
0x17: {  	s4 =	simm.s32 $0x1BF5;
	[smem:$0x3FB4] =	sst s0  }
0x18: {  	s0 =	sld [smem:$0x3F97];
	_ =	swait.ge [sflag:s4], $0x0  }
0x19: {  	s7 =	sld [smem:$0x3F98]  }
0x1a: {  	s8 =	sadd.s32 $0xFFFFE003, lr  }
0x1b: {  	s9 =	sadd.s32 $0xFFFFFEF7, lr;
	s5 =	simm.s32 $0xFFFFFFFF;
	p2 =	slt.u32 s8, $0xFFFFF086  }
0x1c: {  	p1 =	slt.u32 s9, $0xF7A;
	s5 =	simm.s32 @!p2 $0x0  }
0x1d: {  	s5 =	simm.s32 @p1 $0x1;
	p0 =	seq.s32 s7, s2  }
0x1e: {  	s7 =	smul.u32 @!p0 $0xF7A, s2;
	p2 =	seq.s32 @!p0 s5, $0x0  }
0x1f: {  	s9 =	smul.u32 $0xF7A, s1;
	s8 =	simm.s32 @!p0 $0x1BF5;
	p2 =	por !p2, p0  }
0x20: {  	[sflag:s8] =	ssyncset.s32 @!p0 $0xFFFFF086;
	s6 =	sadd.s32 @!p0 s3, s7;
	s7 =	simm.s32 @!p0 $0x108  }
0x21: {  	s3 =	sadd.s32 s3, s9;
	s6 =	sadd.s32 @!p0 $0x88, s6;
	s7 =	simm.s32 @p2 $0x1082  }
0x22: {  	[simem:s7], [sflag:s8] =	dma.local @!p0 [hbm:s6], $0xF7A  }
0x23: {  	s9 =	sor.u32 $0xD0000000, s2;
	s6 =	simm.s32 $0x108;
	_ =	swait.ge @!p0 [sflag:s8], $0x0  }
0x24: {  	s3 =	sadd.s32 $0x88, s3;
	s6 =	simm.s32 @!p1 $0x1082;
	[sflag:s4] =	ssyncset.s32 $0xFFFFF086  }
0x25: {  	[simem:s6], [sflag:s4] =	dma.local [hbm:s3], $0xF7A  }
0x26: {  	[smem:$0x3F98] =	sst s1;
	(tag) =	ssettag s2;
	_ =	strace s9  }
0x27: {  	s1 =	sld [smem:$0x3FA8]  }
0x28: {  	s2 =	sld [smem:$0x3FA9]  }
0x29: {  	s4 =	sld [smem:$0x3FAB]  }
0x2a: {  	p0 =	seq.s32 s5, $0x0;
	s5 =	sld [smem:$0x3FAC]  }
0x2b: {  	s6 =	sld [smem:$0x3FAD]  }
0x2c: {  	s7 =	sld [smem:$0x3FAE]  }
0x2d: {  	s3 =	simm.s32 $0x108;
	s8 =	sld [smem:$0x3FAF]  }
0x2e: {  	s3 =	simm.s32 @!p0 $0x1082;
	s9 =	sld [smem:$0x3FB0]  }
0x2f: {  	lr =	sadd.s32 s0, s3;
	s0 =	sld [smem:$0x3FA7]  }
0x30: {  	s3 =	sld [smem:$0x3FAA]  }
0x31: {  	[smem:$0x3FB3] =	sst s10  }
0x32: {  	s10 =	sld [smem:$0x3FB1];
	_ =	sdelay $0x3  }
0x33: {  	p0 =	seq.s32 s10, $0x1;
	s10 =	sld [smem:$0x3FB3];
	_ =	sdelay $0x3  }
0x34: {  	[smem:$0x3FB3] =	sst s10  }
0x35: {  	s10 =	sld [smem:$0x3FB2];
	_ =	sdelay $0x3  }
0x36: {  	p1 =	seq.s32 s10, $0x1;
	s10 =	sld [smem:$0x3FB3];
	_ =	sdelay $0x3  }
0x37: {  	[smem:$0x3FB3] =	sst s10  }
0x38: {  	s10 =	sld [smem:$0x3FB4]  }
0x39: {  	_ = 	snop;
	(pc) =	sbr.ind lr, $3  }
0x3a: {  	_ = 	snop  }
0x3b: {  	_ = 	snop  }
0x3c: {  	p2 =	seq.s32 s10, $0x1;
	s10 =	sld [smem:$0x3FB3]  }
0x3d: {  	_ =	shalt  }
0x3e: {  	_ =	shalt  }
0x3f: {  	_ =	shalt  }
0x40: {  	_ =	shalt  }
0x41: {  	_ =	shalt  }
0x42: {  	_ =	shalt  }
0x43: {  	_ =	shalt  }
0x44: {  	_ =	shalt  }
0x45: {  	_ =	shalt  }
0x46: {  	_ =	shalt  }
0x47: {  	_ =	shalt  }
0x48: {  	_ =	shalt  }
0x49: {  	_ =	shalt  }
0x4a: {  	_ =	shalt  }
0x4b: {  	_ =	shalt  }
0x4c: {  	_ =	shalt  }
0x4d: {  	_ =	shalt  }
0x4e: {  	_ =	shalt  }
0x4f: {  	_ =	shalt  }
0x50: {  	_ =	shalt  }
0x51: {  	_ =	shalt  }
0x52: {  	_ =	shalt  }
0x53: {  	_ =	shalt  }
0x54: {  	_ =	shalt  }
0x55: {  	_ =	shalt  }
0x56: {  	_ =	shalt  }
0x57: {  	_ =	shalt  }
0x58: {  	_ =	shalt  }
0x59: {  	_ =	shalt  }
0x5a: {  	_ =	shalt  }
0x5b: {  	_ =	shalt  }
0x5c: {  	_ =	shalt  }
0x5d: {  	_ =	shalt  }
0x5e: {  	_ =	shalt  }
0x5f: {  	_ =	shalt  }
0x60: {  	_ =	shalt  }
0x61: {  	_ =	shalt  }
0x62: {  	_ =	shalt  }
0x63: {  	_ =	shalt  }
0x64: {  	_ =	shalt  }
0x65: {  	_ =	shalt  }
0x66: {  	_ =	shalt  }
0x67: {  	_ =	shalt  }
0x68: {  	_ =	shalt  }
0x69: {  	_ =	shalt  }
0x6a: {  	_ =	shalt  }
0x6b: {  	_ =	shalt  }
0x6c: {  	_ =	shalt  }
0x6d: {  	_ =	shalt  }
0x6e: {  	_ =	shalt  }
0x6f: {  	_ =	shalt  }
0x70: {  	_ =	shalt  }
0x71: {  	_ =	shalt  }
0x72: {  	_ =	shalt  }
0x73: {  	_ =	shalt  }
0x74: {  	_ =	shalt  }
0x75: {  	_ =	shalt  }
0x76: {  	_ =	shalt  }
0x77: {  	_ =	shalt  }
0x78: {  	_ =	shalt  }
0x79: {  	_ =	shalt  }
0x7a: {  	_ =	shalt  }
0x7b: {  	_ =	shalt  }
0x7c: {  	_ =	shalt  }
0x7d: {  	_ =	shalt  }
0x7e: {  	_ =	shalt  }
0x7f: {  	_ =	shalt  }
0x80: {  	_ =	shalt  }
0x81: {  	_ =	shalt  }
0x82: {  	_ =	shalt  }
0x83: {  	_ =	shalt  }
0x84: {  	_ =	shalt  }
0x85: {  	_ =	shalt  }
0x86: {  	_ =	shalt  }
0x87: {  	_ =	shalt  }
.Lfunc_end0:
.L_simem_size_0:
called_computation.2_lowered:
.L_overlay_start_0:
0x88: {  	s2 =	sld [smem:$0x3FD9]  }
0x89: {  	s3 =	sld [smem:$0x3FFE];
	_ =	sdelay $0x1  }
0x8a: {  	s1 =	srdreg.scid  }
0x8b: {  	s0 =	sand.u32 $0x1, s1  }
0x8c: {  	s14 =	sshll.u32 s0, $0xA;
	s2 =	sadd.s32 s3, s2  }
0x8d: {  	s2 =	sadd.s32 s2, s14  }
0x8e: {  	[smem:$0x3FBF] =	sst s2  }
0x8f: {  	_ = 	snop  }
0x90: {  	s2 =	sld [smem:$0x3FD0];
	_ =	sdelay $0x2  }
0x91: {  	s15 =	simm.s32 $0xA;
	s4 =	simm.s32 $0x10  }
0x92: {  	[smem:s4], [sflag:s15] =	dma.local [hbm:s2], $0x1  }
0x93: {  	_ =	swait.eq [sflag:s15], $0x1  }
0x94: {  	[sflag:s15] =	ssyncset.done $0x0  }
0x95: {  	[sflag:s15] =	ssyncadd.s32 $0xFFFFFFFF  }
0x96: {  	s16 =	sld [smem:$0x11];
	(tm) =	ssettm $0x1  }
0x97: {  	s17 =	sld [smem:$0x3FFB];
	_ =	sdelay $0x3  }
0x98: {  	_ =	strace s17  }
0x99: {  	s3 =	sld [smem:$0x3FFC];
	_ =	sdelay $0x3  }
0x9a: {  	_ =	strace s3  }
0x9b: {  	s3 =	sld [smem:$0x3FFD];
	_ =	sdelay $0x3  }
0x9c: {  	_ =	strace s3  }
0x9d: {  	_ =	strace $0x8FFFFFFF  }
0x9e: {  	s18 =	sld [smem:$0x3FDB];
	_ =	sdelay $0x1  }
0x9f: {  	s19 =	simm.s32 $_scs_section_size  }
0xa0: {  	s5 =	simm.s32 $_size__tile_overlayer_lowered;
	s6 =	simm.s32 $_tile_overlayer_lowered  }
0xa1: {  	s22 =	simm.s32 $0x1BFF;
	s21 =	sshll.u32 s6, $0x1;
	s3 =	sadd.s32 s19, s18  }
0xa2: {  	s7 =	simm.s32 $0x0;
	s20 =	sshll.u32 s5, $0x1;
	s5 =	sadd.s32 s21, s3  }
0xa3: {  	[timem:s7], [sflag:s22] =	dma.local [hbm:s5], s20  }
0xa4: {  	_ =	swait.ge [sflag:s22], s20  }
0xa5: {  	s4 =	ssub.s32 $0x0, s20;
	[sflag:s22] =	ssyncset.done $0x0  }
0xa6: {  	[sflag:s22] =	ssyncadd.s32 s4;
	_ =	sdelay $0x1  }
0xa7: {  	s23 =	simm.s32 $0x1B8B  }
0xa8: {  	_ =	swait.ge [sflag:s23], $0x1  }
0xa9: {  	[sflag:s23] =	ssyncset.done $0x0  }
0xaa: {  	s25 =	simm.s32 $0x1B8E;
	s24 =	sld [smem:$0x3FFE];
	[sflag:s23] =	ssyncadd.s32 $0xFFFFFFFF  }
0xab: {  	s26 =	simm.s32 $execute0_lowered;
	[smem:$0x3FD2] =	sst s25  }
0xac: {  	s5 =	sshll.u32 s26, $0x1;
	_ =	strace $0x8000004C;
	[dreg:$0x1] =	wrdreg $0xFFFFFFFF  }
0xad: {  	s28 =	simm.s32 $_size_execute0_lowered;
	s3 =	sadd.s32 s3, s5;
	[dreg:$0x0] =	wrdreg $0x0  }
0xae: {  	s5 =	sshll.u32 s28, $0x1;
	[dreg:$0x2] =	wrdreg s3  }
0xaf: {  	[dreg:$0x3] =	wrdreg s5  }
0xb0: {  	[dreg:$0x4] =	wrdreg $0xC0  }
0xb1: {  	_ =	task [dreg:s7], $0x5FFFF  }
0xb2: {  	[dreg:$0x1] =	wrdreg $0xFFFFFFFF  }
0xb3: {  	[dreg:$0x0] =	wrdreg $0x60  }
0xb4: {  	[dreg:$0x2] =	wrdreg s16  }
0xb5: {  	[dreg:$0x3] =	wrdreg s24  }
0xb6: {  	[dreg:$0x4] =	wrdreg $0xA8000  }
0xb7: {  	[dreg:$0x5] =	wrdreg $0x9  }
0xb8: {  	_ =	task.clear_ibuf [dreg:s7], $0x6FFFF;
	_ =	strace $0x9000004C  }
0xb9: {  	s29 =	simm.s32 $0x9;
	_ =	strace $0x8000004E  }
0xba: {  	_ =	swait.ge [sflag:s29], $0x1  }
0xbb: {  	[sflag:s29] =	ssyncadd.s32 $0xFFFFFFFF  }
0xbc: {  	_ =	strace $0x9000004E  }
0xbd: {  	_ =	sfence  }
0xbe: {  	s30 =	sld [smem:$0x0];
	_ =	sdelay $0x2  }
0xbf: {  	s31 =	sshll.u32 s1, $0xD;
	s1 =	sshrl.u32 s1, $0x2  }
0xc0: {  	s3 =	sand.u32 $0x4000, s31;
	s1 =	sadd.s32 s1, s30  }
0xc1: {  	s0 =	sor.u32 s3, s0;
	s1 =	sshll.u32 s1, $0x11  }
0xc2: {  	s0 =	sor.u32 s1, s0  }
0xc3: {  	s0 =	sadd.s32 $0x8F2B, s0  }
0xc4: {  	[sflag:s0] =	ssyncadd.remote.s32 $0x1  }
0xc5: {  	_ =	sfence.sel $0xFFFF  }
0xc6: {  	[dreg:$0x0] =	wrdreg $0xFFFFFFFF;
	(pc) =	sbr.abs _section_cstart, $3  }
0xc7: {  	[dreg:$0x1] =	wrdreg $0xFFFFFFFF  }
0xc8: {  	_ =	task.clear_ibuf [dreg:s7], $0x2FFFF;
	_ =	strace $0x9FFFFFFF  }
0xc9: {  	(tm) =	ssettm $0x7FFFFFFF  }
tec
execute0_lowered:
.L_overlay_start_1:
0x0: {  	(tag) =	ssettag $0x1  }
0x1: {  	s1 =	rddreg [dreg:$0x0]  }
0x2: {  	s6 =	rddreg [dreg:$0x1]  }
0x3: {  	s0 =	srdreg.scid;
	s3 =	rddreg [dreg:$0x2]  }
0x4: {  	s4 =	simm.s32 $0x0;
	s14 =	simm.s32 $0x2800;
	s15 =	simm.s32 $0x1  }
0x5: {  	s16 =	simm.s32 $0x1400;
	s17 =	simm.s32 $0x6800;
	s18 =	simm.s32 $0x2  }
0x6: {  	s19 =	simm.s32 $0x1480;
	s20 =	simm.s32 $0x3;
	s21 =	simm.s32 $0x100  }
0x7: {  	s22 =	simm.s32 $0x4;
	s5 =	sand.u32 $0x1, s0;
	s0 =	stileid.u32  }
0x8: {  	s23 =	simm.s32 $0x0;
	[smem:$0x7FF] =	sst s4;
	s8 =	smul.u32 $0x14000, s0  }
0x9: {  	s2 =	sshll.u32 s5, $0x4;
	s9 =	smul.u32 $0x140000, s5;
	s5 =	ssub.s32 $0x2, s5  }
0xa: {  	s29 =	smul.u32 $0x50000, s0;
	s31 =	sshll.u32 s0, $0x6;
	s2 =	sor.u32 s0, s2  }
0xb: {  	s11 =	sshrl.u32 s5, $0x1;
	s7 =	smul.u32 $0x2800, s2;
	s2 =	rddreg [dreg:$0x3]  }
0xc: {  	_ =	strace $0x8000004D;
	s28 =	sshrl.u32 s8, $0x3;
	s8 =	sadd.s32 s8, s9  }
0xd: {  	s11 =	ssub.s32 s5, s11;
	s30 =	sshrl.u32 s29, $0x2;
	s8 =	sshrl.u32 s8, $0x3  }
.Ltmp0:
0xe: {  	s13 =	sadd.s32 s30, s3;
	s7 =	sshrl.u32 s7, $0x3;
	(pc) =	sbr.rel .LBB2_1-.Ltmp0, $4  }
0xf: {  	s12 =	sadd.s32 s8, s6;
	s10 =	sadd.s32 s7, s6;
	s7 =	sadd.s32 s28, s6  }
0x10: {  	s6 =	sor.u32 $0x1C05, s31;
	s9 =	sadd.s32 $0xD5400, s12;
	s12 =	simm.s32 $0x5  }
0x11: {  	s5 =	sadd.s32 $0xAD400, s7;
	s7 =	sadd.s32 $0x3400, s10;
	s8 =	sadd.s32 $0x3680, s10  }
0x12: {  	s10 =	smax.u32 s11, $0x1;
	s11 =	sshrl.u32 s13, $0x3;
	s13 =	simm.s32 $0x80  }
.LBB2_11:
0x13: {  	_ =	swait.ge [sflag:s22], $0x4000  }
0x14: {  	s23 =	sadd.s32 $0x1, s23;
	[sflag:s22] =	ssyncset.done $0x0  }
0x15: {  	p0 =	sne.s32 s23, s10;
	[sflag:s22] =	ssyncadd.s32 $0xFFFFC000  }
.Ltmp1:
0x16: {  	[bflag:$0x0] =	sbarrier.arrive $0xFFFF;
	(pc) =	sbr.rel @!p0 .LBB2_12-.Ltmp1, $4  }
0x17: {  	[hbm:s9], [sflag:s6] =	dma.local [spmem:s11], $0x2800  }
0x18: {  	_ =	swait.ge [sflag:s12], $0x2800  }
0x19: {  	[sflag:s12] =	ssyncset.done $0x0  }
0x1a: {  	[sflag:s12] =	ssyncadd.s32 $0xFFFFD800  }
.LBB2_1:
0x1b: {  	[spmem:s11], [sflag:s6] =	dma.local [hbm:s5], $0x2800  }
0x1c: {  	_ =	swait.ge [sflag:s12], $0x2800  }
0x1d: {  	[sflag:s12] =	ssyncset.done $0x0  }
0x1e: {  	[sflag:s12] =	ssyncadd.s32 $0xFFFFD800  }
0x1f: {  	[bflag:$0x0] =	sbarrier.arrive $0xFFFF  }
0x20: {  	[tilespmem:s4], [sflag:$0x5] =	stream.linear.gather [hbm4b:s7+s4], $0x1400, $0x38;
	[tilespmem:$0x1E800] =	vst v63  }
0x21: {  	_ =	swait.ge [sflag:s12], $0x1400  }
0x22: {  	[sflag:s12] =	ssyncset.done $0x0  }
0x23: {  	s24 =	simm.s32 $0x0;
	[sflag:s12] =	ssyncadd.s32 $0xFFFFEC00  }
0x24: {  	v0 =	vld [tilespmem:s24+$0x0]  }
0x25: {  	v3 =	vld [tilespmem:s24+$0x10]  }
0x26: {  	v5 =	vld [tilespmem:s24+$0x20]  }
0x27: {  	v4 =	vld [tilespmem:s24+$0x30]  }
0x28: {  	v1 =	vld [tilespmem:s24+$0x40]  }
0x29: {  	v2 =	vld [tilespmem:s24+$0x50];
	v6 =	vshrl.u32 v0, $0xE  }
0x2a: {  	s25 =	simm.s32 $0x200;
	v0 =	vand.u32 $0x3FFF, v0;
	v7 =	vshrl.u32 v3, $0xE;
	v3 =	vand.u32 $0x3FFF, v3;
	[tilespmem:s24+$0x0] =	vst v6;
	v6 =	vld [tilespmem:s24+$0x60]  }
.LBB2_2:
0x2b: {  	p0 =	sne.s32 s25, $0x4E00;
	[tilespmem:s24+$0x10] =	vst v7;
	v7 =	vshrl.u32 v5, $0xE;
	v5 =	vand.u32 $0x3FFF, v5;
	v8 =	vld [tilespmem:s24+$0x70]  }
0x2c: {  	[tilespmem:s24+$0x20] =	vst v7;
	v7 =	vshrl.u32 v4, $0xE;
	v4 =	vand.u32 $0x3FFF, v4  }
0x2d: {  	[tilespmem:s24+$0x30] =	vst v7;
	v7 =	vshrl.u32 v1, $0xE;
	v1 =	vand.u32 $0x3FFF, v1  }
0x2e: {  	[tilespmem:s24+$0x40] =	vst v7;
	v7 =	vshrl.u32 v2, $0xE;
	v2 =	vand.u32 $0x3FFF, v2  }
0x2f: {  	[tilespmem:s24+$0x50] =	vst v7;
	v7 =	vshrl.u32 v6, $0xE;
	v6 =	vand.u32 $0x3FFF, v6  }
0x30: {  	[tilespmem:s24+$0x60] =	vst v7;
	v7 =	vshrl.u32 v8, $0xE;
	v8 =	vand.u32 $0x3FFF, v8  }
0x31: {  	[tilespmem:s24+$0x70] =	vst v7  }
0x32: {  	[tilespmem:s24+$0x1400] =	vst v0  }
0x33: {  	s26 =	sshra.s32 s25, $0x2;
	[tilespmem:s24+$0x1410] =	vst v3  }
0x34: {  	v0 =	vld [tilespmem:s26+$0x0];
	[tilespmem:s24+$0x1420] =	vst v5  }
0x35: {  	v3 =	vld [tilespmem:s26+$0x10];
	[tilespmem:s24+$0x1430] =	vst v4  }
.Ltmp2:
0x36: {  	v5 =	vld [tilespmem:s26+$0x20];
	[tilespmem:s24+$0x1440] =	vst v1;
	(pc) =	sbr.rel @p0 .LBB2_2-.Ltmp2, $4  }
0x37: {  	v4 =	vld [tilespmem:s26+$0x30];
	[tilespmem:s24+$0x1450] =	vst v2  }
0x38: {  	v1 =	vld [tilespmem:s26+$0x40];
	[tilespmem:s24+$0x1460] =	vst v6  }
0x39: {  	v6 =	vshrl.u32 v0, $0xE;
	v0 =	vand.u32 $0x3FFF, v0;
	v2 =	vld [tilespmem:s26+$0x50];
	[tilespmem:s24+$0x1470] =	vst v8;
	s24 =	smov.u32 s26  }
0x3a: {  	s25 =	sadd.s32 $0x200, s25;
	[tilespmem:s24+$0x0] =	vst v6;
	v7 =	vshrl.u32 v3, $0xE;
	v3 =	vand.u32 $0x3FFF, v3;
	v6 =	vld [tilespmem:s24+$0x60]  }
0x3b: {  	[tilespmem:s24+$0x10] =	vst v7  }
0x3c: {  	[tilespmem:s24+$0x1400] =	vst v0  }
0x3d: {  	v52 =	vshrl.u32 v5, $0xE;
	[tilespmem:s24+$0x1410] =	vst v3  }
0x3e: {  	v58 =	vand.u32 $0x3FFF, v5;
	[tilespmem:s24+$0x20] =	vst v52  }
0x3f: {  	v53 =	vshrl.u32 v4, $0xE;
	[tilespmem:s24+$0x1420] =	vst v58  }
0x40: {  	v59 =	vand.u32 $0x3FFF, v4;
	[tilespmem:s24+$0x30] =	vst v53  }
0x41: {  	v54 =	vshrl.u32 v1, $0xE;
	[tilespmem:s24+$0x1430] =	vst v59  }
0x42: {  	v8 =	vld [tilespmem:s24+$0x70];
	v60 =	vand.u32 $0x3FFF, v1;
	[tilespmem:s24+$0x40] =	vst v54  }
0x43: {  	v55 =	vshrl.u32 v2, $0xE;
	[tilespmem:s24+$0x1440] =	vst v60  }
0x44: {  	v61 =	vand.u32 $0x3FFF, v2;
	[tilespmem:s24+$0x50] =	vst v55  }
0x45: {  	v56 =	vshrl.u32 v6, $0xE;
	[tilespmem:s24+$0x1450] =	vst v61  }
0x46: {  	v62 =	vand.u32 $0x3FFF, v6;
	[tilespmem:s24+$0x60] =	vst v56  }
0x47: {  	v57 =	vshrl.u32 v8, $0xE;
	[tilespmem:s24+$0x1460] =	vst v62  }
0x48: {  	v63 =	vand.u32 $0x3FFF, v8;
	[tilespmem:s24+$0x70] =	vst v57  }
0x49: {  	[tilespmem:s24+$0x1470] =	vst v63  }
0x4a: {  	[tilespmem:s14], [sflag:$0x1] =	stream.indirect.gather [hbm4b:s1+s13], $0x80, s4, s13, $0xb8;
	[tilespmem:$0x1E800] =	vst v63  }
0x4b: {  	_ =	swait.ge [sflag:s15], $0x4000  }
0x4c: {  	[sflag:s15] =	ssyncset.done $0x0  }
0x4d: {  	[sflag:s15] =	ssyncadd.s32 $0xFFFFC000  }
0x4e: {  	[spmem:s3] =	stream.indirect.scatter.add.f32 [tilespmem:s14], [sflag:$0x3], $0x80, s16, s13, $0xb8;
	[tilespmem:$0x1E800] =	vst v63  }
0x4f: {  	_ = 	snop  }
0x50: {  	[tilespmem:s17], [sflag:$0x2] =	stream.indirect.gather [hbm4b:s1+s13], $0x80, s13, s13, $0xb8;
	[tilespmem:$0x1E800] =	vst v63  }
0x51: {  	_ =	swait.ge [sflag:s18], $0x4000  }
0x52: {  	[sflag:s18] =	ssyncset.done $0x0  }
0x53: {  	[sflag:s18] =	ssyncadd.s32 $0xFFFFC000  }
0x54: {  	[spmem:s3] =	stream.indirect.scatter.add.f32 [tilespmem:s17], [sflag:$0x4], $0x80, s19, s13, $0xb8;
	[tilespmem:$0x1E800] =	vst v63  }
0x55: {  	_ =	swait.ge [sflag:s20], $0x4000  }
0x56: {  	[sflag:s20] =	ssyncset.done $0x0  }
0x57: {  	s24 =	simm.s32 $0xFFFFB800;
	[sflag:s20] =	ssyncadd.s32 $0xFFFFC000  }
0x58: {  	[tilespmem:s14], [sflag:$0x1] =	stream.indirect.gather [hbm4b:s1+s13], $0x80, s21, s13, $0xb8;
	[tilespmem:$0x1E800] =	vst v63  }
.LBB2_4:
0x59: {  	_ =	swait.ge [sflag:s15], $0x4000  }
0x5a: {  	s25 =	sshra.s32 s24, $0x2;
	[sflag:s15] =	ssyncset.done $0x0  }
0x5b: {  	s26 =	sadd.s32 $0x2700, s25;
	[sflag:s15] =	ssyncadd.s32 $0xFFFFC000  }
0x5c: {  	[spmem:s3] =	stream.indirect.scatter.add.f32 [tilespmem:s14], [sflag:$0x3], $0x80, s26, s13, $0xb8;
	[tilespmem:$0x1E800] =	vst v63  }
0x5d: {  	_ =	swait.ge [sflag:s22], $0x4000  }
0x5e: {  	[sflag:s22] =	ssyncset.done $0x0  }
0x5f: {  	s30 =	sadd.s32 $0x1380, s25;
	[sflag:s22] =	ssyncadd.s32 $0xFFFFC000  }
0x60: {  	[tilespmem:s17], [sflag:$0x2] =	stream.indirect.gather [hbm4b:s1+s13], $0x80, s30, s13, $0xb8;
	[tilespmem:$0x1E800] =	vst v63  }
0x61: {  	_ =	swait.ge [sflag:s18], $0x4000  }
0x62: {  	p0 =	seq.s32 s24, $0x0;
	[sflag:s18] =	ssyncset.done $0x0  }
.Ltmp3:
0x63: {  	s31 =	sadd.s32 $0x2780, s25;
	[sflag:s18] =	ssyncadd.s32 $0xFFFFC000;
	(pc) =	sbr.rel @p0 .LBB2_6-.Ltmp3, $4  }
0x64: {  	[spmem:s3] =	stream.indirect.scatter.add.f32 [tilespmem:s17], [sflag:$0x4], $0x80, s31, s13, $0xb8;
	[tilespmem:$0x1E800] =	vst v63  }
0x65: {  	_ =	swait.ge [sflag:s20], $0x4000  }
0x66: {  	[sflag:s20] =	ssyncset.done $0x0  }
0x67: {  	[sflag:s20] =	ssyncadd.s32 $0xFFFFC000  }
.Ltmp4:
0x68: {  	(pc) =	sbr.rel .LBB2_4-.Ltmp4, $3  }
0x69: {  	_ =	sdelay $0x1  }
0x6a: {  	s25 =	sadd.s32 $0x1400, s25;
	s24 =	sadd.s32 $0x400, s24  }
0x6b: {  	[tilespmem:s14], [sflag:$0x1] =	stream.indirect.gather [hbm4b:s1+s13], $0x80, s25, s13, $0xb8;
	[tilespmem:$0x1E800] =	vst v63  }
.LBB2_6:
0x6c: {  	_ =	swait.ge [sflag:s22], $0x4000  }
0x6d: {  	[sflag:s22] =	ssyncset.done $0x0  }
0x6e: {  	s24 =	simm.s32 $0x0;
	[sflag:s22] =	ssyncadd.s32 $0xFFFFC000  }
0x6f: {  	[tilespmem:s24], [sflag:$0x5] =	stream.linear.gather [hbm4b:s8+s24], $0x1400, $0x38;
	[tilespmem:$0x1E800] =	vst v63  }
0x70: {  	_ =	swait.ge [sflag:s12], $0x1400  }
0x71: {  	[sflag:s12] =	ssyncset.done $0x0  }
0x72: {  	s24 =	simm.s32 $0x0;
	[sflag:s12] =	ssyncadd.s32 $0xFFFFEC00  }
0x73: {  	v0 =	vld [tilespmem:s24+$0x0]  }
0x74: {  	v3 =	vld [tilespmem:s24+$0x10]  }
0x75: {  	v5 =	vld [tilespmem:s24+$0x20]  }
0x76: {  	v4 =	vld [tilespmem:s24+$0x30]  }
0x77: {  	v1 =	vld [tilespmem:s24+$0x40]  }
0x78: {  	v2 =	vld [tilespmem:s24+$0x50];
	v6 =	vshrl.u32 v0, $0xE  }
0x79: {  	s25 =	simm.s32 $0x200;
	v0 =	vand.u32 $0x3FFF, v0;
	v7 =	vshrl.u32 v3, $0xE;
	v3 =	vand.u32 $0x3FFF, v3;
	[tilespmem:s24+$0x0] =	vst v6;
	v6 =	vld [tilespmem:s24+$0x60]  }
.LBB2_7:
0x7a: {  	p0 =	sne.s32 s25, $0x4E00;
	[tilespmem:s24+$0x10] =	vst v7;
	v7 =	vshrl.u32 v5, $0xE;
	v5 =	vand.u32 $0x3FFF, v5;
	v8 =	vld [tilespmem:s24+$0x70]  }
0x7b: {  	[tilespmem:s24+$0x20] =	vst v7;
	v7 =	vshrl.u32 v4, $0xE;
	v4 =	vand.u32 $0x3FFF, v4  }
0x7c: {  	[tilespmem:s24+$0x30] =	vst v7;
	v7 =	vshrl.u32 v1, $0xE;
	v1 =	vand.u32 $0x3FFF, v1  }
0x7d: {  	[tilespmem:s24+$0x40] =	vst v7;
	v7 =	vshrl.u32 v2, $0xE;
	v2 =	vand.u32 $0x3FFF, v2  }
0x7e: {  	[tilespmem:s24+$0x50] =	vst v7;
	v7 =	vshrl.u32 v6, $0xE;
	v6 =	vand.u32 $0x3FFF, v6  }
0x7f: {  	[tilespmem:s24+$0x60] =	vst v7;
	v7 =	vshrl.u32 v8, $0xE;
	v8 =	vand.u32 $0x3FFF, v8  }
0x80: {  	[tilespmem:s24+$0x70] =	vst v7  }
0x81: {  	[tilespmem:s24+$0x1400] =	vst v0  }
0x82: {  	s26 =	sshra.s32 s25, $0x2;
	[tilespmem:s24+$0x1410] =	vst v3  }
0x83: {  	v0 =	vld [tilespmem:s26+$0x0];
	[tilespmem:s24+$0x1420] =	vst v5  }
0x84: {  	v3 =	vld [tilespmem:s26+$0x10];
	[tilespmem:s24+$0x1430] =	vst v4  }
.Ltmp5:
0x85: {  	v5 =	vld [tilespmem:s26+$0x20];
	[tilespmem:s24+$0x1440] =	vst v1;
	(pc) =	sbr.rel @p0 .LBB2_7-.Ltmp5, $4  }
0x86: {  	v4 =	vld [tilespmem:s26+$0x30];
	[tilespmem:s24+$0x1450] =	vst v2  }
0x87: {  	v1 =	vld [tilespmem:s26+$0x40];
	[tilespmem:s24+$0x1460] =	vst v6  }
0x88: {  	v6 =	vshrl.u32 v0, $0xE;
	v0 =	vand.u32 $0x3FFF, v0;
	v2 =	vld [tilespmem:s26+$0x50];
	[tilespmem:s24+$0x1470] =	vst v8;
	s24 =	smov.u32 s26  }
0x89: {  	s25 =	sadd.s32 $0x200, s25;
	[tilespmem:s24+$0x0] =	vst v6;
	v7 =	vshrl.u32 v3, $0xE;
	v3 =	vand.u32 $0x3FFF, v3;
	v6 =	vld [tilespmem:s24+$0x60]  }
0x8a: {  	[tilespmem:s24+$0x10] =	vst v7  }
0x8b: {  	[tilespmem:s24+$0x1400] =	vst v0  }
0x8c: {  	v52 =	vshrl.u32 v5, $0xE;
	[tilespmem:s24+$0x1410] =	vst v3  }
0x8d: {  	v58 =	vand.u32 $0x3FFF, v5;
	[tilespmem:s24+$0x20] =	vst v52  }
0x8e: {  	v53 =	vshrl.u32 v4, $0xE;
	[tilespmem:s24+$0x1420] =	vst v58  }
0x8f: {  	v59 =	vand.u32 $0x3FFF, v4;
	[tilespmem:s24+$0x30] =	vst v53  }
0x90: {  	v54 =	vshrl.u32 v1, $0xE;
	[tilespmem:s24+$0x1430] =	vst v59  }
0x91: {  	v8 =	vld [tilespmem:s24+$0x70];
	v60 =	vand.u32 $0x3FFF, v1;
	[tilespmem:s24+$0x40] =	vst v54  }
0x92: {  	v55 =	vshrl.u32 v2, $0xE;
	[tilespmem:s24+$0x1440] =	vst v60  }
0x93: {  	v61 =	vand.u32 $0x3FFF, v2;
	[tilespmem:s24+$0x50] =	vst v55  }
0x94: {  	v56 =	vshrl.u32 v6, $0xE;
	[tilespmem:s24+$0x1450] =	vst v61  }
0x95: {  	v62 =	vand.u32 $0x3FFF, v6;
	[tilespmem:s24+$0x60] =	vst v56  }
0x96: {  	v57 =	vshrl.u32 v8, $0xE;
	[tilespmem:s24+$0x1460] =	vst v62  }
0x97: {  	v63 =	vand.u32 $0x3FFF, v8;
	[tilespmem:s24+$0x70] =	vst v57  }
0x98: {  	[tilespmem:s24+$0x1470] =	vst v63  }
0x99: {  	[tilespmem:s14], [sflag:$0x1] =	stream.indirect.gather [hbm4b:s1+s13], $0x80, s4, s13, $0xb8;
	[tilespmem:$0x1E800] =	vst v63  }
0x9a: {  	_ =	swait.ge [sflag:s15], $0x4000  }
0x9b: {  	[sflag:s15] =	ssyncset.done $0x0  }
0x9c: {  	[sflag:s15] =	ssyncadd.s32 $0xFFFFC000  }
0x9d: {  	[spmem:s3] =	stream.indirect.scatter.add.f32 [tilespmem:s14], [sflag:$0x3], $0x80, s16, s13, $0xb8;
	[tilespmem:$0x1E800] =	vst v63  }
0x9e: {  	_ = 	snop  }
0x9f: {  	[tilespmem:s17], [sflag:$0x2] =	stream.indirect.gather [hbm4b:s1+s13], $0x80, s13, s13, $0xb8;
	[tilespmem:$0x1E800] =	vst v63  }
0xa0: {  	_ =	swait.ge [sflag:s18], $0x4000  }
0xa1: {  	[sflag:s18] =	ssyncset.done $0x0  }
0xa2: {  	[sflag:s18] =	ssyncadd.s32 $0xFFFFC000  }
0xa3: {  	[spmem:s3] =	stream.indirect.scatter.add.f32 [tilespmem:s17], [sflag:$0x4], $0x80, s19, s13, $0xb8;
	[tilespmem:$0x1E800] =	vst v63  }
0xa4: {  	_ =	swait.ge [sflag:s20], $0x4000  }
0xa5: {  	[sflag:s20] =	ssyncset.done $0x0  }
0xa6: {  	s24 =	simm.s32 $0xFFFFB800;
	[sflag:s20] =	ssyncadd.s32 $0xFFFFC000  }
0xa7: {  	[tilespmem:s14], [sflag:$0x1] =	stream.indirect.gather [hbm4b:s1+s13], $0x80, s21, s13, $0xb8;
	[tilespmem:$0x1E800] =	vst v63  }
.LBB2_9:
0xa8: {  	_ =	swait.ge [sflag:s15], $0x4000  }
0xa9: {  	s25 =	sshra.s32 s24, $0x2;
	[sflag:s15] =	ssyncset.done $0x0  }
0xaa: {  	s26 =	sadd.s32 $0x2700, s25;
	[sflag:s15] =	ssyncadd.s32 $0xFFFFC000  }
0xab: {  	[spmem:s3] =	stream.indirect.scatter.add.f32 [tilespmem:s14], [sflag:$0x3], $0x80, s26, s13, $0xb8;
	[tilespmem:$0x1E800] =	vst v63  }
0xac: {  	_ =	swait.ge [sflag:s22], $0x4000  }
0xad: {  	[sflag:s22] =	ssyncset.done $0x0  }
0xae: {  	s30 =	sadd.s32 $0x1380, s25;
	[sflag:s22] =	ssyncadd.s32 $0xFFFFC000  }
0xaf: {  	[tilespmem:s17], [sflag:$0x2] =	stream.indirect.gather [hbm4b:s1+s13], $0x80, s30, s13, $0xb8;
	[tilespmem:$0x1E800] =	vst v63  }
0xb0: {  	_ =	swait.ge [sflag:s18], $0x4000  }
0xb1: {  	p0 =	seq.s32 s24, $0x0;
	[sflag:s18] =	ssyncset.done $0x0  }
.Ltmp6:
0xb2: {  	s31 =	sadd.s32 $0x2780, s25;
	[sflag:s18] =	ssyncadd.s32 $0xFFFFC000;
	(pc) =	sbr.rel @p0 .LBB2_11-.Ltmp6, $4  }
0xb3: {  	[spmem:s3] =	stream.indirect.scatter.add.f32 [tilespmem:s17], [sflag:$0x4], $0x80, s31, s13, $0xb8;
	[tilespmem:$0x1E800] =	vst v63  }
0xb4: {  	_ =	swait.ge [sflag:s20], $0x4000  }
0xb5: {  	[sflag:s20] =	ssyncset.done $0x0  }
0xb6: {  	[sflag:s20] =	ssyncadd.s32 $0xFFFFC000  }
.Ltmp7:
0xb7: {  	(pc) =	sbr.rel .LBB2_9-.Ltmp7, $3  }
0xb8: {  	_ =	sdelay $0x1  }
0xb9: {  	s25 =	sadd.s32 $0x1400, s25;
	s24 =	sadd.s32 $0x400, s24  }
0xba: {  	[tilespmem:s14], [sflag:$0x1] =	stream.indirect.gather [hbm4b:s1+s13], $0x80, s25, s13, $0xb8;
	[tilespmem:$0x1E800] =	vst v63  }
.LBB2_12:
0xbb: {  	_ =	sfence.sel $0x180000  }
0xbc: {  	[bflag:$0x0] =	sbarrier.arrive $0xFFFF  }
0xbd: {  	p0 =	sne.s32 s0, $0x0;
	_ =	strace $0x9000004D  }
0xbe: {  	s0 =	sadd.s32 @!p0 $0x100000, s2;
	[bflag:$0x2] =	sbarrier.arrive $0xFFFF  }
0xbf: {  	[sflag:s0] =	ssyncadd.tile.s32 @!p0 $0x1;
	_ =	shalt  }
.Lfunc_end2:
_tile_overlayer_lowered:
.L_overlay_start_2:
0xc0: {  	(tag) =	ssettag $0x2  }
0xc1: {  	s0 =	rddreg [dreg:$0x0];
	s2 =	stileid.u32  }
0xc2: {  	s1 =	rddreg [dreg:$0x1];
	p0 =	sne.s32 s2, $0x0  }
0xc3: {  	s3 =	rddreg [dreg:$0x2];
	[bflag:$0x3] =	sbarrier.arrive $0xFFFF;
	s2 =	simm.s32 @!p0 $0x1C05  }
0xc4: {  	[timem:s3], [sflag:s2] =	dma.local @!p0 [hbm:s0], s1  }
0xc5: {  	s0 =	simm.s32 @!p0 $0x5  }
0xc6: {  	_ =	swait.ge @!p0 [sflag:s0], s1  }
0xc7: {  	s1 =	ssub.s32 @!p0 $0x0, s1;
	[sflag:s0] =	ssyncset.done @!p0 $0x0  }
0xc8: {  	[sflag:s0] =	ssyncadd.s32 @!p0 s1  }
0xc9: {  	[bflag:$0x3] =	sbarrier.arrive $0xFFFF  }
0xca: {  	_ =	shalt  }

// kernel: kernel.19.cloned.1.call-start
scs
__scs_entry_jumppad:
0x0: {  	(pc) =	sbr.rel $0x88, $3  }
0x1: {  	(tag) =	ssettag $0x0;
	lr =	simm.s32 $0x1  }
0x2: {  	[smem:$0x3F98] =	sst lr;
	_ =	strace $0xD0000000  }
0x3: {  	_ = 	snop  }
0x4: {  	_ = 	snop  }
0x5: {  	_ = 	snop  }
0x6: {  	_ = 	snop  }
0x7: {  	_ = 	snop  }
__scs_overlays_trampoline_lowered:
0x8: {  	[smem:$0x3FA7] =	sst s0  }
0x9: {  	[smem:$0x3FA8] =	sst s1  }
0xa: {  	[smem:$0x3FA9] =	sst s2  }
0xb: {  	[smem:$0x3FAA] =	sst s3  }
0xc: {  	[smem:$0x3FAB] =	sst s4  }
0xd: {  	[smem:$0x3FAC] =	sst s5  }
0xe: {  	[smem:$0x3FAD] =	sst s6  }
0xf: {  	[smem:$0x3FAE] =	sst s7  }
0x10: {  	[smem:$0x3FAF] =	sst s8  }
0x11: {  	[smem:$0x3FB0] =	sst s9;
	s0 =	simm.s32 @!p0 $0x0  }
0x12: {  	s1 =	sld [smem:$0x3F96];
	s0 =	simm.s32 @p0 $0x1  }
0x13: {  	[smem:$0x3FB1] =	sst s0;
	s0 =	simm.s32 @!p1 $0x0  }
0x14: {  	s2 =	sld [smem:$0x3F95];
	s0 =	simm.s32 @p1 $0x1  }
0x15: {  	[smem:$0x3FB2] =	sst s0;
	s0 =	simm.s32 @!p2 $0x0  }
0x16: {  	s3 =	sld [smem:$0x3FDB];
	s0 =	simm.s32 @p2 $0x1  }
0x17: {  	s4 =	simm.s32 $0x1BF5;
	[smem:$0x3FB4] =	sst s0  }
0x18: {  	s0 =	sld [smem:$0x3F97];
	_ =	swait.ge [sflag:s4], $0x0  }
0x19: {  	s7 =	sld [smem:$0x3F98]  }
0x1a: {  	s8 =	sadd.s32 $0xFFFFE003, lr  }
0x1b: {  	s9 =	sadd.s32 $0xFFFFFEF7, lr;
	s5 =	simm.s32 $0xFFFFFFFF;
	p2 =	slt.u32 s8, $0xFFFFF086  }
0x1c: {  	p1 =	slt.u32 s9, $0xF7A;
	s5 =	simm.s32 @!p2 $0x0  }
0x1d: {  	s5 =	simm.s32 @p1 $0x1;
	p0 =	seq.s32 s7, s2  }
0x1e: {  	s7 =	smul.u32 @!p0 $0xF7A, s2;
	p2 =	seq.s32 @!p0 s5, $0x0  }
0x1f: {  	s9 =	smul.u32 $0xF7A, s1;
	s8 =	simm.s32 @!p0 $0x1BF5;
	p2 =	por !p2, p0  }
0x20: {  	[sflag:s8] =	ssyncset.s32 @!p0 $0xFFFFF086;
	s6 =	sadd.s32 @!p0 s3, s7;
	s7 =	simm.s32 @!p0 $0x108  }
0x21: {  	s3 =	sadd.s32 s3, s9;
	s6 =	sadd.s32 @!p0 $0x88, s6;
	s7 =	simm.s32 @p2 $0x1082  }
0x22: {  	[simem:s7], [sflag:s8] =	dma.local @!p0 [hbm:s6], $0xF7A  }
0x23: {  	s9 =	sor.u32 $0xD0000000, s2;
	s6 =	simm.s32 $0x108;
	_ =	swait.ge @!p0 [sflag:s8], $0x0  }
0x24: {  	s3 =	sadd.s32 $0x88, s3;
	s6 =	simm.s32 @!p1 $0x1082;
	[sflag:s4] =	ssyncset.s32 $0xFFFFF086  }
0x25: {  	[simem:s6], [sflag:s4] =	dma.local [hbm:s3], $0xF7A  }
0x26: {  	[smem:$0x3F98] =	sst s1;
	(tag) =	ssettag s2;
	_ =	strace s9  }
0x27: {  	s1 =	sld [smem:$0x3FA8]  }
0x28: {  	s2 =	sld [smem:$0x3FA9]  }
0x29: {  	s4 =	sld [smem:$0x3FAB]  }
0x2a: {  	p0 =	seq.s32 s5, $0x0;
	s5 =	sld [smem:$0x3FAC]  }
0x2b: {  	s6 =	sld [smem:$0x3FAD]  }
0x2c: {  	s7 =	sld [smem:$0x3FAE]  }
0x2d: {  	s3 =	simm.s32 $0x108;
	s8 =	sld [smem:$0x3FAF]  }
0x2e: {  	s3 =	simm.s32 @!p0 $0x1082;
	s9 =	sld [smem:$0x3FB0]  }
0x2f: {  	lr =	sadd.s32 s0, s3;
	s0 =	sld [smem:$0x3FA7]  }
0x30: {  	s3 =	sld [smem:$0x3FAA]  }
0x31: {  	[smem:$0x3FB3] =	sst s10  }
0x32: {  	s10 =	sld [smem:$0x3FB1];
	_ =	sdelay $0x3  }
0x33: {  	p0 =	seq.s32 s10, $0x1;
	s10 =	sld [smem:$0x3FB3];
	_ =	sdelay $0x3  }
0x34: {  	[smem:$0x3FB3] =	sst s10  }
0x35: {  	s10 =	sld [smem:$0x3FB2];
	_ =	sdelay $0x3  }
0x36: {  	p1 =	seq.s32 s10, $0x1;
	s10 =	sld [smem:$0x3FB3];
	_ =	sdelay $0x3  }
0x37: {  	[smem:$0x3FB3] =	sst s10  }
0x38: {  	s10 =	sld [smem:$0x3FB4]  }
0x39: {  	_ = 	snop;
	(pc) =	sbr.ind lr, $3  }
0x3a: {  	_ = 	snop  }
0x3b: {  	_ = 	snop  }
0x3c: {  	p2 =	seq.s32 s10, $0x1;
	s10 =	sld [smem:$0x3FB3]  }
0x3d: {  	_ =	shalt  }
0x3e: {  	_ =	shalt  }
0x3f: {  	_ =	shalt  }
0x40: {  	_ =	shalt  }
0x41: {  	_ =	shalt  }
0x42: {  	_ =	shalt  }
0x43: {  	_ =	shalt  }
0x44: {  	_ =	shalt  }
0x45: {  	_ =	shalt  }
0x46: {  	_ =	shalt  }
0x47: {  	_ =	shalt  }
0x48: {  	_ =	shalt  }
0x49: {  	_ =	shalt  }
0x4a: {  	_ =	shalt  }
0x4b: {  	_ =	shalt  }
0x4c: {  	_ =	shalt  }
0x4d: {  	_ =	shalt  }
0x4e: {  	_ =	shalt  }
0x4f: {  	_ =	shalt  }
0x50: {  	_ =	shalt  }
0x51: {  	_ =	shalt  }
0x52: {  	_ =	shalt  }
0x53: {  	_ =	shalt  }
0x54: {  	_ =	shalt  }
0x55: {  	_ =	shalt  }
0x56: {  	_ =	shalt  }
0x57: {  	_ =	shalt  }
0x58: {  	_ =	shalt  }
0x59: {  	_ =	shalt  }
0x5a: {  	_ =	shalt  }
0x5b: {  	_ =	shalt  }
0x5c: {  	_ =	shalt  }
0x5d: {  	_ =	shalt  }
0x5e: {  	_ =	shalt  }
0x5f: {  	_ =	shalt  }
0x60: {  	_ =	shalt  }
0x61: {  	_ =	shalt  }
0x62: {  	_ =	shalt  }
0x63: {  	_ =	shalt  }
0x64: {  	_ =	shalt  }
0x65: {  	_ =	shalt  }
0x66: {  	_ =	shalt  }
0x67: {  	_ =	shalt  }
0x68: {  	_ =	shalt  }
0x69: {  	_ =	shalt  }
0x6a: {  	_ =	shalt  }
0x6b: {  	_ =	shalt  }
0x6c: {  	_ =	shalt  }
0x6d: {  	_ =	shalt  }
0x6e: {  	_ =	shalt  }
0x6f: {  	_ =	shalt  }
0x70: {  	_ =	shalt  }
0x71: {  	_ =	shalt  }
0x72: {  	_ =	shalt  }
0x73: {  	_ =	shalt  }
0x74: {  	_ =	shalt  }
0x75: {  	_ =	shalt  }
0x76: {  	_ =	shalt  }
0x77: {  	_ =	shalt  }
0x78: {  	_ =	shalt  }
0x79: {  	_ =	shalt  }
0x7a: {  	_ =	shalt  }
0x7b: {  	_ =	shalt  }
0x7c: {  	_ =	shalt  }
0x7d: {  	_ =	shalt  }
0x7e: {  	_ =	shalt  }
0x7f: {  	_ =	shalt  }
0x80: {  	_ =	shalt  }
0x81: {  	_ =	shalt  }
0x82: {  	_ =	shalt  }
0x83: {  	_ =	shalt  }
0x84: {  	_ =	shalt  }
0x85: {  	_ =	shalt  }
0x86: {  	_ =	shalt  }
0x87: {  	_ =	shalt  }
.Lfunc_end0:
.L_simem_size_0:
called_computation.3_lowered:
.L_overlay_start_0:
0x88: {  	s2 =	sld [smem:$0x3FD9]  }
0x89: {  	s3 =	sld [smem:$0x3FFE];
	_ =	sdelay $0x1  }
0x8a: {  	s1 =	srdreg.scid  }
0x8b: {  	s0 =	sand.u32 $0x1, s1  }
0x8c: {  	s16 =	sshll.u32 s0, $0xA;
	s2 =	sadd.s32 s3, s2  }
0x8d: {  	s2 =	sadd.s32 s2, s16  }
0x8e: {  	[smem:$0x3FBF] =	sst s2  }
0x8f: {  	_ = 	snop  }
0x90: {  	(tm) =	ssettm $0x1  }
0x91: {  	s17 =	sld [smem:$0x3FFB];
	_ =	sdelay $0x3  }
0x92: {  	_ =	strace s17  }
0x93: {  	s2 =	sld [smem:$0x3FFC];
	_ =	sdelay $0x3  }
0x94: {  	_ =	strace s2  }
0x95: {  	s2 =	sld [smem:$0x3FFD];
	_ =	sdelay $0x3  }
0x96: {  	_ =	strace s2  }
0x97: {  	_ =	strace $0x8FFFFFFF  }
0x98: {  	s18 =	sld [smem:$0x3FDB];
	_ =	sdelay $0x1  }
0x99: {  	s19 =	simm.s32 $_scs_section_size  }
0x9a: {  	s4 =	simm.s32 $_size__tile_overlayer_lowered;
	s5 =	simm.s32 $_tile_overlayer_lowered  }
0x9b: {  	s22 =	simm.s32 $0x1BFF;
	s21 =	sshll.u32 s5, $0x1;
	s2 =	sadd.s32 s19, s18  }
0x9c: {  	s6 =	simm.s32 $0x0;
	s20 =	sshll.u32 s4, $0x1;
	s4 =	sadd.s32 s21, s2  }
0x9d: {  	[timem:s6], [sflag:s22] =	dma.local [hbm:s4], s20  }
0x9e: {  	_ =	swait.ge [sflag:s22], s20  }
0x9f: {  	s3 =	ssub.s32 $0x0, s20;
	[sflag:s22] =	ssyncset.done $0x0  }
0xa0: {  	[sflag:s22] =	ssyncadd.s32 s3;
	_ =	sdelay $0x1  }
0xa1: {  	s23 =	simm.s32 $0x1B8B  }
0xa2: {  	_ =	swait.ge [sflag:s23], $0x1  }
0xa3: {  	[sflag:s23] =	ssyncset.done $0x0  }
0xa4: {  	s25 =	simm.s32 $0x1B8E;
	s24 =	sld [smem:$0x3FFE];
	[sflag:s23] =	ssyncadd.s32 $0xFFFFFFFF  }
0xa5: {  	s26 =	simm.s32 $execute0_lowered;
	[smem:$0x3FD2] =	sst s25  }
0xa6: {  	s4 =	sshll.u32 s26, $0x1;
	_ =	strace $0x8000004F;
	[dreg:$0x1] =	wrdreg $0xFFFFFFFF  }
0xa7: {  	s28 =	simm.s32 $_size_execute0_lowered;
	s2 =	sadd.s32 s2, s4;
	[dreg:$0x0] =	wrdreg $0x0  }
0xa8: {  	s4 =	sshll.u32 s28, $0x1;
	[dreg:$0x2] =	wrdreg s2  }
0xa9: {  	[dreg:$0x3] =	wrdreg s4  }
0xaa: {  	[dreg:$0x4] =	wrdreg $0xC0  }
0xab: {  	_ =	task [dreg:s6], $0x5FFFF  }
0xac: {  	[dreg:$0x1] =	wrdreg $0xFFFFFFFF  }
0xad: {  	[dreg:$0x0] =	wrdreg $0x60  }
0xae: {  	[dreg:$0x2] =	wrdreg s24  }
0xaf: {  	[dreg:$0x3] =	wrdreg $0xA8000  }
0xb0: {  	[dreg:$0x4] =	wrdreg $0x9  }
0xb1: {  	_ =	task.clear_ibuf [dreg:s6], $0x5FFFF;
	_ =	strace $0x9000004F  }
0xb2: {  	s29 =	simm.s32 $0x9;
	_ =	strace $0x80000051  }
0xb3: {  	_ =	swait.ge [sflag:s29], $0x1  }
0xb4: {  	[sflag:s29] =	ssyncadd.s32 $0xFFFFFFFF  }
0xb5: {  	_ =	strace $0x90000051  }
0xb6: {  	_ =	sfence  }
0xb7: {  	s30 =	sld [smem:$0x0];
	_ =	sdelay $0x2  }
0xb8: {  	s31 =	sshll.u32 s1, $0xD;
	s1 =	sshrl.u32 s1, $0x2  }
0xb9: {  	s3 =	sand.u32 $0x4000, s31;
	s1 =	sadd.s32 s1, s30  }
0xba: {  	s0 =	sor.u32 s3, s0;
	s1 =	sshll.u32 s1, $0x11  }
0xbb: {  	s0 =	sor.u32 s1, s0  }
0xbc: {  	s0 =	sadd.s32 $0x8F2B, s0  }
0xbd: {  	[sflag:s0] =	ssyncadd.remote.s32 $0x1  }
0xbe: {  	_ =	sfence.sel $0xFFFF  }
0xbf: {  	[dreg:$0x0] =	wrdreg $0xFFFFFFFF;
	(pc) =	sbr.abs _section_cstart, $3  }
0xc0: {  	[dreg:$0x1] =	wrdreg $0xFFFFFFFF  }
0xc1: {  	_ =	task.clear_ibuf [dreg:s6], $0x2FFFF;
	_ =	strace $0x9FFFFFFF  }
0xc2: {  	(tm) =	ssettm $0x7FFFFFFF  }
0xc3: {  	_ =	shalt  }
tec
execute0_lowered:
.L_overlay_start_1:
0x0: {  	(tag) =	ssettag $0x1  }
0x1: {  	s6 =	rddreg [dreg:$0x0]  }
0x2: {  	s0 =	srdreg.scid;
	s2 =	rddreg [dreg:$0x1];
	s3 =	simm.s32 $0x0  }
0x3: {  	s14 =	simm.s32 $0x2800;
	s15 =	simm.s32 $0x1;
	s16 =	simm.s32 $0x1400  }
0x4: {  	s17 =	simm.s32 $0x6800;
	s18 =	simm.s32 $0x2;
	s19 =	simm.s32 $0x1480  }
0x5: {  	s20 =	simm.s32 $0x3;
	s5 =	sand.u32 $0x1, s0;
	s0 =	stileid.u32  }
0x6: {  	s21 =	simm.s32 $0x100;
	s22 =	simm.s32 $0x4;
	s7 =	smul.u32 $0x14000, s0  }
0x7: {  	s23 =	simm.s32 $0x0;
	[smem:$0x7FF] =	sst s3;
	s9 =	smul.u32 $0x140000, s5  }
0x8: {  	s1 =	sshll.u32 s5, $0x4;
	s5 =	ssub.s32 $0x2, s5;
	s29 =	smul.u32 $0x50000, s0  }
0x9: {  	s31 =	sshll.u32 s0, $0x6;
	s4 =	sor.u32 s0, s1;
	s1 =	rddreg [dreg:$0x2]  }
0xa: {  	_ =	strace $0x80000050;
	s11 =	sshrl.u32 s5, $0x1;
	s4 =	smul.u32 $0x2800, s4  }
0xb: {  	s10 =	sshrl.u32 s7, $0x3;
	s7 =	sadd.s32 s7, s9;
	s11 =	ssub.s32 s5, s11  }
0xc: {  	s30 =	sshrl.u32 s29, $0x2;
	s10 =	sadd.s32 s10, s6;
	s7 =	sshrl.u32 s7, $0x3  }
.Ltmp0:
0xd: {  	s13 =	sadd.s32 s30, s2;
	s8 =	sshrl.u32 s4, $0x3;
	(pc) =	sbr.rel .LBB2_1-.Ltmp0, $4  }
0xe: {  	s4 =	sadd.s32 $0xD5400, s6;
	s12 =	sadd.s32 s7, s6;
	s5 =	sadd.s32 $0xAD400, s10  }
0xf: {  	s10 =	smax.u32 s11, $0x1;
	s11 =	sshrl.u32 s13, $0x3;
	s13 =	simm.s32 $0x80  }
0x10: {  	s8 =	sadd.s32 s8, s6;
	s6 =	sor.u32 $0x1C05, s31;
	s9 =	sadd.s32 $0xFC600, s12  }
0x11: {  	s12 =	simm.s32 $0x5;
	s7 =	sadd.s32 $0x3400, s8;
	s8 =	sadd.s32 $0x3680, s8  }
.LBB2_11:
0x12: {  	_ =	swait.ge [sflag:s22], $0x4000  }
0x13: {  	s23 =	sadd.s32 $0x1, s23;
	[sflag:s22] =	ssyncset.done $0x0  }
0x14: {  	p0 =	sne.s32 s23, s10;
	[sflag:s22] =	ssyncadd.s32 $0xFFFFC000  }
.Ltmp1:
0x15: {  	[bflag:$0x0] =	sbarrier.arrive $0xFFFF;
	(pc) =	sbr.rel @!p0 .LBB2_12-.Ltmp1, $4  }
0x16: {  	[hbm:s9], [sflag:s6] =	dma.local [spmem:s11], $0x2800  }
0x17: {  	_ =	swait.ge [sflag:s12], $0x2800  }
0x18: {  	[sflag:s12] =	ssyncset.done $0x0  }
0x19: {  	[sflag:s12] =	ssyncadd.s32 $0xFFFFD800  }
.LBB2_1:
0x1a: {  	[spmem:s11], [sflag:s6] =	dma.local [hbm:s5], $0x2800  }
0x1b: {  	_ =	swait.ge [sflag:s12], $0x2800  }
0x1c: {  	[sflag:s12] =	ssyncset.done $0x0  }
0x1d: {  	[sflag:s12] =	ssyncadd.s32 $0xFFFFD800  }
0x1e: {  	[bflag:$0x0] =	sbarrier.arrive $0xFFFF  }
0x1f: {  	[tilespmem:s3], [sflag:$0x5] =	stream.linear.gather [hbm4b:s7+s3], $0x1400, $0x38;
	[tilespmem:$0x1E800] =	vst v63  }
0x20: {  	_ =	swait.ge [sflag:s12], $0x1400  }
0x21: {  	[sflag:s12] =	ssyncset.done $0x0  }
0x22: {  	s24 =	simm.s32 $0x0;
	[sflag:s12] =	ssyncadd.s32 $0xFFFFEC00  }
0x23: {  	v0 =	vld [tilespmem:s24+$0x0]  }
0x24: {  	v3 =	vld [tilespmem:s24+$0x10]  }
0x25: {  	v5 =	vld [tilespmem:s24+$0x20]  }
0x26: {  	v4 =	vld [tilespmem:s24+$0x30]  }
0x27: {  	v1 =	vld [tilespmem:s24+$0x40]  }
0x28: {  	v2 =	vld [tilespmem:s24+$0x50];
	v6 =	vshrl.u32 v0, $0xE  }
0x29: {  	s25 =	simm.s32 $0x200;
	v0 =	vand.u32 $0x3FFF, v0;
	v7 =	vshrl.u32 v3, $0xE;
	v3 =	vand.u32 $0x3FFF, v3;
	[tilespmem:s24+$0x0] =	vst v6;
	v6 =	vld [tilespmem:s24+$0x60]  }
.LBB2_2:
0x2a: {  	p0 =	sne.s32 s25, $0x4E00;
	[tilespmem:s24+$0x10] =	vst v7;
	v7 =	vshrl.u32 v5, $0xE;
	v5 =	vand.u32 $0x3FFF, v5;
	v8 =	vld [tilespmem:s24+$0x70]  }
0x2b: {  	[tilespmem:s24+$0x20] =	vst v7;
	v7 =	vshrl.u32 v4, $0xE;
	v4 =	vand.u32 $0x3FFF, v4  }
0x2c: {  	[tilespmem:s24+$0x30] =	vst v7;
	v7 =	vshrl.u32 v1, $0xE;
	v1 =	vand.u32 $0x3FFF, v1  }
0x2d: {  	[tilespmem:s24+$0x40] =	vst v7;
	v7 =	vshrl.u32 v2, $0xE;
	v2 =	vand.u32 $0x3FFF, v2  }
0x2e: {  	[tilespmem:s24+$0x50] =	vst v7;
	v7 =	vshrl.u32 v6, $0xE;
	v6 =	vand.u32 $0x3FFF, v6  }
0x2f: {  	[tilespmem:s24+$0x60] =	vst v7;
	v7 =	vshrl.u32 v8, $0xE;
	v8 =	vand.u32 $0x3FFF, v8  }
0x30: {  	[tilespmem:s24+$0x70] =	vst v7  }
0x31: {  	[tilespmem:s24+$0x1400] =	vst v0  }
0x32: {  	s26 =	sshra.s32 s25, $0x2;
	[tilespmem:s24+$0x1410] =	vst v3  }
0x33: {  	v0 =	vld [tilespmem:s26+$0x0];
	[tilespmem:s24+$0x1420] =	vst v5  }
0x34: {  	v3 =	vld [tilespmem:s26+$0x10];
	[tilespmem:s24+$0x1430] =	vst v4  }
.Ltmp2:
0x35: {  	v5 =	vld [tilespmem:s26+$0x20];
	[tilespmem:s24+$0x1440] =	vst v1;
	(pc) =	sbr.rel @p0 .LBB2_2-.Ltmp2, $4  }
0x36: {  	v4 =	vld [tilespmem:s26+$0x30];
	[tilespmem:s24+$0x1450] =	vst v2  }
0x37: {  	v1 =	vld [tilespmem:s26+$0x40];
	[tilespmem:s24+$0x1460] =	vst v6  }
0x38: {  	v6 =	vshrl.u32 v0, $0xE;
	v0 =	vand.u32 $0x3FFF, v0;
	v2 =	vld [tilespmem:s26+$0x50];
	[tilespmem:s24+$0x1470] =	vst v8;
	s24 =	smov.u32 s26  }
0x39: {  	s25 =	sadd.s32 $0x200, s25;
	[tilespmem:s24+$0x0] =	vst v6;
	v7 =	vshrl.u32 v3, $0xE;
	v3 =	vand.u32 $0x3FFF, v3;
	v6 =	vld [tilespmem:s24+$0x60]  }
0x3a: {  	[tilespmem:s24+$0x10] =	vst v7  }
0x3b: {  	[tilespmem:s24+$0x1400] =	vst v0  }
0x3c: {  	v52 =	vshrl.u32 v5, $0xE;
	[tilespmem:s24+$0x1410] =	vst v3  }
0x3d: {  	v58 =	vand.u32 $0x3FFF, v5;
	[tilespmem:s24+$0x20] =	vst v52  }
0x3e: {  	v53 =	vshrl.u32 v4, $0xE;
	[tilespmem:s24+$0x1420] =	vst v58  }
0x3f: {  	v59 =	vand.u32 $0x3FFF, v4;
	[tilespmem:s24+$0x30] =	vst v53  }
0x40: {  	v54 =	vshrl.u32 v1, $0xE;
	[tilespmem:s24+$0x1430] =	vst v59  }
0x41: {  	v8 =	vld [tilespmem:s24+$0x70];
	v60 =	vand.u32 $0x3FFF, v1;
	[tilespmem:s24+$0x40] =	vst v54  }
0x42: {  	v55 =	vshrl.u32 v2, $0xE;
	[tilespmem:s24+$0x1440] =	vst v60  }
0x43: {  	v61 =	vand.u32 $0x3FFF, v2;
	[tilespmem:s24+$0x50] =	vst v55  }
0x44: {  	v56 =	vshrl.u32 v6, $0xE;
	[tilespmem:s24+$0x1450] =	vst v61  }
0x45: {  	v62 =	vand.u32 $0x3FFF, v6;
	[tilespmem:s24+$0x60] =	vst v56  }
0x46: {  	v57 =	vshrl.u32 v8, $0xE;
	[tilespmem:s24+$0x1460] =	vst v62  }
0x47: {  	v63 =	vand.u32 $0x3FFF, v8;
	[tilespmem:s24+$0x70] =	vst v57  }
0x48: {  	[tilespmem:s24+$0x1470] =	vst v63  }
0x49: {  	[tilespmem:s14], [sflag:$0x1] =	stream.indirect.gather [hbm4b:s4+s13], $0x80, s3, s13, $0xb8;
	[tilespmem:$0x1E800] =	vst v63  }
0x4a: {  	_ =	swait.ge [sflag:s15], $0x4000  }
0x4b: {  	[sflag:s15] =	ssyncset.done $0x0  }
0x4c: {  	[sflag:s15] =	ssyncadd.s32 $0xFFFFC000  }
0x4d: {  	[spmem:s2] =	stream.indirect.scatter.add.f32 [tilespmem:s14], [sflag:$0x3], $0x80, s16, s13, $0xb8;
	[tilespmem:$0x1E800] =	vst v63  }
0x4e: {  	_ = 	snop  }
0x4f: {  	[tilespmem:s17], [sflag:$0x2] =	stream.indirect.gather [hbm4b:s4+s13], $0x80, s13, s13, $0xb8;
	[tilespmem:$0x1E800] =	vst v63  }
0x50: {  	_ =	swait.ge [sflag:s18], $0x4000  }
0x51: {  	[sflag:s18] =	ssyncset.done $0x0  }
0x52: {  	[sflag:s18] =	ssyncadd.s32 $0xFFFFC000  }
0x53: {  	[spmem:s2] =	stream.indirect.scatter.add.f32 [tilespmem:s17], [sflag:$0x4], $0x80, s19, s13, $0xb8;
	[tilespmem:$0x1E800] =	vst v63  }
0x54: {  	_ =	swait.ge [sflag:s20], $0x4000  }
0x55: {  	[sflag:s20] =	ssyncset.done $0x0  }
0x56: {  	s24 =	simm.s32 $0xFFFFB800;
	[sflag:s20] =	ssyncadd.s32 $0xFFFFC000  }
0x57: {  	[tilespmem:s14], [sflag:$0x1] =	stream.indirect.gather [hbm4b:s4+s13], $0x80, s21, s13, $0xb8;
	[tilespmem:$0x1E800] =	vst v63  }
.LBB2_4:
0x58: {  	_ =	swait.ge [sflag:s15], $0x4000  }
0x59: {  	s25 =	sshra.s32 s24, $0x2;
	[sflag:s15] =	ssyncset.done $0x0  }
0x5a: {  	s26 =	sadd.s32 $0x2700, s25;
	[sflag:s15] =	ssyncadd.s32 $0xFFFFC000  }
0x5b: {  	[spmem:s2] =	stream.indirect.scatter.add.f32 [tilespmem:s14], [sflag:$0x3], $0x80, s26, s13, $0xb8;
	[tilespmem:$0x1E800] =	vst v63  }
0x5c: {  	_ =	swait.ge [sflag:s22], $0x4000  }
0x5d: {  	[sflag:s22] =	ssyncset.done $0x0  }
0x5e: {  	s30 =	sadd.s32 $0x1380, s25;
	[sflag:s22] =	ssyncadd.s32 $0xFFFFC000  }
0x5f: {  	[tilespmem:s17], [sflag:$0x2] =	stream.indirect.gather [hbm4b:s4+s13], $0x80, s30, s13, $0xb8;
	[tilespmem:$0x1E800] =	vst v63  }
0x60: {  	_ =	swait.ge [sflag:s18], $0x4000  }
0x61: {  	p0 =	seq.s32 s24, $0x0;
	[sflag:s18] =	ssyncset.done $0x0  }
.Ltmp3:
0x62: {  	s31 =	sadd.s32 $0x2780, s25;
	[sflag:s18] =	ssyncadd.s32 $0xFFFFC000;
	(pc) =	sbr.rel @p0 .LBB2_6-.Ltmp3, $4  }
0x63: {  	[spmem:s2] =	stream.indirect.scatter.add.f32 [tilespmem:s17], [sflag:$0x4], $0x80, s31, s13, $0xb8;
	[tilespmem:$0x1E800] =	vst v63  }
0x64: {  	_ =	swait.ge [sflag:s20], $0x4000  }
0x65: {  	[sflag:s20] =	ssyncset.done $0x0  }
0x66: {  	[sflag:s20] =	ssyncadd.s32 $0xFFFFC000  }
.Ltmp4:
0x67: {  	(pc) =	sbr.rel .LBB2_4-.Ltmp4, $3  }
0x68: {  	_ =	sdelay $0x1  }
0x69: {  	s25 =	sadd.s32 $0x1400, s25;
	s24 =	sadd.s32 $0x400, s24  }
0x6a: {  	[tilespmem:s14], [sflag:$0x1] =	stream.indirect.gather [hbm4b:s4+s13], $0x80, s25, s13, $0xb8;
	[tilespmem:$0x1E800] =	vst v63  }
.LBB2_6:
0x6b: {  	_ =	swait.ge [sflag:s22], $0x4000  }
0x6c: {  	[sflag:s22] =	ssyncset.done $0x0  }
0x6d: {  	s24 =	simm.s32 $0x0;
	[sflag:s22] =	ssyncadd.s32 $0xFFFFC000  }
0x6e: {  	[tilespmem:s24], [sflag:$0x5] =	stream.linear.gather [hbm4b:s8+s24], $0x1400, $0x38;
	[tilespmem:$0x1E800] =	vst v63  }
0x6f: {  	_ =	swait.ge [sflag:s12], $0x1400  }
0x70: {  	[sflag:s12] =	ssyncset.done $0x0  }
0x71: {  	s24 =	simm.s32 $0x0;
	[sflag:s12] =	ssyncadd.s32 $0xFFFFEC00  }
0x72: {  	v0 =	vld [tilespmem:s24+$0x0]  }
0x73: {  	v3 =	vld [tilespmem:s24+$0x10]  }
0x74: {  	v5 =	vld [tilespmem:s24+$0x20]  }
0x75: {  	v4 =	vld [tilespmem:s24+$0x30]  }
0x76: {  	v1 =	vld [tilespmem:s24+$0x40]  }
0x77: {  	v2 =	vld [tilespmem:s24+$0x50];
	v6 =	vshrl.u32 v0, $0xE  }
0x78: {  	s25 =	simm.s32 $0x200;
	v0 =	vand.u32 $0x3FFF, v0;
	v7 =	vshrl.u32 v3, $0xE;
	v3 =	vand.u32 $0x3FFF, v3;
	[tilespmem:s24+$0x0] =	vst v6;
	v6 =	vld [tilespmem:s24+$0x60]  }
.LBB2_7:
0x79: {  	p0 =	sne.s32 s25, $0x4E00;
	[tilespmem:s24+$0x10] =	vst v7;
	v7 =	vshrl.u32 v5, $0xE;
	v5 =	vand.u32 $0x3FFF, v5;
	v8 =	vld [tilespmem:s24+$0x70]  }
0x7a: {  	[tilespmem:s24+$0x20] =	vst v7;
	v7 =	vshrl.u32 v4, $0xE;
	v4 =	vand.u32 $0x3FFF, v4  }
0x7b: {  	[tilespmem:s24+$0x30] =	vst v7;
	v7 =	vshrl.u32 v1, $0xE;
	v1 =	vand.u32 $0x3FFF, v1  }
0x7c: {  	[tilespmem:s24+$0x40] =	vst v7;
	v7 =	vshrl.u32 v2, $0xE;
	v2 =	vand.u32 $0x3FFF, v2  }
0x7d: {  	[tilespmem:s24+$0x50] =	vst v7;
	v7 =	vshrl.u32 v6, $0xE;
	v6 =	vand.u32 $0x3FFF, v6  }
0x7e: {  	[tilespmem:s24+$0x60] =	vst v7;
	v7 =	vshrl.u32 v8, $0xE;
	v8 =	vand.u32 $0x3FFF, v8  }
0x7f: {  	[tilespmem:s24+$0x70] =	vst v7  }
0x80: {  	[tilespmem:s24+$0x1400] =	vst v0  }
0x81: {  	s26 =	sshra.s32 s25, $0x2;
	[tilespmem:s24+$0x1410] =	vst v3  }
0x82: {  	v0 =	vld [tilespmem:s26+$0x0];
	[tilespmem:s24+$0x1420] =	vst v5  }
0x83: {  	v3 =	vld [tilespmem:s26+$0x10];
	[tilespmem:s24+$0x1430] =	vst v4  }
.Ltmp5:
0x84: {  	v5 =	vld [tilespmem:s26+$0x20];
	[tilespmem:s24+$0x1440] =	vst v1;
	(pc) =	sbr.rel @p0 .LBB2_7-.Ltmp5, $4  }
0x85: {  	v4 =	vld [tilespmem:s26+$0x30];
	[tilespmem:s24+$0x1450] =	vst v2  }
0x86: {  	v1 =	vld [tilespmem:s26+$0x40];
	[tilespmem:s24+$0x1460] =	vst v6  }
0x87: {  	v6 =	vshrl.u32 v0, $0xE;
	v0 =	vand.u32 $0x3FFF, v0;
	v2 =	vld [tilespmem:s26+$0x50];
	[tilespmem:s24+$0x1470] =	vst v8;
	s24 =	smov.u32 s26  }
0x88: {  	s25 =	sadd.s32 $0x200, s25;
	[tilespmem:s24+$0x0] =	vst v6;
	v7 =	vshrl.u32 v3, $0xE;
	v3 =	vand.u32 $0x3FFF, v3;
	v6 =	vld [tilespmem:s24+$0x60]  }
0x89: {  	[tilespmem:s24+$0x10] =	vst v7  }
0x8a: {  	[tilespmem:s24+$0x1400] =	vst v0  }
0x8b: {  	v52 =	vshrl.u32 v5, $0xE;
	[tilespmem:s24+$0x1410] =	vst v3  }
0x8c: {  	v58 =	vand.u32 $0x3FFF, v5;
	[tilespmem:s24+$0x20] =	vst v52  }
0x8d: {  	v53 =	vshrl.u32 v4, $0xE;
	[tilespmem:s24+$0x1420] =	vst v58  }
0x8e: {  	v59 =	vand.u32 $0x3FFF, v4;
	[tilespmem:s24+$0x30] =	vst v53  }
0x8f: {  	v54 =	vshrl.u32 v1, $0xE;
	[tilespmem:s24+$0x1430] =	vst v59  }
0x90: {  	v8 =	vld [tilespmem:s24+$0x70];
	v60 =	vand.u32 $0x3FFF, v1;
	[tilespmem:s24+$0x40] =	vst v54  }
0x91: {  	v55 =	vshrl.u32 v2, $0xE;
	[tilespmem:s24+$0x1440] =	vst v60  }
0x92: {  	v61 =	vand.u32 $0x3FFF, v2;
	[tilespmem:s24+$0x50] =	vst v55  }
0x93: {  	v56 =	vshrl.u32 v6, $0xE;
	[tilespmem:s24+$0x1450] =	vst v61  }
0x94: {  	v62 =	vand.u32 $0x3FFF, v6;
	[tilespmem:s24+$0x60] =	vst v56  }
0x95: {  	v57 =	vshrl.u32 v8, $0xE;
	[tilespmem:s24+$0x1460] =	vst v62  }
0x96: {  	v63 =	vand.u32 $0x3FFF, v8;
	[tilespmem:s24+$0x70] =	vst v57  }
0x97: {  	[tilespmem:s24+$0x1470] =	vst v63  }
0x98: {  	[tilespmem:s14], [sflag:$0x1] =	stream.indirect.gather [hbm4b:s4+s13], $0x80, s3, s13, $0xb8;
	[tilespmem:$0x1E800] =	vst v63  }
0x99: {  	_ =	swait.ge [sflag:s15], $0x4000  }
0x9a: {  	[sflag:s15] =	ssyncset.done $0x0  }
0x9b: {  	[sflag:s15] =	ssyncadd.s32 $0xFFFFC000  }
0x9c: {  	[spmem:s2] =	stream.indirect.scatter.add.f32 [tilespmem:s14], [sflag:$0x3], $0x80, s16, s13, $0xb8;
	[tilespmem:$0x1E800] =	vst v63  }
0x9d: {  	_ = 	snop  }
0x9e: {  	[tilespmem:s17], [sflag:$0x2] =	stream.indirect.gather [hbm4b:s4+s13], $0x80, s13, s13, $0xb8;
	[tilespmem:$0x1E800] =	vst v63  }
0x9f: {  	_ =	swait.ge [sflag:s18], $0x4000  }
0xa0: {  	[sflag:s18] =	ssyncset.done $0x0  }
0xa1: {  	[sflag:s18] =	ssyncadd.s32 $0xFFFFC000  }
0xa2: {  	[spmem:s2] =	stream.indirect.scatter.add.f32 [tilespmem:s17], [sflag:$0x4], $0x80, s19, s13, $0xb8;
	[tilespmem:$0x1E800] =	vst v63  }
0xa3: {  	_ =	swait.ge [sflag:s20], $0x4000  }
0xa4: {  	[sflag:s20] =	ssyncset.done $0x0  }
0xa5: {  	s24 =	simm.s32 $0xFFFFB800;
	[sflag:s20] =	ssyncadd.s32 $0xFFFFC000  }
0xa6: {  	[tilespmem:s14], [sflag:$0x1] =	stream.indirect.gather [hbm4b:s4+s13], $0x80, s21, s13, $0xb8;
	[tilespmem:$0x1E800] =	vst v63  }
.LBB2_9:
0xa7: {  	_ =	swait.ge [sflag:s15], $0x4000  }
0xa8: {  	s25 =	sshra.s32 s24, $0x2;
	[sflag:s15] =	ssyncset.done $0x0  }
0xa9: {  	s26 =	sadd.s32 $0x2700, s25;
	[sflag:s15] =	ssyncadd.s32 $0xFFFFC000  }
0xaa: {  	[spmem:s2] =	stream.indirect.scatter.add.f32 [tilespmem:s14], [sflag:$0x3], $0x80, s26, s13, $0xb8;
	[tilespmem:$0x1E800] =	vst v63  }
0xab: {  	_ =	swait.ge [sflag:s22], $0x4000  }
0xac: {  	[sflag:s22] =	ssyncset.done $0x0  }
0xad: {  	s30 =	sadd.s32 $0x1380, s25;
	[sflag:s22] =	ssyncadd.s32 $0xFFFFC000  }
0xae: {  	[tilespmem:s17], [sflag:$0x2] =	stream.indirect.gather [hbm4b:s4+s13], $0x80, s30, s13, $0xb8;
	[tilespmem:$0x1E800] =	vst v63  }
0xaf: {  	_ =	swait.ge [sflag:s18], $0x4000  }
0xb0: {  	p0 =	seq.s32 s24, $0x0;
	[sflag:s18] =	ssyncset.done $0x0  }
.Ltmp6:
0xb1: {  	s31 =	sadd.s32 $0x2780, s25;
	[sflag:s18] =	ssyncadd.s32 $0xFFFFC000;
	(pc) =	sbr.rel @p0 .LBB2_11-.Ltmp6, $4  }
0xb2: {  	[spmem:s2] =	stream.indirect.scatter.add.f32 [tilespmem:s17], [sflag:$0x4], $0x80, s31, s13, $0xb8;
	[tilespmem:$0x1E800] =	vst v63  }
0xb3: {  	_ =	swait.ge [sflag:s20], $0x4000  }
0xb4: {  	[sflag:s20] =	ssyncset.done $0x0  }
0xb5: {  	[sflag:s20] =	ssyncadd.s32 $0xFFFFC000  }
.Ltmp7:
0xb6: {  	(pc) =	sbr.rel .LBB2_9-.Ltmp7, $3  }
0xb7: {  	_ =	sdelay $0x1  }
0xb8: {  	s25 =	sadd.s32 $0x1400, s25;
	s24 =	sadd.s32 $0x400, s24  }
0xb9: {  	[tilespmem:s14], [sflag:$0x1] =	stream.indirect.gather [hbm4b:s4+s13], $0x80, s25, s13, $0xb8;
	[tilespmem:$0x1E800] =	vst v63  }
.LBB2_12:
0xba: {  	_ =	sfence.sel $0x180000  }
0xbb: {  	[bflag:$0x0] =	sbarrier.arrive $0xFFFF  }
0xbc: {  	p0 =	sne.s32 s0, $0x0;
	_ =	strace $0x90000050  }
0xbd: {  	s0 =	sadd.s32 @!p0 $0x100000, s1;
	[bflag:$0x2] =	sbarrier.arrive $0xFFFF  }
0xbe: {  	[sflag:s0] =	ssyncadd.tile.s32 @!p0 $0x1;
	_ =	shalt  }
.Lfunc_end2:
_tile_overlayer_lowered:
.L_overlay_start_2:
0xbf: {  	(tag) =	ssettag $0x2  }
0xc0: {  	s0 =	rddreg [dreg:$0x0];
	s2 =	stileid.u32  }
0xc1: {  	s1 =	rddreg [dreg:$0x1];
	p0 =	sne.s32 s2, $0x0  }
0xc2: {  	s3 =	rddreg [dreg:$0x2];
	[bflag:$0x3] =	sbarrier.arrive $0xFFFF;
	s2 =	simm.s32 @!p0 $0x1C05  }
0xc3: {  	[timem:s3], [sflag:s2] =	dma.local @!p0 [hbm:s0], s1  }
0xc4: {  	s0 =	simm.s32 @!p0 $0x5  }
0xc5: {  	_ =	swait.ge @!p0 [sflag:s0], s1  }
0xc6: {  	s1 =	ssub.s32 @!p0 $0x0, s1;
	[sflag:s0] =	ssyncset.done @!p0 $0x0  }
0xc7: {  	[sflag:s0] =	ssyncadd.s32 @!p0 s1  }
0xc8: {  	[bflag:$0x3] =	sbarrier.arrive $0xFFFF  }
0xc9: {  	_ =	shalt  }

</sc_bundles>
